<compile_context>
chip_gen: v7x
topology: tpu7x:2x2x1
jax: 0.10.2.dev20260603
libtpu: 0.0.44.dev20260713+nightly
codegen_flags: <defaults>
</compile_context>

<pallas_src>
import functools

import jax
import jax.numpy as jnp
from jax import lax
from jax.experimental import pallas as pl
from jax.experimental.pallas import tpu as pltpu
from jax.experimental.pallas import tpu_sc as plsc

_S = 30.0
_B = 16384
_C = 100
_CP = 112
_NC, _NS, _L = 2, 16, 16
_NW = _NC * _NS
_PER_W = _B // _NW
_VPER = _PER_W // _L
_RB = 4096


def _sc_margin_body(tgt_hbm, mlist_hbm, mb_hbm, tgt_v, mlist_v, mb_v):
    wid = lax.axis_index("s") * _NC + lax.axis_index("c")
    base = wid * _PER_W
    pltpu.sync_copy(tgt_hbm.at[pl.ds(base, _PER_W)], tgt_v)
    pltpu.sync_copy(mlist_hbm, mlist_v)
    groups = [mlist_v[pl.ds(g * _L, _L)] for g in range(_CP // _L)]
    for j in range(_VPER):
        t16 = tgt_v[pl.ds(j * _L, _L)]
        lane = lax.bitwise_and(t16, 15)
        grp = lax.shift_right_logical(t16, 4)
        res = jnp.zeros((_L,), jnp.float32)
        for g in range(_CP // _L):
            gv = groups[g].at[lane].get(mode="promise_in_bounds")
            res = jnp.where(grp == g, gv, res)
        mb_v[pl.ds(j * _L, _L)] = res
    pltpu.sync_copy(mb_v, mb_hbm.at[pl.ds(base, _PER_W)])


@functools.cache
def _sc_margin_kernel():
    return pl.kernel(
        _sc_margin_body,
        out_type=jax.ShapeDtypeStruct((_B,), jnp.float32),
        mesh=plsc.VectorSubcoreMesh(core_axis_name="c", subcore_axis_name="s",
                                    num_cores=_NC, num_subcores=_NS),
        scratch_types=[
            pltpu.VMEM((_PER_W,), jnp.int32),
            pltpu.VMEM((_CP,), jnp.float32),
            pltpu.VMEM((_PER_W,), jnp.float32),
        ],
    )


def _tc_loss_body(x_ref, tgt_ref, mb_ref, o_ref):
    y = x_ref[...] * _S
    col = lax.broadcasted_iota(jnp.int32, (_RB, _C), 1)
    mask = col == tgt_ref[...]
    yadj = jnp.where(mask, y - mb_ref[...] * _S, y)
    m = jnp.max(yadj, axis=1, keepdims=True)
    e = jnp.exp(yadj - m)
    masked = jnp.where(mask, yadj, 0.0)
    ones = jnp.ones((_C, 1), jnp.float32)
    s1 = jnp.dot(e, ones, preferred_element_type=jnp.float32)
    tl = jnp.dot(masked, ones, preferred_element_type=jnp.float32)
    ones_r = jnp.ones((1, _RB), jnp.float32)
    part = jnp.dot(ones_r, m + jnp.log(s1) - tl,
                   preferred_element_type=jnp.float32)

    @pl.when(pl.program_id(0) == 0)
    def _():
        o_ref[...] = jnp.zeros((1, 1), jnp.float32)

    o_ref[...] += part * (1.0 / _B)


_tc_loss = pl.pallas_call(
    _tc_loss_body,
    grid=(_B // _RB,),
    in_specs=[pl.BlockSpec((_RB, _C), lambda i: (i, 0)),
              pl.BlockSpec((_RB, 1), lambda i: (i, 0)),
              pl.BlockSpec((_RB, 1), lambda i: (i, 0))],
    out_specs=pl.BlockSpec((1, 1), lambda i: (0, 0)),
    out_shape=jax.ShapeDtypeStruct((1, 1), jnp.float32),
)


def kernel(x, target, m_list):
    tgt = target.astype(jnp.int32)
    mlist_pad = jnp.pad(m_list, (0, _CP - _C))
    mb = _sc_margin_kernel()(tgt, mlist_pad)
    loss = _tc_loss(x, tgt.reshape(_B, 1), mb.reshape(_B, 1))
    return loss[0, 0]

# --- scband reference (transcript-rebuilt; emitter-appended) ---
"""Pipeline reference for scband-ldamloss-89902255440933 (READ-ONLY COPY).

The authoritative reference and input builder live on the scoring server;
editing this copy changes nothing except your own understanding.
"""

import jax, jax.numpy as jnp
import numpy as np

CLS_NUM_LIST = [500,477,455,435,415,396,378,361,344,329,314,300,286,273,261,249,237,227,216,206,197,188,179,171,163,156,149,142,136,130,124,118,113,108,103,98,94,89,85,81,78,74,71,68,65,62,59,56,54,51,49,47,45,43,41,39,37,35,34,32,31,29,28,27,25,24,23,22,21,20,19,18,17,17,16,15,14,14,13,13,12,11,11,10,10,9,9,9,8,8,7,7,7,6,6,6,5,5,5,5]
MAX_M = 0.5
S = 30.0
NUM_CLASSES = len(CLS_NUM_LIST)
BATCH = 16384


def setup_inputs(seed: int = 0) -> dict:
    key = jax.random.key(seed)
    k1, k2 = jax.random.split(key)
    x = jax.random.normal(k1, (BATCH, NUM_CLASSES), dtype=jnp.float32)
    target = jax.random.randint(k2, (BATCH,), 0, NUM_CLASSES, dtype=jnp.int64 if jax.config.read('jax_enable_x64') else jnp.int32)
    # m_list buffer (non-trainable constant in torch, materialized as a float param here)
    m = 1.0 / np.sqrt(np.sqrt(np.asarray(CLS_NUM_LIST, dtype=np.float64)))
    m = m * (MAX_M / np.max(m))
    m_list = jnp.asarray(m, dtype=jnp.float32)
    return {"x": x, "target": target, "m_list": m_list}


def _cross_entropy_per_sample(logits, target):
    # criterion = F.cross_entropy(..., reduction='none'); .mean() applied by caller
    logz = jax.nn.logsumexp(logits, axis=1)
    true_logit = jnp.take_along_axis(logits, target[:, None], axis=1)[:, 0]
    return logz - true_logit


def reference(x, target, m_list):
    # one-hot via scatter (index.scatter_(1, target, 1) in torch)
    index_float = jnp.zeros_like(x).at[jnp.arange(x.shape[0]), target].set(1.0)
    index = index_float.astype(bool)
    # batch_m = m_list[None, :] @ index_float.T -> [1, B] -> [B, 1]
    batch_m = jnp.matmul(m_list[None, :], index_float.T)
    batch_m = batch_m.reshape((-1, 1))
    x_m = x - batch_m
    output = jnp.where(index, x_m, x)
    loss = _cross_entropy_per_sample(S * output, target).mean()
    return loss

if __name__ == "__main__":
    import jax
    _d = setup_inputs()
    print(jax.jit(kernel)(*tuple(_d.values())))

</pallas_src>

<mosaic_0001>
#map = affine_map<(d0, d1) -> (0)>
module attributes {stable_mosaic.version = 14 : i64} {
  func.func @_sc_margin_body(%arg0: i32, %arg1: i32, %arg2: memref<16384xi32, #tpu.memory_space<hbm>>, %arg3: memref<112xf32, #tpu.memory_space<hbm>>, %arg4: memref<16384xf32, #tpu.memory_space<hbm>>, %arg5: memref<512xi32, #tpu.memory_space<vmem>>, %arg6: memref<112xf32, #tpu.memory_space<vmem>>, %arg7: memref<512xf32, #tpu.memory_space<vmem>>) attributes {dimension_semantics = [#tpu.dimension_semantics<core_parallel>, #tpu.dimension_semantics<subcore_parallel>], iteration_bounds = array<i64: 2, 16>, scalar_prefetch = 0 : i64, scratch_operands = 3 : i64, tpu.core_type = #tpu.core_type<sc_vector_subcore>, window_params = [{transform_indices = #map}, {transform_indices = #map}, {transform_indices = #map}]} {
    %mul3A = arith.constant 2 : i32
    %mul3A_0 = arith.muli %arg1, %mul3A : i32
    %add3A = arith.addi %mul3A_0, %arg0 : i32
    %mul3A_1 = arith.constant 512 : i32
    %mul3A_2 = arith.muli %add3A, %mul3A_1 : i32
    "tpu.region"() ({
      %run_scoped3A = tpu.sem_alloc : memref<!tpu.dma_semaphore, #tpu.memory_space<semaphore_mem>>
      %dma_start3A = tpu.memref_slice %arg2[%mul3A_2] : memref<16384xi32, #tpu.memory_space<hbm>> -> memref<512xi32, #tpu.memory_space<hbm>>
      %dma_start3A_3631 = tpu.memref_slice %arg2[%mul3A_2] : memref<16384xi32, #tpu.memory_space<hbm>> -> memref<512xi32, #tpu.memory_space<hbm>>
      tpu.enqueue_dma source(%dma_start3A_3631 : memref<512xi32, #tpu.memory_space<hbm>>) target(%arg5 : memref<512xi32, #tpu.memory_space<vmem>>) target_semaphore(%run_scoped3A : memref<!tpu.dma_semaphore, #tpu.memory_space<semaphore_mem>>)
      %dma_wait3A = tpu.memref_slice %arg2[%mul3A_2] : memref<16384xi32, #tpu.memory_space<hbm>> -> memref<512xi32, #tpu.memory_space<hbm>>
      %dma_wait3A_3632 = tpu.memref_slice %arg2[%mul3A_2] : memref<16384xi32, #tpu.memory_space<hbm>> -> memref<512xi32, #tpu.memory_space<hbm>>
      tpu.wait_dma2 semaphore(%run_scoped3A : memref<!tpu.dma_semaphore, #tpu.memory_space<semaphore_mem>>) src(%dma_wait3A_3632 : memref<512xi32, #tpu.memory_space<hbm>>) dst(%arg5 : memref<512xi32, #tpu.memory_space<vmem>>)
      tpu.yield
    }) : () -> ()
    "tpu.region"() ({
      %run_scoped3A = tpu.sem_alloc : memref<!tpu.dma_semaphore, #tpu.memory_space<semaphore_mem>>
      tpu.enqueue_dma source(%arg3 : memref<112xf32, #tpu.memory_space<hbm>>) target(%arg6 : memref<112xf32, #tpu.memory_space<vmem>>) target_semaphore(%run_scoped3A : memref<!tpu.dma_semaphore, #tpu.memory_space<semaphore_mem>>)
      tpu.wait_dma2 semaphore(%run_scoped3A : memref<!tpu.dma_semaphore, #tpu.memory_space<semaphore_mem>>) src(%arg3 : memref<112xf32, #tpu.memory_space<hbm>>) dst(%arg6 : memref<112xf32, #tpu.memory_space<vmem>>)
      tpu.yield
    }) : () -> ()
    %get3A = arith.constant 0 : index
    %get3A_3 = tpu.vector_load %arg6[%get3A] {strides = array<i32>} : memref<112xf32, #tpu.memory_space<vmem>>, vector<16xf32>,
    %get3A_4 = vector.shape_cast %get3A_3 : vector<16xf32> to vector<16xf32>
    %get3A_5 = arith.constant 16 : index
    %get3A_6 = tpu.vector_load %arg6[%get3A_5] {strides = array<i32>} : memref<112xf32, #tpu.memory_space<vmem>>, vector<16xf32>,
    %get3A_7 = vector.shape_cast %get3A_6 : vector<16xf32> to vector<16xf32>
    %get3A_8 = arith.constant 32 : index
    %get3A_9 = tpu.vector_load %arg6[%get3A_8] {strides = array<i32>} : memref<112xf32, #tpu.memory_space<vmem>>, vector<16xf32>,
    %get3A_10 = vector.shape_cast %get3A_9 : vector<16xf32> to vector<16xf32>
    %get3A_11 = arith.constant 48 : index
    %get3A_12 = tpu.vector_load %arg6[%get3A_11] {strides = array<i32>} : memref<112xf32, #tpu.memory_space<vmem>>, vector<16xf32>,
    %get3A_13 = vector.shape_cast %get3A_12 : vector<16xf32> to vector<16xf32>
    %get3A_14 = arith.constant 64 : index
    %get3A_15 = tpu.vector_load %arg6[%get3A_14] {strides = array<i32>} : memref<112xf32, #tpu.memory_space<vmem>>, vector<16xf32>,
    %get3A_16 = vector.shape_cast %get3A_15 : vector<16xf32> to vector<16xf32>
    %get3A_17 = arith.constant 80 : index
    %get3A_18 = tpu.vector_load %arg6[%get3A_17] {strides = array<i32>} : memref<112xf32, #tpu.memory_space<vmem>>, vector<16xf32>,
    %get3A_19 = vector.shape_cast %get3A_18 : vector<16xf32> to vector<16xf32>
    %get3A_20 = arith.constant 96 : index
    %get3A_21 = tpu.vector_load %arg6[%get3A_20] {strides = array<i32>} : memref<112xf32, #tpu.memory_space<vmem>>, vector<16xf32>,
    %get3A_22 = vector.shape_cast %get3A_21 : vector<16xf32> to vector<16xf32>
    %get3A_23 = arith.constant 0 : index
    %get3A_24 = tpu.vector_load %arg5[%get3A_23] {strides = array<i32>} : memref<512xi32, #tpu.memory_space<vmem>>, vector<16xi32>,
    %get3A_25 = vector.shape_cast %get3A_24 : vector<16xi32> to vector<16xi32>
    %and3A = arith.constant 15 : i32
    %and3A_26 = vector.broadcast %and3A : i32 to vector<16xi32>
    %and3A_27 = arith.andi %get3A_25, %and3A_26 : vector<16xi32>
    %shift_right_logical3A = arith.constant 4 : i32
    %shift_right_logical3A_28 = vector.broadcast %shift_right_logical3A : i32 to vector<16xi32>
    %shift_right_logical3A_29 = arith.shrui %get3A_25, %shift_right_logical3A_28 : vector<16xi32>
    %broadcast_in_dim3A = arith.constant 0.000000e+00 : f32
    %broadcast_in_dim3A_30 = vector.broadcast %broadcast_in_dim3A : f32 to vector<16xf32>
    %lt3A = arith.constant 0 : i32
    %lt3A_31 = vector.broadcast %lt3A : i32 to vector<16xi32>
    %lt3A_32 = arith.cmpi slt, %and3A_27, %lt3A_31 : vector<16xi32>
    %add3A_33 = arith.constant 16 : i32
    %add3A_34 = vector.broadcast %add3A_33 : i32 to vector<16xi32>
    %add3A_35 = arith.addi %and3A_27, %add3A_34 : vector<16xi32>
    %select_n3A = arith.select %lt3A_32, %add3A_35, %and3A_27 : vector<16xi1>, vector<16xi32>
    %broadcast_in_dim3A_36 = vector.shape_cast %select_n3A : vector<16xi32> to vector<16x1xi32>
    %gather3A = vector.shape_cast %broadcast_in_dim3A_36 : vector<16x1xi32> to vector<16xi32>
    %gather3A_37 = tpu.dynamic_gather %get3A_4[%gather3A] in [0] : vector<16xf32>, vector<16xi32> -> vector<16xf32>
    %eq3A = arith.constant 0 : i32
    %eq3A_38 = vector.broadcast %eq3A : i32 to vector<16xi32>
    %eq3A_39 = arith.cmpi eq, %shift_right_logical3A_29, %eq3A_38 : vector<16xi32>
    %select_n3A_40 = arith.select %eq3A_39, %gather3A_37, %broadcast_in_dim3A_30 : vector<16xi1>, vector<16xf32>
    %lt3A_41 = arith.constant 0 : i32
    %lt3A_42 = vector.broadcast %lt3A_41 : i32 to vector<16xi32>
    %lt3A_43 = arith.cmpi slt, %and3A_27, %lt3A_42 : vector<16xi32>
    %add3A_44 = arith.constant 16 : i32
    %add3A_45 = vector.broadcast %add3A_44 : i32 to vector<16xi32>
    %add3A_46 = arith.addi %and3A_27, %add3A_45 : vector<16xi32>
    %select_n3A_47 = arith.select %lt3A_43, %add3A_46, %and3A_27 : vector<16xi1>, vector<16xi32>
    %broadcast_in_dim3A_48 = vector.shape_cast %select_n3A_47 : vector<16xi32> to vector<16x1xi32>
    %gather3A_49 = vector.shape_cast %broadcast_in_dim3A_48 : vector<16x1xi32> to vector<16xi32>
    %gather3A_50 = tpu.dynamic_gather %get3A_7[%gather3A_49] in [0] : vector<16xf32>, vector<16xi32> -> vector<16xf32>
    %eq3A_51 = arith.constant 1 : i32
    %eq3A_52 = vector.broadcast %eq3A_51 : i32 to vector<16xi32>
    %eq3A_53 = arith.cmpi eq, %shift_right_logical3A_29, %eq3A_52 : vector<16xi32>
    %select_n3A_54 = arith.select %eq3A_53, %gather3A_50, %select_n3A_40 : vector<16xi1>, vector<16xf32>
    %lt3A_55 = arith.constant 0 : i32
    %lt3A_56 = vector.broadcast %lt3A_55 : i32 to vector<16xi32>
    %lt3A_57 = arith.cmpi slt, %and3A_27, %lt3A_56 : vector<16xi32>
    %add3A_58 = arith.constant 16 : i32
    %add3A_59 = vector.broadcast %add3A_58 : i32 to vector<16xi32>
    %add3A_60 = arith.addi %and3A_27, %add3A_59 : vector<16xi32>
    %select_n3A_61 = arith.select %lt3A_57, %add3A_60, %and3A_27 : vector<16xi1>, vector<16xi32>
    %broadcast_in_dim3A_62 = vector.shape_cast %select_n3A_61 : vector<16xi32> to vector<16x1xi32>
    %gather3A_63 = vector.shape_cast %broadcast_in_dim3A_62 : vector<16x1xi32> to vector<16xi32>
    %gather3A_64 = tpu.dynamic_gather %get3A_10[%gather3A_63] in [0] : vector<16xf32>, vector<16xi32> -> vector<16xf32>
    %eq3A_65 = arith.constant 2 : i32
    %eq3A_66 = vector.broadcast %eq3A_65 : i32 to vector<16xi32>
    %eq3A_67 = arith.cmpi eq, %shift_right_logical3A_29, %eq3A_66 : vector<16xi32>
    %select_n3A_68 = arith.select %eq3A_67, %gather3A_64, %select_n3A_54 : vector<16xi1>, vector<16xf32>
    %lt3A_69 = arith.constant 0 : i32
    %lt3A_70 = vector.broadcast %lt3A_69 : i32 to vector<16xi32>
    %lt3A_71 = arith.cmpi slt, %and3A_27, %lt3A_70 : vector<16xi32>
    %add3A_72 = arith.constant 16 : i32
    %add3A_73 = vector.broadcast %add3A_72 : i32 to vector<16xi32>
    %add3A_74 = arith.addi %and3A_27, %add3A_73 : vector<16xi32>
    %select_n3A_75 = arith.select %lt3A_71, %add3A_74, %and3A_27 : vector<16xi1>, vector<16xi32>
    %broadcast_in_dim3A_76 = vector.shape_cast %select_n3A_75 : vector<16xi32> to vector<16x1xi32>
    %gather3A_77 = vector.shape_cast %broadcast_in_dim3A_76 : vector<16x1xi32> to vector<16xi32>
    %gather3A_78 = tpu.dynamic_gather %get3A_13[%gather3A_77] in [0] : vector<16xf32>, vector<16xi32> -> vector<16xf32>
    %eq3A_79 = arith.constant 3 : i32
    %eq3A_80 = vector.broadcast %eq3A_79 : i32 to vector<16xi32>
    %eq3A_81 = arith.cmpi eq, %shift_right_logical3A_29, %eq3A_80 : vector<16xi32>
    %select_n3A_82 = arith.select %eq3A_81, %gather3A_78, %select_n3A_68 : vector<16xi1>, vector<16xf32>
    %lt3A_83 = arith.constant 0 : i32
    %lt3A_84 = vector.broadcast %lt3A_83 : i32 to vector<16xi32>
    %lt3A_85 = arith.cmpi slt, %and3A_27, %lt3A_84 : vector<16xi32>
    %add3A_86 = arith.constant 16 : i32
    %add3A_87 = vector.broadcast %add3A_86 : i32 to vector<16xi32>
    %add3A_88 = arith.addi %and3A_27, %add3A_87 : vector<16xi32>
    %select_n3A_89 = arith.select %lt3A_85, %add3A_88, %and3A_27 : vector<16xi1>, vector<16xi32>
    %broadcast_in_dim3A_90 = vector.shape_cast %select_n3A_89 : vector<16xi32> to vector<16x1xi32>
    %gather3A_91 = vector.shape_cast %broadcast_in_dim3A_90 : vector<16x1xi32> to vector<16xi32>
    %gather3A_92 = tpu.dynamic_gather %get3A_16[%gather3A_91] in [0] : vector<16xf32>, vector<16xi32> -> vector<16xf32>
    %eq3A_93 = arith.constant 4 : i32
    %eq3A_94 = vector.broadcast %eq3A_93 : i32 to vector<16xi32>
    %eq3A_95 = arith.cmpi eq, %shift_right_logical3A_29, %eq3A_94 : vector<16xi32>
    %select_n3A_96 = arith.select %eq3A_95, %gather3A_92, %select_n3A_82 : vector<16xi1>, vector<16xf32>
    %lt3A_97 = arith.constant 0 : i32
    %lt3A_98 = vector.broadcast %lt3A_97 : i32 to vector<16xi32>
    %lt3A_99 = arith.cmpi slt, %and3A_27, %lt3A_98 : vector<16xi32>
    %add3A_100 = arith.constant 16 : i32
    %add3A_101 = vector.broadcast %add3A_100 : i32 to vector<16xi32>
    %add3A_102 = arith.addi %and3A_27, %add3A_101 : vector<16xi32>
    %select_n3A_103 = arith.select %lt3A_99, %add3A_102, %and3A_27 : vector<16xi1>, vector<16xi32>
    %broadcast_in_dim3A_104 = vector.shape_cast %select_n3A_103 : vector<16xi32> to vector<16x1xi32>
    %gather3A_105 = vector.shape_cast %broadcast_in_dim3A_104 : vector<16x1xi32> to vector<16xi32>
    %gather3A_106 = tpu.dynamic_gather %get3A_19[%gather3A_105] in [0] : vector<16xf32>, vector<16xi32> -> vector<16xf32>
    %eq3A_107 = arith.constant 5 : i32
    %eq3A_108 = vector.broadcast %eq3A_107 : i32 to vector<16xi32>
    %eq3A_109 = arith.cmpi eq, %shift_right_logical3A_29, %eq3A_108 : vector<16xi32>
    %select_n3A_110 = arith.select %eq3A_109, %gather3A_106, %select_n3A_96 : vector<16xi1>, vector<16xf32>
    %lt3A_111 = arith.constant 0 : i32
    %lt3A_112 = vector.broadcast %lt3A_111 : i32 to vector<16xi32>
    %lt3A_113 = arith.cmpi slt, %and3A_27, %lt3A_112 : vector<16xi32>
    %add3A_114 = arith.constant 16 : i32
    %add3A_115 = vector.broadcast %add3A_114 : i32 to vector<16xi32>
    %add3A_116 = arith.addi %and3A_27, %add3A_115 : vector<16xi32>
    %select_n3A_117 = arith.select %lt3A_113, %add3A_116, %and3A_27 : vector<16xi1>, vector<16xi32>
    %broadcast_in_dim3A_118 = vector.shape_cast %select_n3A_117 : vector<16xi32> to vector<16x1xi32>
    %gather3A_119 = vector.shape_cast %broadcast_in_dim3A_118 : vector<16x1xi32> to vector<16xi32>
    %gather3A_120 = tpu.dynamic_gather %get3A_22[%gather3A_119] in [0] : vector<16xf32>, vector<16xi32> -> vector<16xf32>
    %eq3A_121 = arith.constant 6 : i32
    %eq3A_122 = vector.broadcast %eq3A_121 : i32 to vector<16xi32>
    %eq3A_123 = arith.cmpi eq, %shift_right_logical3A_29, %eq3A_122 : vector<16xi32>
    %select_n3A_124 = arith.select %eq3A_123, %gather3A_120, %select_n3A_110 : vector<16xi1>, vector<16xf32>
    %swap3A = arith.constant 0 : index
    %swap3A_125 = tpu.vector_load %arg7[%swap3A] {strides = array<i32>} : memref<512xf32, #tpu.memory_space<vmem>>, vector<16xf32>,
    %swap3A_126 = vector.shape_cast %swap3A_125 : vector<16xf32> to vector<16xf32>
    %swap3A_127 = vector.shape_cast %select_n3A_124 : vector<16xf32> to vector<16xf32>
    tpu.vector_store %arg7[%swap3A], %swap3A_127 {strides = array<i32>} : memref<512xf32, #tpu.memory_space<vmem>>, vector<16xf32>,
    %get3A_128 = arith.constant 16 : index
    %get3A_129 = tpu.vector_load %arg5[%get3A_128] {strides = array<i32>} : memref<512xi32, #tpu.memory_space<vmem>>, vector<16xi32>,
    %get3A_130 = vector.shape_cast %get3A_129 : vector<16xi32> to vector<16xi32>
    %and3A_131 = arith.constant 15 : i32
    %and3A_132 = vector.broadcast %and3A_131 : i32 to vector<16xi32>
    %and3A_133 = arith.andi %get3A_130, %and3A_132 : vector<16xi32>
    %shift_right_logical3A_134 = arith.constant 4 : i32
    %shift_right_logical3A_135 = vector.broadcast %shift_right_logical3A_134 : i32 to vector<16xi32>
    %shift_right_logical3A_136 = arith.shrui %get3A_130, %shift_right_logical3A_135 : vector<16xi32>
    %broadcast_in_dim3A_137 = arith.constant 0.000000e+00 : f32
    %broadcast_in_dim3A_138 = vector.broadcast %broadcast_in_dim3A_137 : f32 to vector<16xf32>
    %lt3A_139 = arith.constant 0 : i32
    %lt3A_140 = vector.broadcast %lt3A_139 : i32 to vector<16xi32>
    %lt3A_141 = arith.cmpi slt, %and3A_133, %lt3A_140 : vector<16xi32>
    %add3A_142 = arith.constant 16 : i32
    %add3A_143 = vector.broadcast %add3A_142 : i32 to vector<16xi32>
    %add3A_144 = arith.addi %and3A_133, %add3A_143 : vector<16xi32>
    %select_n3A_145 = arith.select %lt3A_141, %add3A_144, %and3A_133 : vector<16xi1>, vector<16xi32>
    %broadcast_in_dim3A_146 = vector.shape_cast %select_n3A_145 : vector<16xi32> to vector<16x1xi32>
    %gather3A_147 = vector.shape_cast %broadcast_in_dim3A_146 : vector<16x1xi32> to vector<16xi32>
    %gather3A_148 = tpu.dynamic_gather %get3A_4[%gather3A_147] in [0] : vector<16xf32>, vector<16xi32> -> vector<16xf32>
    %eq3A_149 = arith.constant 0 : i32
    %eq3A_150 = vector.broadcast %eq3A_149 : i32 to vector<16xi32>
    %eq3A_151 = arith.cmpi eq, %shift_right_logical3A_136, %eq3A_150 : vector<16xi32>
    %select_n3A_152 = arith.select %eq3A_151, %gather3A_148, %broadcast_in_dim3A_138 : vector<16xi1>, vector<16xf32>
    %lt3A_153 = arith.constant 0 : i32
    %lt3A_154 = vector.broadcast %lt3A_153 : i32 to vector<16xi32>
    %lt3A_155 = arith.cmpi slt, %and3A_133, %lt3A_154 : vector<16xi32>
    %add3A_156 = arith.constant 16 : i32
    %add3A_157 = vector.broadcast %add3A_156 : i32 to vector<16xi32>
    %add3A_158 = arith.addi %and3A_133, %add3A_157 : vector<16xi32>
    %select_n3A_159 = arith.select %lt3A_155, %add3A_158, %and3A_133 : vector<16xi1>, vector<16xi32>
    %broadcast_in_dim3A_160 = vector.shape_cast %select_n3A_159 : vector<16xi32> to vector<16x1xi32>
    %gather3A_161 = vector.shape_cast %broadcast_in_dim3A_160 : vector<16x1xi32> to vector<16xi32>
    %gather3A_162 = tpu.dynamic_gather %get3A_7[%gather3A_161] in [0] : vector<16xf32>, vector<16xi32> -> vector<16xf32>
    %eq3A_163 = arith.constant 1 : i32
    %eq3A_164 = vector.broadcast %eq3A_163 : i32 to vector<16xi32>
    %eq3A_165 = arith.cmpi eq, %shift_right_logical3A_136, %eq3A_164 : vector<16xi32>
    %select_n3A_166 = arith.select %eq3A_165, %gather3A_162, %select_n3A_152 : vector<16xi1>, vector<16xf32>
    %lt3A_167 = arith.constant 0 : i32
    %lt3A_168 = vector.broadcast %lt3A_167 : i32 to vector<16xi32>
    %lt3A_169 = arith.cmpi slt, %and3A_133, %lt3A_168 : vector<16xi32>
    %add3A_170 = arith.constant 16 : i32
    %add3A_171 = vector.broadcast %add3A_170 : i32 to vector<16xi32>
    %add3A_172 = arith.addi %and3A_133, %add3A_171 : vector<16xi32>
    %select_n3A_173 = arith.select %lt3A_169, %add3A_172, %and3A_133 : vector<16xi1>, vector<16xi32>
    %broadcast_in_dim3A_174 = vector.shape_cast %select_n3A_173 : vector<16xi32> to vector<16x1xi32>
    %gather3A_175 = vector.shape_cast %broadcast_in_dim3A_174 : vector<16x1xi32> to vector<16xi32>
    %gather3A_176 = tpu.dynamic_gather %get3A_10[%gather3A_175] in [0] : vector<16xf32>, vector<16xi32> -> vector<16xf32>
    %eq3A_177 = arith.constant 2 : i32
    %eq3A_178 = vector.broadcast %eq3A_177 : i32 to vector<16xi32>
    %eq3A_179 = arith.cmpi eq, %shift_right_logical3A_136, %eq3A_178 : vector<16xi32>
    %select_n3A_180 = arith.select %eq3A_179, %gather3A_176, %select_n3A_166 : vector<16xi1>, vector<16xf32>
    %lt3A_181 = arith.constant 0 : i32
    %lt3A_182 = vector.broadcast %lt3A_181 : i32 to vector<16xi32>
    %lt3A_183 = arith.cmpi slt, %and3A_133, %lt3A_182 : vector<16xi32>
    %add3A_184 = arith.constant 16 : i32
    %add3A_185 = vector.broadcast %add3A_184 : i32 to vector<16xi32>
    %add3A_186 = arith.addi %and3A_133, %add3A_185 : vector<16xi32>
    %select_n3A_187 = arith.select %lt3A_183, %add3A_186, %and3A_133 : vector<16xi1>, vector<16xi32>
    %broadcast_in_dim3A_188 = vector.shape_cast %select_n3A_187 : vector<16xi32> to vector<16x1xi32>
    %gather3A_189 = vector.shape_cast %broadcast_in_dim3A_188 : vector<16x1xi32> to vector<16xi32>
    %gather3A_190 = tpu.dynamic_gather %get3A_13[%gather3A_189] in [0] : vector<16xf32>, vector<16xi32> -> vector<16xf32>
    %eq3A_191 = arith.constant 3 : i32
    %eq3A_192 = vector.broadcast %eq3A_191 : i32 to vector<16xi32>
    %eq3A_193 = arith.cmpi eq, %shift_right_logical3A_136, %eq3A_192 : vector<16xi32>
    %select_n3A_194 = arith.select %eq3A_193, %gather3A_190, %select_n3A_180 : vector<16xi1>, vector<16xf32>
    %lt3A_195 = arith.constant 0 : i32
    %lt3A_196 = vector.broadcast %lt3A_195 : i32 to vector<16xi32>
    %lt3A_197 = arith.cmpi slt, %and3A_133, %lt3A_196 : vector<16xi32>
    %add3A_198 = arith.constant 16 : i32
    %add3A_199 = vector.broadcast %add3A_198 : i32 to vector<16xi32>
    %add3A_200 = arith.addi %and3A_133, %add3A_199 : vector<16xi32>
    %select_n3A_201 = arith.select %lt3A_197, %add3A_200, %and3A_133 : vector<16xi1>, vector<16xi32>
    %broadcast_in_dim3A_202 = vector.shape_cast %select_n3A_201 : vector<16xi32> to vector<16x1xi32>
    %gather3A_203 = vector.shape_cast %broadcast_in_dim3A_202 : vector<16x1xi32> to vector<16xi32>
    %gather3A_204 = tpu.dynamic_gather %get3A_16[%gather3A_203] in [0] : vector<16xf32>, vector<16xi32> -> vector<16xf32>
    %eq3A_205 = arith.constant 4 : i32
    %eq3A_206 = vector.broadcast %eq3A_205 : i32 to vector<16xi32>
    %eq3A_207 = arith.cmpi eq, %shift_right_logical3A_136, %eq3A_206 : vector<16xi32>
    %select_n3A_208 = arith.select %eq3A_207, %gather3A_204, %select_n3A_194 : vector<16xi1>, vector<16xf32>
    %lt3A_209 = arith.constant 0 : i32
    %lt3A_210 = vector.broadcast %lt3A_209 : i32 to vector<16xi32>
    %lt3A_211 = arith.cmpi slt, %and3A_133, %lt3A_210 : vector<16xi32>
    %add3A_212 = arith.constant 16 : i32
    %add3A_213 = vector.broadcast %add3A_212 : i32 to vector<16xi32>
    %add3A_214 = arith.addi %and3A_133, %add3A_213 : vector<16xi32>
    %select_n3A_215 = arith.select %lt3A_211, %add3A_214, %and3A_133 : vector<16xi1>, vector<16xi32>
    %broadcast_in_dim3A_216 = vector.shape_cast %select_n3A_215 : vector<16xi32> to vector<16x1xi32>
    %gather3A_217 = vector.shape_cast %broadcast_in_dim3A_216 : vector<16x1xi32> to vector<16xi32>
    %gather3A_218 = tpu.dynamic_gather %get3A_19[%gather3A_217] in [0] : vector<16xf32>, vector<16xi32> -> vector<16xf32>
    %eq3A_219 = arith.constant 5 : i32
    %eq3A_220 = vector.broadcast %eq3A_219 : i32 to vector<16xi32>
    %eq3A_221 = arith.cmpi eq, %shift_right_logical3A_136, %eq3A_220 : vector<16xi32>
    %select_n3A_222 = arith.select %eq3A_221, %gather3A_218, %select_n3A_208 : vector<16xi1>, vector<16xf32>
    %lt3A_223 = arith.constant 0 : i32
    %lt3A_224 = vector.broadcast %lt3A_223 : i32 to vector<16xi32>
    %lt3A_225 = arith.cmpi slt, %and3A_133, %lt3A_224 : vector<16xi32>
    %add3A_226 = arith.constant 16 : i32
    %add3A_227 = vector.broadcast %add3A_226 : i32 to vector<16xi32>
    %add3A_228 = arith.addi %and3A_133, %add3A_227 : vector<16xi32>
    %select_n3A_229 = arith.select %lt3A_225, %add3A_228, %and3A_133 : vector<16xi1>, vector<16xi32>
    %broadcast_in_dim3A_230 = vector.shape_cast %select_n3A_229 : vector<16xi32> to vector<16x1xi32>
    %gather3A_231 = vector.shape_cast %broadcast_in_dim3A_230 : vector<16x1xi32> to vector<16xi32>
    %gather3A_232 = tpu.dynamic_gather %get3A_22[%gather3A_231] in [0] : vector<16xf32>, vector<16xi32> -> vector<16xf32>
    %eq3A_233 = arith.constant 6 : i32
    %eq3A_234 = vector.broadcast %eq3A_233 : i32 to vector<16xi32>
    %eq3A_235 = arith.cmpi eq, %shift_right_logical3A_136, %eq3A_234 : vector<16xi32>
    %select_n3A_236 = arith.select %eq3A_235, %gather3A_232, %select_n3A_222 : vector<16xi1>, vector<16xf32>
    %swap3A_237 = arith.constant 16 : index
    %swap3A_238 = tpu.vector_load %arg7[%swap3A_237] {strides = array<i32>} : memref<512xf32, #tpu.memory_space<vmem>>, vector<16xf32>,
    %swap3A_239 = vector.shape_cast %swap3A_238 : vector<16xf32> to vector<16xf32>
    %swap3A_240 = vector.shape_cast %select_n3A_236 : vector<16xf32> to vector<16xf32>
    tpu.vector_store %arg7[%swap3A_237], %swap3A_240 {strides = array<i32>} : memref<512xf32, #tpu.memory_space<vmem>>, vector<16xf32>,
    %get3A_241 = arith.constant 32 : index
    %get3A_242 = tpu.vector_load %arg5[%get3A_241] {strides = array<i32>} : memref<512xi32, #tpu.memory_space<vmem>>, vector<16xi32>,
    %get3A_243 = vector.shape_cast %get3A_242 : vector<16xi32> to vector<16xi32>
    %and3A_244 = arith.constant 15 : i32
    %and3A_245 = vector.broadcast %and3A_244 : i32 to vector<16xi32>
    %and3A_246 = arith.andi %get3A_243, %and3A_245 : vector<16xi32>
    %shift_right_logical3A_247 = arith.constant 4 : i32
    %shift_right_logical3A_248 = vector.broadcast %shift_right_logical3A_247 : i32 to vector<16xi32>
    %shift_right_logical3A_249 = arith.shrui %get3A_243, %shift_right_logical3A_248 : vector<16xi32>
    %broadcast_in_dim3A_250 = arith.constant 0.000000e+00 : f32
    %broadcast_in_dim3A_251 = vector.broadcast %broadcast_in_dim3A_250 : f32 to vector<16xf32>
    %lt3A_252 = arith.constant 0 : i32
    %lt3A_253 = vector.broadcast %lt3A_252 : i32 to vector<16xi32>
    %lt3A_254 = arith.cmpi slt, %and3A_246, %lt3A_253 : vector<16xi32>
    %add3A_255 = arith.constant 16 : i32
    %add3A_256 = vector.broadcast %add3A_255 : i32 to vector<16xi32>
    %add3A_257 = arith.addi %and3A_246, %add3A_256 : vector<16xi32>
    %select_n3A_258 = arith.select %lt3A_254, %add3A_257, %and3A_246 : vector<16xi1>, vector<16xi32>
    %broadcast_in_dim3A_259 = vector.shape_cast %select_n3A_258 : vector<16xi32> to vector<16x1xi32>
    %gather3A_260 = vector.shape_cast %broadcast_in_dim3A_259 : vector<16x1xi32> to vector<16xi32>
    %gather3A_261 = tpu.dynamic_gather %get3A_4[%gather3A_260] in [0] : vector<16xf32>, vector<16xi32> -> vector<16xf32>
    %eq3A_262 = arith.constant 0 : i32
    %eq3A_263 = vector.broadcast %eq3A_262 : i32 to vector<16xi32>
    %eq3A_264 = arith.cmpi eq, %shift_right_logical3A_249, %eq3A_263 : vector<16xi32>
    %select_n3A_265 = arith.select %eq3A_264, %gather3A_261, %broadcast_in_dim3A_251 : vector<16xi1>, vector<16xf32>
    %lt3A_266 = arith.constant 0 : i32
    %lt3A_267 = vector.broadcast %lt3A_266 : i32 to vector<16xi32>
    %lt3A_268 = arith.cmpi slt, %and3A_246, %lt3A_267 : vector<16xi32>
    %add3A_269 = arith.constant 16 : i32
    %add3A_270 = vector.broadcast %add3A_269 : i32 to vector<16xi32>
    %add3A_271 = arith.addi %and3A_246, %add3A_270 : vector<16xi32>
    %select_n3A_272 = arith.select %lt3A_268, %add3A_271, %and3A_246 : vector<16xi1>, vector<16xi32>
    %broadcast_in_dim3A_273 = vector.shape_cast %select_n3A_272 : vector<16xi32> to vector<16x1xi32>
    %gather3A_274 = vector.shape_cast %broadcast_in_dim3A_273 : vector<16x1xi32> to vector<16xi32>
    %gather3A_275 = tpu.dynamic_gather %get3A_7[%gather3A_274] in [0] : vector<16xf32>, vector<16xi32> -> vector<16xf32>
    %eq3A_276 = arith.constant 1 : i32
    %eq3A_277 = vector.broadcast %eq3A_276 : i32 to vector<16xi32>
    %eq3A_278 = arith.cmpi eq, %shift_right_logical3A_249, %eq3A_277 : vector<16xi32>
    %select_n3A_279 = arith.select %eq3A_278, %gather3A_275, %select_n3A_265 : vector<16xi1>, vector<16xf32>
    %lt3A_280 = arith.constant 0 : i32
    %lt3A_281 = vector.broadcast %lt3A_280 : i32 to vector<16xi32>
    %lt3A_282 = arith.cmpi slt, %and3A_246, %lt3A_281 : vector<16xi32>
    %add3A_283 = arith.constant 16 : i32
    %add3A_284 = vector.broadcast %add3A_283 : i32 to vector<16xi32>
    %add3A_285 = arith.addi %and3A_246, %add3A_284 : vector<16xi32>
    %select_n3A_286 = arith.select %lt3A_282, %add3A_285, %and3A_246 : vector<16xi1>, vector<16xi32>
    %broadcast_in_dim3A_287 = vector.shape_cast %select_n3A_286 : vector<16xi32> to vector<16x1xi32>
    %gather3A_288 = vector.shape_cast %broadcast_in_dim3A_287 : vector<16x1xi32> to vector<16xi32>
    %gather3A_289 = tpu.dynamic_gather %get3A_10[%gather3A_288] in [0] : vector<16xf32>, vector<16xi32> -> vector<16xf32>
    %eq3A_290 = arith.constant 2 : i32
    %eq3A_291 = vector.broadcast %eq3A_290 : i32 to vector<16xi32>
    %eq3A_292 = arith.cmpi eq, %shift_right_logical3A_249, %eq3A_291 : vector<16xi32>
    %select_n3A_293 = arith.select %eq3A_292, %gather3A_289, %select_n3A_279 : vector<16xi1>, vector<16xf32>
    %lt3A_294 = arith.constant 0 : i32
    %lt3A_295 = vector.broadcast %lt3A_294 : i32 to vector<16xi32>
    %lt3A_296 = arith.cmpi slt, %and3A_246, %lt3A_295 : vector<16xi32>
    %add3A_297 = arith.constant 16 : i32
    %add3A_298 = vector.broadcast %add3A_297 : i32 to vector<16xi32>
    %add3A_299 = arith.addi %and3A_246, %add3A_298 : vector<16xi32>
    %select_n3A_300 = arith.select %lt3A_296, %add3A_299, %and3A_246 : vector<16xi1>, vector<16xi32>
    %broadcast_in_dim3A_301 = vector.shape_cast %select_n3A_300 : vector<16xi32> to vector<16x1xi32>
    %gather3A_302 = vector.shape_cast %broadcast_in_dim3A_301 : vector<16x1xi32> to vector<16xi32>
    %gather3A_303 = tpu.dynamic_gather %get3A_13[%gather3A_302] in [0] : vector<16xf32>, vector<16xi32> -> vector<16xf32>
    %eq3A_304 = arith.constant 3 : i32
    %eq3A_305 = vector.broadcast %eq3A_304 : i32 to vector<16xi32>
    %eq3A_306 = arith.cmpi eq, %shift_right_logical3A_249, %eq3A_305 : vector<16xi32>
    %select_n3A_307 = arith.select %eq3A_306, %gather3A_303, %select_n3A_293 : vector<16xi1>, vector<16xf32>
    %lt3A_308 = arith.constant 0 : i32
    %lt3A_309 = vector.broadcast %lt3A_308 : i32 to vector<16xi32>
    %lt3A_310 = arith.cmpi slt, %and3A_246, %lt3A_309 : vector<16xi32>
    %add3A_311 = arith.constant 16 : i32
    %add3A_312 = vector.broadcast %add3A_311 : i32 to vector<16xi32>
    %add3A_313 = arith.addi %and3A_246, %add3A_312 : vector<16xi32>
    %select_n3A_314 = arith.select %lt3A_310, %add3A_313, %and3A_246 : vector<16xi1>, vector<16xi32>
    %broadcast_in_dim3A_315 = vector.shape_cast %select_n3A_314 : vector<16xi32> to vector<16x1xi32>
    %gather3A_316 = vector.shape_cast %broadcast_in_dim3A_315 : vector<16x1xi32> to vector<16xi32>
    %gather3A_317 = tpu.dynamic_gather %get3A_16[%gather3A_316] in [0] : vector<16xf32>, vector<16xi32> -> vector<16xf32>
    %eq3A_318 = arith.constant 4 : i32
    %eq3A_319 = vector.broadcast %eq3A_318 : i32 to vector<16xi32>
    %eq3A_320 = arith.cmpi eq, %shift_right_logical3A_249, %eq3A_319 : vector<16xi32>
    %select_n3A_321 = arith.select %eq3A_320, %gather3A_317, %select_n3A_307 : vector<16xi1>, vector<16xf32>
    %lt3A_322 = arith.constant 0 : i32
    %lt3A_323 = vector.broadcast %lt3A_322 : i32 to vector<16xi32>
    %lt3A_324 = arith.cmpi slt, %and3A_246, %lt3A_323 : vector<16xi32>
    %add3A_325 = arith.constant 16 : i32
    %add3A_326 = vector.broadcast %add3A_325 : i32 to vector<16xi32>
    %add3A_327 = arith.addi %and3A_246, %add3A_326 : vector<16xi32>
    %select_n3A_328 = arith.select %lt3A_324, %add3A_327, %and3A_246 : vector<16xi1>, vector<16xi32>
    %broadcast_in_dim3A_329 = vector.shape_cast %select_n3A_328 : vector<16xi32> to vector<16x1xi32>
    %gather3A_330 = vector.shape_cast %broadcast_in_dim3A_329 : vector<16x1xi32> to vector<16xi32>
    %gather3A_331 = tpu.dynamic_gather %get3A_19[%gather3A_330] in [0] : vector<16xf32>, vector<16xi32> -> vector<16xf32>
    %eq3A_332 = arith.constant 5 : i32
    %eq3A_333 = vector.broadcast %eq3A_332 : i32 to vector<16xi32>
    %eq3A_334 = arith.cmpi eq, %shift_right_logical3A_249, %eq3A_333 : vector<16xi32>
    %select_n3A_335 = arith.select %eq3A_334, %gather3A_331, %select_n3A_321 : vector<16xi1>, vector<16xf32>
    %lt3A_336 = arith.constant 0 : i32
    %lt3A_337 = vector.broadcast %lt3A_336 : i32 to vector<16xi32>
    %lt3A_338 = arith.cmpi slt, %and3A_246, %lt3A_337 : vector<16xi32>
    %add3A_339 = arith.constant 16 : i32
    %add3A_340 = vector.broadcast %add3A_339 : i32 to vector<16xi32>
    %add3A_341 = arith.addi %and3A_246, %add3A_340 : vector<16xi32>
    %select_n3A_342 = arith.select %lt3A_338, %add3A_341, %and3A_246 : vector<16xi1>, vector<16xi32>
    %broadcast_in_dim3A_343 = vector.shape_cast %select_n3A_342 : vector<16xi32> to vector<16x1xi32>
    %gather3A_344 = vector.shape_cast %broadcast_in_dim3A_343 : vector<16x1xi32> to vector<16xi32>
    %gather3A_345 = tpu.dynamic_gather %get3A_22[%gather3A_344] in [0] : vector<16xf32>, vector<16xi32> -> vector<16xf32>
    %eq3A_346 = arith.constant 6 : i32
    %eq3A_347 = vector.broadcast %eq3A_346 : i32 to vector<16xi32>
    %eq3A_348 = arith.cmpi eq, %shift_right_logical3A_249, %eq3A_347 : vector<16xi32>
    %select_n3A_349 = arith.select %eq3A_348, %gather3A_345, %select_n3A_335 : vector<16xi1>, vector<16xf32>
    %swap3A_350 = arith.constant 32 : index
    %swap3A_351 = tpu.vector_load %arg7[%swap3A_350] {strides = array<i32>} : memref<512xf32, #tpu.memory_space<vmem>>, vector<16xf32>,
    %swap3A_352 = vector.shape_cast %swap3A_351 : vector<16xf32> to vector<16xf32>
    %swap3A_353 = vector.shape_cast %select_n3A_349 : vector<16xf32> to vector<16xf32>
    tpu.vector_store %arg7[%swap3A_350], %swap3A_353 {strides = array<i32>} : memref<512xf32, #tpu.memory_space<vmem>>, vector<16xf32>,
    %get3A_354 = arith.constant 48 : index
    %get3A_355 = tpu.vector_load %arg5[%get3A_354] {strides = array<i32>} : memref<512xi32, #tpu.memory_space<vmem>>, vector<16xi32>,
    %get3A_356 = vector.shape_cast %get3A_355 : vector<16xi32> to vector<16xi32>
    %and3A_357 = arith.constant 15 : i32
    %and3A_358 = vector.broadcast %and3A_357 : i32 to vector<16xi32>
    %and3A_359 = arith.andi %get3A_356, %and3A_358 : vector<16xi32>
    %shift_right_logical3A_360 = arith.constant 4 : i32
    %shift_right_logical3A_361 = vector.broadcast %shift_right_logical3A_360 : i32 to vector<16xi32>
    %shift_right_logical3A_362 = arith.shrui %get3A_356, %shift_right_logical3A_361 : vector<16xi32>
    %broadcast_in_dim3A_363 = arith.constant 0.000000e+00 : f32
    %broadcast_in_dim3A_364 = vector.broadcast %broadcast_in_dim3A_363 : f32 to vector<16xf32>
    %lt3A_365 = arith.constant 0 : i32
    %lt3A_366 = vector.broadcast %lt3A_365 : i32 to vector<16xi32>
    %lt3A_367 = arith.cmpi slt, %and3A_359, %lt3A_366 : vector<16xi32>
    %add3A_368 = arith.constant 16 : i32
    %add3A_369 = vector.broadcast %add3A_368 : i32 to vector<16xi32>
    %add3A_370 = arith.addi %and3A_359, %add3A_369 : vector<16xi32>
    %select_n3A_371 = arith.select %lt3A_367, %add3A_370, %and3A_359 : vector<16xi1>, vector<16xi32>
    %broadcast_in_dim3A_372 = vector.shape_cast %select_n3A_371 : vector<16xi32> to vector<16x1xi32>
    %gather3A_373 = vector.shape_cast %broadcast_in_dim3A_372 : vector<16x1xi32> to vector<16xi32>
    %gather3A_374 = tpu.dynamic_gather %get3A_4[%gather3A_373] in [0] : vector<16xf32>, vector<16xi32> -> vector<16xf32>
    %eq3A_375 = arith.constant 0 : i32
    %eq3A_376 = vector.broadcast %eq3A_375 : i32 to vector<16xi32>
    %eq3A_377 = arith.cmpi eq, %shift_right_logical3A_362, %eq3A_376 : vector<16xi32>
    %select_n3A_378 = arith.select %eq3A_377, %gather3A_374, %broadcast_in_dim3A_364 : vector<16xi1>, vector<16xf32>
    %lt3A_379 = arith.constant 0 : i32
    %lt3A_380 = vector.broadcast %lt3A_379 : i32 to vector<16xi32>
    %lt3A_381 = arith.cmpi slt, %and3A_359, %lt3A_380 : vector<16xi32>
    %add3A_382 = arith.constant 16 : i32
    %add3A_383 = vector.broadcast %add3A_382 : i32 to vector<16xi32>
    %add3A_384 = arith.addi %and3A_359, %add3A_383 : vector<16xi32>
    %select_n3A_385 = arith.select %lt3A_381, %add3A_384, %and3A_359 : vector<16xi1>, vector<16xi32>
    %broadcast_in_dim3A_386 = vector.shape_cast %select_n3A_385 : vector<16xi32> to vector<16x1xi32>
    %gather3A_387 = vector.shape_cast %broadcast_in_dim3A_386 : vector<16x1xi32> to vector<16xi32>
    %gather3A_388 = tpu.dynamic_gather %get3A_7[%gather3A_387] in [0] : vector<16xf32>, vector<16xi32> -> vector<16xf32>
    %eq3A_389 = arith.constant 1 : i32
    %eq3A_390 = vector.broadcast %eq3A_389 : i32 to vector<16xi32>
    %eq3A_391 = arith.cmpi eq, %shift_right_logical3A_362, %eq3A_390 : vector<16xi32>
    %select_n3A_392 = arith.select %eq3A_391, %gather3A_388, %select_n3A_378 : vector<16xi1>, vector<16xf32>
    %lt3A_393 = arith.constant 0 : i32
    %lt3A_394 = vector.broadcast %lt3A_393 : i32 to vector<16xi32>
    %lt3A_395 = arith.cmpi slt, %and3A_359, %lt3A_394 : vector<16xi32>
    %add3A_396 = arith.constant 16 : i32
    %add3A_397 = vector.broadcast %add3A_396 : i32 to vector<16xi32>
    %add3A_398 = arith.addi %and3A_359, %add3A_397 : vector<16xi32>
    %select_n3A_399 = arith.select %lt3A_395, %add3A_398, %and3A_359 : vector<16xi1>, vector<16xi32>
    %broadcast_in_dim3A_400 = vector.shape_cast %select_n3A_399 : vector<16xi32> to vector<16x1xi32>
    %gather3A_401 = vector.shape_cast %broadcast_in_dim3A_400 : vector<16x1xi32> to vector<16xi32>
    %gather3A_402 = tpu.dynamic_gather %get3A_10[%gather3A_401] in [0] : vector<16xf32>, vector<16xi32> -> vector<16xf32>
    %eq3A_403 = arith.constant 2 : i32
    %eq3A_404 = vector.broadcast %eq3A_403 : i32 to vector<16xi32>
    %eq3A_405 = arith.cmpi eq, %shift_right_logical3A_362, %eq3A_404 : vector<16xi32>
    %select_n3A_406 = arith.select %eq3A_405, %gather3A_402, %select_n3A_392 : vector<16xi1>, vector<16xf32>
    %lt3A_407 = arith.constant 0 : i32
    %lt3A_408 = vector.broadcast %lt3A_407 : i32 to vector<16xi32>
    %lt3A_409 = arith.cmpi slt, %and3A_359, %lt3A_408 : vector<16xi32>
    %add3A_410 = arith.constant 16 : i32
    %add3A_411 = vector.broadcast %add3A_410 : i32 to vector<16xi32>
    %add3A_412 = arith.addi %and3A_359, %add3A_411 : vector<16xi32>
    %select_n3A_413 = arith.select %lt3A_409, %add3A_412, %and3A_359 : vector<16xi1>, vector<16xi32>
    %broadcast_in_dim3A_414 = vector.shape_cast %select_n3A_413 : vector<16xi32> to vector<16x1xi32>
    %gather3A_415 = vector.shape_cast %broadcast_in_dim3A_414 : vector<16x1xi32> to vector<16xi32>
    %gather3A_416 = tpu.dynamic_gather %get3A_13[%gather3A_415] in [0] : vector<16xf32>, vector<16xi32> -> vector<16xf32>
    %eq3A_417 = arith.constant 3 : i32
    %eq3A_418 = vector.broadcast %eq3A_417 : i32 to vector<16xi32>
    %eq3A_419 = arith.cmpi eq, %shift_right_logical3A_362, %eq3A_418 : vector<16xi32>
    %select_n3A_420 = arith.select %eq3A_419, %gather3A_416, %select_n3A_406 : vector<16xi1>, vector<16xf32>
    %lt3A_421 = arith.constant 0 : i32
    %lt3A_422 = vector.broadcast %lt3A_421 : i32 to vector<16xi32>
    %lt3A_423 = arith.cmpi slt, %and3A_359, %lt3A_422 : vector<16xi32>
    %add3A_424 = arith.constant 16 : i32
    %add3A_425 = vector.broadcast %add3A_424 : i32 to vector<16xi32>
    %add3A_426 = arith.addi %and3A_359, %add3A_425 : vector<16xi32>
    %select_n3A_427 = arith.select %lt3A_423, %add3A_426, %and3A_359 : vector<16xi1>, vector<16xi32>
    %broadcast_in_dim3A_428 = vector.shape_cast %select_n3A_427 : vector<16xi32> to vector<16x1xi32>
    %gather3A_429 = vector.shape_cast %broadcast_in_dim3A_428 : vector<16x1xi32> to vector<16xi32>
    %gather3A_430 = tpu.dynamic_gather %get3A_16[%gather3A_429] in [0] : vector<16xf32>, vector<16xi32> -> vector<16xf32>
    %eq3A_431 = arith.constant 4 : i32
    %eq3A_432 = vector.broadcast %eq3A_431 : i32 to vector<16xi32>
    %eq3A_433 = arith.cmpi eq, %shift_right_logical3A_362, %eq3A_432 : vector<16xi32>
    %select_n3A_434 = arith.select %eq3A_433, %gather3A_430, %select_n3A_420 : vector<16xi1>, vector<16xf32>
    %lt3A_435 = arith.constant 0 : i32
    %lt3A_436 = vector.broadcast %lt3A_435 : i32 to vector<16xi32>
    %lt3A_437 = arith.cmpi slt, %and3A_359, %lt3A_436 : vector<16xi32>
    %add3A_438 = arith.constant 16 : i32
    %add3A_439 = vector.broadcast %add3A_438 : i32 to vector<16xi32>
    %add3A_440 = arith.addi %and3A_359, %add3A_439 : vector<16xi32>
    %select_n3A_441 = arith.select %lt3A_437, %add3A_440, %and3A_359 : vector<16xi1>, vector<16xi32>
    %broadcast_in_dim3A_442 = vector.shape_cast %select_n3A_441 : vector<16xi32> to vector<16x1xi32>
    %gather3A_443 = vector.shape_cast %broadcast_in_dim3A_442 : vector<16x1xi32> to vector<16xi32>
    %gather3A_444 = tpu.dynamic_gather %get3A_19[%gather3A_443] in [0] : vector<16xf32>, vector<16xi32> -> vector<16xf32>
    %eq3A_445 = arith.constant 5 : i32
    %eq3A_446 = vector.broadcast %eq3A_445 : i32 to vector<16xi32>
    %eq3A_447 = arith.cmpi eq, %shift_right_logical3A_362, %eq3A_446 : vector<16xi32>
    %select_n3A_448 = arith.select %eq3A_447, %gather3A_444, %select_n3A_434 : vector<16xi1>, vector<16xf32>
    %lt3A_449 = arith.constant 0 : i32
    %lt3A_450 = vector.broadcast %lt3A_449 : i32 to vector<16xi32>
    %lt3A_451 = arith.cmpi slt, %and3A_359, %lt3A_450 : vector<16xi32>
    %add3A_452 = arith.constant 16 : i32
    %add3A_453 = vector.broadcast %add3A_452 : i32 to vector<16xi32>
    %add3A_454 = arith.addi %and3A_359, %add3A_453 : vector<16xi32>
    %select_n3A_455 = arith.select %lt3A_451, %add3A_454, %and3A_359 : vector<16xi1>, vector<16xi32>
    %broadcast_in_dim3A_456 = vector.shape_cast %select_n3A_455 : vector<16xi32> to vector<16x1xi32>
    %gather3A_457 = vector.shape_cast %broadcast_in_dim3A_456 : vector<16x1xi32> to vector<16xi32>
    %gather3A_458 = tpu.dynamic_gather %get3A_22[%gather3A_457] in [0] : vector<16xf32>, vector<16xi32> -> vector<16xf32>
    %eq3A_459 = arith.constant 6 : i32
    %eq3A_460 = vector.broadcast %eq3A_459 : i32 to vector<16xi32>
    %eq3A_461 = arith.cmpi eq, %shift_right_logical3A_362, %eq3A_460 : vector<16xi32>
    %select_n3A_462 = arith.select %eq3A_461, %gather3A_458, %select_n3A_448 : vector<16xi1>, vector<16xf32>
    %swap3A_463 = arith.constant 48 : index
    %swap3A_464 = tpu.vector_load %arg7[%swap3A_463] {strides = array<i32>} : memref<512xf32, #tpu.memory_space<vmem>>, vector<16xf32>,
    %swap3A_465 = vector.shape_cast %swap3A_464 : vector<16xf32> to vector<16xf32>
    %swap3A_466 = vector.shape_cast %select_n3A_462 : vector<16xf32> to vector<16xf32>
    tpu.vector_store %arg7[%swap3A_463], %swap3A_466 {strides = array<i32>} : memref<512xf32, #tpu.memory_space<vmem>>, vector<16xf32>,
    %get3A_467 = arith.constant 64 : index
    %get3A_468 = tpu.vector_load %arg5[%get3A_467] {strides = array<i32>} : memref<512xi32, #tpu.memory_space<vmem>>, vector<16xi32>,
    %get3A_469 = vector.shape_cast %get3A_468 : vector<16xi32> to vector<16xi32>
    %and3A_470 = arith.constant 15 : i32
    %and3A_471 = vector.broadcast %and3A_470 : i32 to vector<16xi32>
    %and3A_472 = arith.andi %get3A_469, %and3A_471 : vector<16xi32>
    %shift_right_logical3A_473 = arith.constant 4 : i32
    %shift_right_logical3A_474 = vector.broadcast %shift_right_logical3A_473 : i32 to vector<16xi32>
    %shift_right_logical3A_475 = arith.shrui %get3A_469, %shift_right_logical3A_474 : vector<16xi32>
    %broadcast_in_dim3A_476 = arith.constant 0.000000e+00 : f32
    %broadcast_in_dim3A_477 = vector.broadcast %broadcast_in_dim3A_476 : f32 to vector<16xf32>
    %lt3A_478 = arith.constant 0 : i32
    %lt3A_479 = vector.broadcast %lt3A_478 : i32 to vector<16xi32>
    %lt3A_480 = arith.cmpi slt, %and3A_472, %lt3A_479 : vector<16xi32>
    %add3A_481 = arith.constant 16 : i32
    %add3A_482 = vector.broadcast %add3A_481 : i32 to vector<16xi32>
    %add3A_483 = arith.addi %and3A_472, %add3A_482 : vector<16xi32>
    %select_n3A_484 = arith.select %lt3A_480, %add3A_483, %and3A_472 : vector<16xi1>, vector<16xi32>
    %broadcast_in_dim3A_485 = vector.shape_cast %select_n3A_484 : vector<16xi32> to vector<16x1xi32>
    %gather3A_486 = vector.shape_cast %broadcast_in_dim3A_485 : vector<16x1xi32> to vector<16xi32>
    %gather3A_487 = tpu.dynamic_gather %get3A_4[%gather3A_486] in [0] : vector<16xf32>, vector<16xi32> -> vector<16xf32>
    %eq3A_488 = arith.constant 0 : i32
    %eq3A_489 = vector.broadcast %eq3A_488 : i32 to vector<16xi32>
    %eq3A_490 = arith.cmpi eq, %shift_right_logical3A_475, %eq3A_489 : vector<16xi32>
    %select_n3A_491 = arith.select %eq3A_490, %gather3A_487, %broadcast_in_dim3A_477 : vector<16xi1>, vector<16xf32>
    %lt3A_492 = arith.constant 0 : i32
    %lt3A_493 = vector.broadcast %lt3A_492 : i32 to vector<16xi32>
    %lt3A_494 = arith.cmpi slt, %and3A_472, %lt3A_493 : vector<16xi32>
    %add3A_495 = arith.constant 16 : i32
    %add3A_496 = vector.broadcast %add3A_495 : i32 to vector<16xi32>
    %add3A_497 = arith.addi %and3A_472, %add3A_496 : vector<16xi32>
    %select_n3A_498 = arith.select %lt3A_494, %add3A_497, %and3A_472 : vector<16xi1>, vector<16xi32>
    %broadcast_in_dim3A_499 = vector.shape_cast %select_n3A_498 : vector<16xi32> to vector<16x1xi32>
    %gather3A_500 = vector.shape_cast %broadcast_in_dim3A_499 : vector<16x1xi32> to vector<16xi32>
    %gather3A_501 = tpu.dynamic_gather %get3A_7[%gather3A_500] in [0] : vector<16xf32>, vector<16xi32> -> vector<16xf32>
    %eq3A_502 = arith.constant 1 : i32
    %eq3A_503 = vector.broadcast %eq3A_502 : i32 to vector<16xi32>
    %eq3A_504 = arith.cmpi eq, %shift_right_logical3A_475, %eq3A_503 : vector<16xi32>
    %select_n3A_505 = arith.select %eq3A_504, %gather3A_501, %select_n3A_491 : vector<16xi1>, vector<16xf32>
    %lt3A_506 = arith.constant 0 : i32
    %lt3A_507 = vector.broadcast %lt3A_506 : i32 to vector<16xi32>
    %lt3A_508 = arith.cmpi slt, %and3A_472, %lt3A_507 : vector<16xi32>
    %add3A_509 = arith.constant 16 : i32
    %add3A_510 = vector.broadcast %add3A_509 : i32 to vector<16xi32>
    %add3A_511 = arith.addi %and3A_472, %add3A_510 : vector<16xi32>
    %select_n3A_512 = arith.select %lt3A_508, %add3A_511, %and3A_472 : vector<16xi1>, vector<16xi32>
    %broadcast_in_dim3A_513 = vector.shape_cast %select_n3A_512 : vector<16xi32> to vector<16x1xi32>
    %gather3A_514 = vector.shape_cast %broadcast_in_dim3A_513 : vector<16x1xi32> to vector<16xi32>
    %gather3A_515 = tpu.dynamic_gather %get3A_10[%gather3A_514] in [0] : vector<16xf32>, vector<16xi32> -> vector<16xf32>
    %eq3A_516 = arith.constant 2 : i32
    %eq3A_517 = vector.broadcast %eq3A_516 : i32 to vector<16xi32>
    %eq3A_518 = arith.cmpi eq, %shift_right_logical3A_475, %eq3A_517 : vector<16xi32>
    %select_n3A_519 = arith.select %eq3A_518, %gather3A_515, %select_n3A_505 : vector<16xi1>, vector<16xf32>
    %lt3A_520 = arith.constant 0 : i32
    %lt3A_521 = vector.broadcast %lt3A_520 : i32 to vector<16xi32>
    %lt3A_522 = arith.cmpi slt, %and3A_472, %lt3A_521 : vector<16xi32>
    %add3A_523 = arith.constant 16 : i32
    %add3A_524 = vector.broadcast %add3A_523 : i32 to vector<16xi32>
    %add3A_525 = arith.addi %and3A_472, %add3A_524 : vector<16xi32>
    %select_n3A_526 = arith.select %lt3A_522, %add3A_525, %and3A_472 : vector<16xi1>, vector<16xi32>
    %broadcast_in_dim3A_527 = vector.shape_cast %select_n3A_526 : vector<16xi32> to vector<16x1xi32>
    %gather3A_528 = vector.shape_cast %broadcast_in_dim3A_527 : vector<16x1xi32> to vector<16xi32>
    %gather3A_529 = tpu.dynamic_gather %get3A_13[%gather3A_528] in [0] : vector<16xf32>, vector<16xi32> -> vector<16xf32>
    %eq3A_530 = arith.constant 3 : i32
    %eq3A_531 = vector.broadcast %eq3A_530 : i32 to vector<16xi32>
    %eq3A_532 = arith.cmpi eq, %shift_right_logical3A_475, %eq3A_531 : vector<16xi32>
    %select_n3A_533 = arith.select %eq3A_532, %gather3A_529, %select_n3A_519 : vector<16xi1>, vector<16xf32>
    %lt3A_534 = arith.constant 0 : i32
    %lt3A_535 = vector.broadcast %lt3A_534 : i32 to vector<16xi32>
    %lt3A_536 = arith.cmpi slt, %and3A_472, %lt3A_535 : vector<16xi32>
    %add3A_537 = arith.constant 16 : i32
    %add3A_538 = vector.broadcast %add3A_537 : i32 to vector<16xi32>
    %add3A_539 = arith.addi %and3A_472, %add3A_538 : vector<16xi32>
    %select_n3A_540 = arith.select %lt3A_536, %add3A_539, %and3A_472 : vector<16xi1>, vector<16xi32>
    %broadcast_in_dim3A_541 = vector.shape_cast %select_n3A_540 : vector<16xi32> to vector<16x1xi32>
    %gather3A_542 = vector.shape_cast %broadcast_in_dim3A_541 : vector<16x1xi32> to vector<16xi32>
    %gather3A_543 = tpu.dynamic_gather %get3A_16[%gather3A_542] in [0] : vector<16xf32>, vector<16xi32> -> vector<16xf32>
    %eq3A_544 = arith.constant 4 : i32
    %eq3A_545 = vector.broadcast %eq3A_544 : i32 to vector<16xi32>
    %eq3A_546 = arith.cmpi eq, %shift_right_logical3A_475, %eq3A_545 : vector<16xi32>
    %select_n3A_547 = arith.select %eq3A_546, %gather3A_543, %select_n3A_533 : vector<16xi1>, vector<16xf32>
    %lt3A_548 = arith.constant 0 : i32
    %lt3A_549 = vector.broadcast %lt3A_548 : i32 to vector<16xi32>
    %lt3A_550 = arith.cmpi slt, %and3A_472, %lt3A_549 : vector<16xi32>
    %add3A_551 = arith.constant 16 : i32
    %add3A_552 = vector.broadcast %add3A_551 : i32 to vector<16xi32>
    %add3A_553 = arith.addi %and3A_472, %add3A_552 : vector<16xi32>
    %select_n3A_554 = arith.select %lt3A_550, %add3A_553, %and3A_472 : vector<16xi1>, vector<16xi32>
    %broadcast_in_dim3A_555 = vector.shape_cast %select_n3A_554 : vector<16xi32> to vector<16x1xi32>
    %gather3A_556 = vector.shape_cast %broadcast_in_dim3A_555 : vector<16x1xi32> to vector<16xi32>
    %gather3A_557 = tpu.dynamic_gather %get3A_19[%gather3A_556] in [0] : vector<16xf32>, vector<16xi32> -> vector<16xf32>
    %eq3A_558 = arith.constant 5 : i32
    %eq3A_559 = vector.broadcast %eq3A_558 : i32 to vector<16xi32>
    %eq3A_560 = arith.cmpi eq, %shift_right_logical3A_475, %eq3A_559 : vector<16xi32>
    %select_n3A_561 = arith.select %eq3A_560, %gather3A_557, %select_n3A_547 : vector<16xi1>, vector<16xf32>
    %lt3A_562 = arith.constant 0 : i32
    %lt3A_563 = vector.broadcast %lt3A_562 : i32 to vector<16xi32>
    %lt3A_564 = arith.cmpi slt, %and3A_472, %lt3A_563 : vector<16xi32>
    %add3A_565 = arith.constant 16 : i32
    %add3A_566 = vector.broadcast %add3A_565 : i32 to vector<16xi32>
    %add3A_567 = arith.addi %and3A_472, %add3A_566 : vector<16xi32>
    %select_n3A_568 = arith.select %lt3A_564, %add3A_567, %and3A_472 : vector<16xi1>, vector<16xi32>
    %broadcast_in_dim3A_569 = vector.shape_cast %select_n3A_568 : vector<16xi32> to vector<16x1xi32>
    %gather3A_570 = vector.shape_cast %broadcast_in_dim3A_569 : vector<16x1xi32> to vector<16xi32>
    %gather3A_571 = tpu.dynamic_gather %get3A_22[%gather3A_570] in [0] : vector<16xf32>, vector<16xi32> -> vector<16xf32>
    %eq3A_572 = arith.constant 6 : i32
    %eq3A_573 = vector.broadcast %eq3A_572 : i32 to vector<16xi32>
    %eq3A_574 = arith.cmpi eq, %shift_right_logical3A_475, %eq3A_573 : vector<16xi32>
    %select_n3A_575 = arith.select %eq3A_574, %gather3A_571, %select_n3A_561 : vector<16xi1>, vector<16xf32>
    %swap3A_576 = arith.constant 64 : index
    %swap3A_577 = tpu.vector_load %arg7[%swap3A_576] {strides = array<i32>} : memref<512xf32, #tpu.memory_space<vmem>>, vector<16xf32>,
    %swap3A_578 = vector.shape_cast %swap3A_577 : vector<16xf32> to vector<16xf32>
    %swap3A_579 = vector.shape_cast %select_n3A_575 : vector<16xf32> to vector<16xf32>
    tpu.vector_store %arg7[%swap3A_576], %swap3A_579 {strides = array<i32>} : memref<512xf32, #tpu.memory_space<vmem>>, vector<16xf32>,
    %get3A_580 = arith.constant 80 : index
    %get3A_581 = tpu.vector_load %arg5[%get3A_580] {strides = array<i32>} : memref<512xi32, #tpu.memory_space<vmem>>, vector<16xi32>,
    %get3A_582 = vector.shape_cast %get3A_581 : vector<16xi32> to vector<16xi32>
    %and3A_583 = arith.constant 15 : i32
    %and3A_584 = vector.broadcast %and3A_583 : i32 to vector<16xi32>
    %and3A_585 = arith.andi %get3A_582, %and3A_584 : vector<16xi32>
    %shift_right_logical3A_586 = arith.constant 4 : i32
    %shift_right_logical3A_587 = vector.broadcast %shift_right_logical3A_586 : i32 to vector<16xi32>
    %shift_right_logical3A_588 = arith.shrui %get3A_582, %shift_right_logical3A_587 : vector<16xi32>
    %broadcast_in_dim3A_589 = arith.constant 0.000000e+00 : f32
    %broadcast_in_dim3A_590 = vector.broadcast %broadcast_in_dim3A_589 : f32 to vector<16xf32>
    %lt3A_591 = arith.constant 0 : i32
    %lt3A_592 = vector.broadcast %lt3A_591 : i32 to vector<16xi32>
    %lt3A_593 = arith.cmpi slt, %and3A_585, %lt3A_592 : vector<16xi32>
    %add3A_594 = arith.constant 16 : i32
    %add3A_595 = vector.broadcast %add3A_594 : i32 to vector<16xi32>
    %add3A_596 = arith.addi %and3A_585, %add3A_595 : vector<16xi32>
    %select_n3A_597 = arith.select %lt3A_593, %add3A_596, %and3A_585 : vector<16xi1>, vector<16xi32>
    %broadcast_in_dim3A_598 = vector.shape_cast %select_n3A_597 : vector<16xi32> to vector<16x1xi32>
    %gather3A_599 = vector.shape_cast %broadcast_in_dim3A_598 : vector<16x1xi32> to vector<16xi32>
    %gather3A_600 = tpu.dynamic_gather %get3A_4[%gather3A_599] in [0] : vector<16xf32>, vector<16xi32> -> vector<16xf32>
    %eq3A_601 = arith.constant 0 : i32
    %eq3A_602 = vector.broadcast %eq3A_601 : i32 to vector<16xi32>
    %eq3A_603 = arith.cmpi eq, %shift_right_logical3A_588, %eq3A_602 : vector<16xi32>
    %select_n3A_604 = arith.select %eq3A_603, %gather3A_600, %broadcast_in_dim3A_590 : vector<16xi1>, vector<16xf32>
    %lt3A_605 = arith.constant 0 : i32
    %lt3A_606 = vector.broadcast %lt3A_605 : i32 to vector<16xi32>
    %lt3A_607 = arith.cmpi slt, %and3A_585, %lt3A_606 : vector<16xi32>
    %add3A_608 = arith.constant 16 : i32
    %add3A_609 = vector.broadcast %add3A_608 : i32 to vector<16xi32>
    %add3A_610 = arith.addi %and3A_585, %add3A_609 : vector<16xi32>
    %select_n3A_611 = arith.select %lt3A_607, %add3A_610, %and3A_585 : vector<16xi1>, vector<16xi32>
    %broadcast_in_dim3A_612 = vector.shape_cast %select_n3A_611 : vector<16xi32> to vector<16x1xi32>
    %gather3A_613 = vector.shape_cast %broadcast_in_dim3A_612 : vector<16x1xi32> to vector<16xi32>
    %gather3A_614 = tpu.dynamic_gather %get3A_7[%gather3A_613] in [0] : vector<16xf32>, vector<16xi32> -> vector<16xf32>
    %eq3A_615 = arith.constant 1 : i32
    %eq3A_616 = vector.broadcast %eq3A_615 : i32 to vector<16xi32>
    %eq3A_617 = arith.cmpi eq, %shift_right_logical3A_588, %eq3A_616 : vector<16xi32>
    %select_n3A_618 = arith.select %eq3A_617, %gather3A_614, %select_n3A_604 : vector<16xi1>, vector<16xf32>
    %lt3A_619 = arith.constant 0 : i32
    %lt3A_620 = vector.broadcast %lt3A_619 : i32 to vector<16xi32>
    %lt3A_621 = arith.cmpi slt, %and3A_585, %lt3A_620 : vector<16xi32>
    %add3A_622 = arith.constant 16 : i32
    %add3A_623 = vector.broadcast %add3A_622 : i32 to vector<16xi32>
    %add3A_624 = arith.addi %and3A_585, %add3A_623 : vector<16xi32>
    %select_n3A_625 = arith.select %lt3A_621, %add3A_624, %and3A_585 : vector<16xi1>, vector<16xi32>
    %broadcast_in_dim3A_626 = vector.shape_cast %select_n3A_625 : vector<16xi32> to vector<16x1xi32>
    %gather3A_627 = vector.shape_cast %broadcast_in_dim3A_626 : vector<16x1xi32> to vector<16xi32>
    %gather3A_628 = tpu.dynamic_gather %get3A_10[%gather3A_627] in [0] : vector<16xf32>, vector<16xi32> -> vector<16xf32>
    %eq3A_629 = arith.constant 2 : i32
    %eq3A_630 = vector.broadcast %eq3A_629 : i32 to vector<16xi32>
    %eq3A_631 = arith.cmpi eq, %shift_right_logical3A_588, %eq3A_630 : vector<16xi32>
    %select_n3A_632 = arith.select %eq3A_631, %gather3A_628, %select_n3A_618 : vector<16xi1>, vector<16xf32>
    %lt3A_633 = arith.constant 0 : i32
    %lt3A_634 = vector.broadcast %lt3A_633 : i32 to vector<16xi32>
    %lt3A_635 = arith.cmpi slt, %and3A_585, %lt3A_634 : vector<16xi32>
    %add3A_636 = arith.constant 16 : i32
    %add3A_637 = vector.broadcast %add3A_636 : i32 to vector<16xi32>
    %add3A_638 = arith.addi %and3A_585, %add3A_637 : vector<16xi32>
    %select_n3A_639 = arith.select %lt3A_635, %add3A_638, %and3A_585 : vector<16xi1>, vector<16xi32>
    %broadcast_in_dim3A_640 = vector.shape_cast %select_n3A_639 : vector<16xi32> to vector<16x1xi32>
    %gather3A_641 = vector.shape_cast %broadcast_in_dim3A_640 : vector<16x1xi32> to vector<16xi32>
    %gather3A_642 = tpu.dynamic_gather %get3A_13[%gather3A_641] in [0] : vector<16xf32>, vector<16xi32> -> vector<16xf32>
    %eq3A_643 = arith.constant 3 : i32
    %eq3A_644 = vector.broadcast %eq3A_643 : i32 to vector<16xi32>
    %eq3A_645 = arith.cmpi eq, %shift_right_logical3A_588, %eq3A_644 : vector<16xi32>
    %select_n3A_646 = arith.select %eq3A_645, %gather3A_642, %select_n3A_632 : vector<16xi1>, vector<16xf32>
    %lt3A_647 = arith.constant 0 : i32
    %lt3A_648 = vector.broadcast %lt3A_647 : i32 to vector<16xi32>
    %lt3A_649 = arith.cmpi slt, %and3A_585, %lt3A_648 : vector<16xi32>
    %add3A_650 = arith.constant 16 : i32
    %add3A_651 = vector.broadcast %add3A_650 : i32 to vector<16xi32>
    %add3A_652 = arith.addi %and3A_585, %add3A_651 : vector<16xi32>
    %select_n3A_653 = arith.select %lt3A_649, %add3A_652, %and3A_585 : vector<16xi1>, vector<16xi32>
    %broadcast_in_dim3A_654 = vector.shape_cast %select_n3A_653 : vector<16xi32> to vector<16x1xi32>
    %gather3A_655 = vector.shape_cast %broadcast_in_dim3A_654 : vector<16x1xi32> to vector<16xi32>
    %gather3A_656 = tpu.dynamic_gather %get3A_16[%gather3A_655] in [0] : vector<16xf32>, vector<16xi32> -> vector<16xf32>
    %eq3A_657 = arith.constant 4 : i32
    %eq3A_658 = vector.broadcast %eq3A_657 : i32 to vector<16xi32>
    %eq3A_659 = arith.cmpi eq, %shift_right_logical3A_588, %eq3A_658 : vector<16xi32>
    %select_n3A_660 = arith.select %eq3A_659, %gather3A_656, %select_n3A_646 : vector<16xi1>, vector<16xf32>
    %lt3A_661 = arith.constant 0 : i32
    %lt3A_662 = vector.broadcast %lt3A_661 : i32 to vector<16xi32>
    %lt3A_663 = arith.cmpi slt, %and3A_585, %lt3A_662 : vector<16xi32>
    %add3A_664 = arith.constant 16 : i32
    %add3A_665 = vector.broadcast %add3A_664 : i32 to vector<16xi32>
    %add3A_666 = arith.addi %and3A_585, %add3A_665 : vector<16xi32>
    %select_n3A_667 = arith.select %lt3A_663, %add3A_666, %and3A_585 : vector<16xi1>, vector<16xi32>
    %broadcast_in_dim3A_668 = vector.shape_cast %select_n3A_667 : vector<16xi32> to vector<16x1xi32>
    %gather3A_669 = vector.shape_cast %broadcast_in_dim3A_668 : vector<16x1xi32> to vector<16xi32>
    %gather3A_670 = tpu.dynamic_gather %get3A_19[%gather3A_669] in [0] : vector<16xf32>, vector<16xi32> -> vector<16xf32>
    %eq3A_671 = arith.constant 5 : i32
    %eq3A_672 = vector.broadcast %eq3A_671 : i32 to vector<16xi32>
    %eq3A_673 = arith.cmpi eq, %shift_right_logical3A_588, %eq3A_672 : vector<16xi32>
    %select_n3A_674 = arith.select %eq3A_673, %gather3A_670, %select_n3A_660 : vector<16xi1>, vector<16xf32>
    %lt3A_675 = arith.constant 0 : i32
    %lt3A_676 = vector.broadcast %lt3A_675 : i32 to vector<16xi32>
    %lt3A_677 = arith.cmpi slt, %and3A_585, %lt3A_676 : vector<16xi32>
    %add3A_678 = arith.constant 16 : i32
    %add3A_679 = vector.broadcast %add3A_678 : i32 to vector<16xi32>
    %add3A_680 = arith.addi %and3A_585, %add3A_679 : vector<16xi32>
    %select_n3A_681 = arith.select %lt3A_677, %add3A_680, %and3A_585 : vector<16xi1>, vector<16xi32>
    %broadcast_in_dim3A_682 = vector.shape_cast %select_n3A_681 : vector<16xi32> to vector<16x1xi32>
    %gather3A_683 = vector.shape_cast %broadcast_in_dim3A_682 : vector<16x1xi32> to vector<16xi32>
    %gather3A_684 = tpu.dynamic_gather %get3A_22[%gather3A_683] in [0] : vector<16xf32>, vector<16xi32> -> vector<16xf32>
    %eq3A_685 = arith.constant 6 : i32
    %eq3A_686 = vector.broadcast %eq3A_685 : i32 to vector<16xi32>
    %eq3A_687 = arith.cmpi eq, %shift_right_logical3A_588, %eq3A_686 : vector<16xi32>
    %select_n3A_688 = arith.select %eq3A_687, %gather3A_684, %select_n3A_674 : vector<16xi1>, vector<16xf32>
    %swap3A_689 = arith.constant 80 : index
    %swap3A_690 = tpu.vector_load %arg7[%swap3A_689] {strides = array<i32>} : memref<512xf32, #tpu.memory_space<vmem>>, vector<16xf32>,
    %swap3A_691 = vector.shape_cast %swap3A_690 : vector<16xf32> to vector<16xf32>
    %swap3A_692 = vector.shape_cast %select_n3A_688 : vector<16xf32> to vector<16xf32>
    tpu.vector_store %arg7[%swap3A_689], %swap3A_692 {strides = array<i32>} : memref<512xf32, #tpu.memory_space<vmem>>, vector<16xf32>,
    %get3A_693 = arith.constant 96 : index
    %get3A_694 = tpu.vector_load %arg5[%get3A_693] {strides = array<i32>} : memref<512xi32, #tpu.memory_space<vmem>>, vector<16xi32>,
    %get3A_695 = vector.shape_cast %get3A_694 : vector<16xi32> to vector<16xi32>
    %and3A_696 = arith.constant 15 : i32
    %and3A_697 = vector.broadcast %and3A_696 : i32 to vector<16xi32>
    %and3A_698 = arith.andi %get3A_695, %and3A_697 : vector<16xi32>
    %shift_right_logical3A_699 = arith.constant 4 : i32
    %shift_right_logical3A_700 = vector.broadcast %shift_right_logical3A_699 : i32 to vector<16xi32>
    %shift_right_logical3A_701 = arith.shrui %get3A_695, %shift_right_logical3A_700 : vector<16xi32>
    %broadcast_in_dim3A_702 = arith.constant 0.000000e+00 : f32
    %broadcast_in_dim3A_703 = vector.broadcast %broadcast_in_dim3A_702 : f32 to vector<16xf32>
    %lt3A_704 = arith.constant 0 : i32
    %lt3A_705 = vector.broadcast %lt3A_704 : i32 to vector<16xi32>
    %lt3A_706 = arith.cmpi slt, %and3A_698, %lt3A_705 : vector<16xi32>
    %add3A_707 = arith.constant 16 : i32
    %add3A_708 = vector.broadcast %add3A_707 : i32 to vector<16xi32>
    %add3A_709 = arith.addi %and3A_698, %add3A_708 : vector<16xi32>
    %select_n3A_710 = arith.select %lt3A_706, %add3A_709, %and3A_698 : vector<16xi1>, vector<16xi32>
    %broadcast_in_dim3A_711 = vector.shape_cast %select_n3A_710 : vector<16xi32> to vector<16x1xi32>
    %gather3A_712 = vector.shape_cast %broadcast_in_dim3A_711 : vector<16x1xi32> to vector<16xi32>
    %gather3A_713 = tpu.dynamic_gather %get3A_4[%gather3A_712] in [0] : vector<16xf32>, vector<16xi32> -> vector<16xf32>
    %eq3A_714 = arith.constant 0 : i32
    %eq3A_715 = vector.broadcast %eq3A_714 : i32 to vector<16xi32>
    %eq3A_716 = arith.cmpi eq, %shift_right_logical3A_701, %eq3A_715 : vector<16xi32>
    %select_n3A_717 = arith.select %eq3A_716, %gather3A_713, %broadcast_in_dim3A_703 : vector<16xi1>, vector<16xf32>
    %lt3A_718 = arith.constant 0 : i32
    %lt3A_719 = vector.broadcast %lt3A_718 : i32 to vector<16xi32>
    %lt3A_720 = arith.cmpi slt, %and3A_698, %lt3A_719 : vector<16xi32>
    %add3A_721 = arith.constant 16 : i32
    %add3A_722 = vector.broadcast %add3A_721 : i32 to vector<16xi32>
    %add3A_723 = arith.addi %and3A_698, %add3A_722 : vector<16xi32>
    %select_n3A_724 = arith.select %lt3A_720, %add3A_723, %and3A_698 : vector<16xi1>, vector<16xi32>
    %broadcast_in_dim3A_725 = vector.shape_cast %select_n3A_724 : vector<16xi32> to vector<16x1xi32>
    %gather3A_726 = vector.shape_cast %broadcast_in_dim3A_725 : vector<16x1xi32> to vector<16xi32>
    %gather3A_727 = tpu.dynamic_gather %get3A_7[%gather3A_726] in [0] : vector<16xf32>, vector<16xi32> -> vector<16xf32>
    %eq3A_728 = arith.constant 1 : i32
    %eq3A_729 = vector.broadcast %eq3A_728 : i32 to vector<16xi32>
    %eq3A_730 = arith.cmpi eq, %shift_right_logical3A_701, %eq3A_729 : vector<16xi32>
    %select_n3A_731 = arith.select %eq3A_730, %gather3A_727, %select_n3A_717 : vector<16xi1>, vector<16xf32>
    %lt3A_732 = arith.constant 0 : i32
    %lt3A_733 = vector.broadcast %lt3A_732 : i32 to vector<16xi32>
    %lt3A_734 = arith.cmpi slt, %and3A_698, %lt3A_733 : vector<16xi32>
    %add3A_735 = arith.constant 16 : i32
    %add3A_736 = vector.broadcast %add3A_735 : i32 to vector<16xi32>
    %add3A_737 = arith.addi %and3A_698, %add3A_736 : vector<16xi32>
    %select_n3A_738 = arith.select %lt3A_734, %add3A_737, %and3A_698 : vector<16xi1>, vector<16xi32>
    %broadcast_in_dim3A_739 = vector.shape_cast %select_n3A_738 : vector<16xi32> to vector<16x1xi32>
    %gather3A_740 = vector.shape_cast %broadcast_in_dim3A_739 : vector<16x1xi32> to vector<16xi32>
    %gather3A_741 = tpu.dynamic_gather %get3A_10[%gather3A_740] in [0] : vector<16xf32>, vector<16xi32> -> vector<16xf32>
    %eq3A_742 = arith.constant 2 : i32
    %eq3A_743 = vector.broadcast %eq3A_742 : i32 to vector<16xi32>
    %eq3A_744 = arith.cmpi eq, %shift_right_logical3A_701, %eq3A_743 : vector<16xi32>
    %select_n3A_745 = arith.select %eq3A_744, %gather3A_741, %select_n3A_731 : vector<16xi1>, vector<16xf32>
    %lt3A_746 = arith.constant 0 : i32
    %lt3A_747 = vector.broadcast %lt3A_746 : i32 to vector<16xi32>
    %lt3A_748 = arith.cmpi slt, %and3A_698, %lt3A_747 : vector<16xi32>
    %add3A_749 = arith.constant 16 : i32
    %add3A_750 = vector.broadcast %add3A_749 : i32 to vector<16xi32>
    %add3A_751 = arith.addi %and3A_698, %add3A_750 : vector<16xi32>
    %select_n3A_752 = arith.select %lt3A_748, %add3A_751, %and3A_698 : vector<16xi1>, vector<16xi32>
    %broadcast_in_dim3A_753 = vector.shape_cast %select_n3A_752 : vector<16xi32> to vector<16x1xi32>
    %gather3A_754 = vector.shape_cast %broadcast_in_dim3A_753 : vector<16x1xi32> to vector<16xi32>
    %gather3A_755 = tpu.dynamic_gather %get3A_13[%gather3A_754] in [0] : vector<16xf32>, vector<16xi32> -> vector<16xf32>
    %eq3A_756 = arith.constant 3 : i32
    %eq3A_757 = vector.broadcast %eq3A_756 : i32 to vector<16xi32>
    %eq3A_758 = arith.cmpi eq, %shift_right_logical3A_701, %eq3A_757 : vector<16xi32>
    %select_n3A_759 = arith.select %eq3A_758, %gather3A_755, %select_n3A_745 : vector<16xi1>, vector<16xf32>
    %lt3A_760 = arith.constant 0 : i32
    %lt3A_761 = vector.broadcast %lt3A_760 : i32 to vector<16xi32>
    %lt3A_762 = arith.cmpi slt, %and3A_698, %lt3A_761 : vector<16xi32>
    %add3A_763 = arith.constant 16 : i32
    %add3A_764 = vector.broadcast %add3A_763 : i32 to vector<16xi32>
    %add3A_765 = arith.addi %and3A_698, %add3A_764 : vector<16xi32>
    %select_n3A_766 = arith.select %lt3A_762, %add3A_765, %and3A_698 : vector<16xi1>, vector<16xi32>
    %broadcast_in_dim3A_767 = vector.shape_cast %select_n3A_766 : vector<16xi32> to vector<16x1xi32>
    %gather3A_768 = vector.shape_cast %broadcast_in_dim3A_767 : vector<16x1xi32> to vector<16xi32>
    %gather3A_769 = tpu.dynamic_gather %get3A_16[%gather3A_768] in [0] : vector<16xf32>, vector<16xi32> -> vector<16xf32>
    %eq3A_770 = arith.constant 4 : i32
    %eq3A_771 = vector.broadcast %eq3A_770 : i32 to vector<16xi32>
    %eq3A_772 = arith.cmpi eq, %shift_right_logical3A_701, %eq3A_771 : vector<16xi32>
    %select_n3A_773 = arith.select %eq3A_772, %gather3A_769, %select_n3A_759 : vector<16xi1>, vector<16xf32>
    %lt3A_774 = arith.constant 0 : i32
    %lt3A_775 = vector.broadcast %lt3A_774 : i32 to vector<16xi32>
    %lt3A_776 = arith.cmpi slt, %and3A_698, %lt3A_775 : vector<16xi32>
    %add3A_777 = arith.constant 16 : i32
    %add3A_778 = vector.broadcast %add3A_777 : i32 to vector<16xi32>
    %add3A_779 = arith.addi %and3A_698, %add3A_778 : vector<16xi32>
    %select_n3A_780 = arith.select %lt3A_776, %add3A_779, %and3A_698 : vector<16xi1>, vector<16xi32>
    %broadcast_in_dim3A_781 = vector.shape_cast %select_n3A_780 : vector<16xi32> to vector<16x1xi32>
    %gather3A_782 = vector.shape_cast %broadcast_in_dim3A_781 : vector<16x1xi32> to vector<16xi32>
    %gather3A_783 = tpu.dynamic_gather %get3A_19[%gather3A_782] in [0] : vector<16xf32>, vector<16xi32> -> vector<16xf32>
    %eq3A_784 = arith.constant 5 : i32
    %eq3A_785 = vector.broadcast %eq3A_784 : i32 to vector<16xi32>
    %eq3A_786 = arith.cmpi eq, %shift_right_logical3A_701, %eq3A_785 : vector<16xi32>
    %select_n3A_787 = arith.select %eq3A_786, %gather3A_783, %select_n3A_773 : vector<16xi1>, vector<16xf32>
    %lt3A_788 = arith.constant 0 : i32
    %lt3A_789 = vector.broadcast %lt3A_788 : i32 to vector<16xi32>
    %lt3A_790 = arith.cmpi slt, %and3A_698, %lt3A_789 : vector<16xi32>
    %add3A_791 = arith.constant 16 : i32
    %add3A_792 = vector.broadcast %add3A_791 : i32 to vector<16xi32>
    %add3A_793 = arith.addi %and3A_698, %add3A_792 : vector<16xi32>
    %select_n3A_794 = arith.select %lt3A_790, %add3A_793, %and3A_698 : vector<16xi1>, vector<16xi32>
    %broadcast_in_dim3A_795 = vector.shape_cast %select_n3A_794 : vector<16xi32> to vector<16x1xi32>
    %gather3A_796 = vector.shape_cast %broadcast_in_dim3A_795 : vector<16x1xi32> to vector<16xi32>
    %gather3A_797 = tpu.dynamic_gather %get3A_22[%gather3A_796] in [0] : vector<16xf32>, vector<16xi32> -> vector<16xf32>
    %eq3A_798 = arith.constant 6 : i32
    %eq3A_799 = vector.broadcast %eq3A_798 : i32 to vector<16xi32>
    %eq3A_800 = arith.cmpi eq, %shift_right_logical3A_701, %eq3A_799 : vector<16xi32>
    %select_n3A_801 = arith.select %eq3A_800, %gather3A_797, %select_n3A_787 : vector<16xi1>, vector<16xf32>
    %swap3A_802 = arith.constant 96 : index
    %swap3A_803 = tpu.vector_load %arg7[%swap3A_802] {strides = array<i32>} : memref<512xf32, #tpu.memory_space<vmem>>, vector<16xf32>,
    %swap3A_804 = vector.shape_cast %swap3A_803 : vector<16xf32> to vector<16xf32>
    %swap3A_805 = vector.shape_cast %select_n3A_801 : vector<16xf32> to vector<16xf32>
    tpu.vector_store %arg7[%swap3A_802], %swap3A_805 {strides = array<i32>} : memref<512xf32, #tpu.memory_space<vmem>>, vector<16xf32>,
    %get3A_806 = arith.constant 112 : index
    %get3A_807 = tpu.vector_load %arg5[%get3A_806] {strides = array<i32>} : memref<512xi32, #tpu.memory_space<vmem>>, vector<16xi32>,
    %get3A_808 = vector.shape_cast %get3A_807 : vector<16xi32> to vector<16xi32>
    %and3A_809 = arith.constant 15 : i32
    %and3A_810 = vector.broadcast %and3A_809 : i32 to vector<16xi32>
    %and3A_811 = arith.andi %get3A_808, %and3A_810 : vector<16xi32>
    %shift_right_logical3A_812 = arith.constant 4 : i32
    %shift_right_logical3A_813 = vector.broadcast %shift_right_logical3A_812 : i32 to vector<16xi32>
    %shift_right_logical3A_814 = arith.shrui %get3A_808, %shift_right_logical3A_813 : vector<16xi32>
    %broadcast_in_dim3A_815 = arith.constant 0.000000e+00 : f32
    %broadcast_in_dim3A_816 = vector.broadcast %broadcast_in_dim3A_815 : f32 to vector<16xf32>
    %lt3A_817 = arith.constant 0 : i32
    %lt3A_818 = vector.broadcast %lt3A_817 : i32 to vector<16xi32>
    %lt3A_819 = arith.cmpi slt, %and3A_811, %lt3A_818 : vector<16xi32>
    %add3A_820 = arith.constant 16 : i32
    %add3A_821 = vector.broadcast %add3A_820 : i32 to vector<16xi32>
    %add3A_822 = arith.addi %and3A_811, %add3A_821 : vector<16xi32>
    %select_n3A_823 = arith.select %lt3A_819, %add3A_822, %and3A_811 : vector<16xi1>, vector<16xi32>
    %broadcast_in_dim3A_824 = vector.shape_cast %select_n3A_823 : vector<16xi32> to vector<16x1xi32>
    %gather3A_825 = vector.shape_cast %broadcast_in_dim3A_824 : vector<16x1xi32> to vector<16xi32>
    %gather3A_826 = tpu.dynamic_gather %get3A_4[%gather3A_825] in [0] : vector<16xf32>, vector<16xi32> -> vector<16xf32>
    %eq3A_827 = arith.constant 0 : i32
    %eq3A_828 = vector.broadcast %eq3A_827 : i32 to vector<16xi32>
    %eq3A_829 = arith.cmpi eq, %shift_right_logical3A_814, %eq3A_828 : vector<16xi32>
    %select_n3A_830 = arith.select %eq3A_829, %gather3A_826, %broadcast_in_dim3A_816 : vector<16xi1>, vector<16xf32>
    %lt3A_831 = arith.constant 0 : i32
    %lt3A_832 = vector.broadcast %lt3A_831 : i32 to vector<16xi32>
    %lt3A_833 = arith.cmpi slt, %and3A_811, %lt3A_832 : vector<16xi32>
    %add3A_834 = arith.constant 16 : i32
    %add3A_835 = vector.broadcast %add3A_834 : i32 to vector<16xi32>
    %add3A_836 = arith.addi %and3A_811, %add3A_835 : vector<16xi32>
    %select_n3A_837 = arith.select %lt3A_833, %add3A_836, %and3A_811 : vector<16xi1>, vector<16xi32>
    %broadcast_in_dim3A_838 = vector.shape_cast %select_n3A_837 : vector<16xi32> to vector<16x1xi32>
    %gather3A_839 = vector.shape_cast %broadcast_in_dim3A_838 : vector<16x1xi32> to vector<16xi32>
    %gather3A_840 = tpu.dynamic_gather %get3A_7[%gather3A_839] in [0] : vector<16xf32>, vector<16xi32> -> vector<16xf32>
    %eq3A_841 = arith.constant 1 : i32
    %eq3A_842 = vector.broadcast %eq3A_841 : i32 to vector<16xi32>
    %eq3A_843 = arith.cmpi eq, %shift_right_logical3A_814, %eq3A_842 : vector<16xi32>
    %select_n3A_844 = arith.select %eq3A_843, %gather3A_840, %select_n3A_830 : vector<16xi1>, vector<16xf32>
    %lt3A_845 = arith.constant 0 : i32
    %lt3A_846 = vector.broadcast %lt3A_845 : i32 to vector<16xi32>
    %lt3A_847 = arith.cmpi slt, %and3A_811, %lt3A_846 : vector<16xi32>
    %add3A_848 = arith.constant 16 : i32
    %add3A_849 = vector.broadcast %add3A_848 : i32 to vector<16xi32>
    %add3A_850 = arith.addi %and3A_811, %add3A_849 : vector<16xi32>
    %select_n3A_851 = arith.select %lt3A_847, %add3A_850, %and3A_811 : vector<16xi1>, vector<16xi32>
    %broadcast_in_dim3A_852 = vector.shape_cast %select_n3A_851 : vector<16xi32> to vector<16x1xi32>
    %gather3A_853 = vector.shape_cast %broadcast_in_dim3A_852 : vector<16x1xi32> to vector<16xi32>
    %gather3A_854 = tpu.dynamic_gather %get3A_10[%gather3A_853] in [0] : vector<16xf32>, vector<16xi32> -> vector<16xf32>
    %eq3A_855 = arith.constant 2 : i32
    %eq3A_856 = vector.broadcast %eq3A_855 : i32 to vector<16xi32>
    %eq3A_857 = arith.cmpi eq, %shift_right_logical3A_814, %eq3A_856 : vector<16xi32>
    %select_n3A_858 = arith.select %eq3A_857, %gather3A_854, %select_n3A_844 : vector<16xi1>, vector<16xf32>
    %lt3A_859 = arith.constant 0 : i32
    %lt3A_860 = vector.broadcast %lt3A_859 : i32 to vector<16xi32>
    %lt3A_861 = arith.cmpi slt, %and3A_811, %lt3A_860 : vector<16xi32>
    %add3A_862 = arith.constant 16 : i32
    %add3A_863 = vector.broadcast %add3A_862 : i32 to vector<16xi32>
    %add3A_864 = arith.addi %and3A_811, %add3A_863 : vector<16xi32>
    %select_n3A_865 = arith.select %lt3A_861, %add3A_864, %and3A_811 : vector<16xi1>, vector<16xi32>
    %broadcast_in_dim3A_866 = vector.shape_cast %select_n3A_865 : vector<16xi32> to vector<16x1xi32>
    %gather3A_867 = vector.shape_cast %broadcast_in_dim3A_866 : vector<16x1xi32> to vector<16xi32>
    %gather3A_868 = tpu.dynamic_gather %get3A_13[%gather3A_867] in [0] : vector<16xf32>, vector<16xi32> -> vector<16xf32>
    %eq3A_869 = arith.constant 3 : i32
    %eq3A_870 = vector.broadcast %eq3A_869 : i32 to vector<16xi32>
    %eq3A_871 = arith.cmpi eq, %shift_right_logical3A_814, %eq3A_870 : vector<16xi32>
    %select_n3A_872 = arith.select %eq3A_871, %gather3A_868, %select_n3A_858 : vector<16xi1>, vector<16xf32>
    %lt3A_873 = arith.constant 0 : i32
    %lt3A_874 = vector.broadcast %lt3A_873 : i32 to vector<16xi32>
    %lt3A_875 = arith.cmpi slt, %and3A_811, %lt3A_874 : vector<16xi32>
    %add3A_876 = arith.constant 16 : i32
    %add3A_877 = vector.broadcast %add3A_876 : i32 to vector<16xi32>
    %add3A_878 = arith.addi %and3A_811, %add3A_877 : vector<16xi32>
    %select_n3A_879 = arith.select %lt3A_875, %add3A_878, %and3A_811 : vector<16xi1>, vector<16xi32>
    %broadcast_in_dim3A_880 = vector.shape_cast %select_n3A_879 : vector<16xi32> to vector<16x1xi32>
    %gather3A_881 = vector.shape_cast %broadcast_in_dim3A_880 : vector<16x1xi32> to vector<16xi32>
    %gather3A_882 = tpu.dynamic_gather %get3A_16[%gather3A_881] in [0] : vector<16xf32>, vector<16xi32> -> vector<16xf32>
    %eq3A_883 = arith.constant 4 : i32
    %eq3A_884 = vector.broadcast %eq3A_883 : i32 to vector<16xi32>
    %eq3A_885 = arith.cmpi eq, %shift_right_logical3A_814, %eq3A_884 : vector<16xi32>
    %select_n3A_886 = arith.select %eq3A_885, %gather3A_882, %select_n3A_872 : vector<16xi1>, vector<16xf32>
    %lt3A_887 = arith.constant 0 : i32
    %lt3A_888 = vector.broadcast %lt3A_887 : i32 to vector<16xi32>
    %lt3A_889 = arith.cmpi slt, %and3A_811, %lt3A_888 : vector<16xi32>
    %add3A_890 = arith.constant 16 : i32
    %add3A_891 = vector.broadcast %add3A_890 : i32 to vector<16xi32>
    %add3A_892 = arith.addi %and3A_811, %add3A_891 : vector<16xi32>
    %select_n3A_893 = arith.select %lt3A_889, %add3A_892, %and3A_811 : vector<16xi1>, vector<16xi32>
    %broadcast_in_dim3A_894 = vector.shape_cast %select_n3A_893 : vector<16xi32> to vector<16x1xi32>
    %gather3A_895 = vector.shape_cast %broadcast_in_dim3A_894 : vector<16x1xi32> to vector<16xi32>
    %gather3A_896 = tpu.dynamic_gather %get3A_19[%gather3A_895] in [0] : vector<16xf32>, vector<16xi32> -> vector<16xf32>
    %eq3A_897 = arith.constant 5 : i32
    %eq3A_898 = vector.broadcast %eq3A_897 : i32 to vector<16xi32>
    %eq3A_899 = arith.cmpi eq, %shift_right_logical3A_814, %eq3A_898 : vector<16xi32>
    %select_n3A_900 = arith.select %eq3A_899, %gather3A_896, %select_n3A_886 : vector<16xi1>, vector<16xf32>
    %lt3A_901 = arith.constant 0 : i32
    %lt3A_902 = vector.broadcast %lt3A_901 : i32 to vector<16xi32>
    %lt3A_903 = arith.cmpi slt, %and3A_811, %lt3A_902 : vector<16xi32>
    %add3A_904 = arith.constant 16 : i32
    %add3A_905 = vector.broadcast %add3A_904 : i32 to vector<16xi32>
    %add3A_906 = arith.addi %and3A_811, %add3A_905 : vector<16xi32>
    %select_n3A_907 = arith.select %lt3A_903, %add3A_906, %and3A_811 : vector<16xi1>, vector<16xi32>
    %broadcast_in_dim3A_908 = vector.shape_cast %select_n3A_907 : vector<16xi32> to vector<16x1xi32>
    %gather3A_909 = vector.shape_cast %broadcast_in_dim3A_908 : vector<16x1xi32> to vector<16xi32>
    %gather3A_910 = tpu.dynamic_gather %get3A_22[%gather3A_909] in [0] : vector<16xf32>, vector<16xi32> -> vector<16xf32>
    %eq3A_911 = arith.constant 6 : i32
    %eq3A_912 = vector.broadcast %eq3A_911 : i32 to vector<16xi32>
    %eq3A_913 = arith.cmpi eq, %shift_right_logical3A_814, %eq3A_912 : vector<16xi32>
    %select_n3A_914 = arith.select %eq3A_913, %gather3A_910, %select_n3A_900 : vector<16xi1>, vector<16xf32>
    %swap3A_915 = arith.constant 112 : index
    %swap3A_916 = tpu.vector_load %arg7[%swap3A_915] {strides = array<i32>} : memref<512xf32, #tpu.memory_space<vmem>>, vector<16xf32>,
    %swap3A_917 = vector.shape_cast %swap3A_916 : vector<16xf32> to vector<16xf32>
    %swap3A_918 = vector.shape_cast %select_n3A_914 : vector<16xf32> to vector<16xf32>
    tpu.vector_store %arg7[%swap3A_915], %swap3A_918 {strides = array<i32>} : memref<512xf32, #tpu.memory_space<vmem>>, vector<16xf32>,
    %get3A_919 = arith.constant 128 : index
    %get3A_920 = tpu.vector_load %arg5[%get3A_919] {strides = array<i32>} : memref<512xi32, #tpu.memory_space<vmem>>, vector<16xi32>,
    %get3A_921 = vector.shape_cast %get3A_920 : vector<16xi32> to vector<16xi32>
    %and3A_922 = arith.constant 15 : i32
    %and3A_923 = vector.broadcast %and3A_922 : i32 to vector<16xi32>
    %and3A_924 = arith.andi %get3A_921, %and3A_923 : vector<16xi32>
    %shift_right_logical3A_925 = arith.constant 4 : i32
    %shift_right_logical3A_926 = vector.broadcast %shift_right_logical3A_925 : i32 to vector<16xi32>
    %shift_right_logical3A_927 = arith.shrui %get3A_921, %shift_right_logical3A_926 : vector<16xi32>
    %broadcast_in_dim3A_928 = arith.constant 0.000000e+00 : f32
    %broadcast_in_dim3A_929 = vector.broadcast %broadcast_in_dim3A_928 : f32 to vector<16xf32>
    %lt3A_930 = arith.constant 0 : i32
    %lt3A_931 = vector.broadcast %lt3A_930 : i32 to vector<16xi32>
    %lt3A_932 = arith.cmpi slt, %and3A_924, %lt3A_931 : vector<16xi32>
    %add3A_933 = arith.constant 16 : i32
    %add3A_934 = vector.broadcast %add3A_933 : i32 to vector<16xi32>
    %add3A_935 = arith.addi %and3A_924, %add3A_934 : vector<16xi32>
    %select_n3A_936 = arith.select %lt3A_932, %add3A_935, %and3A_924 : vector<16xi1>, vector<16xi32>
    %broadcast_in_dim3A_937 = vector.shape_cast %select_n3A_936 : vector<16xi32> to vector<16x1xi32>
    %gather3A_938 = vector.shape_cast %broadcast_in_dim3A_937 : vector<16x1xi32> to vector<16xi32>
    %gather3A_939 = tpu.dynamic_gather %get3A_4[%gather3A_938] in [0] : vector<16xf32>, vector<16xi32> -> vector<16xf32>
    %eq3A_940 = arith.constant 0 : i32
    %eq3A_941 = vector.broadcast %eq3A_940 : i32 to vector<16xi32>
    %eq3A_942 = arith.cmpi eq, %shift_right_logical3A_927, %eq3A_941 : vector<16xi32>
    %select_n3A_943 = arith.select %eq3A_942, %gather3A_939, %broadcast_in_dim3A_929 : vector<16xi1>, vector<16xf32>
    %lt3A_944 = arith.constant 0 : i32
    %lt3A_945 = vector.broadcast %lt3A_944 : i32 to vector<16xi32>
    %lt3A_946 = arith.cmpi slt, %and3A_924, %lt3A_945 : vector<16xi32>
    %add3A_947 = arith.constant 16 : i32
    %add3A_948 = vector.broadcast %add3A_947 : i32 to vector<16xi32>
    %add3A_949 = arith.addi %and3A_924, %add3A_948 : vector<16xi32>
    %select_n3A_950 = arith.select %lt3A_946, %add3A_949, %and3A_924 : vector<16xi1>, vector<16xi32>
    %broadcast_in_dim3A_951 = vector.shape_cast %select_n3A_950 : vector<16xi32> to vector<16x1xi32>
    %gather3A_952 = vector.shape_cast %broadcast_in_dim3A_951 : vector<16x1xi32> to vector<16xi32>
    %gather3A_953 = tpu.dynamic_gather %get3A_7[%gather3A_952] in [0] : vector<16xf32>, vector<16xi32> -> vector<16xf32>
    %eq3A_954 = arith.constant 1 : i32
    %eq3A_955 = vector.broadcast %eq3A_954 : i32 to vector<16xi32>
    %eq3A_956 = arith.cmpi eq, %shift_right_logical3A_927, %eq3A_955 : vector<16xi32>
    %select_n3A_957 = arith.select %eq3A_956, %gather3A_953, %select_n3A_943 : vector<16xi1>, vector<16xf32>
    %lt3A_958 = arith.constant 0 : i32
    %lt3A_959 = vector.broadcast %lt3A_958 : i32 to vector<16xi32>
    %lt3A_960 = arith.cmpi slt, %and3A_924, %lt3A_959 : vector<16xi32>
    %add3A_961 = arith.constant 16 : i32
    %add3A_962 = vector.broadcast %add3A_961 : i32 to vector<16xi32>
    %add3A_963 = arith.addi %and3A_924, %add3A_962 : vector<16xi32>
    %select_n3A_964 = arith.select %lt3A_960, %add3A_963, %and3A_924 : vector<16xi1>, vector<16xi32>
    %broadcast_in_dim3A_965 = vector.shape_cast %select_n3A_964 : vector<16xi32> to vector<16x1xi32>
    %gather3A_966 = vector.shape_cast %broadcast_in_dim3A_965 : vector<16x1xi32> to vector<16xi32>
    %gather3A_967 = tpu.dynamic_gather %get3A_10[%gather3A_966] in [0] : vector<16xf32>, vector<16xi32> -> vector<16xf32>
    %eq3A_968 = arith.constant 2 : i32
    %eq3A_969 = vector.broadcast %eq3A_968 : i32 to vector<16xi32>
    %eq3A_970 = arith.cmpi eq, %shift_right_logical3A_927, %eq3A_969 : vector<16xi32>
    %select_n3A_971 = arith.select %eq3A_970, %gather3A_967, %select_n3A_957 : vector<16xi1>, vector<16xf32>
    %lt3A_972 = arith.constant 0 : i32
    %lt3A_973 = vector.broadcast %lt3A_972 : i32 to vector<16xi32>
    %lt3A_974 = arith.cmpi slt, %and3A_924, %lt3A_973 : vector<16xi32>
    %add3A_975 = arith.constant 16 : i32
    %add3A_976 = vector.broadcast %add3A_975 : i32 to vector<16xi32>
    %add3A_977 = arith.addi %and3A_924, %add3A_976 : vector<16xi32>
    %select_n3A_978 = arith.select %lt3A_974, %add3A_977, %and3A_924 : vector<16xi1>, vector<16xi32>
    %broadcast_in_dim3A_979 = vector.shape_cast %select_n3A_978 : vector<16xi32> to vector<16x1xi32>
    %gather3A_980 = vector.shape_cast %broadcast_in_dim3A_979 : vector<16x1xi32> to vector<16xi32>
    %gather3A_981 = tpu.dynamic_gather %get3A_13[%gather3A_980] in [0] : vector<16xf32>, vector<16xi32> -> vector<16xf32>
    %eq3A_982 = arith.constant 3 : i32
    %eq3A_983 = vector.broadcast %eq3A_982 : i32 to vector<16xi32>
    %eq3A_984 = arith.cmpi eq, %shift_right_logical3A_927, %eq3A_983 : vector<16xi32>
    %select_n3A_985 = arith.select %eq3A_984, %gather3A_981, %select_n3A_971 : vector<16xi1>, vector<16xf32>
    %lt3A_986 = arith.constant 0 : i32
    %lt3A_987 = vector.broadcast %lt3A_986 : i32 to vector<16xi32>
    %lt3A_988 = arith.cmpi slt, %and3A_924, %lt3A_987 : vector<16xi32>
    %add3A_989 = arith.constant 16 : i32
    %add3A_990 = vector.broadcast %add3A_989 : i32 to vector<16xi32>
    %add3A_991 = arith.addi %and3A_924, %add3A_990 : vector<16xi32>
    %select_n3A_992 = arith.select %lt3A_988, %add3A_991, %and3A_924 : vector<16xi1>, vector<16xi32>
    %broadcast_in_dim3A_993 = vector.shape_cast %select_n3A_992 : vector<16xi32> to vector<16x1xi32>
    %gather3A_994 = vector.shape_cast %broadcast_in_dim3A_993 : vector<16x1xi32> to vector<16xi32>
    %gather3A_995 = tpu.dynamic_gather %get3A_16[%gather3A_994] in [0] : vector<16xf32>, vector<16xi32> -> vector<16xf32>
    %eq3A_996 = arith.constant 4 : i32
    %eq3A_997 = vector.broadcast %eq3A_996 : i32 to vector<16xi32>
    %eq3A_998 = arith.cmpi eq, %shift_right_logical3A_927, %eq3A_997 : vector<16xi32>
    %select_n3A_999 = arith.select %eq3A_998, %gather3A_995, %select_n3A_985 : vector<16xi1>, vector<16xf32>
    %lt3A_1000 = arith.constant 0 : i32
    %lt3A_1001 = vector.broadcast %lt3A_1000 : i32 to vector<16xi32>
    %lt3A_1002 = arith.cmpi slt, %and3A_924, %lt3A_1001 : vector<16xi32>
    %add3A_1003 = arith.constant 16 : i32
    %add3A_1004 = vector.broadcast %add3A_1003 : i32 to vector<16xi32>
    %add3A_1005 = arith.addi %and3A_924, %add3A_1004 : vector<16xi32>
    %select_n3A_1006 = arith.select %lt3A_1002, %add3A_1005, %and3A_924 : vector<16xi1>, vector<16xi32>
    %broadcast_in_dim3A_1007 = vector.shape_cast %select_n3A_1006 : vector<16xi32> to vector<16x1xi32>
    %gather3A_1008 = vector.shape_cast %broadcast_in_dim3A_1007 : vector<16x1xi32> to vector<16xi32>
    %gather3A_1009 = tpu.dynamic_gather %get3A_19[%gather3A_1008] in [0] : vector<16xf32>, vector<16xi32> -> vector<16xf32>
    %eq3A_1010 = arith.constant 5 : i32
    %eq3A_1011 = vector.broadcast %eq3A_1010 : i32 to vector<16xi32>
    %eq3A_1012 = arith.cmpi eq, %shift_right_logical3A_927, %eq3A_1011 : vector<16xi32>
    %select_n3A_1013 = arith.select %eq3A_1012, %gather3A_1009, %select_n3A_999 : vector<16xi1>, vector<16xf32>
    %lt3A_1014 = arith.constant 0 : i32
    %lt3A_1015 = vector.broadcast %lt3A_1014 : i32 to vector<16xi32>
    %lt3A_1016 = arith.cmpi slt, %and3A_924, %lt3A_1015 : vector<16xi32>
    %add3A_1017 = arith.constant 16 : i32
    %add3A_1018 = vector.broadcast %add3A_1017 : i32 to vector<16xi32>
    %add3A_1019 = arith.addi %and3A_924, %add3A_1018 : vector<16xi32>
    %select_n3A_1020 = arith.select %lt3A_1016, %add3A_1019, %and3A_924 : vector<16xi1>, vector<16xi32>
    %broadcast_in_dim3A_1021 = vector.shape_cast %select_n3A_1020 : vector<16xi32> to vector<16x1xi32>
    %gather3A_1022 = vector.shape_cast %broadcast_in_dim3A_1021 : vector<16x1xi32> to vector<16xi32>
    %gather3A_1023 = tpu.dynamic_gather %get3A_22[%gather3A_1022] in [0] : vector<16xf32>, vector<16xi32> -> vector<16xf32>
    %eq3A_1024 = arith.constant 6 : i32
    %eq3A_1025 = vector.broadcast %eq3A_1024 : i32 to vector<16xi32>
    %eq3A_1026 = arith.cmpi eq, %shift_right_logical3A_927, %eq3A_1025 : vector<16xi32>
    %select_n3A_1027 = arith.select %eq3A_1026, %gather3A_1023, %select_n3A_1013 : vector<16xi1>, vector<16xf32>
    %swap3A_1028 = arith.constant 128 : index
    %swap3A_1029 = tpu.vector_load %arg7[%swap3A_1028] {strides = array<i32>} : memref<512xf32, #tpu.memory_space<vmem>>, vector<16xf32>,
    %swap3A_1030 = vector.shape_cast %swap3A_1029 : vector<16xf32> to vector<16xf32>
    %swap3A_1031 = vector.shape_cast %select_n3A_1027 : vector<16xf32> to vector<16xf32>
    tpu.vector_store %arg7[%swap3A_1028], %swap3A_1031 {strides = array<i32>} : memref<512xf32, #tpu.memory_space<vmem>>, vector<16xf32>,
    %get3A_1032 = arith.constant 144 : index
    %get3A_1033 = tpu.vector_load %arg5[%get3A_1032] {strides = array<i32>} : memref<512xi32, #tpu.memory_space<vmem>>, vector<16xi32>,
    %get3A_1034 = vector.shape_cast %get3A_1033 : vector<16xi32> to vector<16xi32>
    %and3A_1035 = arith.constant 15 : i32
    %and3A_1036 = vector.broadcast %and3A_1035 : i32 to vector<16xi32>
    %and3A_1037 = arith.andi %get3A_1034, %and3A_1036 : vector<16xi32>
    %shift_right_logical3A_1038 = arith.constant 4 : i32
    %shift_right_logical3A_1039 = vector.broadcast %shift_right_logical3A_1038 : i32 to vector<16xi32>
    %shift_right_logical3A_1040 = arith.shrui %get3A_1034, %shift_right_logical3A_1039 : vector<16xi32>
    %broadcast_in_dim3A_1041 = arith.constant 0.000000e+00 : f32
    %broadcast_in_dim3A_1042 = vector.broadcast %broadcast_in_dim3A_1041 : f32 to vector<16xf32>
    %lt3A_1043 = arith.constant 0 : i32
    %lt3A_1044 = vector.broadcast %lt3A_1043 : i32 to vector<16xi32>
    %lt3A_1045 = arith.cmpi slt, %and3A_1037, %lt3A_1044 : vector<16xi32>
    %add3A_1046 = arith.constant 16 : i32
    %add3A_1047 = vector.broadcast %add3A_1046 : i32 to vector<16xi32>
    %add3A_1048 = arith.addi %and3A_1037, %add3A_1047 : vector<16xi32>
    %select_n3A_1049 = arith.select %lt3A_1045, %add3A_1048, %and3A_1037 : vector<16xi1>, vector<16xi32>
    %broadcast_in_dim3A_1050 = vector.shape_cast %select_n3A_1049 : vector<16xi32> to vector<16x1xi32>
    %gather3A_1051 = vector.shape_cast %broadcast_in_dim3A_1050 : vector<16x1xi32> to vector<16xi32>
    %gather3A_1052 = tpu.dynamic_gather %get3A_4[%gather3A_1051] in [0] : vector<16xf32>, vector<16xi32> -> vector<16xf32>
    %eq3A_1053 = arith.constant 0 : i32
    %eq3A_1054 = vector.broadcast %eq3A_1053 : i32 to vector<16xi32>
    %eq3A_1055 = arith.cmpi eq, %shift_right_logical3A_1040, %eq3A_1054 : vector<16xi32>
    %select_n3A_1056 = arith.select %eq3A_1055, %gather3A_1052, %broadcast_in_dim3A_1042 : vector<16xi1>, vector<16xf32>
    %lt3A_1057 = arith.constant 0 : i32
    %lt3A_1058 = vector.broadcast %lt3A_1057 : i32 to vector<16xi32>
    %lt3A_1059 = arith.cmpi slt, %and3A_1037, %lt3A_1058 : vector<16xi32>
    %add3A_1060 = arith.constant 16 : i32
    %add3A_1061 = vector.broadcast %add3A_1060 : i32 to vector<16xi32>
    %add3A_1062 = arith.addi %and3A_1037, %add3A_1061 : vector<16xi32>
    %select_n3A_1063 = arith.select %lt3A_1059, %add3A_1062, %and3A_1037 : vector<16xi1>, vector<16xi32>
    %broadcast_in_dim3A_1064 = vector.shape_cast %select_n3A_1063 : vector<16xi32> to vector<16x1xi32>
    %gather3A_1065 = vector.shape_cast %broadcast_in_dim3A_1064 : vector<16x1xi32> to vector<16xi32>
    %gather3A_1066 = tpu.dynamic_gather %get3A_7[%gather3A_1065] in [0] : vector<16xf32>, vector<16xi32> -> vector<16xf32>
    %eq3A_1067 = arith.constant 1 : i32
    %eq3A_1068 = vector.broadcast %eq3A_1067 : i32 to vector<16xi32>
    %eq3A_1069 = arith.cmpi eq, %shift_right_logical3A_1040, %eq3A_1068 : vector<16xi32>
    %select_n3A_1070 = arith.select %eq3A_1069, %gather3A_1066, %select_n3A_1056 : vector<16xi1>, vector<16xf32>
    %lt3A_1071 = arith.constant 0 : i32
    %lt3A_1072 = vector.broadcast %lt3A_1071 : i32 to vector<16xi32>
    %lt3A_1073 = arith.cmpi slt, %and3A_1037, %lt3A_1072 : vector<16xi32>
    %add3A_1074 = arith.constant 16 : i32
    %add3A_1075 = vector.broadcast %add3A_1074 : i32 to vector<16xi32>
    %add3A_1076 = arith.addi %and3A_1037, %add3A_1075 : vector<16xi32>
    %select_n3A_1077 = arith.select %lt3A_1073, %add3A_1076, %and3A_1037 : vector<16xi1>, vector<16xi32>
    %broadcast_in_dim3A_1078 = vector.shape_cast %select_n3A_1077 : vector<16xi32> to vector<16x1xi32>
    %gather3A_1079 = vector.shape_cast %broadcast_in_dim3A_1078 : vector<16x1xi32> to vector<16xi32>
    %gather3A_1080 = tpu.dynamic_gather %get3A_10[%gather3A_1079] in [0] : vector<16xf32>, vector<16xi32> -> vector<16xf32>
    %eq3A_1081 = arith.constant 2 : i32
    %eq3A_1082 = vector.broadcast %eq3A_1081 : i32 to vector<16xi32>
    %eq3A_1083 = arith.cmpi eq, %shift_right_logical3A_1040, %eq3A_1082 : vector<16xi32>
    %select_n3A_1084 = arith.select %eq3A_1083, %gather3A_1080, %select_n3A_1070 : vector<16xi1>, vector<16xf32>
    %lt3A_1085 = arith.constant 0 : i32
    %lt3A_1086 = vector.broadcast %lt3A_1085 : i32 to vector<16xi32>
    %lt3A_1087 = arith.cmpi slt, %and3A_1037, %lt3A_1086 : vector<16xi32>
    %add3A_1088 = arith.constant 16 : i32
    %add3A_1089 = vector.broadcast %add3A_1088 : i32 to vector<16xi32>
    %add3A_1090 = arith.addi %and3A_1037, %add3A_1089 : vector<16xi32>
    %select_n3A_1091 = arith.select %lt3A_1087, %add3A_1090, %and3A_1037 : vector<16xi1>, vector<16xi32>
    %broadcast_in_dim3A_1092 = vector.shape_cast %select_n3A_1091 : vector<16xi32> to vector<16x1xi32>
    %gather3A_1093 = vector.shape_cast %broadcast_in_dim3A_1092 : vector<16x1xi32> to vector<16xi32>
    %gather3A_1094 = tpu.dynamic_gather %get3A_13[%gather3A_1093] in [0] : vector<16xf32>, vector<16xi32> -> vector<16xf32>
    %eq3A_1095 = arith.constant 3 : i32
    %eq3A_1096 = vector.broadcast %eq3A_1095 : i32 to vector<16xi32>
    %eq3A_1097 = arith.cmpi eq, %shift_right_logical3A_1040, %eq3A_1096 : vector<16xi32>
    %select_n3A_1098 = arith.select %eq3A_1097, %gather3A_1094, %select_n3A_1084 : vector<16xi1>, vector<16xf32>
    %lt3A_1099 = arith.constant 0 : i32
    %lt3A_1100 = vector.broadcast %lt3A_1099 : i32 to vector<16xi32>
    %lt3A_1101 = arith.cmpi slt, %and3A_1037, %lt3A_1100 : vector<16xi32>
    %add3A_1102 = arith.constant 16 : i32
    %add3A_1103 = vector.broadcast %add3A_1102 : i32 to vector<16xi32>
    %add3A_1104 = arith.addi %and3A_1037, %add3A_1103 : vector<16xi32>
    %select_n3A_1105 = arith.select %lt3A_1101, %add3A_1104, %and3A_1037 : vector<16xi1>, vector<16xi32>
    %broadcast_in_dim3A_1106 = vector.shape_cast %select_n3A_1105 : vector<16xi32> to vector<16x1xi32>
    %gather3A_1107 = vector.shape_cast %broadcast_in_dim3A_1106 : vector<16x1xi32> to vector<16xi32>
    %gather3A_1108 = tpu.dynamic_gather %get3A_16[%gather3A_1107] in [0] : vector<16xf32>, vector<16xi32> -> vector<16xf32>
    %eq3A_1109 = arith.constant 4 : i32
    %eq3A_1110 = vector.broadcast %eq3A_1109 : i32 to vector<16xi32>
    %eq3A_1111 = arith.cmpi eq, %shift_right_logical3A_1040, %eq3A_1110 : vector<16xi32>
    %select_n3A_1112 = arith.select %eq3A_1111, %gather3A_1108, %select_n3A_1098 : vector<16xi1>, vector<16xf32>
    %lt3A_1113 = arith.constant 0 : i32
    %lt3A_1114 = vector.broadcast %lt3A_1113 : i32 to vector<16xi32>
    %lt3A_1115 = arith.cmpi slt, %and3A_1037, %lt3A_1114 : vector<16xi32>
    %add3A_1116 = arith.constant 16 : i32
    %add3A_1117 = vector.broadcast %add3A_1116 : i32 to vector<16xi32>
    %add3A_1118 = arith.addi %and3A_1037, %add3A_1117 : vector<16xi32>
    %select_n3A_1119 = arith.select %lt3A_1115, %add3A_1118, %and3A_1037 : vector<16xi1>, vector<16xi32>
    %broadcast_in_dim3A_1120 = vector.shape_cast %select_n3A_1119 : vector<16xi32> to vector<16x1xi32>
    %gather3A_1121 = vector.shape_cast %broadcast_in_dim3A_1120 : vector<16x1xi32> to vector<16xi32>
    %gather3A_1122 = tpu.dynamic_gather %get3A_19[%gather3A_1121] in [0] : vector<16xf32>, vector<16xi32> -> vector<16xf32>
    %eq3A_1123 = arith.constant 5 : i32
    %eq3A_1124 = vector.broadcast %eq3A_1123 : i32 to vector<16xi32>
    %eq3A_1125 = arith.cmpi eq, %shift_right_logical3A_1040, %eq3A_1124 : vector<16xi32>
    %select_n3A_1126 = arith.select %eq3A_1125, %gather3A_1122, %select_n3A_1112 : vector<16xi1>, vector<16xf32>
    %lt3A_1127 = arith.constant 0 : i32
    %lt3A_1128 = vector.broadcast %lt3A_1127 : i32 to vector<16xi32>
    %lt3A_1129 = arith.cmpi slt, %and3A_1037, %lt3A_1128 : vector<16xi32>
    %add3A_1130 = arith.constant 16 : i32
    %add3A_1131 = vector.broadcast %add3A_1130 : i32 to vector<16xi32>
    %add3A_1132 = arith.addi %and3A_1037, %add3A_1131 : vector<16xi32>
    %select_n3A_1133 = arith.select %lt3A_1129, %add3A_1132, %and3A_1037 : vector<16xi1>, vector<16xi32>
    %broadcast_in_dim3A_1134 = vector.shape_cast %select_n3A_1133 : vector<16xi32> to vector<16x1xi32>
    %gather3A_1135 = vector.shape_cast %broadcast_in_dim3A_1134 : vector<16x1xi32> to vector<16xi32>
    %gather3A_1136 = tpu.dynamic_gather %get3A_22[%gather3A_1135] in [0] : vector<16xf32>, vector<16xi32> -> vector<16xf32>
    %eq3A_1137 = arith.constant 6 : i32
    %eq3A_1138 = vector.broadcast %eq3A_1137 : i32 to vector<16xi32>
    %eq3A_1139 = arith.cmpi eq, %shift_right_logical3A_1040, %eq3A_1138 : vector<16xi32>
    %select_n3A_1140 = arith.select %eq3A_1139, %gather3A_1136, %select_n3A_1126 : vector<16xi1>, vector<16xf32>
    %swap3A_1141 = arith.constant 144 : index
    %swap3A_1142 = tpu.vector_load %arg7[%swap3A_1141] {strides = array<i32>} : memref<512xf32, #tpu.memory_space<vmem>>, vector<16xf32>,
    %swap3A_1143 = vector.shape_cast %swap3A_1142 : vector<16xf32> to vector<16xf32>
    %swap3A_1144 = vector.shape_cast %select_n3A_1140 : vector<16xf32> to vector<16xf32>
    tpu.vector_store %arg7[%swap3A_1141], %swap3A_1144 {strides = array<i32>} : memref<512xf32, #tpu.memory_space<vmem>>, vector<16xf32>,
    %get3A_1145 = arith.constant 160 : index
    %get3A_1146 = tpu.vector_load %arg5[%get3A_1145] {strides = array<i32>} : memref<512xi32, #tpu.memory_space<vmem>>, vector<16xi32>,
    %get3A_1147 = vector.shape_cast %get3A_1146 : vector<16xi32> to vector<16xi32>
    %and3A_1148 = arith.constant 15 : i32
    %and3A_1149 = vector.broadcast %and3A_1148 : i32 to vector<16xi32>
    %and3A_1150 = arith.andi %get3A_1147, %and3A_1149 : vector<16xi32>
    %shift_right_logical3A_1151 = arith.constant 4 : i32
    %shift_right_logical3A_1152 = vector.broadcast %shift_right_logical3A_1151 : i32 to vector<16xi32>
    %shift_right_logical3A_1153 = arith.shrui %get3A_1147, %shift_right_logical3A_1152 : vector<16xi32>
    %broadcast_in_dim3A_1154 = arith.constant 0.000000e+00 : f32
    %broadcast_in_dim3A_1155 = vector.broadcast %broadcast_in_dim3A_1154 : f32 to vector<16xf32>
    %lt3A_1156 = arith.constant 0 : i32
    %lt3A_1157 = vector.broadcast %lt3A_1156 : i32 to vector<16xi32>
    %lt3A_1158 = arith.cmpi slt, %and3A_1150, %lt3A_1157 : vector<16xi32>
    %add3A_1159 = arith.constant 16 : i32
    %add3A_1160 = vector.broadcast %add3A_1159 : i32 to vector<16xi32>
    %add3A_1161 = arith.addi %and3A_1150, %add3A_1160 : vector<16xi32>
    %select_n3A_1162 = arith.select %lt3A_1158, %add3A_1161, %and3A_1150 : vector<16xi1>, vector<16xi32>
    %broadcast_in_dim3A_1163 = vector.shape_cast %select_n3A_1162 : vector<16xi32> to vector<16x1xi32>
    %gather3A_1164 = vector.shape_cast %broadcast_in_dim3A_1163 : vector<16x1xi32> to vector<16xi32>
    %gather3A_1165 = tpu.dynamic_gather %get3A_4[%gather3A_1164] in [0] : vector<16xf32>, vector<16xi32> -> vector<16xf32>
    %eq3A_1166 = arith.constant 0 : i32
    %eq3A_1167 = vector.broadcast %eq3A_1166 : i32 to vector<16xi32>
    %eq3A_1168 = arith.cmpi eq, %shift_right_logical3A_1153, %eq3A_1167 : vector<16xi32>
    %select_n3A_1169 = arith.select %eq3A_1168, %gather3A_1165, %broadcast_in_dim3A_1155 : vector<16xi1>, vector<16xf32>
    %lt3A_1170 = arith.constant 0 : i32
    %lt3A_1171 = vector.broadcast %lt3A_1170 : i32 to vector<16xi32>
    %lt3A_1172 = arith.cmpi slt, %and3A_1150, %lt3A_1171 : vector<16xi32>
    %add3A_1173 = arith.constant 16 : i32
    %add3A_1174 = vector.broadcast %add3A_1173 : i32 to vector<16xi32>
    %add3A_1175 = arith.addi %and3A_1150, %add3A_1174 : vector<16xi32>
    %select_n3A_1176 = arith.select %lt3A_1172, %add3A_1175, %and3A_1150 : vector<16xi1>, vector<16xi32>
    %broadcast_in_dim3A_1177 = vector.shape_cast %select_n3A_1176 : vector<16xi32> to vector<16x1xi32>
    %gather3A_1178 = vector.shape_cast %broadcast_in_dim3A_1177 : vector<16x1xi32> to vector<16xi32>
    %gather3A_1179 = tpu.dynamic_gather %get3A_7[%gather3A_1178] in [0] : vector<16xf32>, vector<16xi32> -> vector<16xf32>
    %eq3A_1180 = arith.constant 1 : i32
    %eq3A_1181 = vector.broadcast %eq3A_1180 : i32 to vector<16xi32>
    %eq3A_1182 = arith.cmpi eq, %shift_right_logical3A_1153, %eq3A_1181 : vector<16xi32>
    %select_n3A_1183 = arith.select %eq3A_1182, %gather3A_1179, %select_n3A_1169 : vector<16xi1>, vector<16xf32>
    %lt3A_1184 = arith.constant 0 : i32
    %lt3A_1185 = vector.broadcast %lt3A_1184 : i32 to vector<16xi32>
    %lt3A_1186 = arith.cmpi slt, %and3A_1150, %lt3A_1185 : vector<16xi32>
    %add3A_1187 = arith.constant 16 : i32
    %add3A_1188 = vector.broadcast %add3A_1187 : i32 to vector<16xi32>
    %add3A_1189 = arith.addi %and3A_1150, %add3A_1188 : vector<16xi32>
    %select_n3A_1190 = arith.select %lt3A_1186, %add3A_1189, %and3A_1150 : vector<16xi1>, vector<16xi32>
    %broadcast_in_dim3A_1191 = vector.shape_cast %select_n3A_1190 : vector<16xi32> to vector<16x1xi32>
    %gather3A_1192 = vector.shape_cast %broadcast_in_dim3A_1191 : vector<16x1xi32> to vector<16xi32>
    %gather3A_1193 = tpu.dynamic_gather %get3A_10[%gather3A_1192] in [0] : vector<16xf32>, vector<16xi32> -> vector<16xf32>
    %eq3A_1194 = arith.constant 2 : i32
    %eq3A_1195 = vector.broadcast %eq3A_1194 : i32 to vector<16xi32>
    %eq3A_1196 = arith.cmpi eq, %shift_right_logical3A_1153, %eq3A_1195 : vector<16xi32>
    %select_n3A_1197 = arith.select %eq3A_1196, %gather3A_1193, %select_n3A_1183 : vector<16xi1>, vector<16xf32>
    %lt3A_1198 = arith.constant 0 : i32
    %lt3A_1199 = vector.broadcast %lt3A_1198 : i32 to vector<16xi32>
    %lt3A_1200 = arith.cmpi slt, %and3A_1150, %lt3A_1199 : vector<16xi32>
    %add3A_1201 = arith.constant 16 : i32
    %add3A_1202 = vector.broadcast %add3A_1201 : i32 to vector<16xi32>
    %add3A_1203 = arith.addi %and3A_1150, %add3A_1202 : vector<16xi32>
    %select_n3A_1204 = arith.select %lt3A_1200, %add3A_1203, %and3A_1150 : vector<16xi1>, vector<16xi32>
    %broadcast_in_dim3A_1205 = vector.shape_cast %select_n3A_1204 : vector<16xi32> to vector<16x1xi32>
    %gather3A_1206 = vector.shape_cast %broadcast_in_dim3A_1205 : vector<16x1xi32> to vector<16xi32>
    %gather3A_1207 = tpu.dynamic_gather %get3A_13[%gather3A_1206] in [0] : vector<16xf32>, vector<16xi32> -> vector<16xf32>
    %eq3A_1208 = arith.constant 3 : i32
    %eq3A_1209 = vector.broadcast %eq3A_1208 : i32 to vector<16xi32>
    %eq3A_1210 = arith.cmpi eq, %shift_right_logical3A_1153, %eq3A_1209 : vector<16xi32>
    %select_n3A_1211 = arith.select %eq3A_1210, %gather3A_1207, %select_n3A_1197 : vector<16xi1>, vector<16xf32>
    %lt3A_1212 = arith.constant 0 : i32
    %lt3A_1213 = vector.broadcast %lt3A_1212 : i32 to vector<16xi32>
    %lt3A_1214 = arith.cmpi slt, %and3A_1150, %lt3A_1213 : vector<16xi32>
    %add3A_1215 = arith.constant 16 : i32
    %add3A_1216 = vector.broadcast %add3A_1215 : i32 to vector<16xi32>
    %add3A_1217 = arith.addi %and3A_1150, %add3A_1216 : vector<16xi32>
    %select_n3A_1218 = arith.select %lt3A_1214, %add3A_1217, %and3A_1150 : vector<16xi1>, vector<16xi32>
    %broadcast_in_dim3A_1219 = vector.shape_cast %select_n3A_1218 : vector<16xi32> to vector<16x1xi32>
    %gather3A_1220 = vector.shape_cast %broadcast_in_dim3A_1219 : vector<16x1xi32> to vector<16xi32>
    %gather3A_1221 = tpu.dynamic_gather %get3A_16[%gather3A_1220] in [0] : vector<16xf32>, vector<16xi32> -> vector<16xf32>
    %eq3A_1222 = arith.constant 4 : i32
    %eq3A_1223 = vector.broadcast %eq3A_1222 : i32 to vector<16xi32>
    %eq3A_1224 = arith.cmpi eq, %shift_right_logical3A_1153, %eq3A_1223 : vector<16xi32>
    %select_n3A_1225 = arith.select %eq3A_1224, %gather3A_1221, %select_n3A_1211 : vector<16xi1>, vector<16xf32>
    %lt3A_1226 = arith.constant 0 : i32
    %lt3A_1227 = vector.broadcast %lt3A_1226 : i32 to vector<16xi32>
    %lt3A_1228 = arith.cmpi slt, %and3A_1150, %lt3A_1227 : vector<16xi32>
    %add3A_1229 = arith.constant 16 : i32
    %add3A_1230 = vector.broadcast %add3A_1229 : i32 to vector<16xi32>
    %add3A_1231 = arith.addi %and3A_1150, %add3A_1230 : vector<16xi32>
    %select_n3A_1232 = arith.select %lt3A_1228, %add3A_1231, %and3A_1150 : vector<16xi1>, vector<16xi32>
    %broadcast_in_dim3A_1233 = vector.shape_cast %select_n3A_1232 : vector<16xi32> to vector<16x1xi32>
    %gather3A_1234 = vector.shape_cast %broadcast_in_dim3A_1233 : vector<16x1xi32> to vector<16xi32>
    %gather3A_1235 = tpu.dynamic_gather %get3A_19[%gather3A_1234] in [0] : vector<16xf32>, vector<16xi32> -> vector<16xf32>
    %eq3A_1236 = arith.constant 5 : i32
    %eq3A_1237 = vector.broadcast %eq3A_1236 : i32 to vector<16xi32>
    %eq3A_1238 = arith.cmpi eq, %shift_right_logical3A_1153, %eq3A_1237 : vector<16xi32>
    %select_n3A_1239 = arith.select %eq3A_1238, %gather3A_1235, %select_n3A_1225 : vector<16xi1>, vector<16xf32>
    %lt3A_1240 = arith.constant 0 : i32
    %lt3A_1241 = vector.broadcast %lt3A_1240 : i32 to vector<16xi32>
    %lt3A_1242 = arith.cmpi slt, %and3A_1150, %lt3A_1241 : vector<16xi32>
    %add3A_1243 = arith.constant 16 : i32
    %add3A_1244 = vector.broadcast %add3A_1243 : i32 to vector<16xi32>
    %add3A_1245 = arith.addi %and3A_1150, %add3A_1244 : vector<16xi32>
    %select_n3A_1246 = arith.select %lt3A_1242, %add3A_1245, %and3A_1150 : vector<16xi1>, vector<16xi32>
    %broadcast_in_dim3A_1247 = vector.shape_cast %select_n3A_1246 : vector<16xi32> to vector<16x1xi32>
    %gather3A_1248 = vector.shape_cast %broadcast_in_dim3A_1247 : vector<16x1xi32> to vector<16xi32>
    %gather3A_1249 = tpu.dynamic_gather %get3A_22[%gather3A_1248] in [0] : vector<16xf32>, vector<16xi32> -> vector<16xf32>
    %eq3A_1250 = arith.constant 6 : i32
    %eq3A_1251 = vector.broadcast %eq3A_1250 : i32 to vector<16xi32>
    %eq3A_1252 = arith.cmpi eq, %shift_right_logical3A_1153, %eq3A_1251 : vector<16xi32>
    %select_n3A_1253 = arith.select %eq3A_1252, %gather3A_1249, %select_n3A_1239 : vector<16xi1>, vector<16xf32>
    %swap3A_1254 = arith.constant 160 : index
    %swap3A_1255 = tpu.vector_load %arg7[%swap3A_1254] {strides = array<i32>} : memref<512xf32, #tpu.memory_space<vmem>>, vector<16xf32>,
    %swap3A_1256 = vector.shape_cast %swap3A_1255 : vector<16xf32> to vector<16xf32>
    %swap3A_1257 = vector.shape_cast %select_n3A_1253 : vector<16xf32> to vector<16xf32>
    tpu.vector_store %arg7[%swap3A_1254], %swap3A_1257 {strides = array<i32>} : memref<512xf32, #tpu.memory_space<vmem>>, vector<16xf32>,
    %get3A_1258 = arith.constant 176 : index
    %get3A_1259 = tpu.vector_load %arg5[%get3A_1258] {strides = array<i32>} : memref<512xi32, #tpu.memory_space<vmem>>, vector<16xi32>,
    %get3A_1260 = vector.shape_cast %get3A_1259 : vector<16xi32> to vector<16xi32>
    %and3A_1261 = arith.constant 15 : i32
    %and3A_1262 = vector.broadcast %and3A_1261 : i32 to vector<16xi32>
    %and3A_1263 = arith.andi %get3A_1260, %and3A_1262 : vector<16xi32>
    %shift_right_logical3A_1264 = arith.constant 4 : i32
    %shift_right_logical3A_1265 = vector.broadcast %shift_right_logical3A_1264 : i32 to vector<16xi32>
    %shift_right_logical3A_1266 = arith.shrui %get3A_1260, %shift_right_logical3A_1265 : vector<16xi32>
    %broadcast_in_dim3A_1267 = arith.constant 0.000000e+00 : f32
    %broadcast_in_dim3A_1268 = vector.broadcast %broadcast_in_dim3A_1267 : f32 to vector<16xf32>
    %lt3A_1269 = arith.constant 0 : i32
    %lt3A_1270 = vector.broadcast %lt3A_1269 : i32 to vector<16xi32>
    %lt3A_1271 = arith.cmpi slt, %and3A_1263, %lt3A_1270 : vector<16xi32>
    %add3A_1272 = arith.constant 16 : i32
    %add3A_1273 = vector.broadcast %add3A_1272 : i32 to vector<16xi32>
    %add3A_1274 = arith.addi %and3A_1263, %add3A_1273 : vector<16xi32>
    %select_n3A_1275 = arith.select %lt3A_1271, %add3A_1274, %and3A_1263 : vector<16xi1>, vector<16xi32>
    %broadcast_in_dim3A_1276 = vector.shape_cast %select_n3A_1275 : vector<16xi32> to vector<16x1xi32>
    %gather3A_1277 = vector.shape_cast %broadcast_in_dim3A_1276 : vector<16x1xi32> to vector<16xi32>
    %gather3A_1278 = tpu.dynamic_gather %get3A_4[%gather3A_1277] in [0] : vector<16xf32>, vector<16xi32> -> vector<16xf32>
    %eq3A_1279 = arith.constant 0 : i32
    %eq3A_1280 = vector.broadcast %eq3A_1279 : i32 to vector<16xi32>
    %eq3A_1281 = arith.cmpi eq, %shift_right_logical3A_1266, %eq3A_1280 : vector<16xi32>
    %select_n3A_1282 = arith.select %eq3A_1281, %gather3A_1278, %broadcast_in_dim3A_1268 : vector<16xi1>, vector<16xf32>
    %lt3A_1283 = arith.constant 0 : i32
    %lt3A_1284 = vector.broadcast %lt3A_1283 : i32 to vector<16xi32>
    %lt3A_1285 = arith.cmpi slt, %and3A_1263, %lt3A_1284 : vector<16xi32>
    %add3A_1286 = arith.constant 16 : i32
    %add3A_1287 = vector.broadcast %add3A_1286 : i32 to vector<16xi32>
    %add3A_1288 = arith.addi %and3A_1263, %add3A_1287 : vector<16xi32>
    %select_n3A_1289 = arith.select %lt3A_1285, %add3A_1288, %and3A_1263 : vector<16xi1>, vector<16xi32>
    %broadcast_in_dim3A_1290 = vector.shape_cast %select_n3A_1289 : vector<16xi32> to vector<16x1xi32>
    %gather3A_1291 = vector.shape_cast %broadcast_in_dim3A_1290 : vector<16x1xi32> to vector<16xi32>
    %gather3A_1292 = tpu.dynamic_gather %get3A_7[%gather3A_1291] in [0] : vector<16xf32>, vector<16xi32> -> vector<16xf32>
    %eq3A_1293 = arith.constant 1 : i32
    %eq3A_1294 = vector.broadcast %eq3A_1293 : i32 to vector<16xi32>
    %eq3A_1295 = arith.cmpi eq, %shift_right_logical3A_1266, %eq3A_1294 : vector<16xi32>
    %select_n3A_1296 = arith.select %eq3A_1295, %gather3A_1292, %select_n3A_1282 : vector<16xi1>, vector<16xf32>
    %lt3A_1297 = arith.constant 0 : i32
    %lt3A_1298 = vector.broadcast %lt3A_1297 : i32 to vector<16xi32>
    %lt3A_1299 = arith.cmpi slt, %and3A_1263, %lt3A_1298 : vector<16xi32>
    %add3A_1300 = arith.constant 16 : i32
    %add3A_1301 = vector.broadcast %add3A_1300 : i32 to vector<16xi32>
    %add3A_1302 = arith.addi %and3A_1263, %add3A_1301 : vector<16xi32>
    %select_n3A_1303 = arith.select %lt3A_1299, %add3A_1302, %and3A_1263 : vector<16xi1>, vector<16xi32>
    %broadcast_in_dim3A_1304 = vector.shape_cast %select_n3A_1303 : vector<16xi32> to vector<16x1xi32>
    %gather3A_1305 = vector.shape_cast %broadcast_in_dim3A_1304 : vector<16x1xi32> to vector<16xi32>
    %gather3A_1306 = tpu.dynamic_gather %get3A_10[%gather3A_1305] in [0] : vector<16xf32>, vector<16xi32> -> vector<16xf32>
    %eq3A_1307 = arith.constant 2 : i32
    %eq3A_1308 = vector.broadcast %eq3A_1307 : i32 to vector<16xi32>
    %eq3A_1309 = arith.cmpi eq, %shift_right_logical3A_1266, %eq3A_1308 : vector<16xi32>
    %select_n3A_1310 = arith.select %eq3A_1309, %gather3A_1306, %select_n3A_1296 : vector<16xi1>, vector<16xf32>
    %lt3A_1311 = arith.constant 0 : i32
    %lt3A_1312 = vector.broadcast %lt3A_1311 : i32 to vector<16xi32>
    %lt3A_1313 = arith.cmpi slt, %and3A_1263, %lt3A_1312 : vector<16xi32>
    %add3A_1314 = arith.constant 16 : i32
    %add3A_1315 = vector.broadcast %add3A_1314 : i32 to vector<16xi32>
    %add3A_1316 = arith.addi %and3A_1263, %add3A_1315 : vector<16xi32>
    %select_n3A_1317 = arith.select %lt3A_1313, %add3A_1316, %and3A_1263 : vector<16xi1>, vector<16xi32>
    %broadcast_in_dim3A_1318 = vector.shape_cast %select_n3A_1317 : vector<16xi32> to vector<16x1xi32>
    %gather3A_1319 = vector.shape_cast %broadcast_in_dim3A_1318 : vector<16x1xi32> to vector<16xi32>
    %gather3A_1320 = tpu.dynamic_gather %get3A_13[%gather3A_1319] in [0] : vector<16xf32>, vector<16xi32> -> vector<16xf32>
    %eq3A_1321 = arith.constant 3 : i32
    %eq3A_1322 = vector.broadcast %eq3A_1321 : i32 to vector<16xi32>
    %eq3A_1323 = arith.cmpi eq, %shift_right_logical3A_1266, %eq3A_1322 : vector<16xi32>
    %select_n3A_1324 = arith.select %eq3A_1323, %gather3A_1320, %select_n3A_1310 : vector<16xi1>, vector<16xf32>
    %lt3A_1325 = arith.constant 0 : i32
    %lt3A_1326 = vector.broadcast %lt3A_1325 : i32 to vector<16xi32>
    %lt3A_1327 = arith.cmpi slt, %and3A_1263, %lt3A_1326 : vector<16xi32>
    %add3A_1328 = arith.constant 16 : i32
    %add3A_1329 = vector.broadcast %add3A_1328 : i32 to vector<16xi32>
    %add3A_1330 = arith.addi %and3A_1263, %add3A_1329 : vector<16xi32>
    %select_n3A_1331 = arith.select %lt3A_1327, %add3A_1330, %and3A_1263 : vector<16xi1>, vector<16xi32>
    %broadcast_in_dim3A_1332 = vector.shape_cast %select_n3A_1331 : vector<16xi32> to vector<16x1xi32>
    %gather3A_1333 = vector.shape_cast %broadcast_in_dim3A_1332 : vector<16x1xi32> to vector<16xi32>
    %gather3A_1334 = tpu.dynamic_gather %get3A_16[%gather3A_1333] in [0] : vector<16xf32>, vector<16xi32> -> vector<16xf32>
    %eq3A_1335 = arith.constant 4 : i32
    %eq3A_1336 = vector.broadcast %eq3A_1335 : i32 to vector<16xi32>
    %eq3A_1337 = arith.cmpi eq, %shift_right_logical3A_1266, %eq3A_1336 : vector<16xi32>
    %select_n3A_1338 = arith.select %eq3A_1337, %gather3A_1334, %select_n3A_1324 : vector<16xi1>, vector<16xf32>
    %lt3A_1339 = arith.constant 0 : i32
    %lt3A_1340 = vector.broadcast %lt3A_1339 : i32 to vector<16xi32>
    %lt3A_1341 = arith.cmpi slt, %and3A_1263, %lt3A_1340 : vector<16xi32>
    %add3A_1342 = arith.constant 16 : i32
    %add3A_1343 = vector.broadcast %add3A_1342 : i32 to vector<16xi32>
    %add3A_1344 = arith.addi %and3A_1263, %add3A_1343 : vector<16xi32>
    %select_n3A_1345 = arith.select %lt3A_1341, %add3A_1344, %and3A_1263 : vector<16xi1>, vector<16xi32>
    %broadcast_in_dim3A_1346 = vector.shape_cast %select_n3A_1345 : vector<16xi32> to vector<16x1xi32>
    %gather3A_1347 = vector.shape_cast %broadcast_in_dim3A_1346 : vector<16x1xi32> to vector<16xi32>
    %gather3A_1348 = tpu.dynamic_gather %get3A_19[%gather3A_1347] in [0] : vector<16xf32>, vector<16xi32> -> vector<16xf32>
    %eq3A_1349 = arith.constant 5 : i32
    %eq3A_1350 = vector.broadcast %eq3A_1349 : i32 to vector<16xi32>
    %eq3A_1351 = arith.cmpi eq, %shift_right_logical3A_1266, %eq3A_1350 : vector<16xi32>
    %select_n3A_1352 = arith.select %eq3A_1351, %gather3A_1348, %select_n3A_1338 : vector<16xi1>, vector<16xf32>
    %lt3A_1353 = arith.constant 0 : i32
    %lt3A_1354 = vector.broadcast %lt3A_1353 : i32 to vector<16xi32>
    %lt3A_1355 = arith.cmpi slt, %and3A_1263, %lt3A_1354 : vector<16xi32>
    %add3A_1356 = arith.constant 16 : i32
    %add3A_1357 = vector.broadcast %add3A_1356 : i32 to vector<16xi32>
    %add3A_1358 = arith.addi %and3A_1263, %add3A_1357 : vector<16xi32>
    %select_n3A_1359 = arith.select %lt3A_1355, %add3A_1358, %and3A_1263 : vector<16xi1>, vector<16xi32>
    %broadcast_in_dim3A_1360 = vector.shape_cast %select_n3A_1359 : vector<16xi32> to vector<16x1xi32>
    %gather3A_1361 = vector.shape_cast %broadcast_in_dim3A_1360 : vector<16x1xi32> to vector<16xi32>
    %gather3A_1362 = tpu.dynamic_gather %get3A_22[%gather3A_1361] in [0] : vector<16xf32>, vector<16xi32> -> vector<16xf32>
    %eq3A_1363 = arith.constant 6 : i32
    %eq3A_1364 = vector.broadcast %eq3A_1363 : i32 to vector<16xi32>
    %eq3A_1365 = arith.cmpi eq, %shift_right_logical3A_1266, %eq3A_1364 : vector<16xi32>
    %select_n3A_1366 = arith.select %eq3A_1365, %gather3A_1362, %select_n3A_1352 : vector<16xi1>, vector<16xf32>
    %swap3A_1367 = arith.constant 176 : index
    %swap3A_1368 = tpu.vector_load %arg7[%swap3A_1367] {strides = array<i32>} : memref<512xf32, #tpu.memory_space<vmem>>, vector<16xf32>,
    %swap3A_1369 = vector.shape_cast %swap3A_1368 : vector<16xf32> to vector<16xf32>
    %swap3A_1370 = vector.shape_cast %select_n3A_1366 : vector<16xf32> to vector<16xf32>
    tpu.vector_store %arg7[%swap3A_1367], %swap3A_1370 {strides = array<i32>} : memref<512xf32, #tpu.memory_space<vmem>>, vector<16xf32>,
    %get3A_1371 = arith.constant 192 : index
    %get3A_1372 = tpu.vector_load %arg5[%get3A_1371] {strides = array<i32>} : memref<512xi32, #tpu.memory_space<vmem>>, vector<16xi32>,
    %get3A_1373 = vector.shape_cast %get3A_1372 : vector<16xi32> to vector<16xi32>
    %and3A_1374 = arith.constant 15 : i32
    %and3A_1375 = vector.broadcast %and3A_1374 : i32 to vector<16xi32>
    %and3A_1376 = arith.andi %get3A_1373, %and3A_1375 : vector<16xi32>
    %shift_right_logical3A_1377 = arith.constant 4 : i32
    %shift_right_logical3A_1378 = vector.broadcast %shift_right_logical3A_1377 : i32 to vector<16xi32>
    %shift_right_logical3A_1379 = arith.shrui %get3A_1373, %shift_right_logical3A_1378 : vector<16xi32>
    %broadcast_in_dim3A_1380 = arith.constant 0.000000e+00 : f32
    %broadcast_in_dim3A_1381 = vector.broadcast %broadcast_in_dim3A_1380 : f32 to vector<16xf32>
    %lt3A_1382 = arith.constant 0 : i32
    %lt3A_1383 = vector.broadcast %lt3A_1382 : i32 to vector<16xi32>
    %lt3A_1384 = arith.cmpi slt, %and3A_1376, %lt3A_1383 : vector<16xi32>
    %add3A_1385 = arith.constant 16 : i32
    %add3A_1386 = vector.broadcast %add3A_1385 : i32 to vector<16xi32>
    %add3A_1387 = arith.addi %and3A_1376, %add3A_1386 : vector<16xi32>
    %select_n3A_1388 = arith.select %lt3A_1384, %add3A_1387, %and3A_1376 : vector<16xi1>, vector<16xi32>
    %broadcast_in_dim3A_1389 = vector.shape_cast %select_n3A_1388 : vector<16xi32> to vector<16x1xi32>
    %gather3A_1390 = vector.shape_cast %broadcast_in_dim3A_1389 : vector<16x1xi32> to vector<16xi32>
    %gather3A_1391 = tpu.dynamic_gather %get3A_4[%gather3A_1390] in [0] : vector<16xf32>, vector<16xi32> -> vector<16xf32>
    %eq3A_1392 = arith.constant 0 : i32
    %eq3A_1393 = vector.broadcast %eq3A_1392 : i32 to vector<16xi32>
    %eq3A_1394 = arith.cmpi eq, %shift_right_logical3A_1379, %eq3A_1393 : vector<16xi32>
    %select_n3A_1395 = arith.select %eq3A_1394, %gather3A_1391, %broadcast_in_dim3A_1381 : vector<16xi1>, vector<16xf32>
    %lt3A_1396 = arith.constant 0 : i32
    %lt3A_1397 = vector.broadcast %lt3A_1396 : i32 to vector<16xi32>
    %lt3A_1398 = arith.cmpi slt, %and3A_1376, %lt3A_1397 : vector<16xi32>
    %add3A_1399 = arith.constant 16 : i32
    %add3A_1400 = vector.broadcast %add3A_1399 : i32 to vector<16xi32>
    %add3A_1401 = arith.addi %and3A_1376, %add3A_1400 : vector<16xi32>
    %select_n3A_1402 = arith.select %lt3A_1398, %add3A_1401, %and3A_1376 : vector<16xi1>, vector<16xi32>
    %broadcast_in_dim3A_1403 = vector.shape_cast %select_n3A_1402 : vector<16xi32> to vector<16x1xi32>
    %gather3A_1404 = vector.shape_cast %broadcast_in_dim3A_1403 : vector<16x1xi32> to vector<16xi32>
    %gather3A_1405 = tpu.dynamic_gather %get3A_7[%gather3A_1404] in [0] : vector<16xf32>, vector<16xi32> -> vector<16xf32>
    %eq3A_1406 = arith.constant 1 : i32
    %eq3A_1407 = vector.broadcast %eq3A_1406 : i32 to vector<16xi32>
    %eq3A_1408 = arith.cmpi eq, %shift_right_logical3A_1379, %eq3A_1407 : vector<16xi32>
    %select_n3A_1409 = arith.select %eq3A_1408, %gather3A_1405, %select_n3A_1395 : vector<16xi1>, vector<16xf32>
    %lt3A_1410 = arith.constant 0 : i32
    %lt3A_1411 = vector.broadcast %lt3A_1410 : i32 to vector<16xi32>
    %lt3A_1412 = arith.cmpi slt, %and3A_1376, %lt3A_1411 : vector<16xi32>
    %add3A_1413 = arith.constant 16 : i32
    %add3A_1414 = vector.broadcast %add3A_1413 : i32 to vector<16xi32>
    %add3A_1415 = arith.addi %and3A_1376, %add3A_1414 : vector<16xi32>
    %select_n3A_1416 = arith.select %lt3A_1412, %add3A_1415, %and3A_1376 : vector<16xi1>, vector<16xi32>
    %broadcast_in_dim3A_1417 = vector.shape_cast %select_n3A_1416 : vector<16xi32> to vector<16x1xi32>
    %gather3A_1418 = vector.shape_cast %broadcast_in_dim3A_1417 : vector<16x1xi32> to vector<16xi32>
    %gather3A_1419 = tpu.dynamic_gather %get3A_10[%gather3A_1418] in [0] : vector<16xf32>, vector<16xi32> -> vector<16xf32>
    %eq3A_1420 = arith.constant 2 : i32
    %eq3A_1421 = vector.broadcast %eq3A_1420 : i32 to vector<16xi32>
    %eq3A_1422 = arith.cmpi eq, %shift_right_logical3A_1379, %eq3A_1421 : vector<16xi32>
    %select_n3A_1423 = arith.select %eq3A_1422, %gather3A_1419, %select_n3A_1409 : vector<16xi1>, vector<16xf32>
    %lt3A_1424 = arith.constant 0 : i32
    %lt3A_1425 = vector.broadcast %lt3A_1424 : i32 to vector<16xi32>
    %lt3A_1426 = arith.cmpi slt, %and3A_1376, %lt3A_1425 : vector<16xi32>
    %add3A_1427 = arith.constant 16 : i32
    %add3A_1428 = vector.broadcast %add3A_1427 : i32 to vector<16xi32>
    %add3A_1429 = arith.addi %and3A_1376, %add3A_1428 : vector<16xi32>
    %select_n3A_1430 = arith.select %lt3A_1426, %add3A_1429, %and3A_1376 : vector<16xi1>, vector<16xi32>
    %broadcast_in_dim3A_1431 = vector.shape_cast %select_n3A_1430 : vector<16xi32> to vector<16x1xi32>
    %gather3A_1432 = vector.shape_cast %broadcast_in_dim3A_1431 : vector<16x1xi32> to vector<16xi32>
    %gather3A_1433 = tpu.dynamic_gather %get3A_13[%gather3A_1432] in [0] : vector<16xf32>, vector<16xi32> -> vector<16xf32>
    %eq3A_1434 = arith.constant 3 : i32
    %eq3A_1435 = vector.broadcast %eq3A_1434 : i32 to vector<16xi32>
    %eq3A_1436 = arith.cmpi eq, %shift_right_logical3A_1379, %eq3A_1435 : vector<16xi32>
    %select_n3A_1437 = arith.select %eq3A_1436, %gather3A_1433, %select_n3A_1423 : vector<16xi1>, vector<16xf32>
    %lt3A_1438 = arith.constant 0 : i32
    %lt3A_1439 = vector.broadcast %lt3A_1438 : i32 to vector<16xi32>
    %lt3A_1440 = arith.cmpi slt, %and3A_1376, %lt3A_1439 : vector<16xi32>
    %add3A_1441 = arith.constant 16 : i32
    %add3A_1442 = vector.broadcast %add3A_1441 : i32 to vector<16xi32>
    %add3A_1443 = arith.addi %and3A_1376, %add3A_1442 : vector<16xi32>
    %select_n3A_1444 = arith.select %lt3A_1440, %add3A_1443, %and3A_1376 : vector<16xi1>, vector<16xi32>
    %broadcast_in_dim3A_1445 = vector.shape_cast %select_n3A_1444 : vector<16xi32> to vector<16x1xi32>
    %gather3A_1446 = vector.shape_cast %broadcast_in_dim3A_1445 : vector<16x1xi32> to vector<16xi32>
    %gather3A_1447 = tpu.dynamic_gather %get3A_16[%gather3A_1446] in [0] : vector<16xf32>, vector<16xi32> -> vector<16xf32>
    %eq3A_1448 = arith.constant 4 : i32
    %eq3A_1449 = vector.broadcast %eq3A_1448 : i32 to vector<16xi32>
    %eq3A_1450 = arith.cmpi eq, %shift_right_logical3A_1379, %eq3A_1449 : vector<16xi32>
    %select_n3A_1451 = arith.select %eq3A_1450, %gather3A_1447, %select_n3A_1437 : vector<16xi1>, vector<16xf32>
    %lt3A_1452 = arith.constant 0 : i32
    %lt3A_1453 = vector.broadcast %lt3A_1452 : i32 to vector<16xi32>
    %lt3A_1454 = arith.cmpi slt, %and3A_1376, %lt3A_1453 : vector<16xi32>
    %add3A_1455 = arith.constant 16 : i32
    %add3A_1456 = vector.broadcast %add3A_1455 : i32 to vector<16xi32>
    %add3A_1457 = arith.addi %and3A_1376, %add3A_1456 : vector<16xi32>
    %select_n3A_1458 = arith.select %lt3A_1454, %add3A_1457, %and3A_1376 : vector<16xi1>, vector<16xi32>
    %broadcast_in_dim3A_1459 = vector.shape_cast %select_n3A_1458 : vector<16xi32> to vector<16x1xi32>
    %gather3A_1460 = vector.shape_cast %broadcast_in_dim3A_1459 : vector<16x1xi32> to vector<16xi32>
    %gather3A_1461 = tpu.dynamic_gather %get3A_19[%gather3A_1460] in [0] : vector<16xf32>, vector<16xi32> -> vector<16xf32>
    %eq3A_1462 = arith.constant 5 : i32
    %eq3A_1463 = vector.broadcast %eq3A_1462 : i32 to vector<16xi32>
    %eq3A_1464 = arith.cmpi eq, %shift_right_logical3A_1379, %eq3A_1463 : vector<16xi32>
    %select_n3A_1465 = arith.select %eq3A_1464, %gather3A_1461, %select_n3A_1451 : vector<16xi1>, vector<16xf32>
    %lt3A_1466 = arith.constant 0 : i32
    %lt3A_1467 = vector.broadcast %lt3A_1466 : i32 to vector<16xi32>
    %lt3A_1468 = arith.cmpi slt, %and3A_1376, %lt3A_1467 : vector<16xi32>
    %add3A_1469 = arith.constant 16 : i32
    %add3A_1470 = vector.broadcast %add3A_1469 : i32 to vector<16xi32>
    %add3A_1471 = arith.addi %and3A_1376, %add3A_1470 : vector<16xi32>
    %select_n3A_1472 = arith.select %lt3A_1468, %add3A_1471, %and3A_1376 : vector<16xi1>, vector<16xi32>
    %broadcast_in_dim3A_1473 = vector.shape_cast %select_n3A_1472 : vector<16xi32> to vector<16x1xi32>
    %gather3A_1474 = vector.shape_cast %broadcast_in_dim3A_1473 : vector<16x1xi32> to vector<16xi32>
    %gather3A_1475 = tpu.dynamic_gather %get3A_22[%gather3A_1474] in [0] : vector<16xf32>, vector<16xi32> -> vector<16xf32>
    %eq3A_1476 = arith.constant 6 : i32
    %eq3A_1477 = vector.broadcast %eq3A_1476 : i32 to vector<16xi32>
    %eq3A_1478 = arith.cmpi eq, %shift_right_logical3A_1379, %eq3A_1477 : vector<16xi32>
    %select_n3A_1479 = arith.select %eq3A_1478, %gather3A_1475, %select_n3A_1465 : vector<16xi1>, vector<16xf32>
    %swap3A_1480 = arith.constant 192 : index
    %swap3A_1481 = tpu.vector_load %arg7[%swap3A_1480] {strides = array<i32>} : memref<512xf32, #tpu.memory_space<vmem>>, vector<16xf32>,
    %swap3A_1482 = vector.shape_cast %swap3A_1481 : vector<16xf32> to vector<16xf32>
    %swap3A_1483 = vector.shape_cast %select_n3A_1479 : vector<16xf32> to vector<16xf32>
    tpu.vector_store %arg7[%swap3A_1480], %swap3A_1483 {strides = array<i32>} : memref<512xf32, #tpu.memory_space<vmem>>, vector<16xf32>,
    %get3A_1484 = arith.constant 208 : index
    %get3A_1485 = tpu.vector_load %arg5[%get3A_1484] {strides = array<i32>} : memref<512xi32, #tpu.memory_space<vmem>>, vector<16xi32>,
    %get3A_1486 = vector.shape_cast %get3A_1485 : vector<16xi32> to vector<16xi32>
    %and3A_1487 = arith.constant 15 : i32
    %and3A_1488 = vector.broadcast %and3A_1487 : i32 to vector<16xi32>
    %and3A_1489 = arith.andi %get3A_1486, %and3A_1488 : vector<16xi32>
    %shift_right_logical3A_1490 = arith.constant 4 : i32
    %shift_right_logical3A_1491 = vector.broadcast %shift_right_logical3A_1490 : i32 to vector<16xi32>
    %shift_right_logical3A_1492 = arith.shrui %get3A_1486, %shift_right_logical3A_1491 : vector<16xi32>
    %broadcast_in_dim3A_1493 = arith.constant 0.000000e+00 : f32
    %broadcast_in_dim3A_1494 = vector.broadcast %broadcast_in_dim3A_1493 : f32 to vector<16xf32>
    %lt3A_1495 = arith.constant 0 : i32
    %lt3A_1496 = vector.broadcast %lt3A_1495 : i32 to vector<16xi32>
    %lt3A_1497 = arith.cmpi slt, %and3A_1489, %lt3A_1496 : vector<16xi32>
    %add3A_1498 = arith.constant 16 : i32
    %add3A_1499 = vector.broadcast %add3A_1498 : i32 to vector<16xi32>
    %add3A_1500 = arith.addi %and3A_1489, %add3A_1499 : vector<16xi32>
    %select_n3A_1501 = arith.select %lt3A_1497, %add3A_1500, %and3A_1489 : vector<16xi1>, vector<16xi32>
    %broadcast_in_dim3A_1502 = vector.shape_cast %select_n3A_1501 : vector<16xi32> to vector<16x1xi32>
    %gather3A_1503 = vector.shape_cast %broadcast_in_dim3A_1502 : vector<16x1xi32> to vector<16xi32>
    %gather3A_1504 = tpu.dynamic_gather %get3A_4[%gather3A_1503] in [0] : vector<16xf32>, vector<16xi32> -> vector<16xf32>
    %eq3A_1505 = arith.constant 0 : i32
    %eq3A_1506 = vector.broadcast %eq3A_1505 : i32 to vector<16xi32>
    %eq3A_1507 = arith.cmpi eq, %shift_right_logical3A_1492, %eq3A_1506 : vector<16xi32>
    %select_n3A_1508 = arith.select %eq3A_1507, %gather3A_1504, %broadcast_in_dim3A_1494 : vector<16xi1>, vector<16xf32>
    %lt3A_1509 = arith.constant 0 : i32
    %lt3A_1510 = vector.broadcast %lt3A_1509 : i32 to vector<16xi32>
    %lt3A_1511 = arith.cmpi slt, %and3A_1489, %lt3A_1510 : vector<16xi32>
    %add3A_1512 = arith.constant 16 : i32
    %add3A_1513 = vector.broadcast %add3A_1512 : i32 to vector<16xi32>
    %add3A_1514 = arith.addi %and3A_1489, %add3A_1513 : vector<16xi32>
    %select_n3A_1515 = arith.select %lt3A_1511, %add3A_1514, %and3A_1489 : vector<16xi1>, vector<16xi32>
    %broadcast_in_dim3A_1516 = vector.shape_cast %select_n3A_1515 : vector<16xi32> to vector<16x1xi32>
    %gather3A_1517 = vector.shape_cast %broadcast_in_dim3A_1516 : vector<16x1xi32> to vector<16xi32>
    %gather3A_1518 = tpu.dynamic_gather %get3A_7[%gather3A_1517] in [0] : vector<16xf32>, vector<16xi32> -> vector<16xf32>
    %eq3A_1519 = arith.constant 1 : i32
    %eq3A_1520 = vector.broadcast %eq3A_1519 : i32 to vector<16xi32>
    %eq3A_1521 = arith.cmpi eq, %shift_right_logical3A_1492, %eq3A_1520 : vector<16xi32>
    %select_n3A_1522 = arith.select %eq3A_1521, %gather3A_1518, %select_n3A_1508 : vector<16xi1>, vector<16xf32>
    %lt3A_1523 = arith.constant 0 : i32
    %lt3A_1524 = vector.broadcast %lt3A_1523 : i32 to vector<16xi32>
    %lt3A_1525 = arith.cmpi slt, %and3A_1489, %lt3A_1524 : vector<16xi32>
    %add3A_1526 = arith.constant 16 : i32
    %add3A_1527 = vector.broadcast %add3A_1526 : i32 to vector<16xi32>
    %add3A_1528 = arith.addi %and3A_1489, %add3A_1527 : vector<16xi32>
    %select_n3A_1529 = arith.select %lt3A_1525, %add3A_1528, %and3A_1489 : vector<16xi1>, vector<16xi32>
    %broadcast_in_dim3A_1530 = vector.shape_cast %select_n3A_1529 : vector<16xi32> to vector<16x1xi32>
    %gather3A_1531 = vector.shape_cast %broadcast_in_dim3A_1530 : vector<16x1xi32> to vector<16xi32>
    %gather3A_1532 = tpu.dynamic_gather %get3A_10[%gather3A_1531] in [0] : vector<16xf32>, vector<16xi32> -> vector<16xf32>
    %eq3A_1533 = arith.constant 2 : i32
    %eq3A_1534 = vector.broadcast %eq3A_1533 : i32 to vector<16xi32>
    %eq3A_1535 = arith.cmpi eq, %shift_right_logical3A_1492, %eq3A_1534 : vector<16xi32>
    %select_n3A_1536 = arith.select %eq3A_1535, %gather3A_1532, %select_n3A_1522 : vector<16xi1>, vector<16xf32>
    %lt3A_1537 = arith.constant 0 : i32
    %lt3A_1538 = vector.broadcast %lt3A_1537 : i32 to vector<16xi32>
    %lt3A_1539 = arith.cmpi slt, %and3A_1489, %lt3A_1538 : vector<16xi32>
    %add3A_1540 = arith.constant 16 : i32
    %add3A_1541 = vector.broadcast %add3A_1540 : i32 to vector<16xi32>
    %add3A_1542 = arith.addi %and3A_1489, %add3A_1541 : vector<16xi32>
    %select_n3A_1543 = arith.select %lt3A_1539, %add3A_1542, %and3A_1489 : vector<16xi1>, vector<16xi32>
    %broadcast_in_dim3A_1544 = vector.shape_cast %select_n3A_1543 : vector<16xi32> to vector<16x1xi32>
    %gather3A_1545 = vector.shape_cast %broadcast_in_dim3A_1544 : vector<16x1xi32> to vector<16xi32>
    %gather3A_1546 = tpu.dynamic_gather %get3A_13[%gather3A_1545] in [0] : vector<16xf32>, vector<16xi32> -> vector<16xf32>
    %eq3A_1547 = arith.constant 3 : i32
    %eq3A_1548 = vector.broadcast %eq3A_1547 : i32 to vector<16xi32>
    %eq3A_1549 = arith.cmpi eq, %shift_right_logical3A_1492, %eq3A_1548 : vector<16xi32>
    %select_n3A_1550 = arith.select %eq3A_1549, %gather3A_1546, %select_n3A_1536 : vector<16xi1>, vector<16xf32>
    %lt3A_1551 = arith.constant 0 : i32
    %lt3A_1552 = vector.broadcast %lt3A_1551 : i32 to vector<16xi32>
    %lt3A_1553 = arith.cmpi slt, %and3A_1489, %lt3A_1552 : vector<16xi32>
    %add3A_1554 = arith.constant 16 : i32
    %add3A_1555 = vector.broadcast %add3A_1554 : i32 to vector<16xi32>
    %add3A_1556 = arith.addi %and3A_1489, %add3A_1555 : vector<16xi32>
    %select_n3A_1557 = arith.select %lt3A_1553, %add3A_1556, %and3A_1489 : vector<16xi1>, vector<16xi32>
    %broadcast_in_dim3A_1558 = vector.shape_cast %select_n3A_1557 : vector<16xi32> to vector<16x1xi32>
    %gather3A_1559 = vector.shape_cast %broadcast_in_dim3A_1558 : vector<16x1xi32> to vector<16xi32>
    %gather3A_1560 = tpu.dynamic_gather %get3A_16[%gather3A_1559] in [0] : vector<16xf32>, vector<16xi32> -> vector<16xf32>
    %eq3A_1561 = arith.constant 4 : i32
    %eq3A_1562 = vector.broadcast %eq3A_1561 : i32 to vector<16xi32>
    %eq3A_1563 = arith.cmpi eq, %shift_right_logical3A_1492, %eq3A_1562 : vector<16xi32>
    %select_n3A_1564 = arith.select %eq3A_1563, %gather3A_1560, %select_n3A_1550 : vector<16xi1>, vector<16xf32>
    %lt3A_1565 = arith.constant 0 : i32
    %lt3A_1566 = vector.broadcast %lt3A_1565 : i32 to vector<16xi32>
    %lt3A_1567 = arith.cmpi slt, %and3A_1489, %lt3A_1566 : vector<16xi32>
    %add3A_1568 = arith.constant 16 : i32
    %add3A_1569 = vector.broadcast %add3A_1568 : i32 to vector<16xi32>
    %add3A_1570 = arith.addi %and3A_1489, %add3A_1569 : vector<16xi32>
    %select_n3A_1571 = arith.select %lt3A_1567, %add3A_1570, %and3A_1489 : vector<16xi1>, vector<16xi32>
    %broadcast_in_dim3A_1572 = vector.shape_cast %select_n3A_1571 : vector<16xi32> to vector<16x1xi32>
    %gather3A_1573 = vector.shape_cast %broadcast_in_dim3A_1572 : vector<16x1xi32> to vector<16xi32>
    %gather3A_1574 = tpu.dynamic_gather %get3A_19[%gather3A_1573] in [0] : vector<16xf32>, vector<16xi32> -> vector<16xf32>
    %eq3A_1575 = arith.constant 5 : i32
    %eq3A_1576 = vector.broadcast %eq3A_1575 : i32 to vector<16xi32>
    %eq3A_1577 = arith.cmpi eq, %shift_right_logical3A_1492, %eq3A_1576 : vector<16xi32>
    %select_n3A_1578 = arith.select %eq3A_1577, %gather3A_1574, %select_n3A_1564 : vector<16xi1>, vector<16xf32>
    %lt3A_1579 = arith.constant 0 : i32
    %lt3A_1580 = vector.broadcast %lt3A_1579 : i32 to vector<16xi32>
    %lt3A_1581 = arith.cmpi slt, %and3A_1489, %lt3A_1580 : vector<16xi32>
    %add3A_1582 = arith.constant 16 : i32
    %add3A_1583 = vector.broadcast %add3A_1582 : i32 to vector<16xi32>
    %add3A_1584 = arith.addi %and3A_1489, %add3A_1583 : vector<16xi32>
    %select_n3A_1585 = arith.select %lt3A_1581, %add3A_1584, %and3A_1489 : vector<16xi1>, vector<16xi32>
    %broadcast_in_dim3A_1586 = vector.shape_cast %select_n3A_1585 : vector<16xi32> to vector<16x1xi32>
    %gather3A_1587 = vector.shape_cast %broadcast_in_dim3A_1586 : vector<16x1xi32> to vector<16xi32>
    %gather3A_1588 = tpu.dynamic_gather %get3A_22[%gather3A_1587] in [0] : vector<16xf32>, vector<16xi32> -> vector<16xf32>
    %eq3A_1589 = arith.constant 6 : i32
    %eq3A_1590 = vector.broadcast %eq3A_1589 : i32 to vector<16xi32>
    %eq3A_1591 = arith.cmpi eq, %shift_right_logical3A_1492, %eq3A_1590 : vector<16xi32>
    %select_n3A_1592 = arith.select %eq3A_1591, %gather3A_1588, %select_n3A_1578 : vector<16xi1>, vector<16xf32>
    %swap3A_1593 = arith.constant 208 : index
    %swap3A_1594 = tpu.vector_load %arg7[%swap3A_1593] {strides = array<i32>} : memref<512xf32, #tpu.memory_space<vmem>>, vector<16xf32>,
    %swap3A_1595 = vector.shape_cast %swap3A_1594 : vector<16xf32> to vector<16xf32>
    %swap3A_1596 = vector.shape_cast %select_n3A_1592 : vector<16xf32> to vector<16xf32>
    tpu.vector_store %arg7[%swap3A_1593], %swap3A_1596 {strides = array<i32>} : memref<512xf32, #tpu.memory_space<vmem>>, vector<16xf32>,
    %get3A_1597 = arith.constant 224 : index
    %get3A_1598 = tpu.vector_load %arg5[%get3A_1597] {strides = array<i32>} : memref<512xi32, #tpu.memory_space<vmem>>, vector<16xi32>,
    %get3A_1599 = vector.shape_cast %get3A_1598 : vector<16xi32> to vector<16xi32>
    %and3A_1600 = arith.constant 15 : i32
    %and3A_1601 = vector.broadcast %and3A_1600 : i32 to vector<16xi32>
    %and3A_1602 = arith.andi %get3A_1599, %and3A_1601 : vector<16xi32>
    %shift_right_logical3A_1603 = arith.constant 4 : i32
    %shift_right_logical3A_1604 = vector.broadcast %shift_right_logical3A_1603 : i32 to vector<16xi32>
    %shift_right_logical3A_1605 = arith.shrui %get3A_1599, %shift_right_logical3A_1604 : vector<16xi32>
    %broadcast_in_dim3A_1606 = arith.constant 0.000000e+00 : f32
    %broadcast_in_dim3A_1607 = vector.broadcast %broadcast_in_dim3A_1606 : f32 to vector<16xf32>
    %lt3A_1608 = arith.constant 0 : i32
    %lt3A_1609 = vector.broadcast %lt3A_1608 : i32 to vector<16xi32>
    %lt3A_1610 = arith.cmpi slt, %and3A_1602, %lt3A_1609 : vector<16xi32>
    %add3A_1611 = arith.constant 16 : i32
    %add3A_1612 = vector.broadcast %add3A_1611 : i32 to vector<16xi32>
    %add3A_1613 = arith.addi %and3A_1602, %add3A_1612 : vector<16xi32>
    %select_n3A_1614 = arith.select %lt3A_1610, %add3A_1613, %and3A_1602 : vector<16xi1>, vector<16xi32>
    %broadcast_in_dim3A_1615 = vector.shape_cast %select_n3A_1614 : vector<16xi32> to vector<16x1xi32>
    %gather3A_1616 = vector.shape_cast %broadcast_in_dim3A_1615 : vector<16x1xi32> to vector<16xi32>
    %gather3A_1617 = tpu.dynamic_gather %get3A_4[%gather3A_1616] in [0] : vector<16xf32>, vector<16xi32> -> vector<16xf32>
    %eq3A_1618 = arith.constant 0 : i32
    %eq3A_1619 = vector.broadcast %eq3A_1618 : i32 to vector<16xi32>
    %eq3A_1620 = arith.cmpi eq, %shift_right_logical3A_1605, %eq3A_1619 : vector<16xi32>
    %select_n3A_1621 = arith.select %eq3A_1620, %gather3A_1617, %broadcast_in_dim3A_1607 : vector<16xi1>, vector<16xf32>
    %lt3A_1622 = arith.constant 0 : i32
    %lt3A_1623 = vector.broadcast %lt3A_1622 : i32 to vector<16xi32>
    %lt3A_1624 = arith.cmpi slt, %and3A_1602, %lt3A_1623 : vector<16xi32>
    %add3A_1625 = arith.constant 16 : i32
    %add3A_1626 = vector.broadcast %add3A_1625 : i32 to vector<16xi32>
    %add3A_1627 = arith.addi %and3A_1602, %add3A_1626 : vector<16xi32>
    %select_n3A_1628 = arith.select %lt3A_1624, %add3A_1627, %and3A_1602 : vector<16xi1>, vector<16xi32>
    %broadcast_in_dim3A_1629 = vector.shape_cast %select_n3A_1628 : vector<16xi32> to vector<16x1xi32>
    %gather3A_1630 = vector.shape_cast %broadcast_in_dim3A_1629 : vector<16x1xi32> to vector<16xi32>
    %gather3A_1631 = tpu.dynamic_gather %get3A_7[%gather3A_1630] in [0] : vector<16xf32>, vector<16xi32> -> vector<16xf32>
    %eq3A_1632 = arith.constant 1 : i32
    %eq3A_1633 = vector.broadcast %eq3A_1632 : i32 to vector<16xi32>
    %eq3A_1634 = arith.cmpi eq, %shift_right_logical3A_1605, %eq3A_1633 : vector<16xi32>
    %select_n3A_1635 = arith.select %eq3A_1634, %gather3A_1631, %select_n3A_1621 : vector<16xi1>, vector<16xf32>
    %lt3A_1636 = arith.constant 0 : i32
    %lt3A_1637 = vector.broadcast %lt3A_1636 : i32 to vector<16xi32>
    %lt3A_1638 = arith.cmpi slt, %and3A_1602, %lt3A_1637 : vector<16xi32>
    %add3A_1639 = arith.constant 16 : i32
    %add3A_1640 = vector.broadcast %add3A_1639 : i32 to vector<16xi32>
    %add3A_1641 = arith.addi %and3A_1602, %add3A_1640 : vector<16xi32>
    %select_n3A_1642 = arith.select %lt3A_1638, %add3A_1641, %and3A_1602 : vector<16xi1>, vector<16xi32>
    %broadcast_in_dim3A_1643 = vector.shape_cast %select_n3A_1642 : vector<16xi32> to vector<16x1xi32>
    %gather3A_1644 = vector.shape_cast %broadcast_in_dim3A_1643 : vector<16x1xi32> to vector<16xi32>
    %gather3A_1645 = tpu.dynamic_gather %get3A_10[%gather3A_1644] in [0] : vector<16xf32>, vector<16xi32> -> vector<16xf32>
    %eq3A_1646 = arith.constant 2 : i32
    %eq3A_1647 = vector.broadcast %eq3A_1646 : i32 to vector<16xi32>
    %eq3A_1648 = arith.cmpi eq, %shift_right_logical3A_1605, %eq3A_1647 : vector<16xi32>
    %select_n3A_1649 = arith.select %eq3A_1648, %gather3A_1645, %select_n3A_1635 : vector<16xi1>, vector<16xf32>
    %lt3A_1650 = arith.constant 0 : i32
    %lt3A_1651 = vector.broadcast %lt3A_1650 : i32 to vector<16xi32>
    %lt3A_1652 = arith.cmpi slt, %and3A_1602, %lt3A_1651 : vector<16xi32>
    %add3A_1653 = arith.constant 16 : i32
    %add3A_1654 = vector.broadcast %add3A_1653 : i32 to vector<16xi32>
    %add3A_1655 = arith.addi %and3A_1602, %add3A_1654 : vector<16xi32>
    %select_n3A_1656 = arith.select %lt3A_1652, %add3A_1655, %and3A_1602 : vector<16xi1>, vector<16xi32>
    %broadcast_in_dim3A_1657 = vector.shape_cast %select_n3A_1656 : vector<16xi32> to vector<16x1xi32>
    %gather3A_1658 = vector.shape_cast %broadcast_in_dim3A_1657 : vector<16x1xi32> to vector<16xi32>
    %gather3A_1659 = tpu.dynamic_gather %get3A_13[%gather3A_1658] in [0] : vector<16xf32>, vector<16xi32> -> vector<16xf32>
    %eq3A_1660 = arith.constant 3 : i32
    %eq3A_1661 = vector.broadcast %eq3A_1660 : i32 to vector<16xi32>
    %eq3A_1662 = arith.cmpi eq, %shift_right_logical3A_1605, %eq3A_1661 : vector<16xi32>
    %select_n3A_1663 = arith.select %eq3A_1662, %gather3A_1659, %select_n3A_1649 : vector<16xi1>, vector<16xf32>
    %lt3A_1664 = arith.constant 0 : i32
    %lt3A_1665 = vector.broadcast %lt3A_1664 : i32 to vector<16xi32>
    %lt3A_1666 = arith.cmpi slt, %and3A_1602, %lt3A_1665 : vector<16xi32>
    %add3A_1667 = arith.constant 16 : i32
    %add3A_1668 = vector.broadcast %add3A_1667 : i32 to vector<16xi32>
    %add3A_1669 = arith.addi %and3A_1602, %add3A_1668 : vector<16xi32>
    %select_n3A_1670 = arith.select %lt3A_1666, %add3A_1669, %and3A_1602 : vector<16xi1>, vector<16xi32>
    %broadcast_in_dim3A_1671 = vector.shape_cast %select_n3A_1670 : vector<16xi32> to vector<16x1xi32>
    %gather3A_1672 = vector.shape_cast %broadcast_in_dim3A_1671 : vector<16x1xi32> to vector<16xi32>
    %gather3A_1673 = tpu.dynamic_gather %get3A_16[%gather3A_1672] in [0] : vector<16xf32>, vector<16xi32> -> vector<16xf32>
    %eq3A_1674 = arith.constant 4 : i32
    %eq3A_1675 = vector.broadcast %eq3A_1674 : i32 to vector<16xi32>
    %eq3A_1676 = arith.cmpi eq, %shift_right_logical3A_1605, %eq3A_1675 : vector<16xi32>
    %select_n3A_1677 = arith.select %eq3A_1676, %gather3A_1673, %select_n3A_1663 : vector<16xi1>, vector<16xf32>
    %lt3A_1678 = arith.constant 0 : i32
    %lt3A_1679 = vector.broadcast %lt3A_1678 : i32 to vector<16xi32>
    %lt3A_1680 = arith.cmpi slt, %and3A_1602, %lt3A_1679 : vector<16xi32>
    %add3A_1681 = arith.constant 16 : i32
    %add3A_1682 = vector.broadcast %add3A_1681 : i32 to vector<16xi32>
    %add3A_1683 = arith.addi %and3A_1602, %add3A_1682 : vector<16xi32>
    %select_n3A_1684 = arith.select %lt3A_1680, %add3A_1683, %and3A_1602 : vector<16xi1>, vector<16xi32>
    %broadcast_in_dim3A_1685 = vector.shape_cast %select_n3A_1684 : vector<16xi32> to vector<16x1xi32>
    %gather3A_1686 = vector.shape_cast %broadcast_in_dim3A_1685 : vector<16x1xi32> to vector<16xi32>
    %gather3A_1687 = tpu.dynamic_gather %get3A_19[%gather3A_1686] in [0] : vector<16xf32>, vector<16xi32> -> vector<16xf32>
    %eq3A_1688 = arith.constant 5 : i32
    %eq3A_1689 = vector.broadcast %eq3A_1688 : i32 to vector<16xi32>
    %eq3A_1690 = arith.cmpi eq, %shift_right_logical3A_1605, %eq3A_1689 : vector<16xi32>
    %select_n3A_1691 = arith.select %eq3A_1690, %gather3A_1687, %select_n3A_1677 : vector<16xi1>, vector<16xf32>
    %lt3A_1692 = arith.constant 0 : i32
    %lt3A_1693 = vector.broadcast %lt3A_1692 : i32 to vector<16xi32>
    %lt3A_1694 = arith.cmpi slt, %and3A_1602, %lt3A_1693 : vector<16xi32>
    %add3A_1695 = arith.constant 16 : i32
    %add3A_1696 = vector.broadcast %add3A_1695 : i32 to vector<16xi32>
    %add3A_1697 = arith.addi %and3A_1602, %add3A_1696 : vector<16xi32>
    %select_n3A_1698 = arith.select %lt3A_1694, %add3A_1697, %and3A_1602 : vector<16xi1>, vector<16xi32>
    %broadcast_in_dim3A_1699 = vector.shape_cast %select_n3A_1698 : vector<16xi32> to vector<16x1xi32>
    %gather3A_1700 = vector.shape_cast %broadcast_in_dim3A_1699 : vector<16x1xi32> to vector<16xi32>
    %gather3A_1701 = tpu.dynamic_gather %get3A_22[%gather3A_1700] in [0] : vector<16xf32>, vector<16xi32> -> vector<16xf32>
    %eq3A_1702 = arith.constant 6 : i32
    %eq3A_1703 = vector.broadcast %eq3A_1702 : i32 to vector<16xi32>
    %eq3A_1704 = arith.cmpi eq, %shift_right_logical3A_1605, %eq3A_1703 : vector<16xi32>
    %select_n3A_1705 = arith.select %eq3A_1704, %gather3A_1701, %select_n3A_1691 : vector<16xi1>, vector<16xf32>
    %swap3A_1706 = arith.constant 224 : index
    %swap3A_1707 = tpu.vector_load %arg7[%swap3A_1706] {strides = array<i32>} : memref<512xf32, #tpu.memory_space<vmem>>, vector<16xf32>,
    %swap3A_1708 = vector.shape_cast %swap3A_1707 : vector<16xf32> to vector<16xf32>
    %swap3A_1709 = vector.shape_cast %select_n3A_1705 : vector<16xf32> to vector<16xf32>
    tpu.vector_store %arg7[%swap3A_1706], %swap3A_1709 {strides = array<i32>} : memref<512xf32, #tpu.memory_space<vmem>>, vector<16xf32>,
    %get3A_1710 = arith.constant 240 : index
    %get3A_1711 = tpu.vector_load %arg5[%get3A_1710] {strides = array<i32>} : memref<512xi32, #tpu.memory_space<vmem>>, vector<16xi32>,
    %get3A_1712 = vector.shape_cast %get3A_1711 : vector<16xi32> to vector<16xi32>
    %and3A_1713 = arith.constant 15 : i32
    %and3A_1714 = vector.broadcast %and3A_1713 : i32 to vector<16xi32>
    %and3A_1715 = arith.andi %get3A_1712, %and3A_1714 : vector<16xi32>
    %shift_right_logical3A_1716 = arith.constant 4 : i32
    %shift_right_logical3A_1717 = vector.broadcast %shift_right_logical3A_1716 : i32 to vector<16xi32>
    %shift_right_logical3A_1718 = arith.shrui %get3A_1712, %shift_right_logical3A_1717 : vector<16xi32>
    %broadcast_in_dim3A_1719 = arith.constant 0.000000e+00 : f32
    %broadcast_in_dim3A_1720 = vector.broadcast %broadcast_in_dim3A_1719 : f32 to vector<16xf32>
    %lt3A_1721 = arith.constant 0 : i32
    %lt3A_1722 = vector.broadcast %lt3A_1721 : i32 to vector<16xi32>
    %lt3A_1723 = arith.cmpi slt, %and3A_1715, %lt3A_1722 : vector<16xi32>
    %add3A_1724 = arith.constant 16 : i32
    %add3A_1725 = vector.broadcast %add3A_1724 : i32 to vector<16xi32>
    %add3A_1726 = arith.addi %and3A_1715, %add3A_1725 : vector<16xi32>
    %select_n3A_1727 = arith.select %lt3A_1723, %add3A_1726, %and3A_1715 : vector<16xi1>, vector<16xi32>
    %broadcast_in_dim3A_1728 = vector.shape_cast %select_n3A_1727 : vector<16xi32> to vector<16x1xi32>
    %gather3A_1729 = vector.shape_cast %broadcast_in_dim3A_1728 : vector<16x1xi32> to vector<16xi32>
    %gather3A_1730 = tpu.dynamic_gather %get3A_4[%gather3A_1729] in [0] : vector<16xf32>, vector<16xi32> -> vector<16xf32>
    %eq3A_1731 = arith.constant 0 : i32
    %eq3A_1732 = vector.broadcast %eq3A_1731 : i32 to vector<16xi32>
    %eq3A_1733 = arith.cmpi eq, %shift_right_logical3A_1718, %eq3A_1732 : vector<16xi32>
    %select_n3A_1734 = arith.select %eq3A_1733, %gather3A_1730, %broadcast_in_dim3A_1720 : vector<16xi1>, vector<16xf32>
    %lt3A_1735 = arith.constant 0 : i32
    %lt3A_1736 = vector.broadcast %lt3A_1735 : i32 to vector<16xi32>
    %lt3A_1737 = arith.cmpi slt, %and3A_1715, %lt3A_1736 : vector<16xi32>
    %add3A_1738 = arith.constant 16 : i32
    %add3A_1739 = vector.broadcast %add3A_1738 : i32 to vector<16xi32>
    %add3A_1740 = arith.addi %and3A_1715, %add3A_1739 : vector<16xi32>
    %select_n3A_1741 = arith.select %lt3A_1737, %add3A_1740, %and3A_1715 : vector<16xi1>, vector<16xi32>
    %broadcast_in_dim3A_1742 = vector.shape_cast %select_n3A_1741 : vector<16xi32> to vector<16x1xi32>
    %gather3A_1743 = vector.shape_cast %broadcast_in_dim3A_1742 : vector<16x1xi32> to vector<16xi32>
    %gather3A_1744 = tpu.dynamic_gather %get3A_7[%gather3A_1743] in [0] : vector<16xf32>, vector<16xi32> -> vector<16xf32>
    %eq3A_1745 = arith.constant 1 : i32
    %eq3A_1746 = vector.broadcast %eq3A_1745 : i32 to vector<16xi32>
    %eq3A_1747 = arith.cmpi eq, %shift_right_logical3A_1718, %eq3A_1746 : vector<16xi32>
    %select_n3A_1748 = arith.select %eq3A_1747, %gather3A_1744, %select_n3A_1734 : vector<16xi1>, vector<16xf32>
    %lt3A_1749 = arith.constant 0 : i32
    %lt3A_1750 = vector.broadcast %lt3A_1749 : i32 to vector<16xi32>
    %lt3A_1751 = arith.cmpi slt, %and3A_1715, %lt3A_1750 : vector<16xi32>
    %add3A_1752 = arith.constant 16 : i32
    %add3A_1753 = vector.broadcast %add3A_1752 : i32 to vector<16xi32>
    %add3A_1754 = arith.addi %and3A_1715, %add3A_1753 : vector<16xi32>
    %select_n3A_1755 = arith.select %lt3A_1751, %add3A_1754, %and3A_1715 : vector<16xi1>, vector<16xi32>
    %broadcast_in_dim3A_1756 = vector.shape_cast %select_n3A_1755 : vector<16xi32> to vector<16x1xi32>
    %gather3A_1757 = vector.shape_cast %broadcast_in_dim3A_1756 : vector<16x1xi32> to vector<16xi32>
    %gather3A_1758 = tpu.dynamic_gather %get3A_10[%gather3A_1757] in [0] : vector<16xf32>, vector<16xi32> -> vector<16xf32>
    %eq3A_1759 = arith.constant 2 : i32
    %eq3A_1760 = vector.broadcast %eq3A_1759 : i32 to vector<16xi32>
    %eq3A_1761 = arith.cmpi eq, %shift_right_logical3A_1718, %eq3A_1760 : vector<16xi32>
    %select_n3A_1762 = arith.select %eq3A_1761, %gather3A_1758, %select_n3A_1748 : vector<16xi1>, vector<16xf32>
    %lt3A_1763 = arith.constant 0 : i32
    %lt3A_1764 = vector.broadcast %lt3A_1763 : i32 to vector<16xi32>
    %lt3A_1765 = arith.cmpi slt, %and3A_1715, %lt3A_1764 : vector<16xi32>
    %add3A_1766 = arith.constant 16 : i32
    %add3A_1767 = vector.broadcast %add3A_1766 : i32 to vector<16xi32>
    %add3A_1768 = arith.addi %and3A_1715, %add3A_1767 : vector<16xi32>
    %select_n3A_1769 = arith.select %lt3A_1765, %add3A_1768, %and3A_1715 : vector<16xi1>, vector<16xi32>
    %broadcast_in_dim3A_1770 = vector.shape_cast %select_n3A_1769 : vector<16xi32> to vector<16x1xi32>
    %gather3A_1771 = vector.shape_cast %broadcast_in_dim3A_1770 : vector<16x1xi32> to vector<16xi32>
    %gather3A_1772 = tpu.dynamic_gather %get3A_13[%gather3A_1771] in [0] : vector<16xf32>, vector<16xi32> -> vector<16xf32>
    %eq3A_1773 = arith.constant 3 : i32
    %eq3A_1774 = vector.broadcast %eq3A_1773 : i32 to vector<16xi32>
    %eq3A_1775 = arith.cmpi eq, %shift_right_logical3A_1718, %eq3A_1774 : vector<16xi32>
    %select_n3A_1776 = arith.select %eq3A_1775, %gather3A_1772, %select_n3A_1762 : vector<16xi1>, vector<16xf32>
    %lt3A_1777 = arith.constant 0 : i32
    %lt3A_1778 = vector.broadcast %lt3A_1777 : i32 to vector<16xi32>
    %lt3A_1779 = arith.cmpi slt, %and3A_1715, %lt3A_1778 : vector<16xi32>
    %add3A_1780 = arith.constant 16 : i32
    %add3A_1781 = vector.broadcast %add3A_1780 : i32 to vector<16xi32>
    %add3A_1782 = arith.addi %and3A_1715, %add3A_1781 : vector<16xi32>
    %select_n3A_1783 = arith.select %lt3A_1779, %add3A_1782, %and3A_1715 : vector<16xi1>, vector<16xi32>
    %broadcast_in_dim3A_1784 = vector.shape_cast %select_n3A_1783 : vector<16xi32> to vector<16x1xi32>
    %gather3A_1785 = vector.shape_cast %broadcast_in_dim3A_1784 : vector<16x1xi32> to vector<16xi32>
    %gather3A_1786 = tpu.dynamic_gather %get3A_16[%gather3A_1785] in [0] : vector<16xf32>, vector<16xi32> -> vector<16xf32>
    %eq3A_1787 = arith.constant 4 : i32
    %eq3A_1788 = vector.broadcast %eq3A_1787 : i32 to vector<16xi32>
    %eq3A_1789 = arith.cmpi eq, %shift_right_logical3A_1718, %eq3A_1788 : vector<16xi32>
    %select_n3A_1790 = arith.select %eq3A_1789, %gather3A_1786, %select_n3A_1776 : vector<16xi1>, vector<16xf32>
    %lt3A_1791 = arith.constant 0 : i32
    %lt3A_1792 = vector.broadcast %lt3A_1791 : i32 to vector<16xi32>
    %lt3A_1793 = arith.cmpi slt, %and3A_1715, %lt3A_1792 : vector<16xi32>
    %add3A_1794 = arith.constant 16 : i32
    %add3A_1795 = vector.broadcast %add3A_1794 : i32 to vector<16xi32>
    %add3A_1796 = arith.addi %and3A_1715, %add3A_1795 : vector<16xi32>
    %select_n3A_1797 = arith.select %lt3A_1793, %add3A_1796, %and3A_1715 : vector<16xi1>, vector<16xi32>
    %broadcast_in_dim3A_1798 = vector.shape_cast %select_n3A_1797 : vector<16xi32> to vector<16x1xi32>
    %gather3A_1799 = vector.shape_cast %broadcast_in_dim3A_1798 : vector<16x1xi32> to vector<16xi32>
    %gather3A_1800 = tpu.dynamic_gather %get3A_19[%gather3A_1799] in [0] : vector<16xf32>, vector<16xi32> -> vector<16xf32>
    %eq3A_1801 = arith.constant 5 : i32
    %eq3A_1802 = vector.broadcast %eq3A_1801 : i32 to vector<16xi32>
    %eq3A_1803 = arith.cmpi eq, %shift_right_logical3A_1718, %eq3A_1802 : vector<16xi32>
    %select_n3A_1804 = arith.select %eq3A_1803, %gather3A_1800, %select_n3A_1790 : vector<16xi1>, vector<16xf32>
    %lt3A_1805 = arith.constant 0 : i32
    %lt3A_1806 = vector.broadcast %lt3A_1805 : i32 to vector<16xi32>
    %lt3A_1807 = arith.cmpi slt, %and3A_1715, %lt3A_1806 : vector<16xi32>
    %add3A_1808 = arith.constant 16 : i32
    %add3A_1809 = vector.broadcast %add3A_1808 : i32 to vector<16xi32>
    %add3A_1810 = arith.addi %and3A_1715, %add3A_1809 : vector<16xi32>
    %select_n3A_1811 = arith.select %lt3A_1807, %add3A_1810, %and3A_1715 : vector<16xi1>, vector<16xi32>
    %broadcast_in_dim3A_1812 = vector.shape_cast %select_n3A_1811 : vector<16xi32> to vector<16x1xi32>
    %gather3A_1813 = vector.shape_cast %broadcast_in_dim3A_1812 : vector<16x1xi32> to vector<16xi32>
    %gather3A_1814 = tpu.dynamic_gather %get3A_22[%gather3A_1813] in [0] : vector<16xf32>, vector<16xi32> -> vector<16xf32>
    %eq3A_1815 = arith.constant 6 : i32
    %eq3A_1816 = vector.broadcast %eq3A_1815 : i32 to vector<16xi32>
    %eq3A_1817 = arith.cmpi eq, %shift_right_logical3A_1718, %eq3A_1816 : vector<16xi32>
    %select_n3A_1818 = arith.select %eq3A_1817, %gather3A_1814, %select_n3A_1804 : vector<16xi1>, vector<16xf32>
    %swap3A_1819 = arith.constant 240 : index
    %swap3A_1820 = tpu.vector_load %arg7[%swap3A_1819] {strides = array<i32>} : memref<512xf32, #tpu.memory_space<vmem>>, vector<16xf32>,
    %swap3A_1821 = vector.shape_cast %swap3A_1820 : vector<16xf32> to vector<16xf32>
    %swap3A_1822 = vector.shape_cast %select_n3A_1818 : vector<16xf32> to vector<16xf32>
    tpu.vector_store %arg7[%swap3A_1819], %swap3A_1822 {strides = array<i32>} : memref<512xf32, #tpu.memory_space<vmem>>, vector<16xf32>,
    %get3A_1823 = arith.constant 256 : index
    %get3A_1824 = tpu.vector_load %arg5[%get3A_1823] {strides = array<i32>} : memref<512xi32, #tpu.memory_space<vmem>>, vector<16xi32>,
    %get3A_1825 = vector.shape_cast %get3A_1824 : vector<16xi32> to vector<16xi32>
    %and3A_1826 = arith.constant 15 : i32
    %and3A_1827 = vector.broadcast %and3A_1826 : i32 to vector<16xi32>
    %and3A_1828 = arith.andi %get3A_1825, %and3A_1827 : vector<16xi32>
    %shift_right_logical3A_1829 = arith.constant 4 : i32
    %shift_right_logical3A_1830 = vector.broadcast %shift_right_logical3A_1829 : i32 to vector<16xi32>
    %shift_right_logical3A_1831 = arith.shrui %get3A_1825, %shift_right_logical3A_1830 : vector<16xi32>
    %broadcast_in_dim3A_1832 = arith.constant 0.000000e+00 : f32
    %broadcast_in_dim3A_1833 = vector.broadcast %broadcast_in_dim3A_1832 : f32 to vector<16xf32>
    %lt3A_1834 = arith.constant 0 : i32
    %lt3A_1835 = vector.broadcast %lt3A_1834 : i32 to vector<16xi32>
    %lt3A_1836 = arith.cmpi slt, %and3A_1828, %lt3A_1835 : vector<16xi32>
    %add3A_1837 = arith.constant 16 : i32
    %add3A_1838 = vector.broadcast %add3A_1837 : i32 to vector<16xi32>
    %add3A_1839 = arith.addi %and3A_1828, %add3A_1838 : vector<16xi32>
    %select_n3A_1840 = arith.select %lt3A_1836, %add3A_1839, %and3A_1828 : vector<16xi1>, vector<16xi32>
    %broadcast_in_dim3A_1841 = vector.shape_cast %select_n3A_1840 : vector<16xi32> to vector<16x1xi32>
    %gather3A_1842 = vector.shape_cast %broadcast_in_dim3A_1841 : vector<16x1xi32> to vector<16xi32>
    %gather3A_1843 = tpu.dynamic_gather %get3A_4[%gather3A_1842] in [0] : vector<16xf32>, vector<16xi32> -> vector<16xf32>
    %eq3A_1844 = arith.constant 0 : i32
    %eq3A_1845 = vector.broadcast %eq3A_1844 : i32 to vector<16xi32>
    %eq3A_1846 = arith.cmpi eq, %shift_right_logical3A_1831, %eq3A_1845 : vector<16xi32>
    %select_n3A_1847 = arith.select %eq3A_1846, %gather3A_1843, %broadcast_in_dim3A_1833 : vector<16xi1>, vector<16xf32>
    %lt3A_1848 = arith.constant 0 : i32
    %lt3A_1849 = vector.broadcast %lt3A_1848 : i32 to vector<16xi32>
    %lt3A_1850 = arith.cmpi slt, %and3A_1828, %lt3A_1849 : vector<16xi32>
    %add3A_1851 = arith.constant 16 : i32
    %add3A_1852 = vector.broadcast %add3A_1851 : i32 to vector<16xi32>
    %add3A_1853 = arith.addi %and3A_1828, %add3A_1852 : vector<16xi32>
    %select_n3A_1854 = arith.select %lt3A_1850, %add3A_1853, %and3A_1828 : vector<16xi1>, vector<16xi32>
    %broadcast_in_dim3A_1855 = vector.shape_cast %select_n3A_1854 : vector<16xi32> to vector<16x1xi32>
    %gather3A_1856 = vector.shape_cast %broadcast_in_dim3A_1855 : vector<16x1xi32> to vector<16xi32>
    %gather3A_1857 = tpu.dynamic_gather %get3A_7[%gather3A_1856] in [0] : vector<16xf32>, vector<16xi32> -> vector<16xf32>
    %eq3A_1858 = arith.constant 1 : i32
    %eq3A_1859 = vector.broadcast %eq3A_1858 : i32 to vector<16xi32>
    %eq3A_1860 = arith.cmpi eq, %shift_right_logical3A_1831, %eq3A_1859 : vector<16xi32>
    %select_n3A_1861 = arith.select %eq3A_1860, %gather3A_1857, %select_n3A_1847 : vector<16xi1>, vector<16xf32>
    %lt3A_1862 = arith.constant 0 : i32
    %lt3A_1863 = vector.broadcast %lt3A_1862 : i32 to vector<16xi32>
    %lt3A_1864 = arith.cmpi slt, %and3A_1828, %lt3A_1863 : vector<16xi32>
    %add3A_1865 = arith.constant 16 : i32
    %add3A_1866 = vector.broadcast %add3A_1865 : i32 to vector<16xi32>
    %add3A_1867 = arith.addi %and3A_1828, %add3A_1866 : vector<16xi32>
    %select_n3A_1868 = arith.select %lt3A_1864, %add3A_1867, %and3A_1828 : vector<16xi1>, vector<16xi32>
    %broadcast_in_dim3A_1869 = vector.shape_cast %select_n3A_1868 : vector<16xi32> to vector<16x1xi32>
    %gather3A_1870 = vector.shape_cast %broadcast_in_dim3A_1869 : vector<16x1xi32> to vector<16xi32>
    %gather3A_1871 = tpu.dynamic_gather %get3A_10[%gather3A_1870] in [0] : vector<16xf32>, vector<16xi32> -> vector<16xf32>
    %eq3A_1872 = arith.constant 2 : i32
    %eq3A_1873 = vector.broadcast %eq3A_1872 : i32 to vector<16xi32>
    %eq3A_1874 = arith.cmpi eq, %shift_right_logical3A_1831, %eq3A_1873 : vector<16xi32>
    %select_n3A_1875 = arith.select %eq3A_1874, %gather3A_1871, %select_n3A_1861 : vector<16xi1>, vector<16xf32>
    %lt3A_1876 = arith.constant 0 : i32
    %lt3A_1877 = vector.broadcast %lt3A_1876 : i32 to vector<16xi32>
    %lt3A_1878 = arith.cmpi slt, %and3A_1828, %lt3A_1877 : vector<16xi32>
    %add3A_1879 = arith.constant 16 : i32
    %add3A_1880 = vector.broadcast %add3A_1879 : i32 to vector<16xi32>
    %add3A_1881 = arith.addi %and3A_1828, %add3A_1880 : vector<16xi32>
    %select_n3A_1882 = arith.select %lt3A_1878, %add3A_1881, %and3A_1828 : vector<16xi1>, vector<16xi32>
    %broadcast_in_dim3A_1883 = vector.shape_cast %select_n3A_1882 : vector<16xi32> to vector<16x1xi32>
    %gather3A_1884 = vector.shape_cast %broadcast_in_dim3A_1883 : vector<16x1xi32> to vector<16xi32>
    %gather3A_1885 = tpu.dynamic_gather %get3A_13[%gather3A_1884] in [0] : vector<16xf32>, vector<16xi32> -> vector<16xf32>
    %eq3A_1886 = arith.constant 3 : i32
    %eq3A_1887 = vector.broadcast %eq3A_1886 : i32 to vector<16xi32>
    %eq3A_1888 = arith.cmpi eq, %shift_right_logical3A_1831, %eq3A_1887 : vector<16xi32>
    %select_n3A_1889 = arith.select %eq3A_1888, %gather3A_1885, %select_n3A_1875 : vector<16xi1>, vector<16xf32>
    %lt3A_1890 = arith.constant 0 : i32
    %lt3A_1891 = vector.broadcast %lt3A_1890 : i32 to vector<16xi32>
    %lt3A_1892 = arith.cmpi slt, %and3A_1828, %lt3A_1891 : vector<16xi32>
    %add3A_1893 = arith.constant 16 : i32
    %add3A_1894 = vector.broadcast %add3A_1893 : i32 to vector<16xi32>
    %add3A_1895 = arith.addi %and3A_1828, %add3A_1894 : vector<16xi32>
    %select_n3A_1896 = arith.select %lt3A_1892, %add3A_1895, %and3A_1828 : vector<16xi1>, vector<16xi32>
    %broadcast_in_dim3A_1897 = vector.shape_cast %select_n3A_1896 : vector<16xi32> to vector<16x1xi32>
    %gather3A_1898 = vector.shape_cast %broadcast_in_dim3A_1897 : vector<16x1xi32> to vector<16xi32>
    %gather3A_1899 = tpu.dynamic_gather %get3A_16[%gather3A_1898] in [0] : vector<16xf32>, vector<16xi32> -> vector<16xf32>
    %eq3A_1900 = arith.constant 4 : i32
    %eq3A_1901 = vector.broadcast %eq3A_1900 : i32 to vector<16xi32>
    %eq3A_1902 = arith.cmpi eq, %shift_right_logical3A_1831, %eq3A_1901 : vector<16xi32>
    %select_n3A_1903 = arith.select %eq3A_1902, %gather3A_1899, %select_n3A_1889 : vector<16xi1>, vector<16xf32>
    %lt3A_1904 = arith.constant 0 : i32
    %lt3A_1905 = vector.broadcast %lt3A_1904 : i32 to vector<16xi32>
    %lt3A_1906 = arith.cmpi slt, %and3A_1828, %lt3A_1905 : vector<16xi32>
    %add3A_1907 = arith.constant 16 : i32
    %add3A_1908 = vector.broadcast %add3A_1907 : i32 to vector<16xi32>
    %add3A_1909 = arith.addi %and3A_1828, %add3A_1908 : vector<16xi32>
    %select_n3A_1910 = arith.select %lt3A_1906, %add3A_1909, %and3A_1828 : vector<16xi1>, vector<16xi32>
    %broadcast_in_dim3A_1911 = vector.shape_cast %select_n3A_1910 : vector<16xi32> to vector<16x1xi32>
    %gather3A_1912 = vector.shape_cast %broadcast_in_dim3A_1911 : vector<16x1xi32> to vector<16xi32>
    %gather3A_1913 = tpu.dynamic_gather %get3A_19[%gather3A_1912] in [0] : vector<16xf32>, vector<16xi32> -> vector<16xf32>
    %eq3A_1914 = arith.constant 5 : i32
    %eq3A_1915 = vector.broadcast %eq3A_1914 : i32 to vector<16xi32>
    %eq3A_1916 = arith.cmpi eq, %shift_right_logical3A_1831, %eq3A_1915 : vector<16xi32>
    %select_n3A_1917 = arith.select %eq3A_1916, %gather3A_1913, %select_n3A_1903 : vector<16xi1>, vector<16xf32>
    %lt3A_1918 = arith.constant 0 : i32
    %lt3A_1919 = vector.broadcast %lt3A_1918 : i32 to vector<16xi32>
    %lt3A_1920 = arith.cmpi slt, %and3A_1828, %lt3A_1919 : vector<16xi32>
    %add3A_1921 = arith.constant 16 : i32
    %add3A_1922 = vector.broadcast %add3A_1921 : i32 to vector<16xi32>
    %add3A_1923 = arith.addi %and3A_1828, %add3A_1922 : vector<16xi32>
    %select_n3A_1924 = arith.select %lt3A_1920, %add3A_1923, %and3A_1828 : vector<16xi1>, vector<16xi32>
    %broadcast_in_dim3A_1925 = vector.shape_cast %select_n3A_1924 : vector<16xi32> to vector<16x1xi32>
    %gather3A_1926 = vector.shape_cast %broadcast_in_dim3A_1925 : vector<16x1xi32> to vector<16xi32>
    %gather3A_1927 = tpu.dynamic_gather %get3A_22[%gather3A_1926] in [0] : vector<16xf32>, vector<16xi32> -> vector<16xf32>
    %eq3A_1928 = arith.constant 6 : i32
    %eq3A_1929 = vector.broadcast %eq3A_1928 : i32 to vector<16xi32>
    %eq3A_1930 = arith.cmpi eq, %shift_right_logical3A_1831, %eq3A_1929 : vector<16xi32>
    %select_n3A_1931 = arith.select %eq3A_1930, %gather3A_1927, %select_n3A_1917 : vector<16xi1>, vector<16xf32>
    %swap3A_1932 = arith.constant 256 : index
    %swap3A_1933 = tpu.vector_load %arg7[%swap3A_1932] {strides = array<i32>} : memref<512xf32, #tpu.memory_space<vmem>>, vector<16xf32>,
    %swap3A_1934 = vector.shape_cast %swap3A_1933 : vector<16xf32> to vector<16xf32>
    %swap3A_1935 = vector.shape_cast %select_n3A_1931 : vector<16xf32> to vector<16xf32>
    tpu.vector_store %arg7[%swap3A_1932], %swap3A_1935 {strides = array<i32>} : memref<512xf32, #tpu.memory_space<vmem>>, vector<16xf32>,
    %get3A_1936 = arith.constant 272 : index
    %get3A_1937 = tpu.vector_load %arg5[%get3A_1936] {strides = array<i32>} : memref<512xi32, #tpu.memory_space<vmem>>, vector<16xi32>,
    %get3A_1938 = vector.shape_cast %get3A_1937 : vector<16xi32> to vector<16xi32>
    %and3A_1939 = arith.constant 15 : i32
    %and3A_1940 = vector.broadcast %and3A_1939 : i32 to vector<16xi32>
    %and3A_1941 = arith.andi %get3A_1938, %and3A_1940 : vector<16xi32>
    %shift_right_logical3A_1942 = arith.constant 4 : i32
    %shift_right_logical3A_1943 = vector.broadcast %shift_right_logical3A_1942 : i32 to vector<16xi32>
    %shift_right_logical3A_1944 = arith.shrui %get3A_1938, %shift_right_logical3A_1943 : vector<16xi32>
    %broadcast_in_dim3A_1945 = arith.constant 0.000000e+00 : f32
    %broadcast_in_dim3A_1946 = vector.broadcast %broadcast_in_dim3A_1945 : f32 to vector<16xf32>
    %lt3A_1947 = arith.constant 0 : i32
    %lt3A_1948 = vector.broadcast %lt3A_1947 : i32 to vector<16xi32>
    %lt3A_1949 = arith.cmpi slt, %and3A_1941, %lt3A_1948 : vector<16xi32>
    %add3A_1950 = arith.constant 16 : i32
    %add3A_1951 = vector.broadcast %add3A_1950 : i32 to vector<16xi32>
    %add3A_1952 = arith.addi %and3A_1941, %add3A_1951 : vector<16xi32>
    %select_n3A_1953 = arith.select %lt3A_1949, %add3A_1952, %and3A_1941 : vector<16xi1>, vector<16xi32>
    %broadcast_in_dim3A_1954 = vector.shape_cast %select_n3A_1953 : vector<16xi32> to vector<16x1xi32>
    %gather3A_1955 = vector.shape_cast %broadcast_in_dim3A_1954 : vector<16x1xi32> to vector<16xi32>
    %gather3A_1956 = tpu.dynamic_gather %get3A_4[%gather3A_1955] in [0] : vector<16xf32>, vector<16xi32> -> vector<16xf32>
    %eq3A_1957 = arith.constant 0 : i32
    %eq3A_1958 = vector.broadcast %eq3A_1957 : i32 to vector<16xi32>
    %eq3A_1959 = arith.cmpi eq, %shift_right_logical3A_1944, %eq3A_1958 : vector<16xi32>
    %select_n3A_1960 = arith.select %eq3A_1959, %gather3A_1956, %broadcast_in_dim3A_1946 : vector<16xi1>, vector<16xf32>
    %lt3A_1961 = arith.constant 0 : i32
    %lt3A_1962 = vector.broadcast %lt3A_1961 : i32 to vector<16xi32>
    %lt3A_1963 = arith.cmpi slt, %and3A_1941, %lt3A_1962 : vector<16xi32>
    %add3A_1964 = arith.constant 16 : i32
    %add3A_1965 = vector.broadcast %add3A_1964 : i32 to vector<16xi32>
    %add3A_1966 = arith.addi %and3A_1941, %add3A_1965 : vector<16xi32>
    %select_n3A_1967 = arith.select %lt3A_1963, %add3A_1966, %and3A_1941 : vector<16xi1>, vector<16xi32>
    %broadcast_in_dim3A_1968 = vector.shape_cast %select_n3A_1967 : vector<16xi32> to vector<16x1xi32>
    %gather3A_1969 = vector.shape_cast %broadcast_in_dim3A_1968 : vector<16x1xi32> to vector<16xi32>
    %gather3A_1970 = tpu.dynamic_gather %get3A_7[%gather3A_1969] in [0] : vector<16xf32>, vector<16xi32> -> vector<16xf32>
    %eq3A_1971 = arith.constant 1 : i32
    %eq3A_1972 = vector.broadcast %eq3A_1971 : i32 to vector<16xi32>
    %eq3A_1973 = arith.cmpi eq, %shift_right_logical3A_1944, %eq3A_1972 : vector<16xi32>
    %select_n3A_1974 = arith.select %eq3A_1973, %gather3A_1970, %select_n3A_1960 : vector<16xi1>, vector<16xf32>
    %lt3A_1975 = arith.constant 0 : i32
    %lt3A_1976 = vector.broadcast %lt3A_1975 : i32 to vector<16xi32>
    %lt3A_1977 = arith.cmpi slt, %and3A_1941, %lt3A_1976 : vector<16xi32>
    %add3A_1978 = arith.constant 16 : i32
    %add3A_1979 = vector.broadcast %add3A_1978 : i32 to vector<16xi32>
    %add3A_1980 = arith.addi %and3A_1941, %add3A_1979 : vector<16xi32>
    %select_n3A_1981 = arith.select %lt3A_1977, %add3A_1980, %and3A_1941 : vector<16xi1>, vector<16xi32>
    %broadcast_in_dim3A_1982 = vector.shape_cast %select_n3A_1981 : vector<16xi32> to vector<16x1xi32>
    %gather3A_1983 = vector.shape_cast %broadcast_in_dim3A_1982 : vector<16x1xi32> to vector<16xi32>
    %gather3A_1984 = tpu.dynamic_gather %get3A_10[%gather3A_1983] in [0] : vector<16xf32>, vector<16xi32> -> vector<16xf32>
    %eq3A_1985 = arith.constant 2 : i32
    %eq3A_1986 = vector.broadcast %eq3A_1985 : i32 to vector<16xi32>
    %eq3A_1987 = arith.cmpi eq, %shift_right_logical3A_1944, %eq3A_1986 : vector<16xi32>
    %select_n3A_1988 = arith.select %eq3A_1987, %gather3A_1984, %select_n3A_1974 : vector<16xi1>, vector<16xf32>
    %lt3A_1989 = arith.constant 0 : i32
    %lt3A_1990 = vector.broadcast %lt3A_1989 : i32 to vector<16xi32>
    %lt3A_1991 = arith.cmpi slt, %and3A_1941, %lt3A_1990 : vector<16xi32>
    %add3A_1992 = arith.constant 16 : i32
    %add3A_1993 = vector.broadcast %add3A_1992 : i32 to vector<16xi32>
    %add3A_1994 = arith.addi %and3A_1941, %add3A_1993 : vector<16xi32>
    %select_n3A_1995 = arith.select %lt3A_1991, %add3A_1994, %and3A_1941 : vector<16xi1>, vector<16xi32>
    %broadcast_in_dim3A_1996 = vector.shape_cast %select_n3A_1995 : vector<16xi32> to vector<16x1xi32>
    %gather3A_1997 = vector.shape_cast %broadcast_in_dim3A_1996 : vector<16x1xi32> to vector<16xi32>
    %gather3A_1998 = tpu.dynamic_gather %get3A_13[%gather3A_1997] in [0] : vector<16xf32>, vector<16xi32> -> vector<16xf32>
    %eq3A_1999 = arith.constant 3 : i32
    %eq3A_2000 = vector.broadcast %eq3A_1999 : i32 to vector<16xi32>
    %eq3A_2001 = arith.cmpi eq, %shift_right_logical3A_1944, %eq3A_2000 : vector<16xi32>
    %select_n3A_2002 = arith.select %eq3A_2001, %gather3A_1998, %select_n3A_1988 : vector<16xi1>, vector<16xf32>
    %lt3A_2003 = arith.constant 0 : i32
    %lt3A_2004 = vector.broadcast %lt3A_2003 : i32 to vector<16xi32>
    %lt3A_2005 = arith.cmpi slt, %and3A_1941, %lt3A_2004 : vector<16xi32>
    %add3A_2006 = arith.constant 16 : i32
    %add3A_2007 = vector.broadcast %add3A_2006 : i32 to vector<16xi32>
    %add3A_2008 = arith.addi %and3A_1941, %add3A_2007 : vector<16xi32>
    %select_n3A_2009 = arith.select %lt3A_2005, %add3A_2008, %and3A_1941 : vector<16xi1>, vector<16xi32>
    %broadcast_in_dim3A_2010 = vector.shape_cast %select_n3A_2009 : vector<16xi32> to vector<16x1xi32>
    %gather3A_2011 = vector.shape_cast %broadcast_in_dim3A_2010 : vector<16x1xi32> to vector<16xi32>
    %gather3A_2012 = tpu.dynamic_gather %get3A_16[%gather3A_2011] in [0] : vector<16xf32>, vector<16xi32> -> vector<16xf32>
    %eq3A_2013 = arith.constant 4 : i32
    %eq3A_2014 = vector.broadcast %eq3A_2013 : i32 to vector<16xi32>
    %eq3A_2015 = arith.cmpi eq, %shift_right_logical3A_1944, %eq3A_2014 : vector<16xi32>
    %select_n3A_2016 = arith.select %eq3A_2015, %gather3A_2012, %select_n3A_2002 : vector<16xi1>, vector<16xf32>
    %lt3A_2017 = arith.constant 0 : i32
    %lt3A_2018 = vector.broadcast %lt3A_2017 : i32 to vector<16xi32>
    %lt3A_2019 = arith.cmpi slt, %and3A_1941, %lt3A_2018 : vector<16xi32>
    %add3A_2020 = arith.constant 16 : i32
    %add3A_2021 = vector.broadcast %add3A_2020 : i32 to vector<16xi32>
    %add3A_2022 = arith.addi %and3A_1941, %add3A_2021 : vector<16xi32>
    %select_n3A_2023 = arith.select %lt3A_2019, %add3A_2022, %and3A_1941 : vector<16xi1>, vector<16xi32>
    %broadcast_in_dim3A_2024 = vector.shape_cast %select_n3A_2023 : vector<16xi32> to vector<16x1xi32>
    %gather3A_2025 = vector.shape_cast %broadcast_in_dim3A_2024 : vector<16x1xi32> to vector<16xi32>
    %gather3A_2026 = tpu.dynamic_gather %get3A_19[%gather3A_2025] in [0] : vector<16xf32>, vector<16xi32> -> vector<16xf32>
    %eq3A_2027 = arith.constant 5 : i32
    %eq3A_2028 = vector.broadcast %eq3A_2027 : i32 to vector<16xi32>
    %eq3A_2029 = arith.cmpi eq, %shift_right_logical3A_1944, %eq3A_2028 : vector<16xi32>
    %select_n3A_2030 = arith.select %eq3A_2029, %gather3A_2026, %select_n3A_2016 : vector<16xi1>, vector<16xf32>
    %lt3A_2031 = arith.constant 0 : i32
    %lt3A_2032 = vector.broadcast %lt3A_2031 : i32 to vector<16xi32>
    %lt3A_2033 = arith.cmpi slt, %and3A_1941, %lt3A_2032 : vector<16xi32>
    %add3A_2034 = arith.constant 16 : i32
    %add3A_2035 = vector.broadcast %add3A_2034 : i32 to vector<16xi32>
    %add3A_2036 = arith.addi %and3A_1941, %add3A_2035 : vector<16xi32>
    %select_n3A_2037 = arith.select %lt3A_2033, %add3A_2036, %and3A_1941 : vector<16xi1>, vector<16xi32>
    %broadcast_in_dim3A_2038 = vector.shape_cast %select_n3A_2037 : vector<16xi32> to vector<16x1xi32>
    %gather3A_2039 = vector.shape_cast %broadcast_in_dim3A_2038 : vector<16x1xi32> to vector<16xi32>
    %gather3A_2040 = tpu.dynamic_gather %get3A_22[%gather3A_2039] in [0] : vector<16xf32>, vector<16xi32> -> vector<16xf32>
    %eq3A_2041 = arith.constant 6 : i32
    %eq3A_2042 = vector.broadcast %eq3A_2041 : i32 to vector<16xi32>
    %eq3A_2043 = arith.cmpi eq, %shift_right_logical3A_1944, %eq3A_2042 : vector<16xi32>
    %select_n3A_2044 = arith.select %eq3A_2043, %gather3A_2040, %select_n3A_2030 : vector<16xi1>, vector<16xf32>
    %swap3A_2045 = arith.constant 272 : index
    %swap3A_2046 = tpu.vector_load %arg7[%swap3A_2045] {strides = array<i32>} : memref<512xf32, #tpu.memory_space<vmem>>, vector<16xf32>,
    %swap3A_2047 = vector.shape_cast %swap3A_2046 : vector<16xf32> to vector<16xf32>
    %swap3A_2048 = vector.shape_cast %select_n3A_2044 : vector<16xf32> to vector<16xf32>
    tpu.vector_store %arg7[%swap3A_2045], %swap3A_2048 {strides = array<i32>} : memref<512xf32, #tpu.memory_space<vmem>>, vector<16xf32>,
    %get3A_2049 = arith.constant 288 : index
    %get3A_2050 = tpu.vector_load %arg5[%get3A_2049] {strides = array<i32>} : memref<512xi32, #tpu.memory_space<vmem>>, vector<16xi32>,
    %get3A_2051 = vector.shape_cast %get3A_2050 : vector<16xi32> to vector<16xi32>
    %and3A_2052 = arith.constant 15 : i32
    %and3A_2053 = vector.broadcast %and3A_2052 : i32 to vector<16xi32>
    %and3A_2054 = arith.andi %get3A_2051, %and3A_2053 : vector<16xi32>
    %shift_right_logical3A_2055 = arith.constant 4 : i32
    %shift_right_logical3A_2056 = vector.broadcast %shift_right_logical3A_2055 : i32 to vector<16xi32>
    %shift_right_logical3A_2057 = arith.shrui %get3A_2051, %shift_right_logical3A_2056 : vector<16xi32>
    %broadcast_in_dim3A_2058 = arith.constant 0.000000e+00 : f32
    %broadcast_in_dim3A_2059 = vector.broadcast %broadcast_in_dim3A_2058 : f32 to vector<16xf32>
    %lt3A_2060 = arith.constant 0 : i32
    %lt3A_2061 = vector.broadcast %lt3A_2060 : i32 to vector<16xi32>
    %lt3A_2062 = arith.cmpi slt, %and3A_2054, %lt3A_2061 : vector<16xi32>
    %add3A_2063 = arith.constant 16 : i32
    %add3A_2064 = vector.broadcast %add3A_2063 : i32 to vector<16xi32>
    %add3A_2065 = arith.addi %and3A_2054, %add3A_2064 : vector<16xi32>
    %select_n3A_2066 = arith.select %lt3A_2062, %add3A_2065, %and3A_2054 : vector<16xi1>, vector<16xi32>
    %broadcast_in_dim3A_2067 = vector.shape_cast %select_n3A_2066 : vector<16xi32> to vector<16x1xi32>
    %gather3A_2068 = vector.shape_cast %broadcast_in_dim3A_2067 : vector<16x1xi32> to vector<16xi32>
    %gather3A_2069 = tpu.dynamic_gather %get3A_4[%gather3A_2068] in [0] : vector<16xf32>, vector<16xi32> -> vector<16xf32>
    %eq3A_2070 = arith.constant 0 : i32
    %eq3A_2071 = vector.broadcast %eq3A_2070 : i32 to vector<16xi32>
    %eq3A_2072 = arith.cmpi eq, %shift_right_logical3A_2057, %eq3A_2071 : vector<16xi32>
    %select_n3A_2073 = arith.select %eq3A_2072, %gather3A_2069, %broadcast_in_dim3A_2059 : vector<16xi1>, vector<16xf32>
    %lt3A_2074 = arith.constant 0 : i32
    %lt3A_2075 = vector.broadcast %lt3A_2074 : i32 to vector<16xi32>
    %lt3A_2076 = arith.cmpi slt, %and3A_2054, %lt3A_2075 : vector<16xi32>
    %add3A_2077 = arith.constant 16 : i32
    %add3A_2078 = vector.broadcast %add3A_2077 : i32 to vector<16xi32>
    %add3A_2079 = arith.addi %and3A_2054, %add3A_2078 : vector<16xi32>
    %select_n3A_2080 = arith.select %lt3A_2076, %add3A_2079, %and3A_2054 : vector<16xi1>, vector<16xi32>
    %broadcast_in_dim3A_2081 = vector.shape_cast %select_n3A_2080 : vector<16xi32> to vector<16x1xi32>
    %gather3A_2082 = vector.shape_cast %broadcast_in_dim3A_2081 : vector<16x1xi32> to vector<16xi32>
    %gather3A_2083 = tpu.dynamic_gather %get3A_7[%gather3A_2082] in [0] : vector<16xf32>, vector<16xi32> -> vector<16xf32>
    %eq3A_2084 = arith.constant 1 : i32
    %eq3A_2085 = vector.broadcast %eq3A_2084 : i32 to vector<16xi32>
    %eq3A_2086 = arith.cmpi eq, %shift_right_logical3A_2057, %eq3A_2085 : vector<16xi32>
    %select_n3A_2087 = arith.select %eq3A_2086, %gather3A_2083, %select_n3A_2073 : vector<16xi1>, vector<16xf32>
    %lt3A_2088 = arith.constant 0 : i32
    %lt3A_2089 = vector.broadcast %lt3A_2088 : i32 to vector<16xi32>
    %lt3A_2090 = arith.cmpi slt, %and3A_2054, %lt3A_2089 : vector<16xi32>
    %add3A_2091 = arith.constant 16 : i32
    %add3A_2092 = vector.broadcast %add3A_2091 : i32 to vector<16xi32>
    %add3A_2093 = arith.addi %and3A_2054, %add3A_2092 : vector<16xi32>
    %select_n3A_2094 = arith.select %lt3A_2090, %add3A_2093, %and3A_2054 : vector<16xi1>, vector<16xi32>
    %broadcast_in_dim3A_2095 = vector.shape_cast %select_n3A_2094 : vector<16xi32> to vector<16x1xi32>
    %gather3A_2096 = vector.shape_cast %broadcast_in_dim3A_2095 : vector<16x1xi32> to vector<16xi32>
    %gather3A_2097 = tpu.dynamic_gather %get3A_10[%gather3A_2096] in [0] : vector<16xf32>, vector<16xi32> -> vector<16xf32>
    %eq3A_2098 = arith.constant 2 : i32
    %eq3A_2099 = vector.broadcast %eq3A_2098 : i32 to vector<16xi32>
    %eq3A_2100 = arith.cmpi eq, %shift_right_logical3A_2057, %eq3A_2099 : vector<16xi32>
    %select_n3A_2101 = arith.select %eq3A_2100, %gather3A_2097, %select_n3A_2087 : vector<16xi1>, vector<16xf32>
    %lt3A_2102 = arith.constant 0 : i32
    %lt3A_2103 = vector.broadcast %lt3A_2102 : i32 to vector<16xi32>
    %lt3A_2104 = arith.cmpi slt, %and3A_2054, %lt3A_2103 : vector<16xi32>
    %add3A_2105 = arith.constant 16 : i32
    %add3A_2106 = vector.broadcast %add3A_2105 : i32 to vector<16xi32>
    %add3A_2107 = arith.addi %and3A_2054, %add3A_2106 : vector<16xi32>
    %select_n3A_2108 = arith.select %lt3A_2104, %add3A_2107, %and3A_2054 : vector<16xi1>, vector<16xi32>
    %broadcast_in_dim3A_2109 = vector.shape_cast %select_n3A_2108 : vector<16xi32> to vector<16x1xi32>
    %gather3A_2110 = vector.shape_cast %broadcast_in_dim3A_2109 : vector<16x1xi32> to vector<16xi32>
    %gather3A_2111 = tpu.dynamic_gather %get3A_13[%gather3A_2110] in [0] : vector<16xf32>, vector<16xi32> -> vector<16xf32>
    %eq3A_2112 = arith.constant 3 : i32
    %eq3A_2113 = vector.broadcast %eq3A_2112 : i32 to vector<16xi32>
    %eq3A_2114 = arith.cmpi eq, %shift_right_logical3A_2057, %eq3A_2113 : vector<16xi32>
    %select_n3A_2115 = arith.select %eq3A_2114, %gather3A_2111, %select_n3A_2101 : vector<16xi1>, vector<16xf32>
    %lt3A_2116 = arith.constant 0 : i32
    %lt3A_2117 = vector.broadcast %lt3A_2116 : i32 to vector<16xi32>
    %lt3A_2118 = arith.cmpi slt, %and3A_2054, %lt3A_2117 : vector<16xi32>
    %add3A_2119 = arith.constant 16 : i32
    %add3A_2120 = vector.broadcast %add3A_2119 : i32 to vector<16xi32>
    %add3A_2121 = arith.addi %and3A_2054, %add3A_2120 : vector<16xi32>
    %select_n3A_2122 = arith.select %lt3A_2118, %add3A_2121, %and3A_2054 : vector<16xi1>, vector<16xi32>
    %broadcast_in_dim3A_2123 = vector.shape_cast %select_n3A_2122 : vector<16xi32> to vector<16x1xi32>
    %gather3A_2124 = vector.shape_cast %broadcast_in_dim3A_2123 : vector<16x1xi32> to vector<16xi32>
    %gather3A_2125 = tpu.dynamic_gather %get3A_16[%gather3A_2124] in [0] : vector<16xf32>, vector<16xi32> -> vector<16xf32>
    %eq3A_2126 = arith.constant 4 : i32
    %eq3A_2127 = vector.broadcast %eq3A_2126 : i32 to vector<16xi32>
    %eq3A_2128 = arith.cmpi eq, %shift_right_logical3A_2057, %eq3A_2127 : vector<16xi32>
    %select_n3A_2129 = arith.select %eq3A_2128, %gather3A_2125, %select_n3A_2115 : vector<16xi1>, vector<16xf32>
    %lt3A_2130 = arith.constant 0 : i32
    %lt3A_2131 = vector.broadcast %lt3A_2130 : i32 to vector<16xi32>
    %lt3A_2132 = arith.cmpi slt, %and3A_2054, %lt3A_2131 : vector<16xi32>
    %add3A_2133 = arith.constant 16 : i32
    %add3A_2134 = vector.broadcast %add3A_2133 : i32 to vector<16xi32>
    %add3A_2135 = arith.addi %and3A_2054, %add3A_2134 : vector<16xi32>
    %select_n3A_2136 = arith.select %lt3A_2132, %add3A_2135, %and3A_2054 : vector<16xi1>, vector<16xi32>
    %broadcast_in_dim3A_2137 = vector.shape_cast %select_n3A_2136 : vector<16xi32> to vector<16x1xi32>
    %gather3A_2138 = vector.shape_cast %broadcast_in_dim3A_2137 : vector<16x1xi32> to vector<16xi32>
    %gather3A_2139 = tpu.dynamic_gather %get3A_19[%gather3A_2138] in [0] : vector<16xf32>, vector<16xi32> -> vector<16xf32>
    %eq3A_2140 = arith.constant 5 : i32
    %eq3A_2141 = vector.broadcast %eq3A_2140 : i32 to vector<16xi32>
    %eq3A_2142 = arith.cmpi eq, %shift_right_logical3A_2057, %eq3A_2141 : vector<16xi32>
    %select_n3A_2143 = arith.select %eq3A_2142, %gather3A_2139, %select_n3A_2129 : vector<16xi1>, vector<16xf32>
    %lt3A_2144 = arith.constant 0 : i32
    %lt3A_2145 = vector.broadcast %lt3A_2144 : i32 to vector<16xi32>
    %lt3A_2146 = arith.cmpi slt, %and3A_2054, %lt3A_2145 : vector<16xi32>
    %add3A_2147 = arith.constant 16 : i32
    %add3A_2148 = vector.broadcast %add3A_2147 : i32 to vector<16xi32>
    %add3A_2149 = arith.addi %and3A_2054, %add3A_2148 : vector<16xi32>
    %select_n3A_2150 = arith.select %lt3A_2146, %add3A_2149, %and3A_2054 : vector<16xi1>, vector<16xi32>
    %broadcast_in_dim3A_2151 = vector.shape_cast %select_n3A_2150 : vector<16xi32> to vector<16x1xi32>
    %gather3A_2152 = vector.shape_cast %broadcast_in_dim3A_2151 : vector<16x1xi32> to vector<16xi32>
    %gather3A_2153 = tpu.dynamic_gather %get3A_22[%gather3A_2152] in [0] : vector<16xf32>, vector<16xi32> -> vector<16xf32>
    %eq3A_2154 = arith.constant 6 : i32
    %eq3A_2155 = vector.broadcast %eq3A_2154 : i32 to vector<16xi32>
    %eq3A_2156 = arith.cmpi eq, %shift_right_logical3A_2057, %eq3A_2155 : vector<16xi32>
    %select_n3A_2157 = arith.select %eq3A_2156, %gather3A_2153, %select_n3A_2143 : vector<16xi1>, vector<16xf32>
    %swap3A_2158 = arith.constant 288 : index
    %swap3A_2159 = tpu.vector_load %arg7[%swap3A_2158] {strides = array<i32>} : memref<512xf32, #tpu.memory_space<vmem>>, vector<16xf32>,
    %swap3A_2160 = vector.shape_cast %swap3A_2159 : vector<16xf32> to vector<16xf32>
    %swap3A_2161 = vector.shape_cast %select_n3A_2157 : vector<16xf32> to vector<16xf32>
    tpu.vector_store %arg7[%swap3A_2158], %swap3A_2161 {strides = array<i32>} : memref<512xf32, #tpu.memory_space<vmem>>, vector<16xf32>,
    %get3A_2162 = arith.constant 304 : index
    %get3A_2163 = tpu.vector_load %arg5[%get3A_2162] {strides = array<i32>} : memref<512xi32, #tpu.memory_space<vmem>>, vector<16xi32>,
    %get3A_2164 = vector.shape_cast %get3A_2163 : vector<16xi32> to vector<16xi32>
    %and3A_2165 = arith.constant 15 : i32
    %and3A_2166 = vector.broadcast %and3A_2165 : i32 to vector<16xi32>
    %and3A_2167 = arith.andi %get3A_2164, %and3A_2166 : vector<16xi32>
    %shift_right_logical3A_2168 = arith.constant 4 : i32
    %shift_right_logical3A_2169 = vector.broadcast %shift_right_logical3A_2168 : i32 to vector<16xi32>
    %shift_right_logical3A_2170 = arith.shrui %get3A_2164, %shift_right_logical3A_2169 : vector<16xi32>
    %broadcast_in_dim3A_2171 = arith.constant 0.000000e+00 : f32
    %broadcast_in_dim3A_2172 = vector.broadcast %broadcast_in_dim3A_2171 : f32 to vector<16xf32>
    %lt3A_2173 = arith.constant 0 : i32
    %lt3A_2174 = vector.broadcast %lt3A_2173 : i32 to vector<16xi32>
    %lt3A_2175 = arith.cmpi slt, %and3A_2167, %lt3A_2174 : vector<16xi32>
    %add3A_2176 = arith.constant 16 : i32
    %add3A_2177 = vector.broadcast %add3A_2176 : i32 to vector<16xi32>
    %add3A_2178 = arith.addi %and3A_2167, %add3A_2177 : vector<16xi32>
    %select_n3A_2179 = arith.select %lt3A_2175, %add3A_2178, %and3A_2167 : vector<16xi1>, vector<16xi32>
    %broadcast_in_dim3A_2180 = vector.shape_cast %select_n3A_2179 : vector<16xi32> to vector<16x1xi32>
    %gather3A_2181 = vector.shape_cast %broadcast_in_dim3A_2180 : vector<16x1xi32> to vector<16xi32>
    %gather3A_2182 = tpu.dynamic_gather %get3A_4[%gather3A_2181] in [0] : vector<16xf32>, vector<16xi32> -> vector<16xf32>
    %eq3A_2183 = arith.constant 0 : i32
    %eq3A_2184 = vector.broadcast %eq3A_2183 : i32 to vector<16xi32>
    %eq3A_2185 = arith.cmpi eq, %shift_right_logical3A_2170, %eq3A_2184 : vector<16xi32>
    %select_n3A_2186 = arith.select %eq3A_2185, %gather3A_2182, %broadcast_in_dim3A_2172 : vector<16xi1>, vector<16xf32>
    %lt3A_2187 = arith.constant 0 : i32
    %lt3A_2188 = vector.broadcast %lt3A_2187 : i32 to vector<16xi32>
    %lt3A_2189 = arith.cmpi slt, %and3A_2167, %lt3A_2188 : vector<16xi32>
    %add3A_2190 = arith.constant 16 : i32
    %add3A_2191 = vector.broadcast %add3A_2190 : i32 to vector<16xi32>
    %add3A_2192 = arith.addi %and3A_2167, %add3A_2191 : vector<16xi32>
    %select_n3A_2193 = arith.select %lt3A_2189, %add3A_2192, %and3A_2167 : vector<16xi1>, vector<16xi32>
    %broadcast_in_dim3A_2194 = vector.shape_cast %select_n3A_2193 : vector<16xi32> to vector<16x1xi32>
    %gather3A_2195 = vector.shape_cast %broadcast_in_dim3A_2194 : vector<16x1xi32> to vector<16xi32>
    %gather3A_2196 = tpu.dynamic_gather %get3A_7[%gather3A_2195] in [0] : vector<16xf32>, vector<16xi32> -> vector<16xf32>
    %eq3A_2197 = arith.constant 1 : i32
    %eq3A_2198 = vector.broadcast %eq3A_2197 : i32 to vector<16xi32>
    %eq3A_2199 = arith.cmpi eq, %shift_right_logical3A_2170, %eq3A_2198 : vector<16xi32>
    %select_n3A_2200 = arith.select %eq3A_2199, %gather3A_2196, %select_n3A_2186 : vector<16xi1>, vector<16xf32>
    %lt3A_2201 = arith.constant 0 : i32
    %lt3A_2202 = vector.broadcast %lt3A_2201 : i32 to vector<16xi32>
    %lt3A_2203 = arith.cmpi slt, %and3A_2167, %lt3A_2202 : vector<16xi32>
    %add3A_2204 = arith.constant 16 : i32
    %add3A_2205 = vector.broadcast %add3A_2204 : i32 to vector<16xi32>
    %add3A_2206 = arith.addi %and3A_2167, %add3A_2205 : vector<16xi32>
    %select_n3A_2207 = arith.select %lt3A_2203, %add3A_2206, %and3A_2167 : vector<16xi1>, vector<16xi32>
    %broadcast_in_dim3A_2208 = vector.shape_cast %select_n3A_2207 : vector<16xi32> to vector<16x1xi32>
    %gather3A_2209 = vector.shape_cast %broadcast_in_dim3A_2208 : vector<16x1xi32> to vector<16xi32>
    %gather3A_2210 = tpu.dynamic_gather %get3A_10[%gather3A_2209] in [0] : vector<16xf32>, vector<16xi32> -> vector<16xf32>
    %eq3A_2211 = arith.constant 2 : i32
    %eq3A_2212 = vector.broadcast %eq3A_2211 : i32 to vector<16xi32>
    %eq3A_2213 = arith.cmpi eq, %shift_right_logical3A_2170, %eq3A_2212 : vector<16xi32>
    %select_n3A_2214 = arith.select %eq3A_2213, %gather3A_2210, %select_n3A_2200 : vector<16xi1>, vector<16xf32>
    %lt3A_2215 = arith.constant 0 : i32
    %lt3A_2216 = vector.broadcast %lt3A_2215 : i32 to vector<16xi32>
    %lt3A_2217 = arith.cmpi slt, %and3A_2167, %lt3A_2216 : vector<16xi32>
    %add3A_2218 = arith.constant 16 : i32
    %add3A_2219 = vector.broadcast %add3A_2218 : i32 to vector<16xi32>
    %add3A_2220 = arith.addi %and3A_2167, %add3A_2219 : vector<16xi32>
    %select_n3A_2221 = arith.select %lt3A_2217, %add3A_2220, %and3A_2167 : vector<16xi1>, vector<16xi32>
    %broadcast_in_dim3A_2222 = vector.shape_cast %select_n3A_2221 : vector<16xi32> to vector<16x1xi32>
    %gather3A_2223 = vector.shape_cast %broadcast_in_dim3A_2222 : vector<16x1xi32> to vector<16xi32>
    %gather3A_2224 = tpu.dynamic_gather %get3A_13[%gather3A_2223] in [0] : vector<16xf32>, vector<16xi32> -> vector<16xf32>
    %eq3A_2225 = arith.constant 3 : i32
    %eq3A_2226 = vector.broadcast %eq3A_2225 : i32 to vector<16xi32>
    %eq3A_2227 = arith.cmpi eq, %shift_right_logical3A_2170, %eq3A_2226 : vector<16xi32>
    %select_n3A_2228 = arith.select %eq3A_2227, %gather3A_2224, %select_n3A_2214 : vector<16xi1>, vector<16xf32>
    %lt3A_2229 = arith.constant 0 : i32
    %lt3A_2230 = vector.broadcast %lt3A_2229 : i32 to vector<16xi32>
    %lt3A_2231 = arith.cmpi slt, %and3A_2167, %lt3A_2230 : vector<16xi32>
    %add3A_2232 = arith.constant 16 : i32
    %add3A_2233 = vector.broadcast %add3A_2232 : i32 to vector<16xi32>
    %add3A_2234 = arith.addi %and3A_2167, %add3A_2233 : vector<16xi32>
    %select_n3A_2235 = arith.select %lt3A_2231, %add3A_2234, %and3A_2167 : vector<16xi1>, vector<16xi32>
    %broadcast_in_dim3A_2236 = vector.shape_cast %select_n3A_2235 : vector<16xi32> to vector<16x1xi32>
    %gather3A_2237 = vector.shape_cast %broadcast_in_dim3A_2236 : vector<16x1xi32> to vector<16xi32>
    %gather3A_2238 = tpu.dynamic_gather %get3A_16[%gather3A_2237] in [0] : vector<16xf32>, vector<16xi32> -> vector<16xf32>
    %eq3A_2239 = arith.constant 4 : i32
    %eq3A_2240 = vector.broadcast %eq3A_2239 : i32 to vector<16xi32>
    %eq3A_2241 = arith.cmpi eq, %shift_right_logical3A_2170, %eq3A_2240 : vector<16xi32>
    %select_n3A_2242 = arith.select %eq3A_2241, %gather3A_2238, %select_n3A_2228 : vector<16xi1>, vector<16xf32>
    %lt3A_2243 = arith.constant 0 : i32
    %lt3A_2244 = vector.broadcast %lt3A_2243 : i32 to vector<16xi32>
    %lt3A_2245 = arith.cmpi slt, %and3A_2167, %lt3A_2244 : vector<16xi32>
    %add3A_2246 = arith.constant 16 : i32
    %add3A_2247 = vector.broadcast %add3A_2246 : i32 to vector<16xi32>
    %add3A_2248 = arith.addi %and3A_2167, %add3A_2247 : vector<16xi32>
    %select_n3A_2249 = arith.select %lt3A_2245, %add3A_2248, %and3A_2167 : vector<16xi1>, vector<16xi32>
    %broadcast_in_dim3A_2250 = vector.shape_cast %select_n3A_2249 : vector<16xi32> to vector<16x1xi32>
    %gather3A_2251 = vector.shape_cast %broadcast_in_dim3A_2250 : vector<16x1xi32> to vector<16xi32>
    %gather3A_2252 = tpu.dynamic_gather %get3A_19[%gather3A_2251] in [0] : vector<16xf32>, vector<16xi32> -> vector<16xf32>
    %eq3A_2253 = arith.constant 5 : i32
    %eq3A_2254 = vector.broadcast %eq3A_2253 : i32 to vector<16xi32>
    %eq3A_2255 = arith.cmpi eq, %shift_right_logical3A_2170, %eq3A_2254 : vector<16xi32>
    %select_n3A_2256 = arith.select %eq3A_2255, %gather3A_2252, %select_n3A_2242 : vector<16xi1>, vector<16xf32>
    %lt3A_2257 = arith.constant 0 : i32
    %lt3A_2258 = vector.broadcast %lt3A_2257 : i32 to vector<16xi32>
    %lt3A_2259 = arith.cmpi slt, %and3A_2167, %lt3A_2258 : vector<16xi32>
    %add3A_2260 = arith.constant 16 : i32
    %add3A_2261 = vector.broadcast %add3A_2260 : i32 to vector<16xi32>
    %add3A_2262 = arith.addi %and3A_2167, %add3A_2261 : vector<16xi32>
    %select_n3A_2263 = arith.select %lt3A_2259, %add3A_2262, %and3A_2167 : vector<16xi1>, vector<16xi32>
    %broadcast_in_dim3A_2264 = vector.shape_cast %select_n3A_2263 : vector<16xi32> to vector<16x1xi32>
    %gather3A_2265 = vector.shape_cast %broadcast_in_dim3A_2264 : vector<16x1xi32> to vector<16xi32>
    %gather3A_2266 = tpu.dynamic_gather %get3A_22[%gather3A_2265] in [0] : vector<16xf32>, vector<16xi32> -> vector<16xf32>
    %eq3A_2267 = arith.constant 6 : i32
    %eq3A_2268 = vector.broadcast %eq3A_2267 : i32 to vector<16xi32>
    %eq3A_2269 = arith.cmpi eq, %shift_right_logical3A_2170, %eq3A_2268 : vector<16xi32>
    %select_n3A_2270 = arith.select %eq3A_2269, %gather3A_2266, %select_n3A_2256 : vector<16xi1>, vector<16xf32>
    %swap3A_2271 = arith.constant 304 : index
    %swap3A_2272 = tpu.vector_load %arg7[%swap3A_2271] {strides = array<i32>} : memref<512xf32, #tpu.memory_space<vmem>>, vector<16xf32>,
    %swap3A_2273 = vector.shape_cast %swap3A_2272 : vector<16xf32> to vector<16xf32>
    %swap3A_2274 = vector.shape_cast %select_n3A_2270 : vector<16xf32> to vector<16xf32>
    tpu.vector_store %arg7[%swap3A_2271], %swap3A_2274 {strides = array<i32>} : memref<512xf32, #tpu.memory_space<vmem>>, vector<16xf32>,
    %get3A_2275 = arith.constant 320 : index
    %get3A_2276 = tpu.vector_load %arg5[%get3A_2275] {strides = array<i32>} : memref<512xi32, #tpu.memory_space<vmem>>, vector<16xi32>,
    %get3A_2277 = vector.shape_cast %get3A_2276 : vector<16xi32> to vector<16xi32>
    %and3A_2278 = arith.constant 15 : i32
    %and3A_2279 = vector.broadcast %and3A_2278 : i32 to vector<16xi32>
    %and3A_2280 = arith.andi %get3A_2277, %and3A_2279 : vector<16xi32>
    %shift_right_logical3A_2281 = arith.constant 4 : i32
    %shift_right_logical3A_2282 = vector.broadcast %shift_right_logical3A_2281 : i32 to vector<16xi32>
    %shift_right_logical3A_2283 = arith.shrui %get3A_2277, %shift_right_logical3A_2282 : vector<16xi32>
    %broadcast_in_dim3A_2284 = arith.constant 0.000000e+00 : f32
    %broadcast_in_dim3A_2285 = vector.broadcast %broadcast_in_dim3A_2284 : f32 to vector<16xf32>
    %lt3A_2286 = arith.constant 0 : i32
    %lt3A_2287 = vector.broadcast %lt3A_2286 : i32 to vector<16xi32>
    %lt3A_2288 = arith.cmpi slt, %and3A_2280, %lt3A_2287 : vector<16xi32>
    %add3A_2289 = arith.constant 16 : i32
    %add3A_2290 = vector.broadcast %add3A_2289 : i32 to vector<16xi32>
    %add3A_2291 = arith.addi %and3A_2280, %add3A_2290 : vector<16xi32>
    %select_n3A_2292 = arith.select %lt3A_2288, %add3A_2291, %and3A_2280 : vector<16xi1>, vector<16xi32>
    %broadcast_in_dim3A_2293 = vector.shape_cast %select_n3A_2292 : vector<16xi32> to vector<16x1xi32>
    %gather3A_2294 = vector.shape_cast %broadcast_in_dim3A_2293 : vector<16x1xi32> to vector<16xi32>
    %gather3A_2295 = tpu.dynamic_gather %get3A_4[%gather3A_2294] in [0] : vector<16xf32>, vector<16xi32> -> vector<16xf32>
    %eq3A_2296 = arith.constant 0 : i32
    %eq3A_2297 = vector.broadcast %eq3A_2296 : i32 to vector<16xi32>
    %eq3A_2298 = arith.cmpi eq, %shift_right_logical3A_2283, %eq3A_2297 : vector<16xi32>
    %select_n3A_2299 = arith.select %eq3A_2298, %gather3A_2295, %broadcast_in_dim3A_2285 : vector<16xi1>, vector<16xf32>
    %lt3A_2300 = arith.constant 0 : i32
    %lt3A_2301 = vector.broadcast %lt3A_2300 : i32 to vector<16xi32>
    %lt3A_2302 = arith.cmpi slt, %and3A_2280, %lt3A_2301 : vector<16xi32>
    %add3A_2303 = arith.constant 16 : i32
    %add3A_2304 = vector.broadcast %add3A_2303 : i32 to vector<16xi32>
    %add3A_2305 = arith.addi %and3A_2280, %add3A_2304 : vector<16xi32>
    %select_n3A_2306 = arith.select %lt3A_2302, %add3A_2305, %and3A_2280 : vector<16xi1>, vector<16xi32>
    %broadcast_in_dim3A_2307 = vector.shape_cast %select_n3A_2306 : vector<16xi32> to vector<16x1xi32>
    %gather3A_2308 = vector.shape_cast %broadcast_in_dim3A_2307 : vector<16x1xi32> to vector<16xi32>
    %gather3A_2309 = tpu.dynamic_gather %get3A_7[%gather3A_2308] in [0] : vector<16xf32>, vector<16xi32> -> vector<16xf32>
    %eq3A_2310 = arith.constant 1 : i32
    %eq3A_2311 = vector.broadcast %eq3A_2310 : i32 to vector<16xi32>
    %eq3A_2312 = arith.cmpi eq, %shift_right_logical3A_2283, %eq3A_2311 : vector<16xi32>
    %select_n3A_2313 = arith.select %eq3A_2312, %gather3A_2309, %select_n3A_2299 : vector<16xi1>, vector<16xf32>
    %lt3A_2314 = arith.constant 0 : i32
    %lt3A_2315 = vector.broadcast %lt3A_2314 : i32 to vector<16xi32>
    %lt3A_2316 = arith.cmpi slt, %and3A_2280, %lt3A_2315 : vector<16xi32>
    %add3A_2317 = arith.constant 16 : i32
    %add3A_2318 = vector.broadcast %add3A_2317 : i32 to vector<16xi32>
    %add3A_2319 = arith.addi %and3A_2280, %add3A_2318 : vector<16xi32>
    %select_n3A_2320 = arith.select %lt3A_2316, %add3A_2319, %and3A_2280 : vector<16xi1>, vector<16xi32>
    %broadcast_in_dim3A_2321 = vector.shape_cast %select_n3A_2320 : vector<16xi32> to vector<16x1xi32>
    %gather3A_2322 = vector.shape_cast %broadcast_in_dim3A_2321 : vector<16x1xi32> to vector<16xi32>
    %gather3A_2323 = tpu.dynamic_gather %get3A_10[%gather3A_2322] in [0] : vector<16xf32>, vector<16xi32> -> vector<16xf32>
    %eq3A_2324 = arith.constant 2 : i32
    %eq3A_2325 = vector.broadcast %eq3A_2324 : i32 to vector<16xi32>
    %eq3A_2326 = arith.cmpi eq, %shift_right_logical3A_2283, %eq3A_2325 : vector<16xi32>
    %select_n3A_2327 = arith.select %eq3A_2326, %gather3A_2323, %select_n3A_2313 : vector<16xi1>, vector<16xf32>
    %lt3A_2328 = arith.constant 0 : i32
    %lt3A_2329 = vector.broadcast %lt3A_2328 : i32 to vector<16xi32>
    %lt3A_2330 = arith.cmpi slt, %and3A_2280, %lt3A_2329 : vector<16xi32>
    %add3A_2331 = arith.constant 16 : i32
    %add3A_2332 = vector.broadcast %add3A_2331 : i32 to vector<16xi32>
    %add3A_2333 = arith.addi %and3A_2280, %add3A_2332 : vector<16xi32>
    %select_n3A_2334 = arith.select %lt3A_2330, %add3A_2333, %and3A_2280 : vector<16xi1>, vector<16xi32>
    %broadcast_in_dim3A_2335 = vector.shape_cast %select_n3A_2334 : vector<16xi32> to vector<16x1xi32>
    %gather3A_2336 = vector.shape_cast %broadcast_in_dim3A_2335 : vector<16x1xi32> to vector<16xi32>
    %gather3A_2337 = tpu.dynamic_gather %get3A_13[%gather3A_2336] in [0] : vector<16xf32>, vector<16xi32> -> vector<16xf32>
    %eq3A_2338 = arith.constant 3 : i32
    %eq3A_2339 = vector.broadcast %eq3A_2338 : i32 to vector<16xi32>
    %eq3A_2340 = arith.cmpi eq, %shift_right_logical3A_2283, %eq3A_2339 : vector<16xi32>
    %select_n3A_2341 = arith.select %eq3A_2340, %gather3A_2337, %select_n3A_2327 : vector<16xi1>, vector<16xf32>
    %lt3A_2342 = arith.constant 0 : i32
    %lt3A_2343 = vector.broadcast %lt3A_2342 : i32 to vector<16xi32>
    %lt3A_2344 = arith.cmpi slt, %and3A_2280, %lt3A_2343 : vector<16xi32>
    %add3A_2345 = arith.constant 16 : i32
    %add3A_2346 = vector.broadcast %add3A_2345 : i32 to vector<16xi32>
    %add3A_2347 = arith.addi %and3A_2280, %add3A_2346 : vector<16xi32>
    %select_n3A_2348 = arith.select %lt3A_2344, %add3A_2347, %and3A_2280 : vector<16xi1>, vector<16xi32>
    %broadcast_in_dim3A_2349 = vector.shape_cast %select_n3A_2348 : vector<16xi32> to vector<16x1xi32>
    %gather3A_2350 = vector.shape_cast %broadcast_in_dim3A_2349 : vector<16x1xi32> to vector<16xi32>
    %gather3A_2351 = tpu.dynamic_gather %get3A_16[%gather3A_2350] in [0] : vector<16xf32>, vector<16xi32> -> vector<16xf32>
    %eq3A_2352 = arith.constant 4 : i32
    %eq3A_2353 = vector.broadcast %eq3A_2352 : i32 to vector<16xi32>
    %eq3A_2354 = arith.cmpi eq, %shift_right_logical3A_2283, %eq3A_2353 : vector<16xi32>
    %select_n3A_2355 = arith.select %eq3A_2354, %gather3A_2351, %select_n3A_2341 : vector<16xi1>, vector<16xf32>
    %lt3A_2356 = arith.constant 0 : i32
    %lt3A_2357 = vector.broadcast %lt3A_2356 : i32 to vector<16xi32>
    %lt3A_2358 = arith.cmpi slt, %and3A_2280, %lt3A_2357 : vector<16xi32>
    %add3A_2359 = arith.constant 16 : i32
    %add3A_2360 = vector.broadcast %add3A_2359 : i32 to vector<16xi32>
    %add3A_2361 = arith.addi %and3A_2280, %add3A_2360 : vector<16xi32>
    %select_n3A_2362 = arith.select %lt3A_2358, %add3A_2361, %and3A_2280 : vector<16xi1>, vector<16xi32>
    %broadcast_in_dim3A_2363 = vector.shape_cast %select_n3A_2362 : vector<16xi32> to vector<16x1xi32>
    %gather3A_2364 = vector.shape_cast %broadcast_in_dim3A_2363 : vector<16x1xi32> to vector<16xi32>
    %gather3A_2365 = tpu.dynamic_gather %get3A_19[%gather3A_2364] in [0] : vector<16xf32>, vector<16xi32> -> vector<16xf32>
    %eq3A_2366 = arith.constant 5 : i32
    %eq3A_2367 = vector.broadcast %eq3A_2366 : i32 to vector<16xi32>
    %eq3A_2368 = arith.cmpi eq, %shift_right_logical3A_2283, %eq3A_2367 : vector<16xi32>
    %select_n3A_2369 = arith.select %eq3A_2368, %gather3A_2365, %select_n3A_2355 : vector<16xi1>, vector<16xf32>
    %lt3A_2370 = arith.constant 0 : i32
    %lt3A_2371 = vector.broadcast %lt3A_2370 : i32 to vector<16xi32>
    %lt3A_2372 = arith.cmpi slt, %and3A_2280, %lt3A_2371 : vector<16xi32>
    %add3A_2373 = arith.constant 16 : i32
    %add3A_2374 = vector.broadcast %add3A_2373 : i32 to vector<16xi32>
    %add3A_2375 = arith.addi %and3A_2280, %add3A_2374 : vector<16xi32>
    %select_n3A_2376 = arith.select %lt3A_2372, %add3A_2375, %and3A_2280 : vector<16xi1>, vector<16xi32>
    %broadcast_in_dim3A_2377 = vector.shape_cast %select_n3A_2376 : vector<16xi32> to vector<16x1xi32>
    %gather3A_2378 = vector.shape_cast %broadcast_in_dim3A_2377 : vector<16x1xi32> to vector<16xi32>
    %gather3A_2379 = tpu.dynamic_gather %get3A_22[%gather3A_2378] in [0] : vector<16xf32>, vector<16xi32> -> vector<16xf32>
    %eq3A_2380 = arith.constant 6 : i32
    %eq3A_2381 = vector.broadcast %eq3A_2380 : i32 to vector<16xi32>
    %eq3A_2382 = arith.cmpi eq, %shift_right_logical3A_2283, %eq3A_2381 : vector<16xi32>
    %select_n3A_2383 = arith.select %eq3A_2382, %gather3A_2379, %select_n3A_2369 : vector<16xi1>, vector<16xf32>
    %swap3A_2384 = arith.constant 320 : index
    %swap3A_2385 = tpu.vector_load %arg7[%swap3A_2384] {strides = array<i32>} : memref<512xf32, #tpu.memory_space<vmem>>, vector<16xf32>,
    %swap3A_2386 = vector.shape_cast %swap3A_2385 : vector<16xf32> to vector<16xf32>
    %swap3A_2387 = vector.shape_cast %select_n3A_2383 : vector<16xf32> to vector<16xf32>
    tpu.vector_store %arg7[%swap3A_2384], %swap3A_2387 {strides = array<i32>} : memref<512xf32, #tpu.memory_space<vmem>>, vector<16xf32>,
    %get3A_2388 = arith.constant 336 : index
    %get3A_2389 = tpu.vector_load %arg5[%get3A_2388] {strides = array<i32>} : memref<512xi32, #tpu.memory_space<vmem>>, vector<16xi32>,
    %get3A_2390 = vector.shape_cast %get3A_2389 : vector<16xi32> to vector<16xi32>
    %and3A_2391 = arith.constant 15 : i32
    %and3A_2392 = vector.broadcast %and3A_2391 : i32 to vector<16xi32>
    %and3A_2393 = arith.andi %get3A_2390, %and3A_2392 : vector<16xi32>
    %shift_right_logical3A_2394 = arith.constant 4 : i32
    %shift_right_logical3A_2395 = vector.broadcast %shift_right_logical3A_2394 : i32 to vector<16xi32>
    %shift_right_logical3A_2396 = arith.shrui %get3A_2390, %shift_right_logical3A_2395 : vector<16xi32>
    %broadcast_in_dim3A_2397 = arith.constant 0.000000e+00 : f32
    %broadcast_in_dim3A_2398 = vector.broadcast %broadcast_in_dim3A_2397 : f32 to vector<16xf32>
    %lt3A_2399 = arith.constant 0 : i32
    %lt3A_2400 = vector.broadcast %lt3A_2399 : i32 to vector<16xi32>
    %lt3A_2401 = arith.cmpi slt, %and3A_2393, %lt3A_2400 : vector<16xi32>
    %add3A_2402 = arith.constant 16 : i32
    %add3A_2403 = vector.broadcast %add3A_2402 : i32 to vector<16xi32>
    %add3A_2404 = arith.addi %and3A_2393, %add3A_2403 : vector<16xi32>
    %select_n3A_2405 = arith.select %lt3A_2401, %add3A_2404, %and3A_2393 : vector<16xi1>, vector<16xi32>
    %broadcast_in_dim3A_2406 = vector.shape_cast %select_n3A_2405 : vector<16xi32> to vector<16x1xi32>
    %gather3A_2407 = vector.shape_cast %broadcast_in_dim3A_2406 : vector<16x1xi32> to vector<16xi32>
    %gather3A_2408 = tpu.dynamic_gather %get3A_4[%gather3A_2407] in [0] : vector<16xf32>, vector<16xi32> -> vector<16xf32>
    %eq3A_2409 = arith.constant 0 : i32
    %eq3A_2410 = vector.broadcast %eq3A_2409 : i32 to vector<16xi32>
    %eq3A_2411 = arith.cmpi eq, %shift_right_logical3A_2396, %eq3A_2410 : vector<16xi32>
    %select_n3A_2412 = arith.select %eq3A_2411, %gather3A_2408, %broadcast_in_dim3A_2398 : vector<16xi1>, vector<16xf32>
    %lt3A_2413 = arith.constant 0 : i32
    %lt3A_2414 = vector.broadcast %lt3A_2413 : i32 to vector<16xi32>
    %lt3A_2415 = arith.cmpi slt, %and3A_2393, %lt3A_2414 : vector<16xi32>
    %add3A_2416 = arith.constant 16 : i32
    %add3A_2417 = vector.broadcast %add3A_2416 : i32 to vector<16xi32>
    %add3A_2418 = arith.addi %and3A_2393, %add3A_2417 : vector<16xi32>
    %select_n3A_2419 = arith.select %lt3A_2415, %add3A_2418, %and3A_2393 : vector<16xi1>, vector<16xi32>
    %broadcast_in_dim3A_2420 = vector.shape_cast %select_n3A_2419 : vector<16xi32> to vector<16x1xi32>
    %gather3A_2421 = vector.shape_cast %broadcast_in_dim3A_2420 : vector<16x1xi32> to vector<16xi32>
    %gather3A_2422 = tpu.dynamic_gather %get3A_7[%gather3A_2421] in [0] : vector<16xf32>, vector<16xi32> -> vector<16xf32>
    %eq3A_2423 = arith.constant 1 : i32
    %eq3A_2424 = vector.broadcast %eq3A_2423 : i32 to vector<16xi32>
    %eq3A_2425 = arith.cmpi eq, %shift_right_logical3A_2396, %eq3A_2424 : vector<16xi32>
    %select_n3A_2426 = arith.select %eq3A_2425, %gather3A_2422, %select_n3A_2412 : vector<16xi1>, vector<16xf32>
    %lt3A_2427 = arith.constant 0 : i32
    %lt3A_2428 = vector.broadcast %lt3A_2427 : i32 to vector<16xi32>
    %lt3A_2429 = arith.cmpi slt, %and3A_2393, %lt3A_2428 : vector<16xi32>
    %add3A_2430 = arith.constant 16 : i32
    %add3A_2431 = vector.broadcast %add3A_2430 : i32 to vector<16xi32>
    %add3A_2432 = arith.addi %and3A_2393, %add3A_2431 : vector<16xi32>
    %select_n3A_2433 = arith.select %lt3A_2429, %add3A_2432, %and3A_2393 : vector<16xi1>, vector<16xi32>
    %broadcast_in_dim3A_2434 = vector.shape_cast %select_n3A_2433 : vector<16xi32> to vector<16x1xi32>
    %gather3A_2435 = vector.shape_cast %broadcast_in_dim3A_2434 : vector<16x1xi32> to vector<16xi32>
    %gather3A_2436 = tpu.dynamic_gather %get3A_10[%gather3A_2435] in [0] : vector<16xf32>, vector<16xi32> -> vector<16xf32>
    %eq3A_2437 = arith.constant 2 : i32
    %eq3A_2438 = vector.broadcast %eq3A_2437 : i32 to vector<16xi32>
    %eq3A_2439 = arith.cmpi eq, %shift_right_logical3A_2396, %eq3A_2438 : vector<16xi32>
    %select_n3A_2440 = arith.select %eq3A_2439, %gather3A_2436, %select_n3A_2426 : vector<16xi1>, vector<16xf32>
    %lt3A_2441 = arith.constant 0 : i32
    %lt3A_2442 = vector.broadcast %lt3A_2441 : i32 to vector<16xi32>
    %lt3A_2443 = arith.cmpi slt, %and3A_2393, %lt3A_2442 : vector<16xi32>
    %add3A_2444 = arith.constant 16 : i32
    %add3A_2445 = vector.broadcast %add3A_2444 : i32 to vector<16xi32>
    %add3A_2446 = arith.addi %and3A_2393, %add3A_2445 : vector<16xi32>
    %select_n3A_2447 = arith.select %lt3A_2443, %add3A_2446, %and3A_2393 : vector<16xi1>, vector<16xi32>
    %broadcast_in_dim3A_2448 = vector.shape_cast %select_n3A_2447 : vector<16xi32> to vector<16x1xi32>
    %gather3A_2449 = vector.shape_cast %broadcast_in_dim3A_2448 : vector<16x1xi32> to vector<16xi32>
    %gather3A_2450 = tpu.dynamic_gather %get3A_13[%gather3A_2449] in [0] : vector<16xf32>, vector<16xi32> -> vector<16xf32>
    %eq3A_2451 = arith.constant 3 : i32
    %eq3A_2452 = vector.broadcast %eq3A_2451 : i32 to vector<16xi32>
    %eq3A_2453 = arith.cmpi eq, %shift_right_logical3A_2396, %eq3A_2452 : vector<16xi32>
    %select_n3A_2454 = arith.select %eq3A_2453, %gather3A_2450, %select_n3A_2440 : vector<16xi1>, vector<16xf32>
    %lt3A_2455 = arith.constant 0 : i32
    %lt3A_2456 = vector.broadcast %lt3A_2455 : i32 to vector<16xi32>
    %lt3A_2457 = arith.cmpi slt, %and3A_2393, %lt3A_2456 : vector<16xi32>
    %add3A_2458 = arith.constant 16 : i32
    %add3A_2459 = vector.broadcast %add3A_2458 : i32 to vector<16xi32>
    %add3A_2460 = arith.addi %and3A_2393, %add3A_2459 : vector<16xi32>
    %select_n3A_2461 = arith.select %lt3A_2457, %add3A_2460, %and3A_2393 : vector<16xi1>, vector<16xi32>
    %broadcast_in_dim3A_2462 = vector.shape_cast %select_n3A_2461 : vector<16xi32> to vector<16x1xi32>
    %gather3A_2463 = vector.shape_cast %broadcast_in_dim3A_2462 : vector<16x1xi32> to vector<16xi32>
    %gather3A_2464 = tpu.dynamic_gather %get3A_16[%gather3A_2463] in [0] : vector<16xf32>, vector<16xi32> -> vector<16xf32>
    %eq3A_2465 = arith.constant 4 : i32
    %eq3A_2466 = vector.broadcast %eq3A_2465 : i32 to vector<16xi32>
    %eq3A_2467 = arith.cmpi eq, %shift_right_logical3A_2396, %eq3A_2466 : vector<16xi32>
    %select_n3A_2468 = arith.select %eq3A_2467, %gather3A_2464, %select_n3A_2454 : vector<16xi1>, vector<16xf32>
    %lt3A_2469 = arith.constant 0 : i32
    %lt3A_2470 = vector.broadcast %lt3A_2469 : i32 to vector<16xi32>
    %lt3A_2471 = arith.cmpi slt, %and3A_2393, %lt3A_2470 : vector<16xi32>
    %add3A_2472 = arith.constant 16 : i32
    %add3A_2473 = vector.broadcast %add3A_2472 : i32 to vector<16xi32>
    %add3A_2474 = arith.addi %and3A_2393, %add3A_2473 : vector<16xi32>
    %select_n3A_2475 = arith.select %lt3A_2471, %add3A_2474, %and3A_2393 : vector<16xi1>, vector<16xi32>
    %broadcast_in_dim3A_2476 = vector.shape_cast %select_n3A_2475 : vector<16xi32> to vector<16x1xi32>
    %gather3A_2477 = vector.shape_cast %broadcast_in_dim3A_2476 : vector<16x1xi32> to vector<16xi32>
    %gather3A_2478 = tpu.dynamic_gather %get3A_19[%gather3A_2477] in [0] : vector<16xf32>, vector<16xi32> -> vector<16xf32>
    %eq3A_2479 = arith.constant 5 : i32
    %eq3A_2480 = vector.broadcast %eq3A_2479 : i32 to vector<16xi32>
    %eq3A_2481 = arith.cmpi eq, %shift_right_logical3A_2396, %eq3A_2480 : vector<16xi32>
    %select_n3A_2482 = arith.select %eq3A_2481, %gather3A_2478, %select_n3A_2468 : vector<16xi1>, vector<16xf32>
    %lt3A_2483 = arith.constant 0 : i32
    %lt3A_2484 = vector.broadcast %lt3A_2483 : i32 to vector<16xi32>
    %lt3A_2485 = arith.cmpi slt, %and3A_2393, %lt3A_2484 : vector<16xi32>
    %add3A_2486 = arith.constant 16 : i32
    %add3A_2487 = vector.broadcast %add3A_2486 : i32 to vector<16xi32>
    %add3A_2488 = arith.addi %and3A_2393, %add3A_2487 : vector<16xi32>
    %select_n3A_2489 = arith.select %lt3A_2485, %add3A_2488, %and3A_2393 : vector<16xi1>, vector<16xi32>
    %broadcast_in_dim3A_2490 = vector.shape_cast %select_n3A_2489 : vector<16xi32> to vector<16x1xi32>
    %gather3A_2491 = vector.shape_cast %broadcast_in_dim3A_2490 : vector<16x1xi32> to vector<16xi32>
    %gather3A_2492 = tpu.dynamic_gather %get3A_22[%gather3A_2491] in [0] : vector<16xf32>, vector<16xi32> -> vector<16xf32>
    %eq3A_2493 = arith.constant 6 : i32
    %eq3A_2494 = vector.broadcast %eq3A_2493 : i32 to vector<16xi32>
    %eq3A_2495 = arith.cmpi eq, %shift_right_logical3A_2396, %eq3A_2494 : vector<16xi32>
    %select_n3A_2496 = arith.select %eq3A_2495, %gather3A_2492, %select_n3A_2482 : vector<16xi1>, vector<16xf32>
    %swap3A_2497 = arith.constant 336 : index
    %swap3A_2498 = tpu.vector_load %arg7[%swap3A_2497] {strides = array<i32>} : memref<512xf32, #tpu.memory_space<vmem>>, vector<16xf32>,
    %swap3A_2499 = vector.shape_cast %swap3A_2498 : vector<16xf32> to vector<16xf32>
    %swap3A_2500 = vector.shape_cast %select_n3A_2496 : vector<16xf32> to vector<16xf32>
    tpu.vector_store %arg7[%swap3A_2497], %swap3A_2500 {strides = array<i32>} : memref<512xf32, #tpu.memory_space<vmem>>, vector<16xf32>,
    %get3A_2501 = arith.constant 352 : index
    %get3A_2502 = tpu.vector_load %arg5[%get3A_2501] {strides = array<i32>} : memref<512xi32, #tpu.memory_space<vmem>>, vector<16xi32>,
    %get3A_2503 = vector.shape_cast %get3A_2502 : vector<16xi32> to vector<16xi32>
    %and3A_2504 = arith.constant 15 : i32
    %and3A_2505 = vector.broadcast %and3A_2504 : i32 to vector<16xi32>
    %and3A_2506 = arith.andi %get3A_2503, %and3A_2505 : vector<16xi32>
    %shift_right_logical3A_2507 = arith.constant 4 : i32
    %shift_right_logical3A_2508 = vector.broadcast %shift_right_logical3A_2507 : i32 to vector<16xi32>
    %shift_right_logical3A_2509 = arith.shrui %get3A_2503, %shift_right_logical3A_2508 : vector<16xi32>
    %broadcast_in_dim3A_2510 = arith.constant 0.000000e+00 : f32
    %broadcast_in_dim3A_2511 = vector.broadcast %broadcast_in_dim3A_2510 : f32 to vector<16xf32>
    %lt3A_2512 = arith.constant 0 : i32
    %lt3A_2513 = vector.broadcast %lt3A_2512 : i32 to vector<16xi32>
    %lt3A_2514 = arith.cmpi slt, %and3A_2506, %lt3A_2513 : vector<16xi32>
    %add3A_2515 = arith.constant 16 : i32
    %add3A_2516 = vector.broadcast %add3A_2515 : i32 to vector<16xi32>
    %add3A_2517 = arith.addi %and3A_2506, %add3A_2516 : vector<16xi32>
    %select_n3A_2518 = arith.select %lt3A_2514, %add3A_2517, %and3A_2506 : vector<16xi1>, vector<16xi32>
    %broadcast_in_dim3A_2519 = vector.shape_cast %select_n3A_2518 : vector<16xi32> to vector<16x1xi32>
    %gather3A_2520 = vector.shape_cast %broadcast_in_dim3A_2519 : vector<16x1xi32> to vector<16xi32>
    %gather3A_2521 = tpu.dynamic_gather %get3A_4[%gather3A_2520] in [0] : vector<16xf32>, vector<16xi32> -> vector<16xf32>
    %eq3A_2522 = arith.constant 0 : i32
    %eq3A_2523 = vector.broadcast %eq3A_2522 : i32 to vector<16xi32>
    %eq3A_2524 = arith.cmpi eq, %shift_right_logical3A_2509, %eq3A_2523 : vector<16xi32>
    %select_n3A_2525 = arith.select %eq3A_2524, %gather3A_2521, %broadcast_in_dim3A_2511 : vector<16xi1>, vector<16xf32>
    %lt3A_2526 = arith.constant 0 : i32
    %lt3A_2527 = vector.broadcast %lt3A_2526 : i32 to vector<16xi32>
    %lt3A_2528 = arith.cmpi slt, %and3A_2506, %lt3A_2527 : vector<16xi32>
    %add3A_2529 = arith.constant 16 : i32
    %add3A_2530 = vector.broadcast %add3A_2529 : i32 to vector<16xi32>
    %add3A_2531 = arith.addi %and3A_2506, %add3A_2530 : vector<16xi32>
    %select_n3A_2532 = arith.select %lt3A_2528, %add3A_2531, %and3A_2506 : vector<16xi1>, vector<16xi32>
    %broadcast_in_dim3A_2533 = vector.shape_cast %select_n3A_2532 : vector<16xi32> to vector<16x1xi32>
    %gather3A_2534 = vector.shape_cast %broadcast_in_dim3A_2533 : vector<16x1xi32> to vector<16xi32>
    %gather3A_2535 = tpu.dynamic_gather %get3A_7[%gather3A_2534] in [0] : vector<16xf32>, vector<16xi32> -> vector<16xf32>
    %eq3A_2536 = arith.constant 1 : i32
    %eq3A_2537 = vector.broadcast %eq3A_2536 : i32 to vector<16xi32>
    %eq3A_2538 = arith.cmpi eq, %shift_right_logical3A_2509, %eq3A_2537 : vector<16xi32>
    %select_n3A_2539 = arith.select %eq3A_2538, %gather3A_2535, %select_n3A_2525 : vector<16xi1>, vector<16xf32>
    %lt3A_2540 = arith.constant 0 : i32
    %lt3A_2541 = vector.broadcast %lt3A_2540 : i32 to vector<16xi32>
    %lt3A_2542 = arith.cmpi slt, %and3A_2506, %lt3A_2541 : vector<16xi32>
    %add3A_2543 = arith.constant 16 : i32
    %add3A_2544 = vector.broadcast %add3A_2543 : i32 to vector<16xi32>
    %add3A_2545 = arith.addi %and3A_2506, %add3A_2544 : vector<16xi32>
    %select_n3A_2546 = arith.select %lt3A_2542, %add3A_2545, %and3A_2506 : vector<16xi1>, vector<16xi32>
    %broadcast_in_dim3A_2547 = vector.shape_cast %select_n3A_2546 : vector<16xi32> to vector<16x1xi32>
    %gather3A_2548 = vector.shape_cast %broadcast_in_dim3A_2547 : vector<16x1xi32> to vector<16xi32>
    %gather3A_2549 = tpu.dynamic_gather %get3A_10[%gather3A_2548] in [0] : vector<16xf32>, vector<16xi32> -> vector<16xf32>
    %eq3A_2550 = arith.constant 2 : i32
    %eq3A_2551 = vector.broadcast %eq3A_2550 : i32 to vector<16xi32>
    %eq3A_2552 = arith.cmpi eq, %shift_right_logical3A_2509, %eq3A_2551 : vector<16xi32>
    %select_n3A_2553 = arith.select %eq3A_2552, %gather3A_2549, %select_n3A_2539 : vector<16xi1>, vector<16xf32>
    %lt3A_2554 = arith.constant 0 : i32
    %lt3A_2555 = vector.broadcast %lt3A_2554 : i32 to vector<16xi32>
    %lt3A_2556 = arith.cmpi slt, %and3A_2506, %lt3A_2555 : vector<16xi32>
    %add3A_2557 = arith.constant 16 : i32
    %add3A_2558 = vector.broadcast %add3A_2557 : i32 to vector<16xi32>
    %add3A_2559 = arith.addi %and3A_2506, %add3A_2558 : vector<16xi32>
    %select_n3A_2560 = arith.select %lt3A_2556, %add3A_2559, %and3A_2506 : vector<16xi1>, vector<16xi32>
    %broadcast_in_dim3A_2561 = vector.shape_cast %select_n3A_2560 : vector<16xi32> to vector<16x1xi32>
    %gather3A_2562 = vector.shape_cast %broadcast_in_dim3A_2561 : vector<16x1xi32> to vector<16xi32>
    %gather3A_2563 = tpu.dynamic_gather %get3A_13[%gather3A_2562] in [0] : vector<16xf32>, vector<16xi32> -> vector<16xf32>
    %eq3A_2564 = arith.constant 3 : i32
    %eq3A_2565 = vector.broadcast %eq3A_2564 : i32 to vector<16xi32>
    %eq3A_2566 = arith.cmpi eq, %shift_right_logical3A_2509, %eq3A_2565 : vector<16xi32>
    %select_n3A_2567 = arith.select %eq3A_2566, %gather3A_2563, %select_n3A_2553 : vector<16xi1>, vector<16xf32>
    %lt3A_2568 = arith.constant 0 : i32
    %lt3A_2569 = vector.broadcast %lt3A_2568 : i32 to vector<16xi32>
    %lt3A_2570 = arith.cmpi slt, %and3A_2506, %lt3A_2569 : vector<16xi32>
    %add3A_2571 = arith.constant 16 : i32
    %add3A_2572 = vector.broadcast %add3A_2571 : i32 to vector<16xi32>
    %add3A_2573 = arith.addi %and3A_2506, %add3A_2572 : vector<16xi32>
    %select_n3A_2574 = arith.select %lt3A_2570, %add3A_2573, %and3A_2506 : vector<16xi1>, vector<16xi32>
    %broadcast_in_dim3A_2575 = vector.shape_cast %select_n3A_2574 : vector<16xi32> to vector<16x1xi32>
    %gather3A_2576 = vector.shape_cast %broadcast_in_dim3A_2575 : vector<16x1xi32> to vector<16xi32>
    %gather3A_2577 = tpu.dynamic_gather %get3A_16[%gather3A_2576] in [0] : vector<16xf32>, vector<16xi32> -> vector<16xf32>
    %eq3A_2578 = arith.constant 4 : i32
    %eq3A_2579 = vector.broadcast %eq3A_2578 : i32 to vector<16xi32>
    %eq3A_2580 = arith.cmpi eq, %shift_right_logical3A_2509, %eq3A_2579 : vector<16xi32>
    %select_n3A_2581 = arith.select %eq3A_2580, %gather3A_2577, %select_n3A_2567 : vector<16xi1>, vector<16xf32>
    %lt3A_2582 = arith.constant 0 : i32
    %lt3A_2583 = vector.broadcast %lt3A_2582 : i32 to vector<16xi32>
    %lt3A_2584 = arith.cmpi slt, %and3A_2506, %lt3A_2583 : vector<16xi32>
    %add3A_2585 = arith.constant 16 : i32
    %add3A_2586 = vector.broadcast %add3A_2585 : i32 to vector<16xi32>
    %add3A_2587 = arith.addi %and3A_2506, %add3A_2586 : vector<16xi32>
    %select_n3A_2588 = arith.select %lt3A_2584, %add3A_2587, %and3A_2506 : vector<16xi1>, vector<16xi32>
    %broadcast_in_dim3A_2589 = vector.shape_cast %select_n3A_2588 : vector<16xi32> to vector<16x1xi32>
    %gather3A_2590 = vector.shape_cast %broadcast_in_dim3A_2589 : vector<16x1xi32> to vector<16xi32>
    %gather3A_2591 = tpu.dynamic_gather %get3A_19[%gather3A_2590] in [0] : vector<16xf32>, vector<16xi32> -> vector<16xf32>
    %eq3A_2592 = arith.constant 5 : i32
    %eq3A_2593 = vector.broadcast %eq3A_2592 : i32 to vector<16xi32>
    %eq3A_2594 = arith.cmpi eq, %shift_right_logical3A_2509, %eq3A_2593 : vector<16xi32>
    %select_n3A_2595 = arith.select %eq3A_2594, %gather3A_2591, %select_n3A_2581 : vector<16xi1>, vector<16xf32>
    %lt3A_2596 = arith.constant 0 : i32
    %lt3A_2597 = vector.broadcast %lt3A_2596 : i32 to vector<16xi32>
    %lt3A_2598 = arith.cmpi slt, %and3A_2506, %lt3A_2597 : vector<16xi32>
    %add3A_2599 = arith.constant 16 : i32
    %add3A_2600 = vector.broadcast %add3A_2599 : i32 to vector<16xi32>
    %add3A_2601 = arith.addi %and3A_2506, %add3A_2600 : vector<16xi32>
    %select_n3A_2602 = arith.select %lt3A_2598, %add3A_2601, %and3A_2506 : vector<16xi1>, vector<16xi32>
    %broadcast_in_dim3A_2603 = vector.shape_cast %select_n3A_2602 : vector<16xi32> to vector<16x1xi32>
    %gather3A_2604 = vector.shape_cast %broadcast_in_dim3A_2603 : vector<16x1xi32> to vector<16xi32>
    %gather3A_2605 = tpu.dynamic_gather %get3A_22[%gather3A_2604] in [0] : vector<16xf32>, vector<16xi32> -> vector<16xf32>
    %eq3A_2606 = arith.constant 6 : i32
    %eq3A_2607 = vector.broadcast %eq3A_2606 : i32 to vector<16xi32>
    %eq3A_2608 = arith.cmpi eq, %shift_right_logical3A_2509, %eq3A_2607 : vector<16xi32>
    %select_n3A_2609 = arith.select %eq3A_2608, %gather3A_2605, %select_n3A_2595 : vector<16xi1>, vector<16xf32>
    %swap3A_2610 = arith.constant 352 : index
    %swap3A_2611 = tpu.vector_load %arg7[%swap3A_2610] {strides = array<i32>} : memref<512xf32, #tpu.memory_space<vmem>>, vector<16xf32>,
    %swap3A_2612 = vector.shape_cast %swap3A_2611 : vector<16xf32> to vector<16xf32>
    %swap3A_2613 = vector.shape_cast %select_n3A_2609 : vector<16xf32> to vector<16xf32>
    tpu.vector_store %arg7[%swap3A_2610], %swap3A_2613 {strides = array<i32>} : memref<512xf32, #tpu.memory_space<vmem>>, vector<16xf32>,
    %get3A_2614 = arith.constant 368 : index
    %get3A_2615 = tpu.vector_load %arg5[%get3A_2614] {strides = array<i32>} : memref<512xi32, #tpu.memory_space<vmem>>, vector<16xi32>,
    %get3A_2616 = vector.shape_cast %get3A_2615 : vector<16xi32> to vector<16xi32>
    %and3A_2617 = arith.constant 15 : i32
    %and3A_2618 = vector.broadcast %and3A_2617 : i32 to vector<16xi32>
    %and3A_2619 = arith.andi %get3A_2616, %and3A_2618 : vector<16xi32>
    %shift_right_logical3A_2620 = arith.constant 4 : i32
    %shift_right_logical3A_2621 = vector.broadcast %shift_right_logical3A_2620 : i32 to vector<16xi32>
    %shift_right_logical3A_2622 = arith.shrui %get3A_2616, %shift_right_logical3A_2621 : vector<16xi32>
    %broadcast_in_dim3A_2623 = arith.constant 0.000000e+00 : f32
    %broadcast_in_dim3A_2624 = vector.broadcast %broadcast_in_dim3A_2623 : f32 to vector<16xf32>
    %lt3A_2625 = arith.constant 0 : i32
    %lt3A_2626 = vector.broadcast %lt3A_2625 : i32 to vector<16xi32>
    %lt3A_2627 = arith.cmpi slt, %and3A_2619, %lt3A_2626 : vector<16xi32>
    %add3A_2628 = arith.constant 16 : i32
    %add3A_2629 = vector.broadcast %add3A_2628 : i32 to vector<16xi32>
    %add3A_2630 = arith.addi %and3A_2619, %add3A_2629 : vector<16xi32>
    %select_n3A_2631 = arith.select %lt3A_2627, %add3A_2630, %and3A_2619 : vector<16xi1>, vector<16xi32>
    %broadcast_in_dim3A_2632 = vector.shape_cast %select_n3A_2631 : vector<16xi32> to vector<16x1xi32>
    %gather3A_2633 = vector.shape_cast %broadcast_in_dim3A_2632 : vector<16x1xi32> to vector<16xi32>
    %gather3A_2634 = tpu.dynamic_gather %get3A_4[%gather3A_2633] in [0] : vector<16xf32>, vector<16xi32> -> vector<16xf32>
    %eq3A_2635 = arith.constant 0 : i32
    %eq3A_2636 = vector.broadcast %eq3A_2635 : i32 to vector<16xi32>
    %eq3A_2637 = arith.cmpi eq, %shift_right_logical3A_2622, %eq3A_2636 : vector<16xi32>
    %select_n3A_2638 = arith.select %eq3A_2637, %gather3A_2634, %broadcast_in_dim3A_2624 : vector<16xi1>, vector<16xf32>
    %lt3A_2639 = arith.constant 0 : i32
    %lt3A_2640 = vector.broadcast %lt3A_2639 : i32 to vector<16xi32>
    %lt3A_2641 = arith.cmpi slt, %and3A_2619, %lt3A_2640 : vector<16xi32>
    %add3A_2642 = arith.constant 16 : i32
    %add3A_2643 = vector.broadcast %add3A_2642 : i32 to vector<16xi32>
    %add3A_2644 = arith.addi %and3A_2619, %add3A_2643 : vector<16xi32>
    %select_n3A_2645 = arith.select %lt3A_2641, %add3A_2644, %and3A_2619 : vector<16xi1>, vector<16xi32>
    %broadcast_in_dim3A_2646 = vector.shape_cast %select_n3A_2645 : vector<16xi32> to vector<16x1xi32>
    %gather3A_2647 = vector.shape_cast %broadcast_in_dim3A_2646 : vector<16x1xi32> to vector<16xi32>
    %gather3A_2648 = tpu.dynamic_gather %get3A_7[%gather3A_2647] in [0] : vector<16xf32>, vector<16xi32> -> vector<16xf32>
    %eq3A_2649 = arith.constant 1 : i32
    %eq3A_2650 = vector.broadcast %eq3A_2649 : i32 to vector<16xi32>
    %eq3A_2651 = arith.cmpi eq, %shift_right_logical3A_2622, %eq3A_2650 : vector<16xi32>
    %select_n3A_2652 = arith.select %eq3A_2651, %gather3A_2648, %select_n3A_2638 : vector<16xi1>, vector<16xf32>
    %lt3A_2653 = arith.constant 0 : i32
    %lt3A_2654 = vector.broadcast %lt3A_2653 : i32 to vector<16xi32>
    %lt3A_2655 = arith.cmpi slt, %and3A_2619, %lt3A_2654 : vector<16xi32>
    %add3A_2656 = arith.constant 16 : i32
    %add3A_2657 = vector.broadcast %add3A_2656 : i32 to vector<16xi32>
    %add3A_2658 = arith.addi %and3A_2619, %add3A_2657 : vector<16xi32>
    %select_n3A_2659 = arith.select %lt3A_2655, %add3A_2658, %and3A_2619 : vector<16xi1>, vector<16xi32>
    %broadcast_in_dim3A_2660 = vector.shape_cast %select_n3A_2659 : vector<16xi32> to vector<16x1xi32>
    %gather3A_2661 = vector.shape_cast %broadcast_in_dim3A_2660 : vector<16x1xi32> to vector<16xi32>
    %gather3A_2662 = tpu.dynamic_gather %get3A_10[%gather3A_2661] in [0] : vector<16xf32>, vector<16xi32> -> vector<16xf32>
    %eq3A_2663 = arith.constant 2 : i32
    %eq3A_2664 = vector.broadcast %eq3A_2663 : i32 to vector<16xi32>
    %eq3A_2665 = arith.cmpi eq, %shift_right_logical3A_2622, %eq3A_2664 : vector<16xi32>
    %select_n3A_2666 = arith.select %eq3A_2665, %gather3A_2662, %select_n3A_2652 : vector<16xi1>, vector<16xf32>
    %lt3A_2667 = arith.constant 0 : i32
    %lt3A_2668 = vector.broadcast %lt3A_2667 : i32 to vector<16xi32>
    %lt3A_2669 = arith.cmpi slt, %and3A_2619, %lt3A_2668 : vector<16xi32>
    %add3A_2670 = arith.constant 16 : i32
    %add3A_2671 = vector.broadcast %add3A_2670 : i32 to vector<16xi32>
    %add3A_2672 = arith.addi %and3A_2619, %add3A_2671 : vector<16xi32>
    %select_n3A_2673 = arith.select %lt3A_2669, %add3A_2672, %and3A_2619 : vector<16xi1>, vector<16xi32>
    %broadcast_in_dim3A_2674 = vector.shape_cast %select_n3A_2673 : vector<16xi32> to vector<16x1xi32>
    %gather3A_2675 = vector.shape_cast %broadcast_in_dim3A_2674 : vector<16x1xi32> to vector<16xi32>
    %gather3A_2676 = tpu.dynamic_gather %get3A_13[%gather3A_2675] in [0] : vector<16xf32>, vector<16xi32> -> vector<16xf32>
    %eq3A_2677 = arith.constant 3 : i32
    %eq3A_2678 = vector.broadcast %eq3A_2677 : i32 to vector<16xi32>
    %eq3A_2679 = arith.cmpi eq, %shift_right_logical3A_2622, %eq3A_2678 : vector<16xi32>
    %select_n3A_2680 = arith.select %eq3A_2679, %gather3A_2676, %select_n3A_2666 : vector<16xi1>, vector<16xf32>
    %lt3A_2681 = arith.constant 0 : i32
    %lt3A_2682 = vector.broadcast %lt3A_2681 : i32 to vector<16xi32>
    %lt3A_2683 = arith.cmpi slt, %and3A_2619, %lt3A_2682 : vector<16xi32>
    %add3A_2684 = arith.constant 16 : i32
    %add3A_2685 = vector.broadcast %add3A_2684 : i32 to vector<16xi32>
    %add3A_2686 = arith.addi %and3A_2619, %add3A_2685 : vector<16xi32>
    %select_n3A_2687 = arith.select %lt3A_2683, %add3A_2686, %and3A_2619 : vector<16xi1>, vector<16xi32>
    %broadcast_in_dim3A_2688 = vector.shape_cast %select_n3A_2687 : vector<16xi32> to vector<16x1xi32>
    %gather3A_2689 = vector.shape_cast %broadcast_in_dim3A_2688 : vector<16x1xi32> to vector<16xi32>
    %gather3A_2690 = tpu.dynamic_gather %get3A_16[%gather3A_2689] in [0] : vector<16xf32>, vector<16xi32> -> vector<16xf32>
    %eq3A_2691 = arith.constant 4 : i32
    %eq3A_2692 = vector.broadcast %eq3A_2691 : i32 to vector<16xi32>
    %eq3A_2693 = arith.cmpi eq, %shift_right_logical3A_2622, %eq3A_2692 : vector<16xi32>
    %select_n3A_2694 = arith.select %eq3A_2693, %gather3A_2690, %select_n3A_2680 : vector<16xi1>, vector<16xf32>
    %lt3A_2695 = arith.constant 0 : i32
    %lt3A_2696 = vector.broadcast %lt3A_2695 : i32 to vector<16xi32>
    %lt3A_2697 = arith.cmpi slt, %and3A_2619, %lt3A_2696 : vector<16xi32>
    %add3A_2698 = arith.constant 16 : i32
    %add3A_2699 = vector.broadcast %add3A_2698 : i32 to vector<16xi32>
    %add3A_2700 = arith.addi %and3A_2619, %add3A_2699 : vector<16xi32>
    %select_n3A_2701 = arith.select %lt3A_2697, %add3A_2700, %and3A_2619 : vector<16xi1>, vector<16xi32>
    %broadcast_in_dim3A_2702 = vector.shape_cast %select_n3A_2701 : vector<16xi32> to vector<16x1xi32>
    %gather3A_2703 = vector.shape_cast %broadcast_in_dim3A_2702 : vector<16x1xi32> to vector<16xi32>
    %gather3A_2704 = tpu.dynamic_gather %get3A_19[%gather3A_2703] in [0] : vector<16xf32>, vector<16xi32> -> vector<16xf32>
    %eq3A_2705 = arith.constant 5 : i32
    %eq3A_2706 = vector.broadcast %eq3A_2705 : i32 to vector<16xi32>
    %eq3A_2707 = arith.cmpi eq, %shift_right_logical3A_2622, %eq3A_2706 : vector<16xi32>
    %select_n3A_2708 = arith.select %eq3A_2707, %gather3A_2704, %select_n3A_2694 : vector<16xi1>, vector<16xf32>
    %lt3A_2709 = arith.constant 0 : i32
    %lt3A_2710 = vector.broadcast %lt3A_2709 : i32 to vector<16xi32>
    %lt3A_2711 = arith.cmpi slt, %and3A_2619, %lt3A_2710 : vector<16xi32>
    %add3A_2712 = arith.constant 16 : i32
    %add3A_2713 = vector.broadcast %add3A_2712 : i32 to vector<16xi32>
    %add3A_2714 = arith.addi %and3A_2619, %add3A_2713 : vector<16xi32>
    %select_n3A_2715 = arith.select %lt3A_2711, %add3A_2714, %and3A_2619 : vector<16xi1>, vector<16xi32>
    %broadcast_in_dim3A_2716 = vector.shape_cast %select_n3A_2715 : vector<16xi32> to vector<16x1xi32>
    %gather3A_2717 = vector.shape_cast %broadcast_in_dim3A_2716 : vector<16x1xi32> to vector<16xi32>
    %gather3A_2718 = tpu.dynamic_gather %get3A_22[%gather3A_2717] in [0] : vector<16xf32>, vector<16xi32> -> vector<16xf32>
    %eq3A_2719 = arith.constant 6 : i32
    %eq3A_2720 = vector.broadcast %eq3A_2719 : i32 to vector<16xi32>
    %eq3A_2721 = arith.cmpi eq, %shift_right_logical3A_2622, %eq3A_2720 : vector<16xi32>
    %select_n3A_2722 = arith.select %eq3A_2721, %gather3A_2718, %select_n3A_2708 : vector<16xi1>, vector<16xf32>
    %swap3A_2723 = arith.constant 368 : index
    %swap3A_2724 = tpu.vector_load %arg7[%swap3A_2723] {strides = array<i32>} : memref<512xf32, #tpu.memory_space<vmem>>, vector<16xf32>,
    %swap3A_2725 = vector.shape_cast %swap3A_2724 : vector<16xf32> to vector<16xf32>
    %swap3A_2726 = vector.shape_cast %select_n3A_2722 : vector<16xf32> to vector<16xf32>
    tpu.vector_store %arg7[%swap3A_2723], %swap3A_2726 {strides = array<i32>} : memref<512xf32, #tpu.memory_space<vmem>>, vector<16xf32>,
    %get3A_2727 = arith.constant 384 : index
    %get3A_2728 = tpu.vector_load %arg5[%get3A_2727] {strides = array<i32>} : memref<512xi32, #tpu.memory_space<vmem>>, vector<16xi32>,
    %get3A_2729 = vector.shape_cast %get3A_2728 : vector<16xi32> to vector<16xi32>
    %and3A_2730 = arith.constant 15 : i32
    %and3A_2731 = vector.broadcast %and3A_2730 : i32 to vector<16xi32>
    %and3A_2732 = arith.andi %get3A_2729, %and3A_2731 : vector<16xi32>
    %shift_right_logical3A_2733 = arith.constant 4 : i32
    %shift_right_logical3A_2734 = vector.broadcast %shift_right_logical3A_2733 : i32 to vector<16xi32>
    %shift_right_logical3A_2735 = arith.shrui %get3A_2729, %shift_right_logical3A_2734 : vector<16xi32>
    %broadcast_in_dim3A_2736 = arith.constant 0.000000e+00 : f32
    %broadcast_in_dim3A_2737 = vector.broadcast %broadcast_in_dim3A_2736 : f32 to vector<16xf32>
    %lt3A_2738 = arith.constant 0 : i32
    %lt3A_2739 = vector.broadcast %lt3A_2738 : i32 to vector<16xi32>
    %lt3A_2740 = arith.cmpi slt, %and3A_2732, %lt3A_2739 : vector<16xi32>
    %add3A_2741 = arith.constant 16 : i32
    %add3A_2742 = vector.broadcast %add3A_2741 : i32 to vector<16xi32>
    %add3A_2743 = arith.addi %and3A_2732, %add3A_2742 : vector<16xi32>
    %select_n3A_2744 = arith.select %lt3A_2740, %add3A_2743, %and3A_2732 : vector<16xi1>, vector<16xi32>
    %broadcast_in_dim3A_2745 = vector.shape_cast %select_n3A_2744 : vector<16xi32> to vector<16x1xi32>
    %gather3A_2746 = vector.shape_cast %broadcast_in_dim3A_2745 : vector<16x1xi32> to vector<16xi32>
    %gather3A_2747 = tpu.dynamic_gather %get3A_4[%gather3A_2746] in [0] : vector<16xf32>, vector<16xi32> -> vector<16xf32>
    %eq3A_2748 = arith.constant 0 : i32
    %eq3A_2749 = vector.broadcast %eq3A_2748 : i32 to vector<16xi32>
    %eq3A_2750 = arith.cmpi eq, %shift_right_logical3A_2735, %eq3A_2749 : vector<16xi32>
    %select_n3A_2751 = arith.select %eq3A_2750, %gather3A_2747, %broadcast_in_dim3A_2737 : vector<16xi1>, vector<16xf32>
    %lt3A_2752 = arith.constant 0 : i32
    %lt3A_2753 = vector.broadcast %lt3A_2752 : i32 to vector<16xi32>
    %lt3A_2754 = arith.cmpi slt, %and3A_2732, %lt3A_2753 : vector<16xi32>
    %add3A_2755 = arith.constant 16 : i32
    %add3A_2756 = vector.broadcast %add3A_2755 : i32 to vector<16xi32>
    %add3A_2757 = arith.addi %and3A_2732, %add3A_2756 : vector<16xi32>
    %select_n3A_2758 = arith.select %lt3A_2754, %add3A_2757, %and3A_2732 : vector<16xi1>, vector<16xi32>
    %broadcast_in_dim3A_2759 = vector.shape_cast %select_n3A_2758 : vector<16xi32> to vector<16x1xi32>
    %gather3A_2760 = vector.shape_cast %broadcast_in_dim3A_2759 : vector<16x1xi32> to vector<16xi32>
    %gather3A_2761 = tpu.dynamic_gather %get3A_7[%gather3A_2760] in [0] : vector<16xf32>, vector<16xi32> -> vector<16xf32>
    %eq3A_2762 = arith.constant 1 : i32
    %eq3A_2763 = vector.broadcast %eq3A_2762 : i32 to vector<16xi32>
    %eq3A_2764 = arith.cmpi eq, %shift_right_logical3A_2735, %eq3A_2763 : vector<16xi32>
    %select_n3A_2765 = arith.select %eq3A_2764, %gather3A_2761, %select_n3A_2751 : vector<16xi1>, vector<16xf32>
    %lt3A_2766 = arith.constant 0 : i32
    %lt3A_2767 = vector.broadcast %lt3A_2766 : i32 to vector<16xi32>
    %lt3A_2768 = arith.cmpi slt, %and3A_2732, %lt3A_2767 : vector<16xi32>
    %add3A_2769 = arith.constant 16 : i32
    %add3A_2770 = vector.broadcast %add3A_2769 : i32 to vector<16xi32>
    %add3A_2771 = arith.addi %and3A_2732, %add3A_2770 : vector<16xi32>
    %select_n3A_2772 = arith.select %lt3A_2768, %add3A_2771, %and3A_2732 : vector<16xi1>, vector<16xi32>
    %broadcast_in_dim3A_2773 = vector.shape_cast %select_n3A_2772 : vector<16xi32> to vector<16x1xi32>
    %gather3A_2774 = vector.shape_cast %broadcast_in_dim3A_2773 : vector<16x1xi32> to vector<16xi32>
    %gather3A_2775 = tpu.dynamic_gather %get3A_10[%gather3A_2774] in [0] : vector<16xf32>, vector<16xi32> -> vector<16xf32>
    %eq3A_2776 = arith.constant 2 : i32
    %eq3A_2777 = vector.broadcast %eq3A_2776 : i32 to vector<16xi32>
    %eq3A_2778 = arith.cmpi eq, %shift_right_logical3A_2735, %eq3A_2777 : vector<16xi32>
    %select_n3A_2779 = arith.select %eq3A_2778, %gather3A_2775, %select_n3A_2765 : vector<16xi1>, vector<16xf32>
    %lt3A_2780 = arith.constant 0 : i32
    %lt3A_2781 = vector.broadcast %lt3A_2780 : i32 to vector<16xi32>
    %lt3A_2782 = arith.cmpi slt, %and3A_2732, %lt3A_2781 : vector<16xi32>
    %add3A_2783 = arith.constant 16 : i32
    %add3A_2784 = vector.broadcast %add3A_2783 : i32 to vector<16xi32>
    %add3A_2785 = arith.addi %and3A_2732, %add3A_2784 : vector<16xi32>
    %select_n3A_2786 = arith.select %lt3A_2782, %add3A_2785, %and3A_2732 : vector<16xi1>, vector<16xi32>
    %broadcast_in_dim3A_2787 = vector.shape_cast %select_n3A_2786 : vector<16xi32> to vector<16x1xi32>
    %gather3A_2788 = vector.shape_cast %broadcast_in_dim3A_2787 : vector<16x1xi32> to vector<16xi32>
    %gather3A_2789 = tpu.dynamic_gather %get3A_13[%gather3A_2788] in [0] : vector<16xf32>, vector<16xi32> -> vector<16xf32>
    %eq3A_2790 = arith.constant 3 : i32
    %eq3A_2791 = vector.broadcast %eq3A_2790 : i32 to vector<16xi32>
    %eq3A_2792 = arith.cmpi eq, %shift_right_logical3A_2735, %eq3A_2791 : vector<16xi32>
    %select_n3A_2793 = arith.select %eq3A_2792, %gather3A_2789, %select_n3A_2779 : vector<16xi1>, vector<16xf32>
    %lt3A_2794 = arith.constant 0 : i32
    %lt3A_2795 = vector.broadcast %lt3A_2794 : i32 to vector<16xi32>
    %lt3A_2796 = arith.cmpi slt, %and3A_2732, %lt3A_2795 : vector<16xi32>
    %add3A_2797 = arith.constant 16 : i32
    %add3A_2798 = vector.broadcast %add3A_2797 : i32 to vector<16xi32>
    %add3A_2799 = arith.addi %and3A_2732, %add3A_2798 : vector<16xi32>
    %select_n3A_2800 = arith.select %lt3A_2796, %add3A_2799, %and3A_2732 : vector<16xi1>, vector<16xi32>
    %broadcast_in_dim3A_2801 = vector.shape_cast %select_n3A_2800 : vector<16xi32> to vector<16x1xi32>
    %gather3A_2802 = vector.shape_cast %broadcast_in_dim3A_2801 : vector<16x1xi32> to vector<16xi32>
    %gather3A_2803 = tpu.dynamic_gather %get3A_16[%gather3A_2802] in [0] : vector<16xf32>, vector<16xi32> -> vector<16xf32>
    %eq3A_2804 = arith.constant 4 : i32
    %eq3A_2805 = vector.broadcast %eq3A_2804 : i32 to vector<16xi32>
    %eq3A_2806 = arith.cmpi eq, %shift_right_logical3A_2735, %eq3A_2805 : vector<16xi32>
    %select_n3A_2807 = arith.select %eq3A_2806, %gather3A_2803, %select_n3A_2793 : vector<16xi1>, vector<16xf32>
    %lt3A_2808 = arith.constant 0 : i32
    %lt3A_2809 = vector.broadcast %lt3A_2808 : i32 to vector<16xi32>
    %lt3A_2810 = arith.cmpi slt, %and3A_2732, %lt3A_2809 : vector<16xi32>
    %add3A_2811 = arith.constant 16 : i32
    %add3A_2812 = vector.broadcast %add3A_2811 : i32 to vector<16xi32>
    %add3A_2813 = arith.addi %and3A_2732, %add3A_2812 : vector<16xi32>
    %select_n3A_2814 = arith.select %lt3A_2810, %add3A_2813, %and3A_2732 : vector<16xi1>, vector<16xi32>
    %broadcast_in_dim3A_2815 = vector.shape_cast %select_n3A_2814 : vector<16xi32> to vector<16x1xi32>
    %gather3A_2816 = vector.shape_cast %broadcast_in_dim3A_2815 : vector<16x1xi32> to vector<16xi32>
    %gather3A_2817 = tpu.dynamic_gather %get3A_19[%gather3A_2816] in [0] : vector<16xf32>, vector<16xi32> -> vector<16xf32>
    %eq3A_2818 = arith.constant 5 : i32
    %eq3A_2819 = vector.broadcast %eq3A_2818 : i32 to vector<16xi32>
    %eq3A_2820 = arith.cmpi eq, %shift_right_logical3A_2735, %eq3A_2819 : vector<16xi32>
    %select_n3A_2821 = arith.select %eq3A_2820, %gather3A_2817, %select_n3A_2807 : vector<16xi1>, vector<16xf32>
    %lt3A_2822 = arith.constant 0 : i32
    %lt3A_2823 = vector.broadcast %lt3A_2822 : i32 to vector<16xi32>
    %lt3A_2824 = arith.cmpi slt, %and3A_2732, %lt3A_2823 : vector<16xi32>
    %add3A_2825 = arith.constant 16 : i32
    %add3A_2826 = vector.broadcast %add3A_2825 : i32 to vector<16xi32>
    %add3A_2827 = arith.addi %and3A_2732, %add3A_2826 : vector<16xi32>
    %select_n3A_2828 = arith.select %lt3A_2824, %add3A_2827, %and3A_2732 : vector<16xi1>, vector<16xi32>
    %broadcast_in_dim3A_2829 = vector.shape_cast %select_n3A_2828 : vector<16xi32> to vector<16x1xi32>
    %gather3A_2830 = vector.shape_cast %broadcast_in_dim3A_2829 : vector<16x1xi32> to vector<16xi32>
    %gather3A_2831 = tpu.dynamic_gather %get3A_22[%gather3A_2830] in [0] : vector<16xf32>, vector<16xi32> -> vector<16xf32>
    %eq3A_2832 = arith.constant 6 : i32
    %eq3A_2833 = vector.broadcast %eq3A_2832 : i32 to vector<16xi32>
    %eq3A_2834 = arith.cmpi eq, %shift_right_logical3A_2735, %eq3A_2833 : vector<16xi32>
    %select_n3A_2835 = arith.select %eq3A_2834, %gather3A_2831, %select_n3A_2821 : vector<16xi1>, vector<16xf32>
    %swap3A_2836 = arith.constant 384 : index
    %swap3A_2837 = tpu.vector_load %arg7[%swap3A_2836] {strides = array<i32>} : memref<512xf32, #tpu.memory_space<vmem>>, vector<16xf32>,
    %swap3A_2838 = vector.shape_cast %swap3A_2837 : vector<16xf32> to vector<16xf32>
    %swap3A_2839 = vector.shape_cast %select_n3A_2835 : vector<16xf32> to vector<16xf32>
    tpu.vector_store %arg7[%swap3A_2836], %swap3A_2839 {strides = array<i32>} : memref<512xf32, #tpu.memory_space<vmem>>, vector<16xf32>,
    %get3A_2840 = arith.constant 400 : index
    %get3A_2841 = tpu.vector_load %arg5[%get3A_2840] {strides = array<i32>} : memref<512xi32, #tpu.memory_space<vmem>>, vector<16xi32>,
    %get3A_2842 = vector.shape_cast %get3A_2841 : vector<16xi32> to vector<16xi32>
    %and3A_2843 = arith.constant 15 : i32
    %and3A_2844 = vector.broadcast %and3A_2843 : i32 to vector<16xi32>
    %and3A_2845 = arith.andi %get3A_2842, %and3A_2844 : vector<16xi32>
    %shift_right_logical3A_2846 = arith.constant 4 : i32
    %shift_right_logical3A_2847 = vector.broadcast %shift_right_logical3A_2846 : i32 to vector<16xi32>
    %shift_right_logical3A_2848 = arith.shrui %get3A_2842, %shift_right_logical3A_2847 : vector<16xi32>
    %broadcast_in_dim3A_2849 = arith.constant 0.000000e+00 : f32
    %broadcast_in_dim3A_2850 = vector.broadcast %broadcast_in_dim3A_2849 : f32 to vector<16xf32>
    %lt3A_2851 = arith.constant 0 : i32
    %lt3A_2852 = vector.broadcast %lt3A_2851 : i32 to vector<16xi32>
    %lt3A_2853 = arith.cmpi slt, %and3A_2845, %lt3A_2852 : vector<16xi32>
    %add3A_2854 = arith.constant 16 : i32
    %add3A_2855 = vector.broadcast %add3A_2854 : i32 to vector<16xi32>
    %add3A_2856 = arith.addi %and3A_2845, %add3A_2855 : vector<16xi32>
    %select_n3A_2857 = arith.select %lt3A_2853, %add3A_2856, %and3A_2845 : vector<16xi1>, vector<16xi32>
    %broadcast_in_dim3A_2858 = vector.shape_cast %select_n3A_2857 : vector<16xi32> to vector<16x1xi32>
    %gather3A_2859 = vector.shape_cast %broadcast_in_dim3A_2858 : vector<16x1xi32> to vector<16xi32>
    %gather3A_2860 = tpu.dynamic_gather %get3A_4[%gather3A_2859] in [0] : vector<16xf32>, vector<16xi32> -> vector<16xf32>
    %eq3A_2861 = arith.constant 0 : i32
    %eq3A_2862 = vector.broadcast %eq3A_2861 : i32 to vector<16xi32>
    %eq3A_2863 = arith.cmpi eq, %shift_right_logical3A_2848, %eq3A_2862 : vector<16xi32>
    %select_n3A_2864 = arith.select %eq3A_2863, %gather3A_2860, %broadcast_in_dim3A_2850 : vector<16xi1>, vector<16xf32>
    %lt3A_2865 = arith.constant 0 : i32
    %lt3A_2866 = vector.broadcast %lt3A_2865 : i32 to vector<16xi32>
    %lt3A_2867 = arith.cmpi slt, %and3A_2845, %lt3A_2866 : vector<16xi32>
    %add3A_2868 = arith.constant 16 : i32
    %add3A_2869 = vector.broadcast %add3A_2868 : i32 to vector<16xi32>
    %add3A_2870 = arith.addi %and3A_2845, %add3A_2869 : vector<16xi32>
    %select_n3A_2871 = arith.select %lt3A_2867, %add3A_2870, %and3A_2845 : vector<16xi1>, vector<16xi32>
    %broadcast_in_dim3A_2872 = vector.shape_cast %select_n3A_2871 : vector<16xi32> to vector<16x1xi32>
    %gather3A_2873 = vector.shape_cast %broadcast_in_dim3A_2872 : vector<16x1xi32> to vector<16xi32>
    %gather3A_2874 = tpu.dynamic_gather %get3A_7[%gather3A_2873] in [0] : vector<16xf32>, vector<16xi32> -> vector<16xf32>
    %eq3A_2875 = arith.constant 1 : i32
    %eq3A_2876 = vector.broadcast %eq3A_2875 : i32 to vector<16xi32>
    %eq3A_2877 = arith.cmpi eq, %shift_right_logical3A_2848, %eq3A_2876 : vector<16xi32>
    %select_n3A_2878 = arith.select %eq3A_2877, %gather3A_2874, %select_n3A_2864 : vector<16xi1>, vector<16xf32>
    %lt3A_2879 = arith.constant 0 : i32
    %lt3A_2880 = vector.broadcast %lt3A_2879 : i32 to vector<16xi32>
    %lt3A_2881 = arith.cmpi slt, %and3A_2845, %lt3A_2880 : vector<16xi32>
    %add3A_2882 = arith.constant 16 : i32
    %add3A_2883 = vector.broadcast %add3A_2882 : i32 to vector<16xi32>
    %add3A_2884 = arith.addi %and3A_2845, %add3A_2883 : vector<16xi32>
    %select_n3A_2885 = arith.select %lt3A_2881, %add3A_2884, %and3A_2845 : vector<16xi1>, vector<16xi32>
    %broadcast_in_dim3A_2886 = vector.shape_cast %select_n3A_2885 : vector<16xi32> to vector<16x1xi32>
    %gather3A_2887 = vector.shape_cast %broadcast_in_dim3A_2886 : vector<16x1xi32> to vector<16xi32>
    %gather3A_2888 = tpu.dynamic_gather %get3A_10[%gather3A_2887] in [0] : vector<16xf32>, vector<16xi32> -> vector<16xf32>
    %eq3A_2889 = arith.constant 2 : i32
    %eq3A_2890 = vector.broadcast %eq3A_2889 : i32 to vector<16xi32>
    %eq3A_2891 = arith.cmpi eq, %shift_right_logical3A_2848, %eq3A_2890 : vector<16xi32>
    %select_n3A_2892 = arith.select %eq3A_2891, %gather3A_2888, %select_n3A_2878 : vector<16xi1>, vector<16xf32>
    %lt3A_2893 = arith.constant 0 : i32
    %lt3A_2894 = vector.broadcast %lt3A_2893 : i32 to vector<16xi32>
    %lt3A_2895 = arith.cmpi slt, %and3A_2845, %lt3A_2894 : vector<16xi32>
    %add3A_2896 = arith.constant 16 : i32
    %add3A_2897 = vector.broadcast %add3A_2896 : i32 to vector<16xi32>
    %add3A_2898 = arith.addi %and3A_2845, %add3A_2897 : vector<16xi32>
    %select_n3A_2899 = arith.select %lt3A_2895, %add3A_2898, %and3A_2845 : vector<16xi1>, vector<16xi32>
    %broadcast_in_dim3A_2900 = vector.shape_cast %select_n3A_2899 : vector<16xi32> to vector<16x1xi32>
    %gather3A_2901 = vector.shape_cast %broadcast_in_dim3A_2900 : vector<16x1xi32> to vector<16xi32>
    %gather3A_2902 = tpu.dynamic_gather %get3A_13[%gather3A_2901] in [0] : vector<16xf32>, vector<16xi32> -> vector<16xf32>
    %eq3A_2903 = arith.constant 3 : i32
    %eq3A_2904 = vector.broadcast %eq3A_2903 : i32 to vector<16xi32>
    %eq3A_2905 = arith.cmpi eq, %shift_right_logical3A_2848, %eq3A_2904 : vector<16xi32>
    %select_n3A_2906 = arith.select %eq3A_2905, %gather3A_2902, %select_n3A_2892 : vector<16xi1>, vector<16xf32>
    %lt3A_2907 = arith.constant 0 : i32
    %lt3A_2908 = vector.broadcast %lt3A_2907 : i32 to vector<16xi32>
    %lt3A_2909 = arith.cmpi slt, %and3A_2845, %lt3A_2908 : vector<16xi32>
    %add3A_2910 = arith.constant 16 : i32
    %add3A_2911 = vector.broadcast %add3A_2910 : i32 to vector<16xi32>
    %add3A_2912 = arith.addi %and3A_2845, %add3A_2911 : vector<16xi32>
    %select_n3A_2913 = arith.select %lt3A_2909, %add3A_2912, %and3A_2845 : vector<16xi1>, vector<16xi32>
    %broadcast_in_dim3A_2914 = vector.shape_cast %select_n3A_2913 : vector<16xi32> to vector<16x1xi32>
    %gather3A_2915 = vector.shape_cast %broadcast_in_dim3A_2914 : vector<16x1xi32> to vector<16xi32>
    %gather3A_2916 = tpu.dynamic_gather %get3A_16[%gather3A_2915] in [0] : vector<16xf32>, vector<16xi32> -> vector<16xf32>
    %eq3A_2917 = arith.constant 4 : i32
    %eq3A_2918 = vector.broadcast %eq3A_2917 : i32 to vector<16xi32>
    %eq3A_2919 = arith.cmpi eq, %shift_right_logical3A_2848, %eq3A_2918 : vector<16xi32>
    %select_n3A_2920 = arith.select %eq3A_2919, %gather3A_2916, %select_n3A_2906 : vector<16xi1>, vector<16xf32>
    %lt3A_2921 = arith.constant 0 : i32
    %lt3A_2922 = vector.broadcast %lt3A_2921 : i32 to vector<16xi32>
    %lt3A_2923 = arith.cmpi slt, %and3A_2845, %lt3A_2922 : vector<16xi32>
    %add3A_2924 = arith.constant 16 : i32
    %add3A_2925 = vector.broadcast %add3A_2924 : i32 to vector<16xi32>
    %add3A_2926 = arith.addi %and3A_2845, %add3A_2925 : vector<16xi32>
    %select_n3A_2927 = arith.select %lt3A_2923, %add3A_2926, %and3A_2845 : vector<16xi1>, vector<16xi32>
    %broadcast_in_dim3A_2928 = vector.shape_cast %select_n3A_2927 : vector<16xi32> to vector<16x1xi32>
    %gather3A_2929 = vector.shape_cast %broadcast_in_dim3A_2928 : vector<16x1xi32> to vector<16xi32>
    %gather3A_2930 = tpu.dynamic_gather %get3A_19[%gather3A_2929] in [0] : vector<16xf32>, vector<16xi32> -> vector<16xf32>
    %eq3A_2931 = arith.constant 5 : i32
    %eq3A_2932 = vector.broadcast %eq3A_2931 : i32 to vector<16xi32>
    %eq3A_2933 = arith.cmpi eq, %shift_right_logical3A_2848, %eq3A_2932 : vector<16xi32>
    %select_n3A_2934 = arith.select %eq3A_2933, %gather3A_2930, %select_n3A_2920 : vector<16xi1>, vector<16xf32>
    %lt3A_2935 = arith.constant 0 : i32
    %lt3A_2936 = vector.broadcast %lt3A_2935 : i32 to vector<16xi32>
    %lt3A_2937 = arith.cmpi slt, %and3A_2845, %lt3A_2936 : vector<16xi32>
    %add3A_2938 = arith.constant 16 : i32
    %add3A_2939 = vector.broadcast %add3A_2938 : i32 to vector<16xi32>
    %add3A_2940 = arith.addi %and3A_2845, %add3A_2939 : vector<16xi32>
    %select_n3A_2941 = arith.select %lt3A_2937, %add3A_2940, %and3A_2845 : vector<16xi1>, vector<16xi32>
    %broadcast_in_dim3A_2942 = vector.shape_cast %select_n3A_2941 : vector<16xi32> to vector<16x1xi32>
    %gather3A_2943 = vector.shape_cast %broadcast_in_dim3A_2942 : vector<16x1xi32> to vector<16xi32>
    %gather3A_2944 = tpu.dynamic_gather %get3A_22[%gather3A_2943] in [0] : vector<16xf32>, vector<16xi32> -> vector<16xf32>
    %eq3A_2945 = arith.constant 6 : i32
    %eq3A_2946 = vector.broadcast %eq3A_2945 : i32 to vector<16xi32>
    %eq3A_2947 = arith.cmpi eq, %shift_right_logical3A_2848, %eq3A_2946 : vector<16xi32>
    %select_n3A_2948 = arith.select %eq3A_2947, %gather3A_2944, %select_n3A_2934 : vector<16xi1>, vector<16xf32>
    %swap3A_2949 = arith.constant 400 : index
    %swap3A_2950 = tpu.vector_load %arg7[%swap3A_2949] {strides = array<i32>} : memref<512xf32, #tpu.memory_space<vmem>>, vector<16xf32>,
    %swap3A_2951 = vector.shape_cast %swap3A_2950 : vector<16xf32> to vector<16xf32>
    %swap3A_2952 = vector.shape_cast %select_n3A_2948 : vector<16xf32> to vector<16xf32>
    tpu.vector_store %arg7[%swap3A_2949], %swap3A_2952 {strides = array<i32>} : memref<512xf32, #tpu.memory_space<vmem>>, vector<16xf32>,
    %get3A_2953 = arith.constant 416 : index
    %get3A_2954 = tpu.vector_load %arg5[%get3A_2953] {strides = array<i32>} : memref<512xi32, #tpu.memory_space<vmem>>, vector<16xi32>,
    %get3A_2955 = vector.shape_cast %get3A_2954 : vector<16xi32> to vector<16xi32>
    %and3A_2956 = arith.constant 15 : i32
    %and3A_2957 = vector.broadcast %and3A_2956 : i32 to vector<16xi32>
    %and3A_2958 = arith.andi %get3A_2955, %and3A_2957 : vector<16xi32>
    %shift_right_logical3A_2959 = arith.constant 4 : i32
    %shift_right_logical3A_2960 = vector.broadcast %shift_right_logical3A_2959 : i32 to vector<16xi32>
    %shift_right_logical3A_2961 = arith.shrui %get3A_2955, %shift_right_logical3A_2960 : vector<16xi32>
    %broadcast_in_dim3A_2962 = arith.constant 0.000000e+00 : f32
    %broadcast_in_dim3A_2963 = vector.broadcast %broadcast_in_dim3A_2962 : f32 to vector<16xf32>
    %lt3A_2964 = arith.constant 0 : i32
    %lt3A_2965 = vector.broadcast %lt3A_2964 : i32 to vector<16xi32>
    %lt3A_2966 = arith.cmpi slt, %and3A_2958, %lt3A_2965 : vector<16xi32>
    %add3A_2967 = arith.constant 16 : i32
    %add3A_2968 = vector.broadcast %add3A_2967 : i32 to vector<16xi32>
    %add3A_2969 = arith.addi %and3A_2958, %add3A_2968 : vector<16xi32>
    %select_n3A_2970 = arith.select %lt3A_2966, %add3A_2969, %and3A_2958 : vector<16xi1>, vector<16xi32>
    %broadcast_in_dim3A_2971 = vector.shape_cast %select_n3A_2970 : vector<16xi32> to vector<16x1xi32>
    %gather3A_2972 = vector.shape_cast %broadcast_in_dim3A_2971 : vector<16x1xi32> to vector<16xi32>
    %gather3A_2973 = tpu.dynamic_gather %get3A_4[%gather3A_2972] in [0] : vector<16xf32>, vector<16xi32> -> vector<16xf32>
    %eq3A_2974 = arith.constant 0 : i32
    %eq3A_2975 = vector.broadcast %eq3A_2974 : i32 to vector<16xi32>
    %eq3A_2976 = arith.cmpi eq, %shift_right_logical3A_2961, %eq3A_2975 : vector<16xi32>
    %select_n3A_2977 = arith.select %eq3A_2976, %gather3A_2973, %broadcast_in_dim3A_2963 : vector<16xi1>, vector<16xf32>
    %lt3A_2978 = arith.constant 0 : i32
    %lt3A_2979 = vector.broadcast %lt3A_2978 : i32 to vector<16xi32>
    %lt3A_2980 = arith.cmpi slt, %and3A_2958, %lt3A_2979 : vector<16xi32>
    %add3A_2981 = arith.constant 16 : i32
    %add3A_2982 = vector.broadcast %add3A_2981 : i32 to vector<16xi32>
    %add3A_2983 = arith.addi %and3A_2958, %add3A_2982 : vector<16xi32>
    %select_n3A_2984 = arith.select %lt3A_2980, %add3A_2983, %and3A_2958 : vector<16xi1>, vector<16xi32>
    %broadcast_in_dim3A_2985 = vector.shape_cast %select_n3A_2984 : vector<16xi32> to vector<16x1xi32>
    %gather3A_2986 = vector.shape_cast %broadcast_in_dim3A_2985 : vector<16x1xi32> to vector<16xi32>
    %gather3A_2987 = tpu.dynamic_gather %get3A_7[%gather3A_2986] in [0] : vector<16xf32>, vector<16xi32> -> vector<16xf32>
    %eq3A_2988 = arith.constant 1 : i32
    %eq3A_2989 = vector.broadcast %eq3A_2988 : i32 to vector<16xi32>
    %eq3A_2990 = arith.cmpi eq, %shift_right_logical3A_2961, %eq3A_2989 : vector<16xi32>
    %select_n3A_2991 = arith.select %eq3A_2990, %gather3A_2987, %select_n3A_2977 : vector<16xi1>, vector<16xf32>
    %lt3A_2992 = arith.constant 0 : i32
    %lt3A_2993 = vector.broadcast %lt3A_2992 : i32 to vector<16xi32>
    %lt3A_2994 = arith.cmpi slt, %and3A_2958, %lt3A_2993 : vector<16xi32>
    %add3A_2995 = arith.constant 16 : i32
    %add3A_2996 = vector.broadcast %add3A_2995 : i32 to vector<16xi32>
    %add3A_2997 = arith.addi %and3A_2958, %add3A_2996 : vector<16xi32>
    %select_n3A_2998 = arith.select %lt3A_2994, %add3A_2997, %and3A_2958 : vector<16xi1>, vector<16xi32>
    %broadcast_in_dim3A_2999 = vector.shape_cast %select_n3A_2998 : vector<16xi32> to vector<16x1xi32>
    %gather3A_3000 = vector.shape_cast %broadcast_in_dim3A_2999 : vector<16x1xi32> to vector<16xi32>
    %gather3A_3001 = tpu.dynamic_gather %get3A_10[%gather3A_3000] in [0] : vector<16xf32>, vector<16xi32> -> vector<16xf32>
    %eq3A_3002 = arith.constant 2 : i32
    %eq3A_3003 = vector.broadcast %eq3A_3002 : i32 to vector<16xi32>
    %eq3A_3004 = arith.cmpi eq, %shift_right_logical3A_2961, %eq3A_3003 : vector<16xi32>
    %select_n3A_3005 = arith.select %eq3A_3004, %gather3A_3001, %select_n3A_2991 : vector<16xi1>, vector<16xf32>
    %lt3A_3006 = arith.constant 0 : i32
    %lt3A_3007 = vector.broadcast %lt3A_3006 : i32 to vector<16xi32>
    %lt3A_3008 = arith.cmpi slt, %and3A_2958, %lt3A_3007 : vector<16xi32>
    %add3A_3009 = arith.constant 16 : i32
    %add3A_3010 = vector.broadcast %add3A_3009 : i32 to vector<16xi32>
    %add3A_3011 = arith.addi %and3A_2958, %add3A_3010 : vector<16xi32>
    %select_n3A_3012 = arith.select %lt3A_3008, %add3A_3011, %and3A_2958 : vector<16xi1>, vector<16xi32>
    %broadcast_in_dim3A_3013 = vector.shape_cast %select_n3A_3012 : vector<16xi32> to vector<16x1xi32>
    %gather3A_3014 = vector.shape_cast %broadcast_in_dim3A_3013 : vector<16x1xi32> to vector<16xi32>
    %gather3A_3015 = tpu.dynamic_gather %get3A_13[%gather3A_3014] in [0] : vector<16xf32>, vector<16xi32> -> vector<16xf32>
    %eq3A_3016 = arith.constant 3 : i32
    %eq3A_3017 = vector.broadcast %eq3A_3016 : i32 to vector<16xi32>
    %eq3A_3018 = arith.cmpi eq, %shift_right_logical3A_2961, %eq3A_3017 : vector<16xi32>
    %select_n3A_3019 = arith.select %eq3A_3018, %gather3A_3015, %select_n3A_3005 : vector<16xi1>, vector<16xf32>
    %lt3A_3020 = arith.constant 0 : i32
    %lt3A_3021 = vector.broadcast %lt3A_3020 : i32 to vector<16xi32>
    %lt3A_3022 = arith.cmpi slt, %and3A_2958, %lt3A_3021 : vector<16xi32>
    %add3A_3023 = arith.constant 16 : i32
    %add3A_3024 = vector.broadcast %add3A_3023 : i32 to vector<16xi32>
    %add3A_3025 = arith.addi %and3A_2958, %add3A_3024 : vector<16xi32>
    %select_n3A_3026 = arith.select %lt3A_3022, %add3A_3025, %and3A_2958 : vector<16xi1>, vector<16xi32>
    %broadcast_in_dim3A_3027 = vector.shape_cast %select_n3A_3026 : vector<16xi32> to vector<16x1xi32>
    %gather3A_3028 = vector.shape_cast %broadcast_in_dim3A_3027 : vector<16x1xi32> to vector<16xi32>
    %gather3A_3029 = tpu.dynamic_gather %get3A_16[%gather3A_3028] in [0] : vector<16xf32>, vector<16xi32> -> vector<16xf32>
    %eq3A_3030 = arith.constant 4 : i32
    %eq3A_3031 = vector.broadcast %eq3A_3030 : i32 to vector<16xi32>
    %eq3A_3032 = arith.cmpi eq, %shift_right_logical3A_2961, %eq3A_3031 : vector<16xi32>
    %select_n3A_3033 = arith.select %eq3A_3032, %gather3A_3029, %select_n3A_3019 : vector<16xi1>, vector<16xf32>
    %lt3A_3034 = arith.constant 0 : i32
    %lt3A_3035 = vector.broadcast %lt3A_3034 : i32 to vector<16xi32>
    %lt3A_3036 = arith.cmpi slt, %and3A_2958, %lt3A_3035 : vector<16xi32>
    %add3A_3037 = arith.constant 16 : i32
    %add3A_3038 = vector.broadcast %add3A_3037 : i32 to vector<16xi32>
    %add3A_3039 = arith.addi %and3A_2958, %add3A_3038 : vector<16xi32>
    %select_n3A_3040 = arith.select %lt3A_3036, %add3A_3039, %and3A_2958 : vector<16xi1>, vector<16xi32>
    %broadcast_in_dim3A_3041 = vector.shape_cast %select_n3A_3040 : vector<16xi32> to vector<16x1xi32>
    %gather3A_3042 = vector.shape_cast %broadcast_in_dim3A_3041 : vector<16x1xi32> to vector<16xi32>
    %gather3A_3043 = tpu.dynamic_gather %get3A_19[%gather3A_3042] in [0] : vector<16xf32>, vector<16xi32> -> vector<16xf32>
    %eq3A_3044 = arith.constant 5 : i32
    %eq3A_3045 = vector.broadcast %eq3A_3044 : i32 to vector<16xi32>
    %eq3A_3046 = arith.cmpi eq, %shift_right_logical3A_2961, %eq3A_3045 : vector<16xi32>
    %select_n3A_3047 = arith.select %eq3A_3046, %gather3A_3043, %select_n3A_3033 : vector<16xi1>, vector<16xf32>
    %lt3A_3048 = arith.constant 0 : i32
    %lt3A_3049 = vector.broadcast %lt3A_3048 : i32 to vector<16xi32>
    %lt3A_3050 = arith.cmpi slt, %and3A_2958, %lt3A_3049 : vector<16xi32>
    %add3A_3051 = arith.constant 16 : i32
    %add3A_3052 = vector.broadcast %add3A_3051 : i32 to vector<16xi32>
    %add3A_3053 = arith.addi %and3A_2958, %add3A_3052 : vector<16xi32>
    %select_n3A_3054 = arith.select %lt3A_3050, %add3A_3053, %and3A_2958 : vector<16xi1>, vector<16xi32>
    %broadcast_in_dim3A_3055 = vector.shape_cast %select_n3A_3054 : vector<16xi32> to vector<16x1xi32>
    %gather3A_3056 = vector.shape_cast %broadcast_in_dim3A_3055 : vector<16x1xi32> to vector<16xi32>
    %gather3A_3057 = tpu.dynamic_gather %get3A_22[%gather3A_3056] in [0] : vector<16xf32>, vector<16xi32> -> vector<16xf32>
    %eq3A_3058 = arith.constant 6 : i32
    %eq3A_3059 = vector.broadcast %eq3A_3058 : i32 to vector<16xi32>
    %eq3A_3060 = arith.cmpi eq, %shift_right_logical3A_2961, %eq3A_3059 : vector<16xi32>
    %select_n3A_3061 = arith.select %eq3A_3060, %gather3A_3057, %select_n3A_3047 : vector<16xi1>, vector<16xf32>
    %swap3A_3062 = arith.constant 416 : index
    %swap3A_3063 = tpu.vector_load %arg7[%swap3A_3062] {strides = array<i32>} : memref<512xf32, #tpu.memory_space<vmem>>, vector<16xf32>,
    %swap3A_3064 = vector.shape_cast %swap3A_3063 : vector<16xf32> to vector<16xf32>
    %swap3A_3065 = vector.shape_cast %select_n3A_3061 : vector<16xf32> to vector<16xf32>
    tpu.vector_store %arg7[%swap3A_3062], %swap3A_3065 {strides = array<i32>} : memref<512xf32, #tpu.memory_space<vmem>>, vector<16xf32>,
    %get3A_3066 = arith.constant 432 : index
    %get3A_3067 = tpu.vector_load %arg5[%get3A_3066] {strides = array<i32>} : memref<512xi32, #tpu.memory_space<vmem>>, vector<16xi32>,
    %get3A_3068 = vector.shape_cast %get3A_3067 : vector<16xi32> to vector<16xi32>
    %and3A_3069 = arith.constant 15 : i32
    %and3A_3070 = vector.broadcast %and3A_3069 : i32 to vector<16xi32>
    %and3A_3071 = arith.andi %get3A_3068, %and3A_3070 : vector<16xi32>
    %shift_right_logical3A_3072 = arith.constant 4 : i32
    %shift_right_logical3A_3073 = vector.broadcast %shift_right_logical3A_3072 : i32 to vector<16xi32>
    %shift_right_logical3A_3074 = arith.shrui %get3A_3068, %shift_right_logical3A_3073 : vector<16xi32>
    %broadcast_in_dim3A_3075 = arith.constant 0.000000e+00 : f32
    %broadcast_in_dim3A_3076 = vector.broadcast %broadcast_in_dim3A_3075 : f32 to vector<16xf32>
    %lt3A_3077 = arith.constant 0 : i32
    %lt3A_3078 = vector.broadcast %lt3A_3077 : i32 to vector<16xi32>
    %lt3A_3079 = arith.cmpi slt, %and3A_3071, %lt3A_3078 : vector<16xi32>
    %add3A_3080 = arith.constant 16 : i32
    %add3A_3081 = vector.broadcast %add3A_3080 : i32 to vector<16xi32>
    %add3A_3082 = arith.addi %and3A_3071, %add3A_3081 : vector<16xi32>
    %select_n3A_3083 = arith.select %lt3A_3079, %add3A_3082, %and3A_3071 : vector<16xi1>, vector<16xi32>
    %broadcast_in_dim3A_3084 = vector.shape_cast %select_n3A_3083 : vector<16xi32> to vector<16x1xi32>
    %gather3A_3085 = vector.shape_cast %broadcast_in_dim3A_3084 : vector<16x1xi32> to vector<16xi32>
    %gather3A_3086 = tpu.dynamic_gather %get3A_4[%gather3A_3085] in [0] : vector<16xf32>, vector<16xi32> -> vector<16xf32>
    %eq3A_3087 = arith.constant 0 : i32
    %eq3A_3088 = vector.broadcast %eq3A_3087 : i32 to vector<16xi32>
    %eq3A_3089 = arith.cmpi eq, %shift_right_logical3A_3074, %eq3A_3088 : vector<16xi32>
    %select_n3A_3090 = arith.select %eq3A_3089, %gather3A_3086, %broadcast_in_dim3A_3076 : vector<16xi1>, vector<16xf32>
    %lt3A_3091 = arith.constant 0 : i32
    %lt3A_3092 = vector.broadcast %lt3A_3091 : i32 to vector<16xi32>
    %lt3A_3093 = arith.cmpi slt, %and3A_3071, %lt3A_3092 : vector<16xi32>
    %add3A_3094 = arith.constant 16 : i32
    %add3A_3095 = vector.broadcast %add3A_3094 : i32 to vector<16xi32>
    %add3A_3096 = arith.addi %and3A_3071, %add3A_3095 : vector<16xi32>
    %select_n3A_3097 = arith.select %lt3A_3093, %add3A_3096, %and3A_3071 : vector<16xi1>, vector<16xi32>
    %broadcast_in_dim3A_3098 = vector.shape_cast %select_n3A_3097 : vector<16xi32> to vector<16x1xi32>
    %gather3A_3099 = vector.shape_cast %broadcast_in_dim3A_3098 : vector<16x1xi32> to vector<16xi32>
    %gather3A_3100 = tpu.dynamic_gather %get3A_7[%gather3A_3099] in [0] : vector<16xf32>, vector<16xi32> -> vector<16xf32>
    %eq3A_3101 = arith.constant 1 : i32
    %eq3A_3102 = vector.broadcast %eq3A_3101 : i32 to vector<16xi32>
    %eq3A_3103 = arith.cmpi eq, %shift_right_logical3A_3074, %eq3A_3102 : vector<16xi32>
    %select_n3A_3104 = arith.select %eq3A_3103, %gather3A_3100, %select_n3A_3090 : vector<16xi1>, vector<16xf32>
    %lt3A_3105 = arith.constant 0 : i32
    %lt3A_3106 = vector.broadcast %lt3A_3105 : i32 to vector<16xi32>
    %lt3A_3107 = arith.cmpi slt, %and3A_3071, %lt3A_3106 : vector<16xi32>
    %add3A_3108 = arith.constant 16 : i32
    %add3A_3109 = vector.broadcast %add3A_3108 : i32 to vector<16xi32>
    %add3A_3110 = arith.addi %and3A_3071, %add3A_3109 : vector<16xi32>
    %select_n3A_3111 = arith.select %lt3A_3107, %add3A_3110, %and3A_3071 : vector<16xi1>, vector<16xi32>
    %broadcast_in_dim3A_3112 = vector.shape_cast %select_n3A_3111 : vector<16xi32> to vector<16x1xi32>
    %gather3A_3113 = vector.shape_cast %broadcast_in_dim3A_3112 : vector<16x1xi32> to vector<16xi32>
    %gather3A_3114 = tpu.dynamic_gather %get3A_10[%gather3A_3113] in [0] : vector<16xf32>, vector<16xi32> -> vector<16xf32>
    %eq3A_3115 = arith.constant 2 : i32
    %eq3A_3116 = vector.broadcast %eq3A_3115 : i32 to vector<16xi32>
    %eq3A_3117 = arith.cmpi eq, %shift_right_logical3A_3074, %eq3A_3116 : vector<16xi32>
    %select_n3A_3118 = arith.select %eq3A_3117, %gather3A_3114, %select_n3A_3104 : vector<16xi1>, vector<16xf32>
    %lt3A_3119 = arith.constant 0 : i32
    %lt3A_3120 = vector.broadcast %lt3A_3119 : i32 to vector<16xi32>
    %lt3A_3121 = arith.cmpi slt, %and3A_3071, %lt3A_3120 : vector<16xi32>
    %add3A_3122 = arith.constant 16 : i32
    %add3A_3123 = vector.broadcast %add3A_3122 : i32 to vector<16xi32>
    %add3A_3124 = arith.addi %and3A_3071, %add3A_3123 : vector<16xi32>
    %select_n3A_3125 = arith.select %lt3A_3121, %add3A_3124, %and3A_3071 : vector<16xi1>, vector<16xi32>
    %broadcast_in_dim3A_3126 = vector.shape_cast %select_n3A_3125 : vector<16xi32> to vector<16x1xi32>
    %gather3A_3127 = vector.shape_cast %broadcast_in_dim3A_3126 : vector<16x1xi32> to vector<16xi32>
    %gather3A_3128 = tpu.dynamic_gather %get3A_13[%gather3A_3127] in [0] : vector<16xf32>, vector<16xi32> -> vector<16xf32>
    %eq3A_3129 = arith.constant 3 : i32
    %eq3A_3130 = vector.broadcast %eq3A_3129 : i32 to vector<16xi32>
    %eq3A_3131 = arith.cmpi eq, %shift_right_logical3A_3074, %eq3A_3130 : vector<16xi32>
    %select_n3A_3132 = arith.select %eq3A_3131, %gather3A_3128, %select_n3A_3118 : vector<16xi1>, vector<16xf32>
    %lt3A_3133 = arith.constant 0 : i32
    %lt3A_3134 = vector.broadcast %lt3A_3133 : i32 to vector<16xi32>
    %lt3A_3135 = arith.cmpi slt, %and3A_3071, %lt3A_3134 : vector<16xi32>
    %add3A_3136 = arith.constant 16 : i32
    %add3A_3137 = vector.broadcast %add3A_3136 : i32 to vector<16xi32>
    %add3A_3138 = arith.addi %and3A_3071, %add3A_3137 : vector<16xi32>
    %select_n3A_3139 = arith.select %lt3A_3135, %add3A_3138, %and3A_3071 : vector<16xi1>, vector<16xi32>
    %broadcast_in_dim3A_3140 = vector.shape_cast %select_n3A_3139 : vector<16xi32> to vector<16x1xi32>
    %gather3A_3141 = vector.shape_cast %broadcast_in_dim3A_3140 : vector<16x1xi32> to vector<16xi32>
    %gather3A_3142 = tpu.dynamic_gather %get3A_16[%gather3A_3141] in [0] : vector<16xf32>, vector<16xi32> -> vector<16xf32>
    %eq3A_3143 = arith.constant 4 : i32
    %eq3A_3144 = vector.broadcast %eq3A_3143 : i32 to vector<16xi32>
    %eq3A_3145 = arith.cmpi eq, %shift_right_logical3A_3074, %eq3A_3144 : vector<16xi32>
    %select_n3A_3146 = arith.select %eq3A_3145, %gather3A_3142, %select_n3A_3132 : vector<16xi1>, vector<16xf32>
    %lt3A_3147 = arith.constant 0 : i32
    %lt3A_3148 = vector.broadcast %lt3A_3147 : i32 to vector<16xi32>
    %lt3A_3149 = arith.cmpi slt, %and3A_3071, %lt3A_3148 : vector<16xi32>
    %add3A_3150 = arith.constant 16 : i32
    %add3A_3151 = vector.broadcast %add3A_3150 : i32 to vector<16xi32>
    %add3A_3152 = arith.addi %and3A_3071, %add3A_3151 : vector<16xi32>
    %select_n3A_3153 = arith.select %lt3A_3149, %add3A_3152, %and3A_3071 : vector<16xi1>, vector<16xi32>
    %broadcast_in_dim3A_3154 = vector.shape_cast %select_n3A_3153 : vector<16xi32> to vector<16x1xi32>
    %gather3A_3155 = vector.shape_cast %broadcast_in_dim3A_3154 : vector<16x1xi32> to vector<16xi32>
    %gather3A_3156 = tpu.dynamic_gather %get3A_19[%gather3A_3155] in [0] : vector<16xf32>, vector<16xi32> -> vector<16xf32>
    %eq3A_3157 = arith.constant 5 : i32
    %eq3A_3158 = vector.broadcast %eq3A_3157 : i32 to vector<16xi32>
    %eq3A_3159 = arith.cmpi eq, %shift_right_logical3A_3074, %eq3A_3158 : vector<16xi32>
    %select_n3A_3160 = arith.select %eq3A_3159, %gather3A_3156, %select_n3A_3146 : vector<16xi1>, vector<16xf32>
    %lt3A_3161 = arith.constant 0 : i32
    %lt3A_3162 = vector.broadcast %lt3A_3161 : i32 to vector<16xi32>
    %lt3A_3163 = arith.cmpi slt, %and3A_3071, %lt3A_3162 : vector<16xi32>
    %add3A_3164 = arith.constant 16 : i32
    %add3A_3165 = vector.broadcast %add3A_3164 : i32 to vector<16xi32>
    %add3A_3166 = arith.addi %and3A_3071, %add3A_3165 : vector<16xi32>
    %select_n3A_3167 = arith.select %lt3A_3163, %add3A_3166, %and3A_3071 : vector<16xi1>, vector<16xi32>
    %broadcast_in_dim3A_3168 = vector.shape_cast %select_n3A_3167 : vector<16xi32> to vector<16x1xi32>
    %gather3A_3169 = vector.shape_cast %broadcast_in_dim3A_3168 : vector<16x1xi32> to vector<16xi32>
    %gather3A_3170 = tpu.dynamic_gather %get3A_22[%gather3A_3169] in [0] : vector<16xf32>, vector<16xi32> -> vector<16xf32>
    %eq3A_3171 = arith.constant 6 : i32
    %eq3A_3172 = vector.broadcast %eq3A_3171 : i32 to vector<16xi32>
    %eq3A_3173 = arith.cmpi eq, %shift_right_logical3A_3074, %eq3A_3172 : vector<16xi32>
    %select_n3A_3174 = arith.select %eq3A_3173, %gather3A_3170, %select_n3A_3160 : vector<16xi1>, vector<16xf32>
    %swap3A_3175 = arith.constant 432 : index
    %swap3A_3176 = tpu.vector_load %arg7[%swap3A_3175] {strides = array<i32>} : memref<512xf32, #tpu.memory_space<vmem>>, vector<16xf32>,
    %swap3A_3177 = vector.shape_cast %swap3A_3176 : vector<16xf32> to vector<16xf32>
    %swap3A_3178 = vector.shape_cast %select_n3A_3174 : vector<16xf32> to vector<16xf32>
    tpu.vector_store %arg7[%swap3A_3175], %swap3A_3178 {strides = array<i32>} : memref<512xf32, #tpu.memory_space<vmem>>, vector<16xf32>,
    %get3A_3179 = arith.constant 448 : index
    %get3A_3180 = tpu.vector_load %arg5[%get3A_3179] {strides = array<i32>} : memref<512xi32, #tpu.memory_space<vmem>>, vector<16xi32>,
    %get3A_3181 = vector.shape_cast %get3A_3180 : vector<16xi32> to vector<16xi32>
    %and3A_3182 = arith.constant 15 : i32
    %and3A_3183 = vector.broadcast %and3A_3182 : i32 to vector<16xi32>
    %and3A_3184 = arith.andi %get3A_3181, %and3A_3183 : vector<16xi32>
    %shift_right_logical3A_3185 = arith.constant 4 : i32
    %shift_right_logical3A_3186 = vector.broadcast %shift_right_logical3A_3185 : i32 to vector<16xi32>
    %shift_right_logical3A_3187 = arith.shrui %get3A_3181, %shift_right_logical3A_3186 : vector<16xi32>
    %broadcast_in_dim3A_3188 = arith.constant 0.000000e+00 : f32
    %broadcast_in_dim3A_3189 = vector.broadcast %broadcast_in_dim3A_3188 : f32 to vector<16xf32>
    %lt3A_3190 = arith.constant 0 : i32
    %lt3A_3191 = vector.broadcast %lt3A_3190 : i32 to vector<16xi32>
    %lt3A_3192 = arith.cmpi slt, %and3A_3184, %lt3A_3191 : vector<16xi32>
    %add3A_3193 = arith.constant 16 : i32
    %add3A_3194 = vector.broadcast %add3A_3193 : i32 to vector<16xi32>
    %add3A_3195 = arith.addi %and3A_3184, %add3A_3194 : vector<16xi32>
    %select_n3A_3196 = arith.select %lt3A_3192, %add3A_3195, %and3A_3184 : vector<16xi1>, vector<16xi32>
    %broadcast_in_dim3A_3197 = vector.shape_cast %select_n3A_3196 : vector<16xi32> to vector<16x1xi32>
    %gather3A_3198 = vector.shape_cast %broadcast_in_dim3A_3197 : vector<16x1xi32> to vector<16xi32>
    %gather3A_3199 = tpu.dynamic_gather %get3A_4[%gather3A_3198] in [0] : vector<16xf32>, vector<16xi32> -> vector<16xf32>
    %eq3A_3200 = arith.constant 0 : i32
    %eq3A_3201 = vector.broadcast %eq3A_3200 : i32 to vector<16xi32>
    %eq3A_3202 = arith.cmpi eq, %shift_right_logical3A_3187, %eq3A_3201 : vector<16xi32>
    %select_n3A_3203 = arith.select %eq3A_3202, %gather3A_3199, %broadcast_in_dim3A_3189 : vector<16xi1>, vector<16xf32>
    %lt3A_3204 = arith.constant 0 : i32
    %lt3A_3205 = vector.broadcast %lt3A_3204 : i32 to vector<16xi32>
    %lt3A_3206 = arith.cmpi slt, %and3A_3184, %lt3A_3205 : vector<16xi32>
    %add3A_3207 = arith.constant 16 : i32
    %add3A_3208 = vector.broadcast %add3A_3207 : i32 to vector<16xi32>
    %add3A_3209 = arith.addi %and3A_3184, %add3A_3208 : vector<16xi32>
    %select_n3A_3210 = arith.select %lt3A_3206, %add3A_3209, %and3A_3184 : vector<16xi1>, vector<16xi32>
    %broadcast_in_dim3A_3211 = vector.shape_cast %select_n3A_3210 : vector<16xi32> to vector<16x1xi32>
    %gather3A_3212 = vector.shape_cast %broadcast_in_dim3A_3211 : vector<16x1xi32> to vector<16xi32>
    %gather3A_3213 = tpu.dynamic_gather %get3A_7[%gather3A_3212] in [0] : vector<16xf32>, vector<16xi32> -> vector<16xf32>
    %eq3A_3214 = arith.constant 1 : i32
    %eq3A_3215 = vector.broadcast %eq3A_3214 : i32 to vector<16xi32>
    %eq3A_3216 = arith.cmpi eq, %shift_right_logical3A_3187, %eq3A_3215 : vector<16xi32>
    %select_n3A_3217 = arith.select %eq3A_3216, %gather3A_3213, %select_n3A_3203 : vector<16xi1>, vector<16xf32>
    %lt3A_3218 = arith.constant 0 : i32
    %lt3A_3219 = vector.broadcast %lt3A_3218 : i32 to vector<16xi32>
    %lt3A_3220 = arith.cmpi slt, %and3A_3184, %lt3A_3219 : vector<16xi32>
    %add3A_3221 = arith.constant 16 : i32
    %add3A_3222 = vector.broadcast %add3A_3221 : i32 to vector<16xi32>
    %add3A_3223 = arith.addi %and3A_3184, %add3A_3222 : vector<16xi32>
    %select_n3A_3224 = arith.select %lt3A_3220, %add3A_3223, %and3A_3184 : vector<16xi1>, vector<16xi32>
    %broadcast_in_dim3A_3225 = vector.shape_cast %select_n3A_3224 : vector<16xi32> to vector<16x1xi32>
    %gather3A_3226 = vector.shape_cast %broadcast_in_dim3A_3225 : vector<16x1xi32> to vector<16xi32>
    %gather3A_3227 = tpu.dynamic_gather %get3A_10[%gather3A_3226] in [0] : vector<16xf32>, vector<16xi32> -> vector<16xf32>
    %eq3A_3228 = arith.constant 2 : i32
    %eq3A_3229 = vector.broadcast %eq3A_3228 : i32 to vector<16xi32>
    %eq3A_3230 = arith.cmpi eq, %shift_right_logical3A_3187, %eq3A_3229 : vector<16xi32>
    %select_n3A_3231 = arith.select %eq3A_3230, %gather3A_3227, %select_n3A_3217 : vector<16xi1>, vector<16xf32>
    %lt3A_3232 = arith.constant 0 : i32
    %lt3A_3233 = vector.broadcast %lt3A_3232 : i32 to vector<16xi32>
    %lt3A_3234 = arith.cmpi slt, %and3A_3184, %lt3A_3233 : vector<16xi32>
    %add3A_3235 = arith.constant 16 : i32
    %add3A_3236 = vector.broadcast %add3A_3235 : i32 to vector<16xi32>
    %add3A_3237 = arith.addi %and3A_3184, %add3A_3236 : vector<16xi32>
    %select_n3A_3238 = arith.select %lt3A_3234, %add3A_3237, %and3A_3184 : vector<16xi1>, vector<16xi32>
    %broadcast_in_dim3A_3239 = vector.shape_cast %select_n3A_3238 : vector<16xi32> to vector<16x1xi32>
    %gather3A_3240 = vector.shape_cast %broadcast_in_dim3A_3239 : vector<16x1xi32> to vector<16xi32>
    %gather3A_3241 = tpu.dynamic_gather %get3A_13[%gather3A_3240] in [0] : vector<16xf32>, vector<16xi32> -> vector<16xf32>
    %eq3A_3242 = arith.constant 3 : i32
    %eq3A_3243 = vector.broadcast %eq3A_3242 : i32 to vector<16xi32>
    %eq3A_3244 = arith.cmpi eq, %shift_right_logical3A_3187, %eq3A_3243 : vector<16xi32>
    %select_n3A_3245 = arith.select %eq3A_3244, %gather3A_3241, %select_n3A_3231 : vector<16xi1>, vector<16xf32>
    %lt3A_3246 = arith.constant 0 : i32
    %lt3A_3247 = vector.broadcast %lt3A_3246 : i32 to vector<16xi32>
    %lt3A_3248 = arith.cmpi slt, %and3A_3184, %lt3A_3247 : vector<16xi32>
    %add3A_3249 = arith.constant 16 : i32
    %add3A_3250 = vector.broadcast %add3A_3249 : i32 to vector<16xi32>
    %add3A_3251 = arith.addi %and3A_3184, %add3A_3250 : vector<16xi32>
    %select_n3A_3252 = arith.select %lt3A_3248, %add3A_3251, %and3A_3184 : vector<16xi1>, vector<16xi32>
    %broadcast_in_dim3A_3253 = vector.shape_cast %select_n3A_3252 : vector<16xi32> to vector<16x1xi32>
    %gather3A_3254 = vector.shape_cast %broadcast_in_dim3A_3253 : vector<16x1xi32> to vector<16xi32>
    %gather3A_3255 = tpu.dynamic_gather %get3A_16[%gather3A_3254] in [0] : vector<16xf32>, vector<16xi32> -> vector<16xf32>
    %eq3A_3256 = arith.constant 4 : i32
    %eq3A_3257 = vector.broadcast %eq3A_3256 : i32 to vector<16xi32>
    %eq3A_3258 = arith.cmpi eq, %shift_right_logical3A_3187, %eq3A_3257 : vector<16xi32>
    %select_n3A_3259 = arith.select %eq3A_3258, %gather3A_3255, %select_n3A_3245 : vector<16xi1>, vector<16xf32>
    %lt3A_3260 = arith.constant 0 : i32
    %lt3A_3261 = vector.broadcast %lt3A_3260 : i32 to vector<16xi32>
    %lt3A_3262 = arith.cmpi slt, %and3A_3184, %lt3A_3261 : vector<16xi32>
    %add3A_3263 = arith.constant 16 : i32
    %add3A_3264 = vector.broadcast %add3A_3263 : i32 to vector<16xi32>
    %add3A_3265 = arith.addi %and3A_3184, %add3A_3264 : vector<16xi32>
    %select_n3A_3266 = arith.select %lt3A_3262, %add3A_3265, %and3A_3184 : vector<16xi1>, vector<16xi32>
    %broadcast_in_dim3A_3267 = vector.shape_cast %select_n3A_3266 : vector<16xi32> to vector<16x1xi32>
    %gather3A_3268 = vector.shape_cast %broadcast_in_dim3A_3267 : vector<16x1xi32> to vector<16xi32>
    %gather3A_3269 = tpu.dynamic_gather %get3A_19[%gather3A_3268] in [0] : vector<16xf32>, vector<16xi32> -> vector<16xf32>
    %eq3A_3270 = arith.constant 5 : i32
    %eq3A_3271 = vector.broadcast %eq3A_3270 : i32 to vector<16xi32>
    %eq3A_3272 = arith.cmpi eq, %shift_right_logical3A_3187, %eq3A_3271 : vector<16xi32>
    %select_n3A_3273 = arith.select %eq3A_3272, %gather3A_3269, %select_n3A_3259 : vector<16xi1>, vector<16xf32>
    %lt3A_3274 = arith.constant 0 : i32
    %lt3A_3275 = vector.broadcast %lt3A_3274 : i32 to vector<16xi32>
    %lt3A_3276 = arith.cmpi slt, %and3A_3184, %lt3A_3275 : vector<16xi32>
    %add3A_3277 = arith.constant 16 : i32
    %add3A_3278 = vector.broadcast %add3A_3277 : i32 to vector<16xi32>
    %add3A_3279 = arith.addi %and3A_3184, %add3A_3278 : vector<16xi32>
    %select_n3A_3280 = arith.select %lt3A_3276, %add3A_3279, %and3A_3184 : vector<16xi1>, vector<16xi32>
    %broadcast_in_dim3A_3281 = vector.shape_cast %select_n3A_3280 : vector<16xi32> to vector<16x1xi32>
    %gather3A_3282 = vector.shape_cast %broadcast_in_dim3A_3281 : vector<16x1xi32> to vector<16xi32>
    %gather3A_3283 = tpu.dynamic_gather %get3A_22[%gather3A_3282] in [0] : vector<16xf32>, vector<16xi32> -> vector<16xf32>
    %eq3A_3284 = arith.constant 6 : i32
    %eq3A_3285 = vector.broadcast %eq3A_3284 : i32 to vector<16xi32>
    %eq3A_3286 = arith.cmpi eq, %shift_right_logical3A_3187, %eq3A_3285 : vector<16xi32>
    %select_n3A_3287 = arith.select %eq3A_3286, %gather3A_3283, %select_n3A_3273 : vector<16xi1>, vector<16xf32>
    %swap3A_3288 = arith.constant 448 : index
    %swap3A_3289 = tpu.vector_load %arg7[%swap3A_3288] {strides = array<i32>} : memref<512xf32, #tpu.memory_space<vmem>>, vector<16xf32>,
    %swap3A_3290 = vector.shape_cast %swap3A_3289 : vector<16xf32> to vector<16xf32>
    %swap3A_3291 = vector.shape_cast %select_n3A_3287 : vector<16xf32> to vector<16xf32>
    tpu.vector_store %arg7[%swap3A_3288], %swap3A_3291 {strides = array<i32>} : memref<512xf32, #tpu.memory_space<vmem>>, vector<16xf32>,
    %get3A_3292 = arith.constant 464 : index
    %get3A_3293 = tpu.vector_load %arg5[%get3A_3292] {strides = array<i32>} : memref<512xi32, #tpu.memory_space<vmem>>, vector<16xi32>,
    %get3A_3294 = vector.shape_cast %get3A_3293 : vector<16xi32> to vector<16xi32>
    %and3A_3295 = arith.constant 15 : i32
    %and3A_3296 = vector.broadcast %and3A_3295 : i32 to vector<16xi32>
    %and3A_3297 = arith.andi %get3A_3294, %and3A_3296 : vector<16xi32>
    %shift_right_logical3A_3298 = arith.constant 4 : i32
    %shift_right_logical3A_3299 = vector.broadcast %shift_right_logical3A_3298 : i32 to vector<16xi32>
    %shift_right_logical3A_3300 = arith.shrui %get3A_3294, %shift_right_logical3A_3299 : vector<16xi32>
    %broadcast_in_dim3A_3301 = arith.constant 0.000000e+00 : f32
    %broadcast_in_dim3A_3302 = vector.broadcast %broadcast_in_dim3A_3301 : f32 to vector<16xf32>
    %lt3A_3303 = arith.constant 0 : i32
    %lt3A_3304 = vector.broadcast %lt3A_3303 : i32 to vector<16xi32>
    %lt3A_3305 = arith.cmpi slt, %and3A_3297, %lt3A_3304 : vector<16xi32>
    %add3A_3306 = arith.constant 16 : i32
    %add3A_3307 = vector.broadcast %add3A_3306 : i32 to vector<16xi32>
    %add3A_3308 = arith.addi %and3A_3297, %add3A_3307 : vector<16xi32>
    %select_n3A_3309 = arith.select %lt3A_3305, %add3A_3308, %and3A_3297 : vector<16xi1>, vector<16xi32>
    %broadcast_in_dim3A_3310 = vector.shape_cast %select_n3A_3309 : vector<16xi32> to vector<16x1xi32>
    %gather3A_3311 = vector.shape_cast %broadcast_in_dim3A_3310 : vector<16x1xi32> to vector<16xi32>
    %gather3A_3312 = tpu.dynamic_gather %get3A_4[%gather3A_3311] in [0] : vector<16xf32>, vector<16xi32> -> vector<16xf32>
    %eq3A_3313 = arith.constant 0 : i32
    %eq3A_3314 = vector.broadcast %eq3A_3313 : i32 to vector<16xi32>
    %eq3A_3315 = arith.cmpi eq, %shift_right_logical3A_3300, %eq3A_3314 : vector<16xi32>
    %select_n3A_3316 = arith.select %eq3A_3315, %gather3A_3312, %broadcast_in_dim3A_3302 : vector<16xi1>, vector<16xf32>
    %lt3A_3317 = arith.constant 0 : i32
    %lt3A_3318 = vector.broadcast %lt3A_3317 : i32 to vector<16xi32>
    %lt3A_3319 = arith.cmpi slt, %and3A_3297, %lt3A_3318 : vector<16xi32>
    %add3A_3320 = arith.constant 16 : i32
    %add3A_3321 = vector.broadcast %add3A_3320 : i32 to vector<16xi32>
    %add3A_3322 = arith.addi %and3A_3297, %add3A_3321 : vector<16xi32>
    %select_n3A_3323 = arith.select %lt3A_3319, %add3A_3322, %and3A_3297 : vector<16xi1>, vector<16xi32>
    %broadcast_in_dim3A_3324 = vector.shape_cast %select_n3A_3323 : vector<16xi32> to vector<16x1xi32>
    %gather3A_3325 = vector.shape_cast %broadcast_in_dim3A_3324 : vector<16x1xi32> to vector<16xi32>
    %gather3A_3326 = tpu.dynamic_gather %get3A_7[%gather3A_3325] in [0] : vector<16xf32>, vector<16xi32> -> vector<16xf32>
    %eq3A_3327 = arith.constant 1 : i32
    %eq3A_3328 = vector.broadcast %eq3A_3327 : i32 to vector<16xi32>
    %eq3A_3329 = arith.cmpi eq, %shift_right_logical3A_3300, %eq3A_3328 : vector<16xi32>
    %select_n3A_3330 = arith.select %eq3A_3329, %gather3A_3326, %select_n3A_3316 : vector<16xi1>, vector<16xf32>
    %lt3A_3331 = arith.constant 0 : i32
    %lt3A_3332 = vector.broadcast %lt3A_3331 : i32 to vector<16xi32>
    %lt3A_3333 = arith.cmpi slt, %and3A_3297, %lt3A_3332 : vector<16xi32>
    %add3A_3334 = arith.constant 16 : i32
    %add3A_3335 = vector.broadcast %add3A_3334 : i32 to vector<16xi32>
    %add3A_3336 = arith.addi %and3A_3297, %add3A_3335 : vector<16xi32>
    %select_n3A_3337 = arith.select %lt3A_3333, %add3A_3336, %and3A_3297 : vector<16xi1>, vector<16xi32>
    %broadcast_in_dim3A_3338 = vector.shape_cast %select_n3A_3337 : vector<16xi32> to vector<16x1xi32>
    %gather3A_3339 = vector.shape_cast %broadcast_in_dim3A_3338 : vector<16x1xi32> to vector<16xi32>
    %gather3A_3340 = tpu.dynamic_gather %get3A_10[%gather3A_3339] in [0] : vector<16xf32>, vector<16xi32> -> vector<16xf32>
    %eq3A_3341 = arith.constant 2 : i32
    %eq3A_3342 = vector.broadcast %eq3A_3341 : i32 to vector<16xi32>
    %eq3A_3343 = arith.cmpi eq, %shift_right_logical3A_3300, %eq3A_3342 : vector<16xi32>
    %select_n3A_3344 = arith.select %eq3A_3343, %gather3A_3340, %select_n3A_3330 : vector<16xi1>, vector<16xf32>
    %lt3A_3345 = arith.constant 0 : i32
    %lt3A_3346 = vector.broadcast %lt3A_3345 : i32 to vector<16xi32>
    %lt3A_3347 = arith.cmpi slt, %and3A_3297, %lt3A_3346 : vector<16xi32>
    %add3A_3348 = arith.constant 16 : i32
    %add3A_3349 = vector.broadcast %add3A_3348 : i32 to vector<16xi32>
    %add3A_3350 = arith.addi %and3A_3297, %add3A_3349 : vector<16xi32>
    %select_n3A_3351 = arith.select %lt3A_3347, %add3A_3350, %and3A_3297 : vector<16xi1>, vector<16xi32>
    %broadcast_in_dim3A_3352 = vector.shape_cast %select_n3A_3351 : vector<16xi32> to vector<16x1xi32>
    %gather3A_3353 = vector.shape_cast %broadcast_in_dim3A_3352 : vector<16x1xi32> to vector<16xi32>
    %gather3A_3354 = tpu.dynamic_gather %get3A_13[%gather3A_3353] in [0] : vector<16xf32>, vector<16xi32> -> vector<16xf32>
    %eq3A_3355 = arith.constant 3 : i32
    %eq3A_3356 = vector.broadcast %eq3A_3355 : i32 to vector<16xi32>
    %eq3A_3357 = arith.cmpi eq, %shift_right_logical3A_3300, %eq3A_3356 : vector<16xi32>
    %select_n3A_3358 = arith.select %eq3A_3357, %gather3A_3354, %select_n3A_3344 : vector<16xi1>, vector<16xf32>
    %lt3A_3359 = arith.constant 0 : i32
    %lt3A_3360 = vector.broadcast %lt3A_3359 : i32 to vector<16xi32>
    %lt3A_3361 = arith.cmpi slt, %and3A_3297, %lt3A_3360 : vector<16xi32>
    %add3A_3362 = arith.constant 16 : i32
    %add3A_3363 = vector.broadcast %add3A_3362 : i32 to vector<16xi32>
    %add3A_3364 = arith.addi %and3A_3297, %add3A_3363 : vector<16xi32>
    %select_n3A_3365 = arith.select %lt3A_3361, %add3A_3364, %and3A_3297 : vector<16xi1>, vector<16xi32>
    %broadcast_in_dim3A_3366 = vector.shape_cast %select_n3A_3365 : vector<16xi32> to vector<16x1xi32>
    %gather3A_3367 = vector.shape_cast %broadcast_in_dim3A_3366 : vector<16x1xi32> to vector<16xi32>
    %gather3A_3368 = tpu.dynamic_gather %get3A_16[%gather3A_3367] in [0] : vector<16xf32>, vector<16xi32> -> vector<16xf32>
    %eq3A_3369 = arith.constant 4 : i32
    %eq3A_3370 = vector.broadcast %eq3A_3369 : i32 to vector<16xi32>
    %eq3A_3371 = arith.cmpi eq, %shift_right_logical3A_3300, %eq3A_3370 : vector<16xi32>
    %select_n3A_3372 = arith.select %eq3A_3371, %gather3A_3368, %select_n3A_3358 : vector<16xi1>, vector<16xf32>
    %lt3A_3373 = arith.constant 0 : i32
    %lt3A_3374 = vector.broadcast %lt3A_3373 : i32 to vector<16xi32>
    %lt3A_3375 = arith.cmpi slt, %and3A_3297, %lt3A_3374 : vector<16xi32>
    %add3A_3376 = arith.constant 16 : i32
    %add3A_3377 = vector.broadcast %add3A_3376 : i32 to vector<16xi32>
    %add3A_3378 = arith.addi %and3A_3297, %add3A_3377 : vector<16xi32>
    %select_n3A_3379 = arith.select %lt3A_3375, %add3A_3378, %and3A_3297 : vector<16xi1>, vector<16xi32>
    %broadcast_in_dim3A_3380 = vector.shape_cast %select_n3A_3379 : vector<16xi32> to vector<16x1xi32>
    %gather3A_3381 = vector.shape_cast %broadcast_in_dim3A_3380 : vector<16x1xi32> to vector<16xi32>
    %gather3A_3382 = tpu.dynamic_gather %get3A_19[%gather3A_3381] in [0] : vector<16xf32>, vector<16xi32> -> vector<16xf32>
    %eq3A_3383 = arith.constant 5 : i32
    %eq3A_3384 = vector.broadcast %eq3A_3383 : i32 to vector<16xi32>
    %eq3A_3385 = arith.cmpi eq, %shift_right_logical3A_3300, %eq3A_3384 : vector<16xi32>
    %select_n3A_3386 = arith.select %eq3A_3385, %gather3A_3382, %select_n3A_3372 : vector<16xi1>, vector<16xf32>
    %lt3A_3387 = arith.constant 0 : i32
    %lt3A_3388 = vector.broadcast %lt3A_3387 : i32 to vector<16xi32>
    %lt3A_3389 = arith.cmpi slt, %and3A_3297, %lt3A_3388 : vector<16xi32>
    %add3A_3390 = arith.constant 16 : i32
    %add3A_3391 = vector.broadcast %add3A_3390 : i32 to vector<16xi32>
    %add3A_3392 = arith.addi %and3A_3297, %add3A_3391 : vector<16xi32>
    %select_n3A_3393 = arith.select %lt3A_3389, %add3A_3392, %and3A_3297 : vector<16xi1>, vector<16xi32>
    %broadcast_in_dim3A_3394 = vector.shape_cast %select_n3A_3393 : vector<16xi32> to vector<16x1xi32>
    %gather3A_3395 = vector.shape_cast %broadcast_in_dim3A_3394 : vector<16x1xi32> to vector<16xi32>
    %gather3A_3396 = tpu.dynamic_gather %get3A_22[%gather3A_3395] in [0] : vector<16xf32>, vector<16xi32> -> vector<16xf32>
    %eq3A_3397 = arith.constant 6 : i32
    %eq3A_3398 = vector.broadcast %eq3A_3397 : i32 to vector<16xi32>
    %eq3A_3399 = arith.cmpi eq, %shift_right_logical3A_3300, %eq3A_3398 : vector<16xi32>
    %select_n3A_3400 = arith.select %eq3A_3399, %gather3A_3396, %select_n3A_3386 : vector<16xi1>, vector<16xf32>
    %swap3A_3401 = arith.constant 464 : index
    %swap3A_3402 = tpu.vector_load %arg7[%swap3A_3401] {strides = array<i32>} : memref<512xf32, #tpu.memory_space<vmem>>, vector<16xf32>,
    %swap3A_3403 = vector.shape_cast %swap3A_3402 : vector<16xf32> to vector<16xf32>
    %swap3A_3404 = vector.shape_cast %select_n3A_3400 : vector<16xf32> to vector<16xf32>
    tpu.vector_store %arg7[%swap3A_3401], %swap3A_3404 {strides = array<i32>} : memref<512xf32, #tpu.memory_space<vmem>>, vector<16xf32>,
    %get3A_3405 = arith.constant 480 : index
    %get3A_3406 = tpu.vector_load %arg5[%get3A_3405] {strides = array<i32>} : memref<512xi32, #tpu.memory_space<vmem>>, vector<16xi32>,
    %get3A_3407 = vector.shape_cast %get3A_3406 : vector<16xi32> to vector<16xi32>
    %and3A_3408 = arith.constant 15 : i32
    %and3A_3409 = vector.broadcast %and3A_3408 : i32 to vector<16xi32>
    %and3A_3410 = arith.andi %get3A_3407, %and3A_3409 : vector<16xi32>
    %shift_right_logical3A_3411 = arith.constant 4 : i32
    %shift_right_logical3A_3412 = vector.broadcast %shift_right_logical3A_3411 : i32 to vector<16xi32>
    %shift_right_logical3A_3413 = arith.shrui %get3A_3407, %shift_right_logical3A_3412 : vector<16xi32>
    %broadcast_in_dim3A_3414 = arith.constant 0.000000e+00 : f32
    %broadcast_in_dim3A_3415 = vector.broadcast %broadcast_in_dim3A_3414 : f32 to vector<16xf32>
    %lt3A_3416 = arith.constant 0 : i32
    %lt3A_3417 = vector.broadcast %lt3A_3416 : i32 to vector<16xi32>
    %lt3A_3418 = arith.cmpi slt, %and3A_3410, %lt3A_3417 : vector<16xi32>
    %add3A_3419 = arith.constant 16 : i32
    %add3A_3420 = vector.broadcast %add3A_3419 : i32 to vector<16xi32>
    %add3A_3421 = arith.addi %and3A_3410, %add3A_3420 : vector<16xi32>
    %select_n3A_3422 = arith.select %lt3A_3418, %add3A_3421, %and3A_3410 : vector<16xi1>, vector<16xi32>
    %broadcast_in_dim3A_3423 = vector.shape_cast %select_n3A_3422 : vector<16xi32> to vector<16x1xi32>
    %gather3A_3424 = vector.shape_cast %broadcast_in_dim3A_3423 : vector<16x1xi32> to vector<16xi32>
    %gather3A_3425 = tpu.dynamic_gather %get3A_4[%gather3A_3424] in [0] : vector<16xf32>, vector<16xi32> -> vector<16xf32>
    %eq3A_3426 = arith.constant 0 : i32
    %eq3A_3427 = vector.broadcast %eq3A_3426 : i32 to vector<16xi32>
    %eq3A_3428 = arith.cmpi eq, %shift_right_logical3A_3413, %eq3A_3427 : vector<16xi32>
    %select_n3A_3429 = arith.select %eq3A_3428, %gather3A_3425, %broadcast_in_dim3A_3415 : vector<16xi1>, vector<16xf32>
    %lt3A_3430 = arith.constant 0 : i32
    %lt3A_3431 = vector.broadcast %lt3A_3430 : i32 to vector<16xi32>
    %lt3A_3432 = arith.cmpi slt, %and3A_3410, %lt3A_3431 : vector<16xi32>
    %add3A_3433 = arith.constant 16 : i32
    %add3A_3434 = vector.broadcast %add3A_3433 : i32 to vector<16xi32>
    %add3A_3435 = arith.addi %and3A_3410, %add3A_3434 : vector<16xi32>
    %select_n3A_3436 = arith.select %lt3A_3432, %add3A_3435, %and3A_3410 : vector<16xi1>, vector<16xi32>
    %broadcast_in_dim3A_3437 = vector.shape_cast %select_n3A_3436 : vector<16xi32> to vector<16x1xi32>
    %gather3A_3438 = vector.shape_cast %broadcast_in_dim3A_3437 : vector<16x1xi32> to vector<16xi32>
    %gather3A_3439 = tpu.dynamic_gather %get3A_7[%gather3A_3438] in [0] : vector<16xf32>, vector<16xi32> -> vector<16xf32>
    %eq3A_3440 = arith.constant 1 : i32
    %eq3A_3441 = vector.broadcast %eq3A_3440 : i32 to vector<16xi32>
    %eq3A_3442 = arith.cmpi eq, %shift_right_logical3A_3413, %eq3A_3441 : vector<16xi32>
    %select_n3A_3443 = arith.select %eq3A_3442, %gather3A_3439, %select_n3A_3429 : vector<16xi1>, vector<16xf32>
    %lt3A_3444 = arith.constant 0 : i32
    %lt3A_3445 = vector.broadcast %lt3A_3444 : i32 to vector<16xi32>
    %lt3A_3446 = arith.cmpi slt, %and3A_3410, %lt3A_3445 : vector<16xi32>
    %add3A_3447 = arith.constant 16 : i32
    %add3A_3448 = vector.broadcast %add3A_3447 : i32 to vector<16xi32>
    %add3A_3449 = arith.addi %and3A_3410, %add3A_3448 : vector<16xi32>
    %select_n3A_3450 = arith.select %lt3A_3446, %add3A_3449, %and3A_3410 : vector<16xi1>, vector<16xi32>
    %broadcast_in_dim3A_3451 = vector.shape_cast %select_n3A_3450 : vector<16xi32> to vector<16x1xi32>
    %gather3A_3452 = vector.shape_cast %broadcast_in_dim3A_3451 : vector<16x1xi32> to vector<16xi32>
    %gather3A_3453 = tpu.dynamic_gather %get3A_10[%gather3A_3452] in [0] : vector<16xf32>, vector<16xi32> -> vector<16xf32>
    %eq3A_3454 = arith.constant 2 : i32
    %eq3A_3455 = vector.broadcast %eq3A_3454 : i32 to vector<16xi32>
    %eq3A_3456 = arith.cmpi eq, %shift_right_logical3A_3413, %eq3A_3455 : vector<16xi32>
    %select_n3A_3457 = arith.select %eq3A_3456, %gather3A_3453, %select_n3A_3443 : vector<16xi1>, vector<16xf32>
    %lt3A_3458 = arith.constant 0 : i32
    %lt3A_3459 = vector.broadcast %lt3A_3458 : i32 to vector<16xi32>
    %lt3A_3460 = arith.cmpi slt, %and3A_3410, %lt3A_3459 : vector<16xi32>
    %add3A_3461 = arith.constant 16 : i32
    %add3A_3462 = vector.broadcast %add3A_3461 : i32 to vector<16xi32>
    %add3A_3463 = arith.addi %and3A_3410, %add3A_3462 : vector<16xi32>
    %select_n3A_3464 = arith.select %lt3A_3460, %add3A_3463, %and3A_3410 : vector<16xi1>, vector<16xi32>
    %broadcast_in_dim3A_3465 = vector.shape_cast %select_n3A_3464 : vector<16xi32> to vector<16x1xi32>
    %gather3A_3466 = vector.shape_cast %broadcast_in_dim3A_3465 : vector<16x1xi32> to vector<16xi32>
    %gather3A_3467 = tpu.dynamic_gather %get3A_13[%gather3A_3466] in [0] : vector<16xf32>, vector<16xi32> -> vector<16xf32>
    %eq3A_3468 = arith.constant 3 : i32
    %eq3A_3469 = vector.broadcast %eq3A_3468 : i32 to vector<16xi32>
    %eq3A_3470 = arith.cmpi eq, %shift_right_logical3A_3413, %eq3A_3469 : vector<16xi32>
    %select_n3A_3471 = arith.select %eq3A_3470, %gather3A_3467, %select_n3A_3457 : vector<16xi1>, vector<16xf32>
    %lt3A_3472 = arith.constant 0 : i32
    %lt3A_3473 = vector.broadcast %lt3A_3472 : i32 to vector<16xi32>
    %lt3A_3474 = arith.cmpi slt, %and3A_3410, %lt3A_3473 : vector<16xi32>
    %add3A_3475 = arith.constant 16 : i32
    %add3A_3476 = vector.broadcast %add3A_3475 : i32 to vector<16xi32>
    %add3A_3477 = arith.addi %and3A_3410, %add3A_3476 : vector<16xi32>
    %select_n3A_3478 = arith.select %lt3A_3474, %add3A_3477, %and3A_3410 : vector<16xi1>, vector<16xi32>
    %broadcast_in_dim3A_3479 = vector.shape_cast %select_n3A_3478 : vector<16xi32> to vector<16x1xi32>
    %gather3A_3480 = vector.shape_cast %broadcast_in_dim3A_3479 : vector<16x1xi32> to vector<16xi32>
    %gather3A_3481 = tpu.dynamic_gather %get3A_16[%gather3A_3480] in [0] : vector<16xf32>, vector<16xi32> -> vector<16xf32>
    %eq3A_3482 = arith.constant 4 : i32
    %eq3A_3483 = vector.broadcast %eq3A_3482 : i32 to vector<16xi32>
    %eq3A_3484 = arith.cmpi eq, %shift_right_logical3A_3413, %eq3A_3483 : vector<16xi32>
    %select_n3A_3485 = arith.select %eq3A_3484, %gather3A_3481, %select_n3A_3471 : vector<16xi1>, vector<16xf32>
    %lt3A_3486 = arith.constant 0 : i32
    %lt3A_3487 = vector.broadcast %lt3A_3486 : i32 to vector<16xi32>
    %lt3A_3488 = arith.cmpi slt, %and3A_3410, %lt3A_3487 : vector<16xi32>
    %add3A_3489 = arith.constant 16 : i32
    %add3A_3490 = vector.broadcast %add3A_3489 : i32 to vector<16xi32>
    %add3A_3491 = arith.addi %and3A_3410, %add3A_3490 : vector<16xi32>
    %select_n3A_3492 = arith.select %lt3A_3488, %add3A_3491, %and3A_3410 : vector<16xi1>, vector<16xi32>
    %broadcast_in_dim3A_3493 = vector.shape_cast %select_n3A_3492 : vector<16xi32> to vector<16x1xi32>
    %gather3A_3494 = vector.shape_cast %broadcast_in_dim3A_3493 : vector<16x1xi32> to vector<16xi32>
    %gather3A_3495 = tpu.dynamic_gather %get3A_19[%gather3A_3494] in [0] : vector<16xf32>, vector<16xi32> -> vector<16xf32>
    %eq3A_3496 = arith.constant 5 : i32
    %eq3A_3497 = vector.broadcast %eq3A_3496 : i32 to vector<16xi32>
    %eq3A_3498 = arith.cmpi eq, %shift_right_logical3A_3413, %eq3A_3497 : vector<16xi32>
    %select_n3A_3499 = arith.select %eq3A_3498, %gather3A_3495, %select_n3A_3485 : vector<16xi1>, vector<16xf32>
    %lt3A_3500 = arith.constant 0 : i32
    %lt3A_3501 = vector.broadcast %lt3A_3500 : i32 to vector<16xi32>
    %lt3A_3502 = arith.cmpi slt, %and3A_3410, %lt3A_3501 : vector<16xi32>
    %add3A_3503 = arith.constant 16 : i32
    %add3A_3504 = vector.broadcast %add3A_3503 : i32 to vector<16xi32>
    %add3A_3505 = arith.addi %and3A_3410, %add3A_3504 : vector<16xi32>
    %select_n3A_3506 = arith.select %lt3A_3502, %add3A_3505, %and3A_3410 : vector<16xi1>, vector<16xi32>
    %broadcast_in_dim3A_3507 = vector.shape_cast %select_n3A_3506 : vector<16xi32> to vector<16x1xi32>
    %gather3A_3508 = vector.shape_cast %broadcast_in_dim3A_3507 : vector<16x1xi32> to vector<16xi32>
    %gather3A_3509 = tpu.dynamic_gather %get3A_22[%gather3A_3508] in [0] : vector<16xf32>, vector<16xi32> -> vector<16xf32>
    %eq3A_3510 = arith.constant 6 : i32
    %eq3A_3511 = vector.broadcast %eq3A_3510 : i32 to vector<16xi32>
    %eq3A_3512 = arith.cmpi eq, %shift_right_logical3A_3413, %eq3A_3511 : vector<16xi32>
    %select_n3A_3513 = arith.select %eq3A_3512, %gather3A_3509, %select_n3A_3499 : vector<16xi1>, vector<16xf32>
    %swap3A_3514 = arith.constant 480 : index
    %swap3A_3515 = tpu.vector_load %arg7[%swap3A_3514] {strides = array<i32>} : memref<512xf32, #tpu.memory_space<vmem>>, vector<16xf32>,
    %swap3A_3516 = vector.shape_cast %swap3A_3515 : vector<16xf32> to vector<16xf32>
    %swap3A_3517 = vector.shape_cast %select_n3A_3513 : vector<16xf32> to vector<16xf32>
    tpu.vector_store %arg7[%swap3A_3514], %swap3A_3517 {strides = array<i32>} : memref<512xf32, #tpu.memory_space<vmem>>, vector<16xf32>,
    %get3A_3518 = arith.constant 496 : index
    %get3A_3519 = tpu.vector_load %arg5[%get3A_3518] {strides = array<i32>} : memref<512xi32, #tpu.memory_space<vmem>>, vector<16xi32>,
    %get3A_3520 = vector.shape_cast %get3A_3519 : vector<16xi32> to vector<16xi32>
    %and3A_3521 = arith.constant 15 : i32
    %and3A_3522 = vector.broadcast %and3A_3521 : i32 to vector<16xi32>
    %and3A_3523 = arith.andi %get3A_3520, %and3A_3522 : vector<16xi32>
    %shift_right_logical3A_3524 = arith.constant 4 : i32
    %shift_right_logical3A_3525 = vector.broadcast %shift_right_logical3A_3524 : i32 to vector<16xi32>
    %shift_right_logical3A_3526 = arith.shrui %get3A_3520, %shift_right_logical3A_3525 : vector<16xi32>
    %broadcast_in_dim3A_3527 = arith.constant 0.000000e+00 : f32
    %broadcast_in_dim3A_3528 = vector.broadcast %broadcast_in_dim3A_3527 : f32 to vector<16xf32>
    %lt3A_3529 = arith.constant 0 : i32
    %lt3A_3530 = vector.broadcast %lt3A_3529 : i32 to vector<16xi32>
    %lt3A_3531 = arith.cmpi slt, %and3A_3523, %lt3A_3530 : vector<16xi32>
    %add3A_3532 = arith.constant 16 : i32
    %add3A_3533 = vector.broadcast %add3A_3532 : i32 to vector<16xi32>
    %add3A_3534 = arith.addi %and3A_3523, %add3A_3533 : vector<16xi32>
    %select_n3A_3535 = arith.select %lt3A_3531, %add3A_3534, %and3A_3523 : vector<16xi1>, vector<16xi32>
    %broadcast_in_dim3A_3536 = vector.shape_cast %select_n3A_3535 : vector<16xi32> to vector<16x1xi32>
    %gather3A_3537 = vector.shape_cast %broadcast_in_dim3A_3536 : vector<16x1xi32> to vector<16xi32>
    %gather3A_3538 = tpu.dynamic_gather %get3A_4[%gather3A_3537] in [0] : vector<16xf32>, vector<16xi32> -> vector<16xf32>
    %eq3A_3539 = arith.constant 0 : i32
    %eq3A_3540 = vector.broadcast %eq3A_3539 : i32 to vector<16xi32>
    %eq3A_3541 = arith.cmpi eq, %shift_right_logical3A_3526, %eq3A_3540 : vector<16xi32>
    %select_n3A_3542 = arith.select %eq3A_3541, %gather3A_3538, %broadcast_in_dim3A_3528 : vector<16xi1>, vector<16xf32>
    %lt3A_3543 = arith.constant 0 : i32
    %lt3A_3544 = vector.broadcast %lt3A_3543 : i32 to vector<16xi32>
    %lt3A_3545 = arith.cmpi slt, %and3A_3523, %lt3A_3544 : vector<16xi32>
    %add3A_3546 = arith.constant 16 : i32
    %add3A_3547 = vector.broadcast %add3A_3546 : i32 to vector<16xi32>
    %add3A_3548 = arith.addi %and3A_3523, %add3A_3547 : vector<16xi32>
    %select_n3A_3549 = arith.select %lt3A_3545, %add3A_3548, %and3A_3523 : vector<16xi1>, vector<16xi32>
    %broadcast_in_dim3A_3550 = vector.shape_cast %select_n3A_3549 : vector<16xi32> to vector<16x1xi32>
    %gather3A_3551 = vector.shape_cast %broadcast_in_dim3A_3550 : vector<16x1xi32> to vector<16xi32>
    %gather3A_3552 = tpu.dynamic_gather %get3A_7[%gather3A_3551] in [0] : vector<16xf32>, vector<16xi32> -> vector<16xf32>
    %eq3A_3553 = arith.constant 1 : i32
    %eq3A_3554 = vector.broadcast %eq3A_3553 : i32 to vector<16xi32>
    %eq3A_3555 = arith.cmpi eq, %shift_right_logical3A_3526, %eq3A_3554 : vector<16xi32>
    %select_n3A_3556 = arith.select %eq3A_3555, %gather3A_3552, %select_n3A_3542 : vector<16xi1>, vector<16xf32>
    %lt3A_3557 = arith.constant 0 : i32
    %lt3A_3558 = vector.broadcast %lt3A_3557 : i32 to vector<16xi32>
    %lt3A_3559 = arith.cmpi slt, %and3A_3523, %lt3A_3558 : vector<16xi32>
    %add3A_3560 = arith.constant 16 : i32
    %add3A_3561 = vector.broadcast %add3A_3560 : i32 to vector<16xi32>
    %add3A_3562 = arith.addi %and3A_3523, %add3A_3561 : vector<16xi32>
    %select_n3A_3563 = arith.select %lt3A_3559, %add3A_3562, %and3A_3523 : vector<16xi1>, vector<16xi32>
    %broadcast_in_dim3A_3564 = vector.shape_cast %select_n3A_3563 : vector<16xi32> to vector<16x1xi32>
    %gather3A_3565 = vector.shape_cast %broadcast_in_dim3A_3564 : vector<16x1xi32> to vector<16xi32>
    %gather3A_3566 = tpu.dynamic_gather %get3A_10[%gather3A_3565] in [0] : vector<16xf32>, vector<16xi32> -> vector<16xf32>
    %eq3A_3567 = arith.constant 2 : i32
    %eq3A_3568 = vector.broadcast %eq3A_3567 : i32 to vector<16xi32>
    %eq3A_3569 = arith.cmpi eq, %shift_right_logical3A_3526, %eq3A_3568 : vector<16xi32>
    %select_n3A_3570 = arith.select %eq3A_3569, %gather3A_3566, %select_n3A_3556 : vector<16xi1>, vector<16xf32>
    %lt3A_3571 = arith.constant 0 : i32
    %lt3A_3572 = vector.broadcast %lt3A_3571 : i32 to vector<16xi32>
    %lt3A_3573 = arith.cmpi slt, %and3A_3523, %lt3A_3572 : vector<16xi32>
    %add3A_3574 = arith.constant 16 : i32
    %add3A_3575 = vector.broadcast %add3A_3574 : i32 to vector<16xi32>
    %add3A_3576 = arith.addi %and3A_3523, %add3A_3575 : vector<16xi32>
    %select_n3A_3577 = arith.select %lt3A_3573, %add3A_3576, %and3A_3523 : vector<16xi1>, vector<16xi32>
    %broadcast_in_dim3A_3578 = vector.shape_cast %select_n3A_3577 : vector<16xi32> to vector<16x1xi32>
    %gather3A_3579 = vector.shape_cast %broadcast_in_dim3A_3578 : vector<16x1xi32> to vector<16xi32>
    %gather3A_3580 = tpu.dynamic_gather %get3A_13[%gather3A_3579] in [0] : vector<16xf32>, vector<16xi32> -> vector<16xf32>
    %eq3A_3581 = arith.constant 3 : i32
    %eq3A_3582 = vector.broadcast %eq3A_3581 : i32 to vector<16xi32>
    %eq3A_3583 = arith.cmpi eq, %shift_right_logical3A_3526, %eq3A_3582 : vector<16xi32>
    %select_n3A_3584 = arith.select %eq3A_3583, %gather3A_3580, %select_n3A_3570 : vector<16xi1>, vector<16xf32>
    %lt3A_3585 = arith.constant 0 : i32
    %lt3A_3586 = vector.broadcast %lt3A_3585 : i32 to vector<16xi32>
    %lt3A_3587 = arith.cmpi slt, %and3A_3523, %lt3A_3586 : vector<16xi32>
    %add3A_3588 = arith.constant 16 : i32
    %add3A_3589 = vector.broadcast %add3A_3588 : i32 to vector<16xi32>
    %add3A_3590 = arith.addi %and3A_3523, %add3A_3589 : vector<16xi32>
    %select_n3A_3591 = arith.select %lt3A_3587, %add3A_3590, %and3A_3523 : vector<16xi1>, vector<16xi32>
    %broadcast_in_dim3A_3592 = vector.shape_cast %select_n3A_3591 : vector<16xi32> to vector<16x1xi32>
    %gather3A_3593 = vector.shape_cast %broadcast_in_dim3A_3592 : vector<16x1xi32> to vector<16xi32>
    %gather3A_3594 = tpu.dynamic_gather %get3A_16[%gather3A_3593] in [0] : vector<16xf32>, vector<16xi32> -> vector<16xf32>
    %eq3A_3595 = arith.constant 4 : i32
    %eq3A_3596 = vector.broadcast %eq3A_3595 : i32 to vector<16xi32>
    %eq3A_3597 = arith.cmpi eq, %shift_right_logical3A_3526, %eq3A_3596 : vector<16xi32>
    %select_n3A_3598 = arith.select %eq3A_3597, %gather3A_3594, %select_n3A_3584 : vector<16xi1>, vector<16xf32>
    %lt3A_3599 = arith.constant 0 : i32
    %lt3A_3600 = vector.broadcast %lt3A_3599 : i32 to vector<16xi32>
    %lt3A_3601 = arith.cmpi slt, %and3A_3523, %lt3A_3600 : vector<16xi32>
    %add3A_3602 = arith.constant 16 : i32
    %add3A_3603 = vector.broadcast %add3A_3602 : i32 to vector<16xi32>
    %add3A_3604 = arith.addi %and3A_3523, %add3A_3603 : vector<16xi32>
    %select_n3A_3605 = arith.select %lt3A_3601, %add3A_3604, %and3A_3523 : vector<16xi1>, vector<16xi32>
    %broadcast_in_dim3A_3606 = vector.shape_cast %select_n3A_3605 : vector<16xi32> to vector<16x1xi32>
    %gather3A_3607 = vector.shape_cast %broadcast_in_dim3A_3606 : vector<16x1xi32> to vector<16xi32>
    %gather3A_3608 = tpu.dynamic_gather %get3A_19[%gather3A_3607] in [0] : vector<16xf32>, vector<16xi32> -> vector<16xf32>
    %eq3A_3609 = arith.constant 5 : i32
    %eq3A_3610 = vector.broadcast %eq3A_3609 : i32 to vector<16xi32>
    %eq3A_3611 = arith.cmpi eq, %shift_right_logical3A_3526, %eq3A_3610 : vector<16xi32>
    %select_n3A_3612 = arith.select %eq3A_3611, %gather3A_3608, %select_n3A_3598 : vector<16xi1>, vector<16xf32>
    %lt3A_3613 = arith.constant 0 : i32
    %lt3A_3614 = vector.broadcast %lt3A_3613 : i32 to vector<16xi32>
    %lt3A_3615 = arith.cmpi slt, %and3A_3523, %lt3A_3614 : vector<16xi32>
    %add3A_3616 = arith.constant 16 : i32
    %add3A_3617 = vector.broadcast %add3A_3616 : i32 to vector<16xi32>
    %add3A_3618 = arith.addi %and3A_3523, %add3A_3617 : vector<16xi32>
    %select_n3A_3619 = arith.select %lt3A_3615, %add3A_3618, %and3A_3523 : vector<16xi1>, vector<16xi32>
    %broadcast_in_dim3A_3620 = vector.shape_cast %select_n3A_3619 : vector<16xi32> to vector<16x1xi32>
    %gather3A_3621 = vector.shape_cast %broadcast_in_dim3A_3620 : vector<16x1xi32> to vector<16xi32>
    %gather3A_3622 = tpu.dynamic_gather %get3A_22[%gather3A_3621] in [0] : vector<16xf32>, vector<16xi32> -> vector<16xf32>
    %eq3A_3623 = arith.constant 6 : i32
    %eq3A_3624 = vector.broadcast %eq3A_3623 : i32 to vector<16xi32>
    %eq3A_3625 = arith.cmpi eq, %shift_right_logical3A_3526, %eq3A_3624 : vector<16xi32>
    %select_n3A_3626 = arith.select %eq3A_3625, %gather3A_3622, %select_n3A_3612 : vector<16xi1>, vector<16xf32>
    %swap3A_3627 = arith.constant 496 : index
    %swap3A_3628 = tpu.vector_load %arg7[%swap3A_3627] {strides = array<i32>} : memref<512xf32, #tpu.memory_space<vmem>>, vector<16xf32>,
    %swap3A_3629 = vector.shape_cast %swap3A_3628 : vector<16xf32> to vector<16xf32>
    %swap3A_3630 = vector.shape_cast %select_n3A_3626 : vector<16xf32> to vector<16xf32>
    tpu.vector_store %arg7[%swap3A_3627], %swap3A_3630 {strides = array<i32>} : memref<512xf32, #tpu.memory_space<vmem>>, vector<16xf32>,
    "tpu.region"() ({
      %run_scoped3A = tpu.sem_alloc : memref<!tpu.dma_semaphore, #tpu.memory_space<semaphore_mem>>
      %dma_start3A = tpu.memref_slice %arg4[%mul3A_2] : memref<16384xf32, #tpu.memory_space<hbm>> -> memref<512xf32, #tpu.memory_space<hbm>>
      %dma_start3A_3631 = tpu.memref_slice %arg4[%mul3A_2] : memref<16384xf32, #tpu.memory_space<hbm>> -> memref<512xf32, #tpu.memory_space<hbm>>
      tpu.enqueue_dma source(%arg7 : memref<512xf32, #tpu.memory_space<vmem>>) target(%dma_start3A_3631 : memref<512xf32, #tpu.memory_space<hbm>>) target_semaphore(%run_scoped3A : memref<!tpu.dma_semaphore, #tpu.memory_space<semaphore_mem>>)
      %dma_wait3A = tpu.memref_slice %arg4[%mul3A_2] : memref<16384xf32, #tpu.memory_space<hbm>> -> memref<512xf32, #tpu.memory_space<hbm>>
      %dma_wait3A_3632 = tpu.memref_slice %arg4[%mul3A_2] : memref<16384xf32, #tpu.memory_space<hbm>> -> memref<512xf32, #tpu.memory_space<hbm>>
      tpu.wait_dma2 semaphore(%run_scoped3A : memref<!tpu.dma_semaphore, #tpu.memory_space<semaphore_mem>>) src(%arg7 : memref<512xf32, #tpu.memory_space<vmem>>) dst(%dma_wait3A_3632 : memref<512xf32, #tpu.memory_space<hbm>>)
      tpu.yield
    }) : () -> ()
    return
  }
}

module attributes {stable_mosaic.version = 14 : i64} {
  func.func @_tc_loss_body(%arg0: i32, %arg1: memref<4096x100xf32, #tpu.memory_space<vmem>>, %arg2: memref<4096x1xi32, #tpu.memory_space<vmem>>, %arg3: memref<4096x1xf32, #tpu.memory_space<vmem>>, %arg4: memref<1x1xf32, #tpu.memory_space<vmem>>) attributes {dimension_semantics = [#tpu.dimension_semantics<arbitrary>], iteration_bounds = array<i64: 4>, scalar_prefetch = 0 : i64, scratch_operands = 0 : i64, tpu.core_type = #tpu.core_type<tc>, window_params = [{transform_indices = @transform_0, window_bounds = array<i64: 4096, 100>}, {transform_indices = @transform_1, window_bounds = array<i64: 4096, 1>}, {transform_indices = @transform_2, window_bounds = array<i64: 4096, 1>}, {pipeline_mode = #tpu.pipeline_mode<synchronous>, transform_indices = @transform_3, window_bounds = array<i64: 1, 1>}]} {
    %get3A = arith.constant 0 : index
    %get3A_0 = arith.constant 0 : index
    %get3A_1 = vector.load %arg1[%get3A, %get3A_0] : memref<4096x100xf32, #tpu.memory_space<vmem>>, vector<4096x100xf32>
    %mul3A = arith.constant 3.000000e+01 : f32
    %mul3A_2 = vector.broadcast %mul3A : f32 to vector<4096x100xf32>
    %mul3A_3 = arith.mulf %get3A_1, %mul3A_2 : vector<4096x100xf32>
    %iota3A = tpu.iota {dimensions = array<i32: 1>} : vector<4096x100xi32>
    %get3A_4 = arith.constant 0 : index
    %get3A_5 = arith.constant 0 : index
    %get3A_6 = vector.load %arg2[%get3A_4, %get3A_5] : memref<4096x1xi32, #tpu.memory_space<vmem>>, vector<4096x1xi32>
    %eq3A = vector.broadcast %get3A_6 : vector<4096x1xi32> to vector<4096x100xi32>
    %eq3A_7 = arith.cmpi eq, %iota3A, %eq3A : vector<4096x100xi32>
    %get3A_8 = arith.constant 0 : index
    %get3A_9 = arith.constant 0 : index
    %get3A_10 = vector.load %arg3[%get3A_8, %get3A_9] : memref<4096x1xf32, #tpu.memory_space<vmem>>, vector<4096x1xf32>
    %mul3A_11 = arith.constant 3.000000e+01 : f32
    %mul3A_12 = vector.broadcast %mul3A_11 : f32 to vector<4096x1xf32>
    %mul3A_13 = arith.mulf %get3A_10, %mul3A_12 : vector<4096x1xf32>
    %sub3A = vector.broadcast %mul3A_13 : vector<4096x1xf32> to vector<4096x100xf32>
    %sub3A_14 = arith.subf %mul3A_3, %sub3A : vector<4096x100xf32>
    %select_n3A = arith.select %eq3A_7, %sub3A_14, %mul3A_3 : vector<4096x100xi1>, vector<4096x100xf32>
    %reduce_max3A = arith.constant dense<0xFF800000> : vector<4096xf32>
    %reduce_max3A_15 = vector.multi_reduction <maximumf>, %select_n3A, %reduce_max3A [1] : vector<4096x100xf32> to vector<4096xf32>
    %broadcast_in_dim3A = vector.shape_cast %reduce_max3A_15 : vector<4096xf32> to vector<4096x1xf32>
    %sub3A_16 = vector.broadcast %broadcast_in_dim3A : vector<4096x1xf32> to vector<4096x100xf32>
    %sub3A_17 = arith.subf %select_n3A, %sub3A_16 : vector<4096x100xf32>
    %exp3A = math.exp %sub3A_17 : vector<4096x100xf32>
    %jit3A = arith.constant 0.000000e+00 : f32
    %broadcast_in_dim3A_18 = vector.broadcast %jit3A : f32 to vector<4096x100xf32>
    %select_n3A_19 = arith.select %eq3A_7, %select_n3A, %broadcast_in_dim3A_18 : vector<4096x100xi1>, vector<4096x100xf32>
    %broadcast_in_dim3A_20 = arith.constant 1.000000e+00 : f32
    %broadcast_in_dim3A_21 = vector.broadcast %broadcast_in_dim3A_20 : f32 to vector<100x1xf32>
    %dot_general3A = arith.constant dense<0.000000e+00> : vector<4096x1xf32>
    %dot_general3A_22 = tpu.matmul %exp3A, %broadcast_in_dim3A_21, %dot_general3A {dimension_numbers = #tpu.dot_dimension_numbers<[1], [0], [0], [1], [0, 0, 1, 1], [], []>, transpose_lhs_hint = false} : vector<4096x100xf32>, vector<100x1xf32>, vector<4096x1xf32> -> vector<4096x1xf32>
    %dot_general3A_23 = arith.constant dense<0.000000e+00> : vector<4096x1xf32>
    %dot_general3A_24 = tpu.matmul %select_n3A_19, %broadcast_in_dim3A_21, %dot_general3A_23 {dimension_numbers = #tpu.dot_dimension_numbers<[1], [0], [0], [1], [0, 0, 1, 1], [], []>, transpose_lhs_hint = false} : vector<4096x100xf32>, vector<100x1xf32>, vector<4096x1xf32> -> vector<4096x1xf32>
    %broadcast_in_dim3A_25 = arith.constant 1.000000e+00 : f32
    %broadcast_in_dim3A_26 = vector.broadcast %broadcast_in_dim3A_25 : f32 to vector<1x4096xf32>
    %log3A = math.log %dot_general3A_22 : vector<4096x1xf32>
    %add3A = arith.addf %broadcast_in_dim3A, %log3A : vector<4096x1xf32>
    %sub3A_27 = arith.subf %add3A, %dot_general3A_24 : vector<4096x1xf32>
    %dot_general3A_28 = arith.constant dense<0.000000e+00> : vector<1x1xf32>
    %dot_general3A_29 = tpu.matmul %broadcast_in_dim3A_26, %sub3A_27, %dot_general3A_28 {dimension_numbers = #tpu.dot_dimension_numbers<[1], [0], [0], [1], [0, 0, 1, 1], [], []>, transpose_lhs_hint = false} : vector<1x4096xf32>, vector<4096x1xf32>, vector<1x1xf32> -> vector<1x1xf32>
    %eq3A_30 = arith.constant 0 : i32
    %eq3A_31 = arith.cmpi eq, %arg0, %eq3A_30 : i32
    %convert_element_type3A = arith.extui %eq3A_31 : i1 to i32
    %cond3A = arith.constant 0 : i32
    %cond3A_32 = arith.cmpi ne, %convert_element_type3A, %cond3A : i32
    scf.if %cond3A_32 {
      %broadcast_in_dim3A_42 = arith.constant 0.000000e+00 : f32
      %broadcast_in_dim3A_43 = vector.broadcast %broadcast_in_dim3A_42 : f32 to vector<1x1xf32>
      %swap3A_44 = arith.constant 0 : index
      %swap3A_45 = arith.constant 0 : index
      %swap3A_46 = vector.load %arg4[%swap3A_44, %swap3A_45] : memref<1x1xf32, #tpu.memory_space<vmem>>, vector<1x1xf32>
      tpu.vector_store %arg4[%swap3A_44, %swap3A_45], %broadcast_in_dim3A_43 {strides = array<i32>} : memref<1x1xf32, #tpu.memory_space<vmem>>, vector<1x1xf32>,
    } else {
    }
    %get3A_33 = arith.constant 0 : index
    %get3A_34 = arith.constant 0 : index
    %get3A_35 = vector.load %arg4[%get3A_33, %get3A_34] : memref<1x1xf32, #tpu.memory_space<vmem>>, vector<1x1xf32>
    %mul3A_36 = arith.constant 6.10351563E-5 : f32
    %mul3A_37 = vector.broadcast %mul3A_36 : f32 to vector<1x1xf32>
    %mul3A_38 = arith.mulf %dot_general3A_29, %mul3A_37 : vector<1x1xf32>
    %add3A_39 = arith.addf %get3A_35, %mul3A_38 : vector<1x1xf32>
    %swap3A = arith.constant 0 : index
    %swap3A_40 = arith.constant 0 : index
    %swap3A_41 = vector.load %arg4[%swap3A, %swap3A_40] : memref<1x1xf32, #tpu.memory_space<vmem>>, vector<1x1xf32>
    tpu.vector_store %arg4[%swap3A, %swap3A_40], %add3A_39 {strides = array<i32>} : memref<1x1xf32, #tpu.memory_space<vmem>>, vector<1x1xf32>,
    return
  }
  func.func @transform_0(%arg0: i32) -> (i32, i32) {
    %c0_i32 = arith.constant 0 : i32
    %c0_i32_0 = arith.constant 0 : i32
    return %arg0, %c0_i32 : i32, i32
  }
  func.func @transform_1(%arg0: i32) -> (i32, i32) {
    %c0_i32 = arith.constant 0 : i32
    %c0_i32_0 = arith.constant 0 : i32
    return %arg0, %c0_i32 : i32, i32
  }
  func.func @transform_2(%arg0: i32) -> (i32, i32) {
    %c0_i32 = arith.constant 0 : i32
    %c0_i32_0 = arith.constant 0 : i32
    return %arg0, %c0_i32 : i32, i32
  }
  func.func @transform_3(%arg0: i32) -> (i32, i32) {
    %c0_i32 = arith.constant 0 : i32
    %c0_i32_0 = arith.constant 0 : i32
    %c0_i32_1 = arith.constant 0 : i32
    return %c0_i32, %c0_i32_0 : i32, i32
  }
}

</mosaic_0001>

<sc_bundles>
// kernel: kernel.4.cloned.1.call-start
scs
__scs_entry_jumppad:
0x0: {  	(pc) =	sbr.rel $0x88, $3  }
0x1: {  	(tag) =	ssettag $0x0;
	lr =	simm.s32 $0x1  }
0x2: {  	[smem:$0x3F9E] =	sst lr;
	_ =	strace $0xD0000000  }
0x3: {  	_ = 	snop  }
0x4: {  	_ = 	snop  }
0x5: {  	_ = 	snop  }
0x6: {  	_ = 	snop  }
0x7: {  	_ = 	snop  }
__scs_overlays_trampoline_lowered:
0x8: {  	[smem:$0x3FAD] =	sst s0  }
0x9: {  	[smem:$0x3FAE] =	sst s1  }
0xa: {  	[smem:$0x3FAF] =	sst s2  }
0xb: {  	[smem:$0x3FB0] =	sst s3  }
0xc: {  	[smem:$0x3FB1] =	sst s4  }
0xd: {  	[smem:$0x3FB2] =	sst s5  }
0xe: {  	[smem:$0x3FB3] =	sst s6  }
0xf: {  	[smem:$0x3FB4] =	sst s7  }
0x10: {  	[smem:$0x3FB5] =	sst s8  }
0x11: {  	[smem:$0x3FB6] =	sst s9;
	s0 =	simm.s32 @!p0 $0x0  }
0x12: {  	s1 =	sld [smem:$0x3F9C];
	s0 =	simm.s32 @p0 $0x1  }
0x13: {  	[smem:$0x3FB7] =	sst s0;
	s0 =	simm.s32 @!p1 $0x0  }
0x14: {  	s2 =	sld [smem:$0x3F9B];
	s0 =	simm.s32 @p1 $0x1  }
0x15: {  	[smem:$0x3FB8] =	sst s0;
	s0 =	simm.s32 @!p2 $0x0  }
0x16: {  	s3 =	sld [smem:$0x3FDB];
	s0 =	simm.s32 @p2 $0x1  }
0x17: {  	s4 =	simm.s32 $0x1BF5;
	[smem:$0x3FBA] =	sst s0  }
0x18: {  	s0 =	sld [smem:$0x3F9D];
	_ =	swait.ge [sflag:s4], $0x0  }
0x19: {  	s7 =	sld [smem:$0x3F9E]  }
0x1a: {  	s8 =	sadd.s32 $0xFFFFE003, lr  }
0x1b: {  	s9 =	sadd.s32 $0xFFFFFEF7, lr;
	s5 =	simm.s32 $0xFFFFFFFF;
	p2 =	slt.u32 s8, $0xFFFFF086  }
0x1c: {  	p1 =	slt.u32 s9, $0xF7A;
	s5 =	simm.s32 @!p2 $0x0  }
0x1d: {  	s5 =	simm.s32 @p1 $0x1;
	p0 =	seq.s32 s7, s2  }
0x1e: {  	s7 =	smul.u32 @!p0 $0xF7A, s2;
	p2 =	seq.s32 @!p0 s5, $0x0  }
0x1f: {  	s9 =	smul.u32 $0xF7A, s1;
	s8 =	simm.s32 @!p0 $0x1BF5;
	p2 =	por !p2, p0  }
0x20: {  	[sflag:s8] =	ssyncset.s32 @!p0 $0xFFFFF086;
	s6 =	sadd.s32 @!p0 s3, s7;
	s7 =	simm.s32 @!p0 $0x108  }
0x21: {  	s3 =	sadd.s32 s3, s9;
	s6 =	sadd.s32 @!p0 $0x88, s6;
	s7 =	simm.s32 @p2 $0x1082  }
0x22: {  	[simem:s7], [sflag:s8] =	dma.local @!p0 [hbm:s6], $0xF7A  }
0x23: {  	s9 =	sor.u32 $0xD0000000, s2;
	s6 =	simm.s32 $0x108;
	_ =	swait.ge @!p0 [sflag:s8], $0x0  }
0x24: {  	s3 =	sadd.s32 $0x88, s3;
	s6 =	simm.s32 @!p1 $0x1082;
	[sflag:s4] =	ssyncset.s32 $0xFFFFF086  }
0x25: {  	[simem:s6], [sflag:s4] =	dma.local [hbm:s3], $0xF7A  }
0x26: {  	[smem:$0x3F9E] =	sst s1;
	(tag) =	ssettag s2;
	_ =	strace s9  }
0x27: {  	s1 =	sld [smem:$0x3FAE]  }
0x28: {  	s2 =	sld [smem:$0x3FAF]  }
0x29: {  	s4 =	sld [smem:$0x3FB1]  }
0x2a: {  	p0 =	seq.s32 s5, $0x0;
	s5 =	sld [smem:$0x3FB2]  }
0x2b: {  	s6 =	sld [smem:$0x3FB3]  }
0x2c: {  	s7 =	sld [smem:$0x3FB4]  }
0x2d: {  	s3 =	simm.s32 $0x108;
	s8 =	sld [smem:$0x3FB5]  }
0x2e: {  	s3 =	simm.s32 @!p0 $0x1082;
	s9 =	sld [smem:$0x3FB6]  }
0x2f: {  	lr =	sadd.s32 s0, s3;
	s0 =	sld [smem:$0x3FAD]  }
0x30: {  	s3 =	sld [smem:$0x3FB0]  }
0x31: {  	[smem:$0x3FB9] =	sst s10  }
0x32: {  	s10 =	sld [smem:$0x3FB7];
	_ =	sdelay $0x3  }
0x33: {  	p0 =	seq.s32 s10, $0x1;
	s10 =	sld [smem:$0x3FB9];
	_ =	sdelay $0x3  }
0x34: {  	[smem:$0x3FB9] =	sst s10  }
0x35: {  	s10 =	sld [smem:$0x3FB8];
	_ =	sdelay $0x3  }
0x36: {  	p1 =	seq.s32 s10, $0x1;
	s10 =	sld [smem:$0x3FB9];
	_ =	sdelay $0x3  }
0x37: {  	[smem:$0x3FB9] =	sst s10  }
0x38: {  	s10 =	sld [smem:$0x3FBA]  }
0x39: {  	_ = 	snop;
	(pc) =	sbr.ind lr, $3  }
0x3a: {  	_ = 	snop  }
0x3b: {  	_ = 	snop  }
0x3c: {  	p2 =	seq.s32 s10, $0x1;
	s10 =	sld [smem:$0x3FB9]  }
0x3d: {  	_ =	shalt  }
0x3e: {  	_ =	shalt  }
0x3f: {  	_ =	shalt  }
0x40: {  	_ =	shalt  }
0x41: {  	_ =	shalt  }
0x42: {  	_ =	shalt  }
0x43: {  	_ =	shalt  }
0x44: {  	_ =	shalt  }
0x45: {  	_ =	shalt  }
0x46: {  	_ =	shalt  }
0x47: {  	_ =	shalt  }
0x48: {  	_ =	shalt  }
0x49: {  	_ =	shalt  }
0x4a: {  	_ =	shalt  }
0x4b: {  	_ =	shalt  }
0x4c: {  	_ =	shalt  }
0x4d: {  	_ =	shalt  }
0x4e: {  	_ =	shalt  }
0x4f: {  	_ =	shalt  }
0x50: {  	_ =	shalt  }
0x51: {  	_ =	shalt  }
0x52: {  	_ =	shalt  }
0x53: {  	_ =	shalt  }
0x54: {  	_ =	shalt  }
0x55: {  	_ =	shalt  }
0x56: {  	_ =	shalt  }
0x57: {  	_ =	shalt  }
0x58: {  	_ =	shalt  }
0x59: {  	_ =	shalt  }
0x5a: {  	_ =	shalt  }
0x5b: {  	_ =	shalt  }
0x5c: {  	_ =	shalt  }
0x5d: {  	_ =	shalt  }
0x5e: {  	_ =	shalt  }
0x5f: {  	_ =	shalt  }
0x60: {  	_ =	shalt  }
0x61: {  	_ =	shalt  }
0x62: {  	_ =	shalt  }
0x63: {  	_ =	shalt  }
0x64: {  	_ =	shalt  }
0x65: {  	_ =	shalt  }
0x66: {  	_ =	shalt  }
0x67: {  	_ =	shalt  }
0x68: {  	_ =	shalt  }
0x69: {  	_ =	shalt  }
0x6a: {  	_ =	shalt  }
0x6b: {  	_ =	shalt  }
0x6c: {  	_ =	shalt  }
0x6d: {  	_ =	shalt  }
0x6e: {  	_ =	shalt  }
0x6f: {  	_ =	shalt  }
0x70: {  	_ =	shalt  }
0x71: {  	_ =	shalt  }
0x72: {  	_ =	shalt  }
0x73: {  	_ =	shalt  }
0x74: {  	_ =	shalt  }
0x75: {  	_ =	shalt  }
0x76: {  	_ =	shalt  }
0x77: {  	_ =	shalt  }
0x78: {  	_ =	shalt  }
0x79: {  	_ =	shalt  }
0x7a: {  	_ =	shalt  }
0x7b: {  	_ =	shalt  }
0x7c: {  	_ =	shalt  }
0x7d: {  	_ =	shalt  }
0x7e: {  	_ =	shalt  }
0x7f: {  	_ =	shalt  }
0x80: {  	_ =	shalt  }
0x81: {  	_ =	shalt  }
0x82: {  	_ =	shalt  }
0x83: {  	_ =	shalt  }
0x84: {  	_ =	shalt  }
0x85: {  	_ =	shalt  }
0x86: {  	_ =	shalt  }
0x87: {  	_ =	shalt  }
.Lfunc_end0:
.L_simem_size_0:
called_computation_lowered:
.L_overlay_start_0:
0x88: {  	s2 =	sld [smem:$0x3FD9]  }
0x89: {  	s3 =	sld [smem:$0x3FFE];
	_ =	sdelay $0x1  }
0x8a: {  	s1 =	srdreg.scid  }
0x8b: {  	s0 =	sand.u32 $0x1, s1  }
0x8c: {  	s17 =	sshll.u32 s0, $0xA;
	s2 =	sadd.s32 s3, s2  }
0x8d: {  	s2 =	sadd.s32 s2, s17  }
0x8e: {  	[smem:$0x3FC5] =	sst s2  }
0x8f: {  	_ = 	snop  }
0x90: {  	s2 =	sld [smem:$0x3FC8]  }
0x91: {  	s18 =	sld [smem:$0x3FD0];
	(tm) =	ssettm $0x1  }
0x92: {  	s4 =	sld [smem:$0x3FFB];
	_ =	sdelay $0x3  }
0x93: {  	_ =	strace s4  }
0x94: {  	s4 =	sld [smem:$0x3FFC];
	_ =	sdelay $0x3  }
0x95: {  	_ =	strace s4  }
0x96: {  	s4 =	sld [smem:$0x3FFD];
	_ =	sdelay $0x3  }
0x97: {  	_ =	strace s4  }
0x98: {  	_ =	strace $0x8FFFFFFF  }
0x99: {  	s19 =	sld [smem:$0x3FDB];
	_ =	sdelay $0x1  }
0x9a: {  	s5 =	simm.s32 $_scs_section_size  }
0x9b: {  	s6 =	simm.s32 $_size__tile_overlayer_lowered;
	s7 =	simm.s32 $_tile_overlayer_lowered  }
0x9c: {  	s22 =	simm.s32 $0x1BFF;
	s21 =	sshll.u32 s7, $0x1;
	s4 =	sadd.s32 s5, s19  }
0x9d: {  	s8 =	simm.s32 $0x0;
	s20 =	sshll.u32 s6, $0x1;
	s6 =	sadd.s32 s21, s4  }
0x9e: {  	[timem:s8], [sflag:s22] =	dma.local [hbm:s6], s20  }
0x9f: {  	_ =	swait.ge [sflag:s22], s20  }
0xa0: {  	s5 =	ssub.s32 $0x0, s20;
	[sflag:s22] =	ssyncset.done $0x0  }
0xa1: {  	[sflag:s22] =	ssyncadd.s32 s5;
	_ =	sdelay $0x1  }
0xa2: {  	s23 =	simm.s32 $0x1B8B  }
0xa3: {  	_ =	swait.ge [sflag:s23], $0x1  }
0xa4: {  	[sflag:s23] =	ssyncset.done $0x0  }
0xa5: {  	s25 =	simm.s32 $0x1B8E;
	s24 =	sld [smem:$0x3FFE];
	[sflag:s23] =	ssyncadd.s32 $0xFFFFFFFF  }
0xa6: {  	s26 =	simm.s32 $execute0_lowered;
	[smem:$0x3FD2] =	sst s25  }
0xa7: {  	s6 =	sshll.u32 s26, $0x1;
	_ =	strace $0x80000046;
	[dreg:$0x1] =	wrdreg $0xFFFFFFFF  }
0xa8: {  	s28 =	simm.s32 $_size_execute0_lowered;
	s4 =	sadd.s32 s4, s6;
	[dreg:$0x0] =	wrdreg $0x0  }
0xa9: {  	s6 =	sshll.u32 s28, $0x1;
	[dreg:$0x2] =	wrdreg s4  }
0xaa: {  	[dreg:$0x3] =	wrdreg s6  }
0xab: {  	[dreg:$0x4] =	wrdreg $0xC0  }
0xac: {  	_ =	task [dreg:s8], $0x5FFFF  }
0xad: {  	[dreg:$0x1] =	wrdreg $0xFFFFFFFF  }
0xae: {  	[dreg:$0x0] =	wrdreg $0x60  }
0xaf: {  	[dreg:$0x2] =	wrdreg s2  }
0xb0: {  	[dreg:$0x3] =	wrdreg s18  }
0xb1: {  	[dreg:$0x4] =	wrdreg s24  }
0xb2: {  	[dreg:$0x5] =	wrdreg $0x9  }
0xb3: {  	_ =	task.clear_ibuf [dreg:s8], $0x6FFFF;
	_ =	strace $0x90000046  }
0xb4: {  	s29 =	simm.s32 $0x9;
	_ =	strace $0x80000048  }
0xb5: {  	_ =	swait.ge [sflag:s29], $0x1  }
0xb6: {  	[sflag:s29] =	ssyncadd.s32 $0xFFFFFFFF  }
0xb7: {  	_ =	strace $0x90000048  }
0xb8: {  	_ =	sfence  }
0xb9: {  	s30 =	sld [smem:$0x0];
	_ =	sdelay $0x2  }
0xba: {  	s31 =	sshll.u32 s1, $0xD;
	s1 =	sshrl.u32 s1, $0x2  }
0xbb: {  	s3 =	sand.u32 $0x4000, s31;
	s1 =	sadd.s32 s1, s30  }
0xbc: {  	s0 =	sor.u32 s3, s0;
	s1 =	sshll.u32 s1, $0x11  }
0xbd: {  	s0 =	sor.u32 s1, s0  }
0xbe: {  	s0 =	sadd.s32 $0x8F2B, s0  }
0xbf: {  	[sflag:s0] =	ssyncadd.remote.s32 $0x1  }
0xc0: {  	_ =	sfence.sel $0xFFFF  }
0xc1: {  	[dreg:$0x0] =	wrdreg $0xFFFFFFFF;
	(pc) =	sbr.abs _section_cstart, $3  }
0xc2: {  	[dreg:$0x1] =	wrdreg $0xFFFFFFFF  }
0xc3: {  	_ =	task.clear_ibuf [dreg:s8], $0x2FFFF;
	_ =	strace $0x9FFFFFFF  }
0xc4: {  	(tm) =	ssettm $0x7FFFFFFF  }
0xc5: {  	_ =	shalt  }
tec
execute0_lowered:
.L_overlay_start_1:
0x0: {  	(tag) =	ssettag $0x1  }
0x1: {  	s4 =	rddreg [dreg:$0x0]  }
0x2: {  	s1 =	rddreg [dreg:$0x1]  }
0x3: {  	s5 =	rddreg [dreg:$0x2]  }
0x4: {  	s0 =	rddreg [dreg:$0x3];
	s6 =	srdreg.scid  }
0x5: {  	s3 =	simm.s32 $0x0;
	s2 =	stileid.u32;
	s9 =	simm.s32 $0x280  }
0x6: {  	s6 =	sand.u32 $0x1, s6;
	s7 =	sshll.u32 s2, $0x7;
	[smem:$0x7FF] =	sst s3  }
0x7: {  	s8 =	sshll.u32 s6, $0x6;
	s6 =	ssub.s32 $0x2, s6;
	_ =	strace $0x80000047  }
0x8: {  	s7 =	sor.u32 s8, s7;
	s31 =	sshrl.u32 s6, $0x1;
	s8 =	simm.s32 $0x200  }
0x9: {  	s5 =	sadd.s32 s7, s5;
	s6 =	ssub.s32 s6, s31;
	s4 =	sadd.s32 s4, s7  }
0xa: {  	s7 =	simm.s32 $0x1;
	s5 =	sadd.s32 $0x600, s5;
	s6 =	smax.u32 s6, $0x1  }
.LBB2_1:
0xb: {  	[tilespmem:s3], [sflag:$0x1] =	stream.linear.gather [hbm4b:s4+s3], $0x200, $0x38;
	[tilespmem:$0x480] =	vst v63  }
0xc: {  	_ =	swait.ge [sflag:s7], $0x200  }
0xd: {  	[sflag:s7] =	ssyncset.done $0x0  }
0xe: {  	[sflag:s7] =	ssyncadd.s32 $0xFFFFFE00  }
0xf: {  	[tilespmem:s8], [sflag:$0x1] =	stream.linear.gather [hbm4b:s1+s3], $0x80, $0x38;
	[tilespmem:$0x480] =	vst v63  }
0x10: {  	_ =	swait.ge [sflag:s7], $0x80  }
0x11: {  	[sflag:s7] =	ssyncset.done $0x0  }
0x12: {  	[sflag:s7] =	ssyncadd.s32 $0xFFFFFF80  }
0x13: {  	v2 =	vld [tilespmem:$0x0]  }
0x14: {  	v6 =	vld [tilespmem:$0x200]  }
0x15: {  	v5 =	vld [tilespmem:$0x210]  }
0x16: {  	v4 =	vld [tilespmem:$0x220]  }
0x17: {  	v12 =	vld [tilespmem:$0x10]  }
0x18: {  	v14 =	vld [tilespmem:$0x20]  }
0x19: {  	v57 =	vld [tilespmem:$0x30]  }
0x1a: {  	v17 =	vld [tilespmem:$0x40]  }
0x1b: {  	v32 =	vld [tilespmem:$0x50]  }
0x1c: {  	v3 =	vld [tilespmem:$0x230]  }
0x1d: {  	v1 =	vld [tilespmem:$0x240];
	v7 =	vand.u32 $0xF, v2;
	v8 =	vshrl.u32 v2, $0x4;
	v45 =	vand.u32 $0xF, v12  }
0x1e: {  	v0 =	vld [tilespmem:$0x250];
	v46 =	vshrl.u32 v12, $0x4;
	v53 =	vand.u32 $0xF, v14;
	v54 =	vshrl.u32 v14, $0x4  }
0x1f: {  	v62 =	vand.u32 $0xF, v57;
	v63 =	vshrl.u32 v57, $0x4;
	v26 =	vand.u32 $0xF, v17  }
0x20: {  	v28 =	vshrl.u32 v17, $0x4;
	v36 =	vand.u32 $0xF, v32;
	v41 =	vperm.xlane v6, v7  }
0x21: {  	v37 =	vshrl.u32 v32, $0x4;
	v9 =	vperm.xlane v5, v7;
	v11 =	vperm.xlane v4, v7  }
0x22: {  	vm0 =	veq.s32 v8, $0x0;
	v42 =	vperm.xlane v3, v7;
	v43 =	vperm.xlane v1, v7  }
0x23: {  	vm10 =	veq.s32 v8, $0x1;
	v44 =	vperm.xlane v0, v7;
	v47 =	vperm.xlane v6, v45  }
0x24: {  	vm11 =	veq.s32 v8, $0x2;
	v48 =	vperm.xlane v5, v45;
	v13 =	vperm.xlane v4, v45  }
0x25: {  	vm12 =	veq.s32 v8, $0x3;
	v49 =	vperm.xlane v3, v45;
	v50 =	vperm.xlane v1, v45  }
0x26: {  	vm13 =	veq.s32 v8, $0x4;
	v51 =	vperm.xlane v0, v45;
	v55 =	vperm.xlane v6, v53  }
0x27: {  	vm14 =	veq.s32 v8, $0x5;
	v56 =	vperm.xlane v5, v53;
	v58 =	vperm.xlane v4, v53  }
0x28: {  	vm15 =	veq.s32 v8, $0x6;
	v59 =	vperm.xlane v3, v53;
	v60 =	vperm.xlane v1, v53  }
0x29: {  	vm1 =	veq.s32 v46, $0x0;
	v61 =	vperm.xlane v0, v53;
	v20 =	vperm.xlane v6, v62  }
0x2a: {  	vm4 =	veq.s32 v46, $0x1;
	v15 =	vperm.xlane v5, v62;
	v16 =	vperm.xlane v4, v62  }
0x2b: {  	v40 =	vld [tilespmem:$0x60];
	vm5 =	veq.s32 v46, $0x2;
	v21 =	vperm.xlane v3, v62;
	v22 =	vperm.xlane v1, v62  }
0x2c: {  	vm6 =	veq.s32 v46, $0x3;
	v23 =	vperm.xlane v0, v62;
	v29 =	vperm.xlane v6, v26  }
0x2d: {  	vm7 =	veq.s32 v46, $0x4;
	v30 =	vperm.xlane v5, v26;
	v31 =	vperm.xlane v4, v26  }
0x2e: {  	v2 =	vld [tilespmem:$0x260];
	vm8 =	veq.s32 v46, $0x5;
	v33 =	vperm.xlane v3, v26;
	v34 =	vperm.xlane v1, v26  }
0x2f: {  	vm9 =	veq.s32 v46, $0x6;
	v35 =	vperm.xlane v0, v26;
	v38 =	vperm.xlane v6, v36  }
0x30: {  	v39 =	vperm.xlane v5, v36;
	v46 =	vshrl.u32 v40, $0x4;
	v10 =	vnsel vm0, $0x0, v41  }
0x31: {  	v12 =	vnsel vm1, $0x0, v47;
	v41 =	vperm.xlane v4, v36;
	v9 =	vsel vm10, v9, v10  }
0x32: {  	v8 =	vsel vm4, v48, v12;
	vm10 =	veq.s32 v54, $0x0;
	vm4 =	veq.s32 v63, $0x0  }
0x33: {  	v9 =	vsel vm11, v11, v9;
	v7 =	vperm.xlane v2, v7;
	v8 =	vsel vm5, v13, v8  }
0x34: {  	v52 =	vperm.xlane v2, v45;
	v12 =	vnsel vm10, $0x0, v55;
	vm11 =	veq.s32 v54, $0x1  }
0x35: {  	v10 =	vperm.xlane v2, v53;
	v13 =	vnsel vm4, $0x0, v20;
	vm5 =	veq.s32 v63, $0x1  }
0x36: {  	vm10 =	veq.s32 v63, $0x5;
	v27 =	vperm.xlane v2, v62;
	vm4 =	veq.s32 v28, $0x4  }
0x37: {  	v11 =	vperm.xlane v2, v26;
	v45 =	vand.u32 $0xF, v40;
	v9 =	vsel vm12, v42, v9  }
0x38: {  	v8 =	vsel vm6, v49, v8;
	vm12 =	veq.s32 v54, $0x2;
	v13 =	vsel vm5, v15, v13  }
0x39: {  	vm6 =	veq.s32 v63, $0x2;
	v42 =	vperm.xlane v3, v36;
	v47 =	vperm.xlane v6, v45  }
0x3a: {  	vm5 =	veq.s32 v28, $0x5;
	v18 =	vperm.xlane v5, v45;
	v19 =	vperm.xlane v4, v45  }
0x3b: {  	v48 =	vperm.xlane v3, v45;
	v49 =	vperm.xlane v1, v45;
	v9 =	vsel vm13, v43, v9  }
0x3c: {  	v8 =	vsel vm7, v50, v8;
	vm13 =	veq.s32 v54, $0x3;
	v13 =	vsel vm6, v16, v13  }
0x3d: {  	vm7 =	veq.s32 v63, $0x3;
	vm6 =	veq.s32 v28, $0x6;
	v43 =	vperm.xlane v1, v36  }
0x3e: {  	v50 =	vperm.xlane v0, v45;
	v9 =	vsel vm14, v44, v9;
	v8 =	vsel vm8, v51, v8  }
0x3f: {  	vm14 =	veq.s32 v54, $0x4;
	v13 =	vsel vm7, v21, v13;
	vm8 =	veq.s32 v63, $0x4  }
0x40: {  	v20 =	vld [tilespmem:$0x70];
	vm7 =	veq.s32 v37, $0x0;
	v44 =	vperm.xlane v0, v36;
	v7 =	vsel vm15, v7, v9  }
0x41: {  	v8 =	vsel vm9, v52, v8;
	v9 =	vsel vm11, v56, v12;
	vm15 =	veq.s32 v54, $0x5  }
0x42: {  	vm9 =	veq.s32 v54, $0x6;
	v24 =	vsel vm8, v22, v13;
	vm11 =	veq.s32 v63, $0x6  }
0x43: {  	vm8 =	veq.s32 v37, $0x1;
	v13 =	vperm.xlane v2, v36;
	v54 =	vperm.xlane v2, v45  }
0x44: {  	v9 =	vsel vm12, v58, v9;
	v25 =	vsel vm10, v23, v24;
	vm12 =	veq.s32 v28, $0x0  }
0x45: {  	vm10 =	veq.s32 v37, $0x3;
	v53 =	vand.u32 $0xF, v20;
	v55 =	vshrl.u32 v20, $0x4  }
0x46: {  	v9 =	vsel vm13, v59, v9;
	v15 =	vnsel vm12, $0x0, v29;
	v56 =	vperm.xlane v6, v53  }
0x47: {  	vm13 =	veq.s32 v28, $0x1;
	v57 =	vperm.xlane v5, v53;
	v58 =	vperm.xlane v4, v53  }
0x48: {  	vm12 =	veq.s32 v37, $0x5;
	v62 =	vperm.xlane v0, v53;
	v14 =	vperm.xlane v2, v53  }
0x49: {  	v9 =	vsel vm14, v60, v9;
	v12 =	vsel vm13, v30, v15;
	vm14 =	veq.s32 v28, $0x2  }
0x4a: {  	v15 =	vnsel vm7, $0x0, v38;
	vm13 =	veq.s32 v46, $0x0;
	vm7 =	veq.s32 v46, $0x5  }
0x4b: {  	v60 =	vperm.xlane v3, v53;
	v9 =	vsel vm15, v61, v9;
	v12 =	vsel vm14, v31, v12  }
0x4c: {  	v23 =	vld [tilespmem:$0xA0];
	vm15 =	veq.s32 v28, $0x3;
	v16 =	vnsel vm13, $0x0, v47;
	vm14 =	veq.s32 v46, $0x1  }
0x4d: {  	v61 =	vperm.xlane v1, v53;
	vm13 =	veq.s32 v55, $0x4;
	v9 =	vsel vm9, v10, v9  }
0x4e: {  	v59 =	vld [tilespmem:$0x80];
	v12 =	vsel vm15, v33, v12;
	v10 =	vsel vm11, v27, v25;
	vm9 =	veq.s32 v37, $0x2  }
0x4f: {  	vm11 =	veq.s32 v37, $0x4;
	v16 =	vsel vm14, v18, v16;
	vm15 =	veq.s32 v46, $0x2  }
0x50: {  	vm14 =	veq.s32 v55, $0x5;
	v12 =	vsel vm4, v34, v12;
	v16 =	vsel vm15, v19, v16  }
0x51: {  	vm4 =	veq.s32 v46, $0x3;
	vm15 =	veq.s32 v55, $0x6;
	v40 =	vand.u32 $0xF, v23  }
0x52: {  	v12 =	vsel vm5, v35, v12;
	v16 =	vsel vm4, v48, v16;
	vm5 =	veq.s32 v46, $0x4  }
0x53: {  	v63 =	vand.u32 $0xF, v59;
	v45 =	vperm.xlane v4, v40;
	v47 =	vperm.xlane v3, v40  }
0x54: {  	v24 =	vshrl.u32 v59, $0x4;
	v48 =	vperm.xlane v1, v40;
	v17 =	vperm.xlane v2, v40  }
0x55: {  	v11 =	vsel vm6, v11, v12;
	v12 =	vsel vm8, v39, v15;
	vm6 =	veq.s32 v37, $0x6  }
0x56: {  	v51 =	vsel vm5, v49, v16;
	v25 =	vperm.xlane v6, v63;
	v26 =	vperm.xlane v5, v63  }
0x57: {  	v27 =	vld [tilespmem:$0x90];
	vm8 =	veq.s32 v46, $0x6;
	v28 =	vperm.xlane v4, v63;
	v29 =	vperm.xlane v3, v63  }
0x58: {  	vm4 =	veq.s32 v24, $0x0;
	v30 =	vperm.xlane v1, v63;
	v31 =	vperm.xlane v0, v63  }
0x59: {  	vm5 =	veq.s32 v24, $0x1;
	v16 =	vperm.xlane v2, v63;
	v49 =	vperm.xlane v0, v40  }
0x5a: {  	v12 =	vsel vm9, v41, v12;
	v52 =	vsel vm7, v50, v51;
	vm9 =	veq.s32 v55, $0x0  }
0x5b: {  	vm7 =	veq.s32 v24, $0x3;
	v12 =	vsel vm10, v42, v12;
	v18 =	vnsel vm9, $0x0, v56  }
0x5c: {  	vm10 =	veq.s32 v55, $0x1;
	vm9 =	veq.s32 v24, $0x5;
	v32 =	vand.u32 $0xF, v27  }
0x5d: {  	v33 =	vshrl.u32 v27, $0x4;
	v42 =	vshrl.u32 v23, $0x4;
	v12 =	vsel vm11, v43, v12  }
0x5e: {  	v15 =	vsel vm10, v57, v18;
	vm11 =	veq.s32 v55, $0x2;
	v34 =	vperm.xlane v6, v32  }
0x5f: {  	v18 =	vnsel vm4, $0x0, v25;
	v21 =	vperm.xlane v5, v32;
	v22 =	vperm.xlane v4, v32  }
0x60: {  	vm10 =	veq.s32 v33, $0x0;
	v35 =	vperm.xlane v3, v32;
	v36 =	vperm.xlane v1, v32  }
0x61: {  	v46 =	vld [tilespmem:$0xB0];
	v37 =	vperm.xlane v0, v32;
	vm4 =	veq.s32 v33, $0x5;
	v41 =	vperm.xlane v2, v32  }
0x62: {  	v43 =	vperm.xlane v6, v40;
	v12 =	vsel vm12, v44, v12;
	v15 =	vsel vm11, v58, v15  }
0x63: {  	vm12 =	veq.s32 v55, $0x3;
	vm11 =	veq.s32 v33, $0x1;
	v44 =	vperm.xlane v5, v40  }
0x64: {  	v12 =	vsel vm6, v13, v12;
	v15 =	vsel vm12, v60, v15;
	v13 =	vsel vm8, v54, v52  }
0x65: {  	vm6 =	veq.s32 v24, $0x2;
	vm8 =	veq.s32 v24, $0x4;
	v19 =	vnsel vm10, $0x0, v34  }
0x66: {  	vm12 =	veq.s32 v33, $0x2;
	vm10 =	veq.s32 v42, $0x4;
	v50 =	vand.u32 $0xF, v46  }
0x67: {  	v51 =	vshrl.u32 v46, $0x4;
	v15 =	vsel vm13, v61, v15;
	v19 =	vsel vm11, v21, v19  }
0x68: {  	vm13 =	veq.s32 v33, $0x3;
	v52 =	vperm.xlane v6, v50;
	v53 =	vperm.xlane v5, v50  }
0x69: {  	vm11 =	veq.s32 v42, $0x5;
	v55 =	vperm.xlane v4, v50;
	v56 =	vperm.xlane v3, v50  }
0x6a: {  	v57 =	vperm.xlane v1, v50;
	v58 =	vperm.xlane v0, v50;
	v15 =	vsel vm14, v62, v15  }
0x6b: {  	v19 =	vsel vm12, v22, v19;
	vm14 =	veq.s32 v33, $0x4;
	vm12 =	veq.s32 v42, $0x6  }
0x6c: {  	v54 =	vld [tilespmem:$0xC0];
	v14 =	vsel vm15, v14, v15;
	v15 =	vsel vm5, v26, v18;
	v19 =	vsel vm13, v35, v19  }
0x6d: {  	vm15 =	veq.s32 v24, $0x6;
	vm5 =	veq.s32 v33, $0x6;
	vm13 =	veq.s32 v51, $0x0  }
0x6e: {  	v15 =	vsel vm6, v28, v15;
	v38 =	vsel vm14, v36, v19;
	vm6 =	veq.s32 v42, $0x0  }
0x6f: {  	vm14 =	veq.s32 v51, $0x1;
	v19 =	vperm.xlane v2, v50;
	v15 =	vsel vm7, v29, v15  }
0x70: {  	v39 =	vsel vm4, v37, v38;
	v21 =	vnsel vm6, $0x0, v43;
	vm7 =	veq.s32 v42, $0x1  }
0x71: {  	vm4 =	veq.s32 v51, $0x3;
	vm6 =	veq.s32 v51, $0x5;
	v59 =	vand.u32 $0xF, v54  }
0x72: {  	v60 =	vshrl.u32 v54, $0x4;
	v15 =	vsel vm8, v30, v15;
	v18 =	vsel vm7, v44, v21  }
0x73: {  	vm8 =	veq.s32 v42, $0x2;
	v61 =	vperm.xlane v6, v59;
	v24 =	vperm.xlane v5, v59  }
0x74: {  	v21 =	vnsel vm13, $0x0, v52;
	v25 =	vperm.xlane v4, v59;
	v62 =	vperm.xlane v3, v59  }
0x75: {  	v26 =	vld [tilespmem:$0xD0];
	vm7 =	veq.s32 v60, $0x0;
	v63 =	vperm.xlane v1, v59;
	v28 =	vperm.xlane v0, v59  }
0x76: {  	vm13 =	veq.s32 v60, $0x5;
	v32 =	vperm.xlane v2, v59;
	v15 =	vsel vm9, v31, v15  }
0x77: {  	v18 =	vsel vm8, v45, v18;
	vm9 =	veq.s32 v42, $0x3;
	vm8 =	veq.s32 v60, $0x1  }
0x78: {  	v15 =	vsel vm15, v16, v15;
	v18 =	vsel vm9, v47, v18;
	v16 =	vsel vm5, v41, v39  }
0x79: {  	vm15 =	veq.s32 v51, $0x2;
	vm5 =	veq.s32 v51, $0x4;
	v22 =	vnsel vm7, $0x0, v61  }
0x7a: {  	vm9 =	veq.s32 v60, $0x2;
	v31 =	vand.u32 $0xF, v26;
	v33 =	vshrl.u32 v26, $0x4  }
0x7b: {  	v37 =	vld [tilespmem:$0xE0];
	v18 =	vsel vm10, v48, v18;
	v22 =	vsel vm8, v24, v22;
	v34 =	vperm.xlane v6, v31  }
0x7c: {  	vm10 =	veq.s32 v60, $0x3;
	v35 =	vperm.xlane v5, v31;
	v36 =	vperm.xlane v4, v31  }
0x7d: {  	v38 =	vperm.xlane v3, v31;
	v39 =	vperm.xlane v1, v31;
	vm7 =	veq.s32 v33, $0x4  }
0x7e: {  	v40 =	vperm.xlane v0, v31;
	vm8 =	veq.s32 v33, $0x5;
	v20 =	vperm.xlane v2, v31  }
0x7f: {  	v18 =	vsel vm11, v49, v18;
	v22 =	vsel vm9, v25, v22;
	vm11 =	veq.s32 v60, $0x4  }
0x80: {  	v41 =	vand.u32 $0xF, v37;
	vm9 =	veq.s32 v33, $0x6;
	v42 =	vshrl.u32 v37, $0x4  }
0x81: {  	v45 =	vld [tilespmem:$0xF0];
	v17 =	vsel vm12, v17, v18;
	v18 =	vsel vm14, v53, v21;
	v22 =	vsel vm10, v62, v22  }
0x82: {  	vm12 =	veq.s32 v51, $0x6;
	v43 =	vperm.xlane v6, v41;
	v44 =	vperm.xlane v5, v41  }
0x83: {  	vm14 =	veq.s32 v60, $0x6;
	v46 =	vperm.xlane v4, v41;
	v47 =	vperm.xlane v3, v41  }
0x84: {  	vm10 =	veq.s32 v42, $0x0;
	v48 =	vperm.xlane v1, v41;
	v49 =	vperm.xlane v0, v41  }
0x85: {  	v18 =	vsel vm15, v55, v18;
	v29 =	vsel vm11, v63, v22;
	vm15 =	veq.s32 v33, $0x0  }
0x86: {  	vm11 =	veq.s32 v42, $0x1;
	v50 =	vand.u32 $0xF, v45;
	v51 =	vshrl.u32 v45, $0x4  }
0x87: {  	v22 =	vperm.xlane v2, v41;
	v18 =	vsel vm4, v56, v18;
	v30 =	vsel vm13, v28, v29  }
0x88: {  	v24 =	vnsel vm15, $0x0, v34;
	vm4 =	veq.s32 v33, $0x1;
	v52 =	vperm.xlane v6, v50  }
0x89: {  	vm13 =	veq.s32 v42, $0x3;
	v27 =	vperm.xlane v5, v50;
	v28 =	vperm.xlane v4, v50  }
0x8a: {  	vm15 =	veq.s32 v42, $0x5;
	v53 =	vperm.xlane v3, v50;
	v54 =	vperm.xlane v1, v50  }
0x8b: {  	v55 =	vperm.xlane v0, v50;
	v59 =	vperm.xlane v2, v50;
	v18 =	vsel vm5, v57, v18  }
0x8c: {  	v21 =	vsel vm4, v35, v24;
	vm5 =	veq.s32 v33, $0x2;
	v24 =	vnsel vm10, $0x0, v43  }
0x8d: {  	vm4 =	veq.s32 v51, $0x0;
	vm10 =	veq.s32 v51, $0x5;
	v18 =	vsel vm6, v58, v18  }
0x8e: {  	v29 =	vld [tilespmem:$0x100];
	v21 =	vsel vm5, v36, v21;
	vm6 =	veq.s32 v33, $0x3;
	v25 =	vnsel vm4, $0x0, v52  }
0x8f: {  	vm5 =	veq.s32 v51, $0x1;
	v18 =	vsel vm12, v19, v18;
	v21 =	vsel vm6, v38, v21  }
0x90: {  	v19 =	vsel vm14, v32, v30;
	vm12 =	veq.s32 v42, $0x2;
	vm14 =	veq.s32 v42, $0x4  }
0x91: {  	v25 =	vsel vm5, v27, v25;
	vm6 =	veq.s32 v51, $0x2;
	v21 =	vsel vm7, v39, v21  }
0x92: {  	v25 =	vsel vm6, v28, v25;
	vm7 =	veq.s32 v51, $0x3;
	v21 =	vsel vm8, v40, v21  }
0x93: {  	v25 =	vsel vm7, v53, v25;
	vm8 =	veq.s32 v51, $0x4;
	v58 =	vand.u32 $0xF, v29  }
0x94: {  	v60 =	vshrl.u32 v29, $0x4;
	v20 =	vsel vm9, v20, v21;
	v21 =	vsel vm11, v44, v24  }
0x95: {  	vm9 =	veq.s32 v42, $0x6;
	v56 =	vsel vm8, v54, v25;
	v61 =	vperm.xlane v6, v58  }
0x96: {  	v32 =	vld [tilespmem:$0x110];
	vm11 =	veq.s32 v51, $0x6;
	v62 =	vperm.xlane v5, v58;
	v63 =	vperm.xlane v4, v58  }
0x97: {  	v33 =	vperm.xlane v3, v58;
	v34 =	vperm.xlane v1, v58;
	vm4 =	veq.s32 v60, $0x4  }
0x98: {  	v35 =	vperm.xlane v0, v58;
	vm5 =	veq.s32 v60, $0x5;
	v23 =	vperm.xlane v2, v58  }
0x99: {  	vm6 =	veq.s32 v60, $0x6;
	v21 =	vsel vm12, v46, v21;
	vm12 =	veq.s32 v60, $0x0  }
0x9a: {  	v57 =	vsel vm10, v55, v56;
	v21 =	vsel vm13, v47, v21;
	v27 =	vnsel vm12, $0x0, v61  }
0x9b: {  	vm13 =	veq.s32 v60, $0x1;
	v36 =	vand.u32 $0xF, v32;
	v37 =	vshrl.u32 v32, $0x4  }
0x9c: {  	v40 =	vld [tilespmem:$0x120];
	v21 =	vsel vm14, v48, v21;
	v24 =	vsel vm13, v62, v27;
	vm14 =	veq.s32 v60, $0x2  }
0x9d: {  	v38 =	vperm.xlane v6, v36;
	vm7 =	veq.s32 v37, $0x0;
	v39 =	vperm.xlane v5, v36  }
0x9e: {  	vm8 =	veq.s32 v37, $0x1;
	v41 =	vperm.xlane v4, v36;
	v42 =	vperm.xlane v3, v36  }
0x9f: {  	vm10 =	veq.s32 v37, $0x3;
	v43 =	vperm.xlane v1, v36;
	v44 =	vperm.xlane v0, v36  }
0xa0: {  	vm12 =	veq.s32 v37, $0x5;
	v25 =	vperm.xlane v2, v36;
	v21 =	vsel vm15, v49, v21  }
0xa1: {  	v24 =	vsel vm14, v63, v24;
	vm15 =	veq.s32 v60, $0x3;
	v45 =	vand.u32 $0xF, v40  }
0xa2: {  	v46 =	vshrl.u32 v40, $0x4;
	v21 =	vsel vm9, v22, v21;
	v24 =	vsel vm15, v33, v24  }
0xa3: {  	v22 =	vsel vm11, v59, v57;
	v27 =	vnsel vm7, $0x0, v38;
	vm9 =	veq.s32 v37, $0x2  }
0xa4: {  	v32 =	vld [tilespmem:$0x130];
	vm11 =	veq.s32 v37, $0x4;
	v47 =	vperm.xlane v6, v45;
	vm13 =	veq.s32 v46, $0x0  }
0xa5: {  	v30 =	vperm.xlane v5, v45;
	vm14 =	veq.s32 v46, $0x1;
	v31 =	vperm.xlane v4, v45  }
0xa6: {  	vm15 =	veq.s32 v46, $0x2;
	v48 =	vperm.xlane v3, v45;
	v49 =	vperm.xlane v1, v45  }
0xa7: {  	v50 =	vperm.xlane v0, v45;
	vm7 =	veq.s32 v46, $0x5;
	v24 =	vsel vm4, v34, v24  }
0xa8: {  	v54 =	vperm.xlane v2, v45;
	vm4 =	veq.s32 v46, $0x3;
	v24 =	vsel vm5, v35, v24  }
0xa9: {  	v28 =	vnsel vm13, $0x0, v47;
	vm5 =	veq.s32 v46, $0x4;
	v53 =	vand.u32 $0xF, v32  }
0xaa: {  	v55 =	vshrl.u32 v32, $0x4;
	v23 =	vsel vm6, v23, v24;
	v24 =	vsel vm8, v39, v27  }
0xab: {  	v28 =	vsel vm14, v30, v28;
	vm6 =	veq.s32 v37, $0x6;
	v56 =	vperm.xlane v6, v53  }
0xac: {  	v59 =	vld [tilespmem:$0x140];
	vm8 =	veq.s32 v46, $0x6;
	v57 =	vperm.xlane v5, v53;
	v58 =	vperm.xlane v4, v53  }
0xad: {  	v60 =	vperm.xlane v3, v53;
	v61 =	vperm.xlane v1, v53;
	vm13 =	veq.s32 v55, $0x4  }
0xae: {  	v62 =	vperm.xlane v0, v53;
	vm14 =	veq.s32 v55, $0x5;
	v26 =	vperm.xlane v2, v53  }
0xaf: {  	v24 =	vsel vm9, v41, v24;
	v28 =	vsel vm15, v31, v28;
	vm9 =	veq.s32 v55, $0x0  }
0xb0: {  	vm15 =	veq.s32 v55, $0x6;
	v24 =	vsel vm10, v42, v24;
	v28 =	vsel vm4, v48, v28  }
0xb1: {  	v30 =	vnsel vm9, $0x0, v56;
	vm10 =	veq.s32 v55, $0x1;
	v63 =	vand.u32 $0xF, v59  }
0xb2: {  	v36 =	vshrl.u32 v59, $0x4;
	v24 =	vsel vm11, v43, v24;
	v51 =	vsel vm5, v49, v28  }
0xb3: {  	v27 =	vsel vm10, v57, v30;
	vm11 =	veq.s32 v55, $0x2;
	v37 =	vperm.xlane v6, v63  }
0xb4: {  	vm4 =	veq.s32 v36, $0x0;
	v38 =	vperm.xlane v5, v63;
	v40 =	vperm.xlane v4, v63  }
0xb5: {  	v39 =	vld [tilespmem:$0x150];
	vm5 =	veq.s32 v36, $0x1;
	v41 =	vperm.xlane v3, v63;
	v42 =	vperm.xlane v1, v63  }
0xb6: {  	v35 =	vld [tilespmem:$0x160];
	v43 =	vperm.xlane v0, v63;
	vm9 =	veq.s32 v36, $0x5;
	v28 =	vperm.xlane v2, v63  }
0xb7: {  	v24 =	vsel vm12, v44, v24;
	v52 =	vsel vm7, v50, v51;
	v27 =	vsel vm11, v58, v27  }
0xb8: {  	vm12 =	veq.s32 v55, $0x3;
	vm7 =	veq.s32 v36, $0x3;
	v24 =	vsel vm6, v25, v24  }
0xb9: {  	v27 =	vsel vm12, v60, v27;
	v25 =	vsel vm8, v54, v52;
	v30 =	vnsel vm4, $0x0, v37  }
0xba: {  	vm6 =	veq.s32 v36, $0x2;
	vm8 =	veq.s32 v36, $0x4;
	v44 =	vand.u32 $0xF, v39  }
0xbb: {  	v45 =	vshrl.u32 v39, $0x4;
	v52 =	vand.u32 $0xF, v35;
	v54 =	vshrl.u32 v35, $0x4  }
0xbc: {  	v27 =	vsel vm13, v61, v27;
	v46 =	vperm.xlane v6, v44;
	v33 =	vperm.xlane v5, v44  }
0xbd: {  	vm10 =	veq.s32 v45, $0x0;
	v34 =	vperm.xlane v4, v44;
	v47 =	vperm.xlane v3, v44  }
0xbe: {  	vm11 =	veq.s32 v45, $0x1;
	v48 =	vperm.xlane v1, v44;
	v49 =	vperm.xlane v0, v44  }
0xbf: {  	vm12 =	veq.s32 v45, $0x2;
	v53 =	vperm.xlane v2, v44;
	v55 =	vperm.xlane v6, v52  }
0xc0: {  	vm13 =	veq.s32 v45, $0x3;
	v56 =	vperm.xlane v5, v52;
	v57 =	vperm.xlane v4, v52  }
0xc1: {  	v58 =	vld [tilespmem:$0x170];
	vm4 =	veq.s32 v45, $0x5;
	v59 =	vperm.xlane v3, v52;
	v60 =	vperm.xlane v1, v52  }
0xc2: {  	v61 =	vperm.xlane v0, v52;
	v29 =	vperm.xlane v2, v52;
	v27 =	vsel vm14, v62, v27  }
0xc3: {  	vm14 =	veq.s32 v45, $0x4;
	v26 =	vsel vm15, v26, v27;
	v27 =	vsel vm5, v38, v30  }
0xc4: {  	v31 =	vnsel vm10, $0x0, v46;
	vm15 =	veq.s32 v36, $0x6;
	vm5 =	veq.s32 v45, $0x6  }
0xc5: {  	vm10 =	veq.s32 v54, $0x4;
	v27 =	vsel vm6, v40, v27;
	v31 =	vsel vm11, v33, v31  }
0xc6: {  	vm6 =	veq.s32 v54, $0x0;
	vm11 =	veq.s32 v54, $0x5;
	v62 =	vand.u32 $0xF, v58  }
0xc7: {  	v63 =	vshrl.u32 v58, $0x4;
	v27 =	vsel vm7, v41, v27;
	v31 =	vsel vm12, v34, v31  }
0xc8: {  	v33 =	vnsel vm6, $0x0, v55;
	vm7 =	veq.s32 v54, $0x1;
	v36 =	vperm.xlane v6, v62  }
0xc9: {  	vm12 =	veq.s32 v54, $0x6;
	v37 =	vperm.xlane v5, v62;
	v39 =	vperm.xlane v4, v62  }
0xca: {  	v40 =	vperm.xlane v3, v62;
	v41 =	vperm.xlane v1, v62;
	vm6 =	veq.s32 v63, $0x5  }
0xcb: {  	v27 =	vsel vm8, v42, v27;
	v31 =	vsel vm13, v47, v31;
	v30 =	vsel vm7, v56, v33  }
0xcc: {  	v38 =	vld [tilespmem:$0x180];
	vm8 =	veq.s32 v54, $0x2;
	vm13 =	veq.s32 v63, $0x0;
	v42 =	vperm.xlane v0, v62  }
0xcd: {  	v27 =	vsel vm9, v43, v27;
	v50 =	vsel vm14, v48, v31;
	v30 =	vsel vm8, v57, v30  }
0xce: {  	vm9 =	veq.s32 v54, $0x3;
	v33 =	vnsel vm13, $0x0, v36;
	vm14 =	veq.s32 v63, $0x1  }
0xcf: {  	v31 =	vperm.xlane v2, v62;
	v27 =	vsel vm15, v28, v27;
	v51 =	vsel vm4, v49, v50  }
0xd0: {  	v30 =	vsel vm9, v59, v30;
	vm15 =	veq.s32 v63, $0x2;
	vm4 =	veq.s32 v63, $0x3  }
0xd1: {  	v43 =	vand.u32 $0xF, v38;
	v44 =	vshrl.u32 v38, $0x4;
	v28 =	vsel vm5, v53, v51  }
0xd2: {  	v30 =	vsel vm10, v60, v30;
	vm5 =	veq.s32 v63, $0x4;
	v45 =	vperm.xlane v6, v43  }
0xd3: {  	vm7 =	veq.s32 v44, $0x0;
	v36 =	vperm.xlane v5, v43;
	vm8 =	veq.s32 v44, $0x1  }
0xd4: {  	v57 =	vld [tilespmem:$0x1A0];
	vm9 =	veq.s32 v44, $0x2;
	v46 =	vperm.xlane v3, v43;
	vm10 =	veq.s32 v44, $0x3  }
0xd5: {  	v47 =	vperm.xlane v1, v43;
	v48 =	vperm.xlane v0, v43;
	vm13 =	veq.s32 v44, $0x5  }
0xd6: {  	v38 =	vld [tilespmem:$0x190];
	v52 =	vperm.xlane v2, v43;
	v30 =	vsel vm11, v61, v30;
	vm11 =	veq.s32 v44, $0x4  }
0xd7: {  	v29 =	vsel vm12, v29, v30;
	v30 =	vsel vm14, v37, v33;
	v34 =	vnsel vm7, $0x0, v45  }
0xd8: {  	v37 =	vperm.xlane v4, v43;
	vm12 =	veq.s32 v63, $0x6;
	vm14 =	veq.s32 v44, $0x6  }
0xd9: {  	v30 =	vsel vm15, v39, v30;
	v34 =	vsel vm8, v36, v34;
	v61 =	vand.u32 $0xF, v57  }
0xda: {  	v62 =	vshrl.u32 v57, $0x4;
	v30 =	vsel vm4, v40, v30;
	v34 =	vsel vm9, v37, v34  }
0xdb: {  	v51 =	vand.u32 $0xF, v38;
	v63 =	vperm.xlane v6, v61;
	v40 =	vperm.xlane v5, v61  }
0xdc: {  	v53 =	vshrl.u32 v38, $0x4;
	v43 =	vperm.xlane v3, v61;
	v44 =	vperm.xlane v1, v61  }
0xdd: {  	v45 =	vperm.xlane v0, v61;
	v30 =	vsel vm5, v41, v30;
	v34 =	vsel vm10, v46, v34  }
0xde: {  	v54 =	vperm.xlane v6, v51;
	vm15 =	veq.s32 v53, $0x0;
	v55 =	vperm.xlane v5, v51  }
0xdf: {  	vm4 =	veq.s32 v53, $0x1;
	v56 =	vperm.xlane v4, v51;
	vm5 =	veq.s32 v53, $0x2  }
0xe0: {  	v58 =	vperm.xlane v3, v51;
	v59 =	vperm.xlane v1, v51;
	vm7 =	veq.s32 v53, $0x4  }
0xe1: {  	v60 =	vperm.xlane v0, v51;
	vm8 =	veq.s32 v53, $0x5;
	v32 =	vperm.xlane v2, v51  }
0xe2: {  	vm9 =	veq.s32 v53, $0x6;
	vm10 =	veq.s32 v62, $0x0;
	v30 =	vsel vm6, v42, v30  }
0xe3: {  	v41 =	vld [tilespmem:$0x1B0];
	v49 =	vsel vm11, v47, v34;
	vm6 =	veq.s32 v53, $0x3;
	vm11 =	veq.s32 v62, $0x1  }
0xe4: {  	v42 =	vperm.xlane v4, v61;
	v34 =	vperm.xlane v2, v61;
	v30 =	vsel vm12, v31, v30  }
0xe5: {  	v50 =	vsel vm13, v48, v49;
	v36 =	vnsel vm15, $0x0, v54;
	vm12 =	veq.s32 v62, $0x2  }
0xe6: {  	vm13 =	veq.s32 v62, $0x3;
	vm15 =	veq.s32 v62, $0x5;
	v33 =	vsel vm4, v55, v36  }
0xe7: {  	v31 =	vsel vm14, v52, v50;
	v36 =	vnsel vm10, $0x0, v63;
	v33 =	vsel vm5, v56, v33  }
0xe8: {  	vm14 =	veq.s32 v62, $0x4;
	v33 =	vsel vm6, v58, v33;
	v46 =	vand.u32 $0xF, v41  }
0xe9: {  	v47 =	vshrl.u32 v41, $0x4;
	v33 =	vsel vm7, v59, v33;
	v48 =	vperm.xlane v6, v46  }
0xea: {  	vm4 =	veq.s32 v47, $0x0;
	v39 =	vperm.xlane v5, v46;
	vm5 =	veq.s32 v47, $0x1  }
0xeb: {  	v61 =	vld [tilespmem:$0x1D0];
	vm6 =	veq.s32 v47, $0x2;
	v49 =	vperm.xlane v3, v46;
	vm7 =	veq.s32 v47, $0x3  }
0xec: {  	v41 =	vld [tilespmem:$0x1C0];
	v50 =	vperm.xlane v1, v46;
	v51 =	vperm.xlane v0, v46;
	vm10 =	veq.s32 v47, $0x5  }
0xed: {  	v55 =	vperm.xlane v2, v46;
	v33 =	vsel vm8, v60, v33;
	vm8 =	veq.s32 v47, $0x4  }
0xee: {  	v32 =	vsel vm9, v32, v33;
	v33 =	vsel vm11, v40, v36;
	v37 =	vnsel vm4, $0x0, v48  }
0xef: {  	v40 =	vperm.xlane v4, v46;
	vm9 =	veq.s32 v62, $0x6;
	vm11 =	veq.s32 v47, $0x6  }
0xf0: {  	v33 =	vsel vm12, v42, v33;
	v37 =	vsel vm5, v39, v37;
	v42 =	vshrl.u32 v61, $0x4  }
0xf1: {  	v33 =	vsel vm13, v43, v33;
	v37 =	vsel vm6, v40, v37;
	v54 =	vand.u32 $0xF, v41  }
0xf2: {  	v56 =	vshrl.u32 v41, $0x4;
	v41 =	vand.u32 $0xF, v61;
	v33 =	vsel vm14, v44, v33  }
0xf3: {  	v37 =	vsel vm7, v49, v37;
	v57 =	vperm.xlane v6, v54;
	vm12 =	veq.s32 v56, $0x0  }
0xf4: {  	[tilespmem:$0x280] =	vst v7;
	v58 =	vperm.xlane v5, v54;
	vm13 =	veq.s32 v56, $0x1;
	v60 =	vperm.xlane v4, v54  }
0xf5: {  	[tilespmem:$0x290] =	vst v8;
	vm14 =	veq.s32 v56, $0x2;
	v62 =	vperm.xlane v3, v54;
	v63 =	vperm.xlane v1, v54  }
0xf6: {  	[tilespmem:$0x2A0] =	vst v9;
	vm4 =	veq.s32 v56, $0x4;
	v36 =	vperm.xlane v0, v54;
	v40 =	vperm.xlane v2, v54  }
0xf7: {  	[tilespmem:$0x2B0] =	vst v10;
	vm5 =	veq.s32 v56, $0x5;
	v43 =	vperm.xlane v6, v41;
	v44 =	vperm.xlane v5, v41  }
0xf8: {  	[tilespmem:$0x2C0] =	vst v11;
	vm6 =	veq.s32 v56, $0x6;
	v46 =	vperm.xlane v4, v41;
	v47 =	vperm.xlane v3, v41  }
0xf9: {  	[tilespmem:$0x2D0] =	vst v12;
	vm7 =	veq.s32 v42, $0x0;
	v48 =	vperm.xlane v1, v41;
	v49 =	vperm.xlane v0, v41  }
0xfa: {  	[tilespmem:$0x2E0] =	vst v13;
	v9 =	vperm.xlane v2, v41;
	v33 =	vsel vm15, v45, v33;
	v52 =	vsel vm8, v50, v37  }
0xfb: {  	[tilespmem:$0x2F0] =	vst v14;
	vm15 =	veq.s32 v56, $0x3;
	vm8 =	veq.s32 v42, $0x1;
	v33 =	vsel vm9, v34, v33  }
0xfc: {  	[tilespmem:$0x300] =	vst v15;
	v45 =	vld [tilespmem:$0x1E0];
	v53 =	vsel vm10, v51, v52;
	v59 =	vnsel vm12, $0x0, v57;
	v12 =	vnsel vm7, $0x0, v43  }
0xfd: {  	[tilespmem:$0x310] =	vst v16;
	vm9 =	veq.s32 v42, $0x2;
	vm10 =	veq.s32 v42, $0x3;
	v7 =	vsel vm13, v58, v59  }
0xfe: {  	[tilespmem:$0x320] =	vst v17;
	vm12 =	veq.s32 v42, $0x5;
	v8 =	vsel vm8, v44, v12;
	v7 =	vsel vm14, v60, v7  }
0xff: {  	[tilespmem:$0x330] =	vst v18;
	v37 =	vsel vm11, v55, v53;
	v8 =	vsel vm9, v46, v8;
	v7 =	vsel vm15, v62, v7  }
0x100: {  	[tilespmem:$0x340] =	vst v19;
	vm11 =	veq.s32 v42, $0x4;
	v8 =	vsel vm10, v47, v8;
	v7 =	vsel vm4, v63, v7  }
0x101: {  	[tilespmem:$0x350] =	vst v20;
	v8 =	vsel vm11, v48, v8;
	v50 =	vand.u32 $0xF, v45;
	v51 =	vshrl.u32 v45, $0x4  }
0x102: {  	[tilespmem:$0x360] =	vst v21;
	vm4 =	veq.s32 v42, $0x6;
	v7 =	vsel vm5, v36, v7;
	v8 =	vsel vm12, v49, v8  }
0x103: {  	[tilespmem:$0x370] =	vst v22;
	v53 =	vld [tilespmem:$0x1F0];
	v52 =	vperm.xlane v6, v50;
	vm13 =	veq.s32 v51, $0x0;
	v54 =	vperm.xlane v5, v50  }
0x104: {  	[tilespmem:$0x380] =	vst v23;
	vm14 =	veq.s32 v51, $0x1;
	v55 =	vperm.xlane v4, v50;
	vm15 =	veq.s32 v51, $0x2  }
0x105: {  	[tilespmem:$0x390] =	vst v24;
	v56 =	vperm.xlane v3, v50;
	vm5 =	veq.s32 v51, $0x3;
	v60 =	vperm.xlane v1, v50  }
0x106: {  	[tilespmem:$0x3A0] =	vst v25;
	v61 =	vperm.xlane v0, v50;
	vm9 =	veq.s32 v51, $0x5;
	v62 =	vperm.xlane v2, v50  }
0x107: {  	[tilespmem:$0x3B0] =	vst v26;
	vm12 =	veq.s32 v51, $0x6;
	v7 =	vsel vm6, v40, v7;
	v8 =	vsel vm4, v9, v8  }
0x108: {  	[tilespmem:$0x3C0] =	vst v27;
	v59 =	vand.u32 $0xF, v53;
	v15 =	vshrl.u32 v53, $0x4;
	vm6 =	veq.s32 v51, $0x4  }
0x109: {  	[tilespmem:$0x3D0] =	vst v28;
	v13 =	vnsel vm13, $0x0, v52;
	v6 =	vperm.xlane v6, v59;
	vm7 =	veq.s32 v15, $0x0  }
0x10a: {  	[tilespmem:$0x3E0] =	vst v29;
	v5 =	vperm.xlane v5, v59;
	vm8 =	veq.s32 v15, $0x1;
	v4 =	vperm.xlane v4, v59  }
0x10b: {  	[tilespmem:$0x3F0] =	vst v30;
	vm10 =	veq.s32 v15, $0x2;
	v3 =	vperm.xlane v3, v59;
	vm11 =	veq.s32 v15, $0x3  }
0x10c: {  	[tilespmem:$0x400] =	vst v31;
	v1 =	vperm.xlane v1, v59;
	v13 =	vsel vm14, v54, v13;
	v6 =	vnsel vm7, $0x0, v6  }
0x10d: {  	[tilespmem:$0x410] =	vst v32;
	vm13 =	veq.s32 v15, $0x4;
	v57 =	vsel vm15, v55, v13;
	v5 =	vsel vm8, v5, v6  }
0x10e: {  	[tilespmem:$0x420] =	vst v33;
	v0 =	vperm.xlane v0, v59;
	v58 =	vsel vm5, v56, v57;
	v4 =	vsel vm10, v4, v5  }
0x10f: {  	[tilespmem:$0x430] =	vst v37;
	v2 =	vperm.xlane v2, v59;
	v9 =	vsel vm6, v60, v58;
	v3 =	vsel vm11, v3, v4  }
0x110: {  	[tilespmem:$0x440] =	vst v7;
	vm14 =	veq.s32 v15, $0x5;
	v6 =	vsel vm9, v61, v9;
	v1 =	vsel vm13, v1, v3  }
0x111: {  	[tilespmem:$0x450] =	vst v8;
	vm15 =	veq.s32 v15, $0x6;
	v63 =	vsel vm12, v62, v6;
	v0 =	vsel vm14, v0, v1  }
0x112: {  	p0 =	sne.s32 s6, $0x1;
	[tilespmem:$0x460] =	vst v63;
	v0 =	vsel vm15, v2, v0  }
.Ltmp0:
0x113: {  	[tilespmem:$0x470] =	vst v0;
	(pc) =	sbr.rel @p0 .LBB2_1-.Ltmp0, $4  }
0x114: {  	[hbm4b:s5+s3] =	stream.linear.scatter [tilespmem:s9], [sflag:$0x1], $0x200, $0x38;
	[tilespmem:$0x480] =	vst v63  }
0x115: {  	_ =	swait.ge [sflag:s7], $0x200  }
0x116: {  	[sflag:s7] =	ssyncset.done $0x0  }
0x117: {  	s6 =	sadd.s32 $0xFFFFFFFF, s6;
	[sflag:s7] =	ssyncadd.s32 $0xFFFFFE00  }
0x118: {  	_ =	sfence.sel $0x180000  }
0x119: {  	[bflag:$0x0] =	sbarrier.arrive $0xFFFF  }
0x11a: {  	p0 =	sne.s32 s2, $0x0;
	_ =	strace $0x90000047  }
0x11b: {  	s0 =	sadd.s32 @!p0 $0x100000, s0;
	[bflag:$0x2] =	sbarrier.arrive $0xFFFF  }
0x11c: {  	[sflag:s0] =	ssyncadd.tile.s32 @!p0 $0x1;
	_ =	shalt  }
.Lfunc_end2:
_tile_overlayer_lowered:
.L_overlay_start_2:
0x11d: {  	(tag) =	ssettag $0x2  }
0x11e: {  	s0 =	rddreg [dreg:$0x0];
	s2 =	stileid.u32  }
0x11f: {  	s1 =	rddreg [dreg:$0x1];
	p0 =	sne.s32 s2, $0x0  }
0x120: {  	s3 =	rddreg [dreg:$0x2];
	[bflag:$0x3] =	sbarrier.arrive $0xFFFF;
	s2 =	simm.s32 @!p0 $0x1C01  }
0x121: {  	[timem:s3], [sflag:s2] =	dma.local @!p0 [hbm:s0], s1  }
0x122: {  	s0 =	simm.s32 @!p0 $0x1  }
0x123: {  	_ =	swait.ge @!p0 [sflag:s0], s1  }
0x124: {  	s1 =	ssub.s32 @!p0 $0x0, s1;
	[sflag:s0] =	ssyncset.done @!p0 $0x0  }
0x125: {  	[sflag:s0] =	ssyncadd.s32 @!p0 s1  }
0x126: {  	[bflag:$0x3] =	sbarrier.arrive $0xFFFF  }
0x127: {  	_ =	shalt  }

</sc_bundles>
